<compile_context>
chip_gen: v7x
topology: tpu7x:2x2x1
jax: 0.10.2.dev20260603
libtpu: 0.0.44.dev20260713+nightly
codegen_flags: <defaults>
</compile_context>

<pallas_src>
import functools

import jax
import jax.numpy as jnp
from jax import lax
from jax.experimental import pallas as pl
from jax.experimental.pallas import tpu as pltpu
from jax.experimental.pallas import tpu_sc as plsc

N = 10000
E = 160000
D = 256
H = 256
DE = 16
MLP_H = 96

NP = 10240
MH = 128
NC = 2
NS = 16
NW = NC * NS
HALF = D // 2
L = 16

EPT_A = E // NS
CHUNK_A = 80
NCH_A = EPT_A // CHUNK_A
ROWS_PT = NP // NS

EPT_C = E // NW
CHUNK_C = 128
NFULL_C = EPT_C // CHUNK_C
TAIL_C = EPT_C - NFULL_C * CHUNK_C
NCH_C = NFULL_C + 1

RB = 2048
EB = 8000

_SC_MESH = plsc.VectorSubcoreMesh(core_axis_name="c", subcore_axis_name="s")
_SC_PARAMS = pltpu.CompilerParams(needs_layout_passes=False)


def _seg_sum_body(with_cnt, x2, src_off, dst, z128,
                  *refs):
    if with_cnt:
        (sum_out, cnt_out, is0, id0, is1, id1, rb0, rb1, hist, acc_sp,
         sg0, sg1, si0, si1) = refs
    else:
        (sum_out, is0, id0, is1, id1, rb0, rb1, acc_sp,
         sg0, sg1, si0, si1) = refs
    c = lax.axis_index("c")
    s = lax.axis_index("s")
    row0 = s * ROWS_PT
    pltpu.sync_copy(z128, acc_sp.at[pl.ds(row0, ROWS_PT)])
    if with_cnt:
        zv = jnp.zeros((L,), jnp.float32)

        def zrow(k, cc):
            hist[pl.ds(k * L, L)] = zv
            return cc

        lax.fori_loop(0, NP // L, zrow, 0)
    plsc.subcore_barrier()
    base_s = c * E + s * EPT_A
    base_d = s * EPT_A
    ones_v = jnp.full((L,), 1.0, jnp.float32)

    def issue_idx(j, is_b, id_b, si):
        pltpu.async_copy(src_off.at[pl.ds(base_s + j * CHUNK_A, CHUNK_A)],
                         is_b, si)
        pltpu.async_copy(dst.at[pl.ds(base_d + j * CHUNK_A, CHUNK_A)],
                         id_b, si)

    def wait_idx(is_b, id_b, si):
        pltpu.make_async_copy(src_off.at[pl.ds(0, CHUNK_A)], is_b, si).wait()
        pltpu.make_async_copy(dst.at[pl.ds(0, CHUNK_A)], id_b, si).wait()

    def issue_gather(is_b, rb, sg):
        pltpu.async_copy(x2.at[is_b], rb, sg)

    def wait_gather(rb, sg):
        pltpu.make_async_copy(x2.at[pl.ds(0, CHUNK_A)], rb, sg).wait()

    def consume(rb, id_b):
        pltpu.sync_copy(rb, acc_sp.at[id_b], add=True)
        if with_cnt:
            for t in range(CHUNK_A // L):
                idx16 = id_b[pl.ds(t * L, L)]
                plsc.addupdate_scatter(hist, [idx16], ones_v)

    issue_idx(0, is0, id0, si0)
    issue_idx(1, is1, id1, si1)
    wait_idx(is0, id0, si0)
    issue_gather(is0, rb0, sg0)
    npair = (NCH_A - 1) // 2

    def pipe(g, carry):
        j0 = 2 * g
        wait_idx(is1, id1, si1)
        issue_gather(is1, rb1, sg1)
        wait_gather(rb0, sg0)
        consume(rb0, id0)
        issue_idx(j0 + 2, is0, id0, si0)
        wait_gather(rb1, sg1)
        consume(rb1, id1)

        @pl.when(g < npair - 1)
        def _():
            issue_idx(j0 + 3, is1, id1, si1)

        wait_idx(is0, id0, si0)
        issue_gather(is0, rb0, sg0)
        return carry

    lax.fori_loop(0, npair, pipe, 0)
    wait_gather(rb0, sg0)
    consume(rb0, id0)
    plsc.subcore_barrier()
    pltpu.sync_copy(acc_sp.at[pl.ds(row0, ROWS_PT)],
                    sum_out.at[pl.ds(c * NP + row0, ROWS_PT)])
    if with_cnt:
        w = c * NS + s
        pltpu.sync_copy(hist, cnt_out.at[pl.ds(w * NP, NP)])


def _seg_sum_call(x2, src_idx, dst_idx, z128, with_cnt):
    out_type = [jax.ShapeDtypeStruct((2 * NP, HALF), jnp.float32)]
    scratch = [
        pltpu.VMEM((CHUNK_A,), jnp.int32),
        pltpu.VMEM((CHUNK_A,), jnp.int32),
        pltpu.VMEM((CHUNK_A,), jnp.int32),
        pltpu.VMEM((CHUNK_A,), jnp.int32),
        pltpu.VMEM((CHUNK_A, HALF), jnp.float32),
        pltpu.VMEM((CHUNK_A, HALF), jnp.float32),
    ]
    if with_cnt:
        out_type.append(jax.ShapeDtypeStruct((NW * NP,), jnp.float32))
        scratch.append(pltpu.VMEM((NP,), jnp.float32))
    scratch.append(pltpu.VMEM_SHARED((NP, HALF), jnp.float32))
    scratch.extend([pltpu.SemaphoreType.DMA] * 4)
    fn = pl.kernel(
        functools.partial(_seg_sum_body, with_cnt),
        out_type=tuple(out_type) if with_cnt else out_type[0],
        mesh=_SC_MESH,
        scratch_types=tuple(scratch),
        compiler_params=_SC_PARAMS,
        name="sc_seg_sum" + ("_cnt" if with_cnt else ""),
    )
    return fn(x2, src_idx, dst_idx, z128)


def _edge_gather_body(pu_t, pv_t, u_idx, v_idx, out,
                      idx_u, idx_v, ru0, rv0, ru1, rv1, ru2, rv2,
                      sg0, sg1, sg2, ss0, ss1, ss2):
    c = lax.axis_index("c")
    s = lax.axis_index("s")
    w = c * NS + s
    pltpu.sync_copy(u_idx.at[w], idx_u)
    pltpu.sync_copy(v_idx.at[w], idx_v)

    def issue(j, ru_b, rv_b, sg):
        pltpu.async_copy(pu_t.at[idx_u.at[j]], ru_b, sg)
        pltpu.async_copy(pv_t.at[idx_v.at[j]], rv_b, sg)

    def wait2(ru_b, rv_b, sg):
        pltpu.make_async_copy(pu_t.at[pl.ds(0, CHUNK_C)], ru_b, sg).wait()
        pltpu.make_async_copy(pu_t.at[pl.ds(0, CHUNK_C)], rv_b, sg).wait()

    def addrows(ru_b, rv_b, n):
        def addrow(k, cc):
            for r in range(2):
                for t in range(MH // L):
                    sl = pl.ds(t * L, L)
                    ru_b[2 * k + r, sl] = ru_b[2 * k + r, sl] + rv_b[2 * k + r, sl]
            return cc

        lax.fori_loop(0, n // 2, addrow, 0)

    def store_async(j, ru_b, ss):
        pltpu.async_copy(
            ru_b, out.at[pl.ds(w * EPT_C + j * CHUNK_C, CHUNK_C)], ss)

    def wait_store(ru_b, ss):
        pltpu.make_async_copy(pu_t.at[pl.ds(0, CHUNK_C)], ru_b, ss).wait()

    def consume(j, ru_b, rv_b, sg, ss):
        wait2(ru_b, rv_b, sg)
        addrows(ru_b, rv_b, CHUNK_C)
        store_async(j, ru_b, ss)

    issue(0, ru0, rv0, sg0)
    issue(1, ru1, rv1, sg1)
    consume(0, ru0, rv0, sg0, ss0)
    issue(2, ru2, rv2, sg2)
    consume(1, ru1, rv1, sg1, ss1)
    wait_store(ru0, ss0)
    issue(3, ru0, rv0, sg0)

    def pipe(g, carry):
        j0 = 3 * g
        consume(j0 - 1, ru2, rv2, sg2, ss2)
        wait_store(ru1, ss1)
        issue(j0 + 1, ru1, rv1, sg1)
        consume(j0, ru0, rv0, sg0, ss0)
        wait_store(ru2, ss2)
        issue(j0 + 2, ru2, rv2, sg2)
        consume(j0 + 1, ru1, rv1, sg1, ss1)
        wait_store(ru0, ss0)
        issue(j0 + 3, ru0, rv0, sg0)
        return carry

    lax.fori_loop(1, 13, pipe, 0)
    consume(NFULL_C - 1, ru2, rv2, sg2, ss2)
    wait2(ru0, rv0, sg0)
    addrows(ru0, rv0, TAIL_C)
    wait_store(ru1, ss1)
    wait_store(ru2, ss2)
    pltpu.sync_copy(ru0.at[pl.ds(0, TAIL_C)],
                    out.at[pl.ds(w * EPT_C + NFULL_C * CHUNK_C, TAIL_C)])


_edge_gather = pl.kernel(
    _edge_gather_body,
    out_type=jax.ShapeDtypeStruct((E, MH), jnp.float32),
    mesh=_SC_MESH,
    scratch_types=(
        pltpu.VMEM((NCH_C, CHUNK_C), jnp.int32),
        pltpu.VMEM((NCH_C, CHUNK_C), jnp.int32),
        pltpu.VMEM((CHUNK_C, MH), jnp.float32),
        pltpu.VMEM((CHUNK_C, MH), jnp.float32),
        pltpu.VMEM((CHUNK_C, MH), jnp.float32),
        pltpu.VMEM((CHUNK_C, MH), jnp.float32),
        pltpu.VMEM((CHUNK_C, MH), jnp.float32),
        pltpu.VMEM((CHUNK_C, MH), jnp.float32),
        pltpu.SemaphoreType.DMA,
        pltpu.SemaphoreType.DMA,
        pltpu.SemaphoreType.DMA,
        pltpu.SemaphoreType.DMA,
        pltpu.SemaphoreType.DMA,
        pltpu.SemaphoreType.DMA,
    ),
    compiler_params=_SC_PARAMS,
    name="sc_edge_gather",
)


def _inv_degree(cnt_block):
    deg2 = jnp.sum(jnp.transpose(cnt_block), axis=1, keepdims=True)
    return 1.0 / jnp.maximum(0.5 * deg2, 1.0)


def _tc_layer1_body(sumA, sumB, cnt, x, wl, wr, b, out):
    inv = _inv_degree(cnt[...])
    mean = jnp.concatenate([sumA[...], sumB[...]], axis=1) * inv
    acc = jnp.dot(mean, wl[...], preferred_element_type=jnp.float32)
    acc += jnp.dot(x[...], wr[...], preferred_element_type=jnp.float32)
    out[...] = jnp.maximum(acc + b[...], 0.0)


def _tc_layer1(sum1, cnt, xp, W_l1, W_r1, b_l1):
    nb = NP // RB
    return pl.pallas_call(
        _tc_layer1_body,
        grid=(nb, 2),
        in_specs=[
            pl.BlockSpec((RB, HALF), lambda i, h: (i, 0)),
            pl.BlockSpec((RB, HALF), lambda i, h: (i + nb, 0)),
            pl.BlockSpec((NW, RB), lambda i, h: (0, i)),
            pl.BlockSpec((RB, D), lambda i, h: (i, 0)),
            pl.BlockSpec((D, HALF), lambda i, h: (0, h)),
            pl.BlockSpec((D, HALF), lambda i, h: (0, h)),
            pl.BlockSpec((1, HALF), lambda i, h: (0, h)),
        ],
        out_specs=pl.BlockSpec((RB, HALF), lambda i, h: (h * nb + i, 0)),
        out_shape=jax.ShapeDtypeStruct((2 * NP, HALF), jnp.float32),
        name="tc_layer1",
    )(sum1, sum1, cnt, xp, W_l1, W_r1, b_l1.reshape(1, H))


def _tc_layer2_body(sumA, sumB, cnt, z1A, z1B, wl, wr, b, wu, wv,
                    pu_out, pv_out):
    h = pl.program_id(1)
    inv = _inv_degree(cnt[...])
    mean = jnp.concatenate([sumA[...], sumB[...]], axis=1) * inv
    z1 = jnp.concatenate([z1A[...], z1B[...]], axis=1)
    z2h = (jnp.dot(mean, wl[...], preferred_element_type=jnp.float32)
           + jnp.dot(z1, wr[...], preferred_element_type=jnp.float32)
           + b[...])
    pu_part = jnp.dot(z2h, wu[...], preferred_element_type=jnp.float32)
    pv_part = jnp.dot(z2h, wv[...], preferred_element_type=jnp.float32)

    @pl.when(h == 0)
    def _():
        pu_out[...] = pu_part
        pv_out[...] = pv_part

    @pl.when(h != 0)
    def _():
        pu_out[...] += pu_part
        pv_out[...] += pv_part


def _tc_layer2(sum2, cnt, z1s, W_l2, W_r2, b_l2, Wu, Wv):
    nb = NP // RB
    return pl.pallas_call(
        _tc_layer2_body,
        grid=(nb, 2),
        in_specs=[
            pl.BlockSpec((RB, HALF), lambda i, h: (i, 0)),
            pl.BlockSpec((RB, HALF), lambda i, h: (i + nb, 0)),
            pl.BlockSpec((NW, RB), lambda i, h: (0, i)),
            pl.BlockSpec((RB, HALF), lambda i, h: (i, 0)),
            pl.BlockSpec((RB, HALF), lambda i, h: (i + nb, 0)),
            pl.BlockSpec((H, HALF), lambda i, h: (0, h)),
            pl.BlockSpec((H, HALF), lambda i, h: (0, h)),
            pl.BlockSpec((1, HALF), lambda i, h: (0, h)),
            pl.BlockSpec((HALF, MH), lambda i, h: (h, 0)),
            pl.BlockSpec((HALF, MH), lambda i, h: (h, 0)),
        ],
        out_specs=[
            pl.BlockSpec((RB, MH), lambda i, h: (i, 0)),
            pl.BlockSpec((RB, MH), lambda i, h: (i, 0)),
        ],
        out_shape=[
            jax.ShapeDtypeStruct((NP, MH), jnp.float32),
            jax.ShapeDtypeStruct((NP, MH), jnp.float32),
        ],
        name="tc_layer2",
    )(sum2, sum2, cnt, z1s, z1s, W_l2, W_r2, b_l2.reshape(1, H), Wu, Wv)


def _tc_head_body(guv, ea, we, bm1, wm2, bm2, out):
    pre = (guv[...] + jnp.dot(ea[...], we[...],
                              preferred_element_type=jnp.float32) + bm1[...])
    hr = jnp.maximum(pre, 0.0)
    logit = jnp.dot(hr, wm2[...], preferred_element_type=jnp.float32) + bm2[...]
    out[...] = 1.0 / (1.0 + jnp.exp(-logit))


def _tc_head(guv, edge_attr, We, b_m1, W_m2, b_m2):
    return pl.pallas_call(
        _tc_head_body,
        grid=(E // EB,),
        in_specs=[
            pl.BlockSpec((EB, MH), lambda i: (i, 0)),
            pl.BlockSpec((EB, DE), lambda i: (i, 0)),
            pl.BlockSpec((DE, MH), lambda i: (0, 0)),
            pl.BlockSpec((1, MH), lambda i: (0, 0)),
            pl.BlockSpec((MH, 1), lambda i: (0, 0)),
            pl.BlockSpec((1, 1), lambda i: (0, 0)),
        ],
        out_specs=pl.BlockSpec((EB, 1), lambda i: (i, 0)),
        out_shape=jax.ShapeDtypeStruct((E, 1), jnp.float32),
        name="tc_head",
    )(guv, edge_attr, We, b_m1, W_m2, b_m2.reshape(1, 1))


def _pad_mh(w):
    return jnp.pad(w, ((0, 0), (0, MH - MLP_H)))


def kernel(x, edge_index, edge_u, edge_v, edge_attr,
           W_l1, b_l1, W_r1, W_l2, b_l2, W_r2,
           W_m1, b_m1, W_m2, b_m2):
    src = edge_index[0].astype(jnp.int32)
    dst = edge_index[1].astype(jnp.int32)

    src_idx = jnp.concatenate([src, src + NP])
    dst_idx = dst
    z128 = jnp.zeros((ROWS_PT, HALF), jnp.float32)

    xp = jnp.pad(x, ((0, NP - N), (0, 0)))
    x2 = jnp.concatenate([xp[:, :HALF], xp[:, HALF:]], axis=0)
    sum1, cnt = _seg_sum_call(x2, src_idx, dst_idx, z128, True)
    cnt = cnt.reshape(NW, NP)
    z1s = _tc_layer1(sum1, cnt, xp, W_l1, W_r1, b_l1)

    sum2 = _seg_sum_call(z1s, src_idx, dst_idx, z128, False)
    Wu = _pad_mh(W_m1[:H])
    Wv = _pad_mh(W_m1[H:2 * H])
    We = _pad_mh(W_m1[2 * H:])
    bm1 = _pad_mh(b_m1.reshape(1, MLP_H))
    wm2 = jnp.pad(W_m2, ((0, MH - MLP_H), (0, 0)))
    pu, pv = _tc_layer2(sum2, cnt, z1s, W_l2, W_r2, b_l2, Wu, Wv)

    pad_c = NCH_C * CHUNK_C - EPT_C
    u_r = jnp.pad(edge_u.astype(jnp.int32).reshape(NW, EPT_C),
                  ((0, 0), (0, pad_c))).reshape(NW, NCH_C, CHUNK_C)
    v_r = jnp.pad(edge_v.astype(jnp.int32).reshape(NW, EPT_C),
                  ((0, 0), (0, pad_c))).reshape(NW, NCH_C, CHUNK_C)
    guv = _edge_gather(pu, pv, u_r, v_r)
    out = _tc_head(guv, edge_attr, We, bm1, wm2, b_m2)
    return out.reshape(E)

# --- scband reference (transcript-rebuilt; emitter-appended) ---
"""Pipeline reference for scband-cycleway-edge-classifier-18262200942991 (READ-ONLY COPY).

The authoritative reference and input builder live on the scoring server;
editing this copy changes nothing except your own understanding.
"""

import jax, jax.numpy as jnp
import numpy as np

N = 10000
E = 160000
D = 256
H = 256
DE = 16
MLP_H = 96


def setup_inputs(seed: int = 0) -> dict:
    key = jax.random.key(seed)
    ks = jax.random.split(key, 16)
    x = jax.random.normal(ks[0], (N, D), dtype=jnp.float32)
    edge_index = jax.random.randint(ks[1], (2, E), 0, N)
    edge_u = jax.random.randint(ks[2], (E,), 0, N)
    edge_v = jax.random.randint(ks[3], (E,), 0, N)
    edge_attr = jax.random.normal(ks[4], (E, DE), dtype=jnp.float32)

    def lin(k, fan_in, fan_out):
        return (jax.random.normal(k, (fan_in, fan_out), dtype=jnp.float32) / np.sqrt(fan_in)).astype(jnp.float32)

    W_l1 = lin(ks[5], D, H)
    b_l1 = jnp.zeros((H,), jnp.float32)
    W_r1 = lin(ks[6], D, H)
    W_l2 = lin(ks[7], H, H)
    b_l2 = jnp.zeros((H,), jnp.float32)
    W_r2 = lin(ks[8], H, H)
    W_m1 = lin(ks[9], 2 * H + DE, MLP_H)
    b_m1 = jnp.zeros((MLP_H,), jnp.float32)
    W_m2 = lin(ks[10], MLP_H, 1)
    b_m2 = jnp.zeros((1,), jnp.float32)
    return {
        'x': x, 'edge_index': edge_index, 'edge_u': edge_u, 'edge_v': edge_v, 'edge_attr': edge_attr,
        'W_l1': W_l1, 'b_l1': b_l1, 'W_r1': W_r1,
        'W_l2': W_l2, 'b_l2': b_l2, 'W_r2': W_r2,
        'W_m1': W_m1, 'b_m1': b_m1, 'W_m2': W_m2, 'b_m2': b_m2,
    }


def _sage_conv(x, src, dst, W_l, b_l, W_r):
    # PyG SAGEConv (mean aggr): out = lin_l(mean_{j in N(i)} x_j) + lin_r(x_i)
    msgs = jnp.take(x, src, axis=0)
    agg = jax.ops.segment_sum(msgs, dst, num_segments=N)
    cnt = jax.ops.segment_sum(jnp.ones((src.shape[0],), jnp.float32), dst, num_segments=N)
    mean = agg / jnp.clip(cnt, 1.0)[:, None]
    return mean @ W_l + b_l + x @ W_r


def reference(x, edge_index, edge_u, edge_v, edge_attr,
              W_l1, b_l1, W_r1, W_l2, b_l2, W_r2,
              W_m1, b_m1, W_m2, b_m2):
    src = edge_index[0]
    dst = edge_index[1]
    # EncoderSAGE (eval mode: dropout is identity)
    z = _sage_conv(x, src, dst, W_l1, b_l1, W_r1)
    z = jax.nn.relu(z)
    z = _sage_conv(z, src, dst, W_l2, b_l2, W_r2)
    # edge-level MLP head
    h = jnp.concatenate([jnp.take(z, edge_u, axis=0), jnp.take(z, edge_v, axis=0), edge_attr], axis=-1)
    h = jax.nn.relu(h @ W_m1 + b_m1)
    out = jax.nn.sigmoid(h @ W_m2 + b_m2)
    return out.squeeze(-1)

if __name__ == "__main__":
    import jax
    _d = setup_inputs()
    print(jax.jit(kernel)(*tuple(_d.values())))

</pallas_src>

<mosaic_0001>
#map = affine_map<(d0, d1) -> (0, 0)>
#map1 = affine_map<(d0, d1) -> (0, 0, 0)>
module attributes {stable_mosaic.version = 14 : i64} {
  func.func @sc_edge_gather(%arg0: i32, %arg1: i32, %arg2: memref<10240x128xf32, #tpu.memory_space<hbm>>, %arg3: memref<10240x128xf32, #tpu.memory_space<hbm>>, %arg4: memref<32x40x128xi32, #tpu.memory_space<hbm>>, %arg5: memref<32x40x128xi32, #tpu.memory_space<hbm>>, %arg6: memref<160000x128xf32, #tpu.memory_space<hbm>>, %arg7: memref<40x128xi32, #tpu.memory_space<vmem>>, %arg8: memref<40x128xi32, #tpu.memory_space<vmem>>, %arg9: memref<128x128xf32, #tpu.memory_space<vmem>>, %arg10: memref<128x128xf32, #tpu.memory_space<vmem>>, %arg11: memref<128x128xf32, #tpu.memory_space<vmem>>, %arg12: memref<128x128xf32, #tpu.memory_space<vmem>>, %arg13: memref<128x128xf32, #tpu.memory_space<vmem>>, %arg14: memref<128x128xf32, #tpu.memory_space<vmem>>, %arg15: memref<!tpu.dma_semaphore, #tpu.memory_space<semaphore_mem>>, %arg16: memref<!tpu.dma_semaphore, #tpu.memory_space<semaphore_mem>>, %arg17: memref<!tpu.dma_semaphore, #tpu.memory_space<semaphore_mem>>, %arg18: memref<!tpu.dma_semaphore, #tpu.memory_space<semaphore_mem>>, %arg19: memref<!tpu.dma_semaphore, #tpu.memory_space<semaphore_mem>>, %arg20: memref<!tpu.dma_semaphore, #tpu.memory_space<semaphore_mem>>) attributes {dimension_semantics = [#tpu.dimension_semantics<core_parallel>, #tpu.dimension_semantics<subcore_parallel>], iteration_bounds = array<i64: 2, 16>, scalar_prefetch = 0 : i64, scratch_operands = 14 : i64, tpu.core_type = #tpu.core_type<sc_vector_subcore>, window_params = [{transform_indices = #map}, {transform_indices = #map}, {transform_indices = #map1}, {transform_indices = #map1}, {transform_indices = #map}]} {
    %mul3A = arith.constant 16 : i32
    %mul3A_0 = arith.muli %arg0, %mul3A : i32
    %add3A = arith.addi %mul3A_0, %arg1 : i32
    "tpu.region"() ({
      %run_scoped3A = tpu.sem_alloc : memref<!tpu.dma_semaphore, #tpu.memory_space<semaphore_mem>>
      %dma_start3A_178 = arith.constant 0 : i32
      %dma_start3A_179 = arith.constant 0 : i32
      %dma_start3A_180 = tpu.memref_slice %arg4[%add3A, %dma_start3A_178, %dma_start3A_179] : memref<32x40x128xi32, #tpu.memory_space<hbm>> -> memref<1x40x128xi32, #tpu.memory_space<hbm>>
      %dma_start3A_181 = tpu.memref_squeeze %dma_start3A_180 : memref<1x40x128xi32, #tpu.memory_space<hbm>> -> memref<40x128xi32, #tpu.memory_space<hbm>>
      %dma_start3A_182 = arith.constant 0 : i32
      %dma_start3A_183 = arith.constant 0 : i32
      %dma_start3A_184 = tpu.memref_slice %arg4[%add3A, %dma_start3A_182, %dma_start3A_183] : memref<32x40x128xi32, #tpu.memory_space<hbm>> -> memref<1x40x128xi32, #tpu.memory_space<hbm>>
      %dma_start3A_185 = tpu.memref_squeeze %dma_start3A_184 : memref<1x40x128xi32, #tpu.memory_space<hbm>> -> memref<40x128xi32, #tpu.memory_space<hbm>>
      tpu.enqueue_dma source(%dma_start3A_185 : memref<40x128xi32, #tpu.memory_space<hbm>>) target(%arg7 : memref<40x128xi32, #tpu.memory_space<vmem>>) target_semaphore(%run_scoped3A : memref<!tpu.dma_semaphore, #tpu.memory_space<semaphore_mem>>)
      %dma_wait3A_186 = arith.constant 0 : i32
      %dma_wait3A_187 = arith.constant 0 : i32
      %dma_wait3A_188 = tpu.memref_slice %arg4[%add3A, %dma_wait3A_186, %dma_wait3A_187] : memref<32x40x128xi32, #tpu.memory_space<hbm>> -> memref<1x40x128xi32, #tpu.memory_space<hbm>>
      %dma_wait3A_189 = tpu.memref_squeeze %dma_wait3A_188 : memref<1x40x128xi32, #tpu.memory_space<hbm>> -> memref<40x128xi32, #tpu.memory_space<hbm>>
      %dma_wait3A_190 = arith.constant 0 : i32
      %dma_wait3A_191 = arith.constant 0 : i32
      %dma_wait3A_192 = tpu.memref_slice %arg4[%add3A, %dma_wait3A_190, %dma_wait3A_191] : memref<32x40x128xi32, #tpu.memory_space<hbm>> -> memref<1x40x128xi32, #tpu.memory_space<hbm>>
      %dma_wait3A_193 = tpu.memref_squeeze %dma_wait3A_192 : memref<1x40x128xi32, #tpu.memory_space<hbm>> -> memref<40x128xi32, #tpu.memory_space<hbm>>
      tpu.wait_dma2 semaphore(%run_scoped3A : memref<!tpu.dma_semaphore, #tpu.memory_space<semaphore_mem>>) src(%dma_wait3A_193 : memref<40x128xi32, #tpu.memory_space<hbm>>) dst(%arg7 : memref<40x128xi32, #tpu.memory_space<vmem>>)
      tpu.yield
    }) : () -> ()
    "tpu.region"() ({
      %run_scoped3A = tpu.sem_alloc : memref<!tpu.dma_semaphore, #tpu.memory_space<semaphore_mem>>
      %dma_start3A_178 = arith.constant 0 : i32
      %dma_start3A_179 = arith.constant 0 : i32
      %dma_start3A_180 = tpu.memref_slice %arg5[%add3A, %dma_start3A_178, %dma_start3A_179] : memref<32x40x128xi32, #tpu.memory_space<hbm>> -> memref<1x40x128xi32, #tpu.memory_space<hbm>>
      %dma_start3A_181 = tpu.memref_squeeze %dma_start3A_180 : memref<1x40x128xi32, #tpu.memory_space<hbm>> -> memref<40x128xi32, #tpu.memory_space<hbm>>
      %dma_start3A_182 = arith.constant 0 : i32
      %dma_start3A_183 = arith.constant 0 : i32
      %dma_start3A_184 = tpu.memref_slice %arg5[%add3A, %dma_start3A_182, %dma_start3A_183] : memref<32x40x128xi32, #tpu.memory_space<hbm>> -> memref<1x40x128xi32, #tpu.memory_space<hbm>>
      %dma_start3A_185 = tpu.memref_squeeze %dma_start3A_184 : memref<1x40x128xi32, #tpu.memory_space<hbm>> -> memref<40x128xi32, #tpu.memory_space<hbm>>
      tpu.enqueue_dma source(%dma_start3A_185 : memref<40x128xi32, #tpu.memory_space<hbm>>) target(%arg8 : memref<40x128xi32, #tpu.memory_space<vmem>>) target_semaphore(%run_scoped3A : memref<!tpu.dma_semaphore, #tpu.memory_space<semaphore_mem>>)
      %dma_wait3A_186 = arith.constant 0 : i32
      %dma_wait3A_187 = arith.constant 0 : i32
      %dma_wait3A_188 = tpu.memref_slice %arg5[%add3A, %dma_wait3A_186, %dma_wait3A_187] : memref<32x40x128xi32, #tpu.memory_space<hbm>> -> memref<1x40x128xi32, #tpu.memory_space<hbm>>
      %dma_wait3A_189 = tpu.memref_squeeze %dma_wait3A_188 : memref<1x40x128xi32, #tpu.memory_space<hbm>> -> memref<40x128xi32, #tpu.memory_space<hbm>>
      %dma_wait3A_190 = arith.constant 0 : i32
      %dma_wait3A_191 = arith.constant 0 : i32
      %dma_wait3A_192 = tpu.memref_slice %arg5[%add3A, %dma_wait3A_190, %dma_wait3A_191] : memref<32x40x128xi32, #tpu.memory_space<hbm>> -> memref<1x40x128xi32, #tpu.memory_space<hbm>>
      %dma_wait3A_193 = tpu.memref_squeeze %dma_wait3A_192 : memref<1x40x128xi32, #tpu.memory_space<hbm>> -> memref<40x128xi32, #tpu.memory_space<hbm>>
      tpu.wait_dma2 semaphore(%run_scoped3A : memref<!tpu.dma_semaphore, #tpu.memory_space<semaphore_mem>>) src(%dma_wait3A_193 : memref<40x128xi32, #tpu.memory_space<hbm>>) dst(%arg8 : memref<40x128xi32, #tpu.memory_space<vmem>>)
      tpu.yield
    }) : () -> ()
    %dma_start3A = arith.constant 0 : i32
    %dma_start3A_1 = arith.constant 0 : i32
    %dma_start3A_2 = tpu.memref_slice %arg7[%dma_start3A, %dma_start3A_1] : memref<40x128xi32, #tpu.memory_space<vmem>> -> memref<1x128xi32, #tpu.memory_space<vmem>>
    %dma_start3A_3 = tpu.memref_squeeze %dma_start3A_2 : memref<1x128xi32, #tpu.memory_space<vmem>> -> memref<128xi32, #tpu.memory_space<vmem>>
    %dma_start3A_4 = arith.constant 0 : i32
    %dma_start3A_5 = arith.constant 0 : i32
    %dma_start3A_6 = tpu.memref_slice %arg2[%dma_start3A_4, %dma_start3A_5] : memref<10240x128xf32, #tpu.memory_space<hbm>> -> memref<10240x128xf32, #tpu.memory_space<hbm>>
    tpu.enqueue_indirect_dma source(%dma_start3A_6 : memref<10240x128xf32, #tpu.memory_space<hbm>>) target(%arg9 : memref<128x128xf32, #tpu.memory_space<vmem>>) offsets(%dma_start3A_3 : memref<128xi32, #tpu.memory_space<vmem>>) semaphore(%arg15 : memref<!tpu.dma_semaphore, #tpu.memory_space<semaphore_mem>>)
    %dma_start3A_7 = arith.constant 0 : i32
    %dma_start3A_8 = arith.constant 0 : i32
    %dma_start3A_9 = tpu.memref_slice %arg8[%dma_start3A_7, %dma_start3A_8] : memref<40x128xi32, #tpu.memory_space<vmem>> -> memref<1x128xi32, #tpu.memory_space<vmem>>
    %dma_start3A_10 = tpu.memref_squeeze %dma_start3A_9 : memref<1x128xi32, #tpu.memory_space<vmem>> -> memref<128xi32, #tpu.memory_space<vmem>>
    %dma_start3A_11 = arith.constant 0 : i32
    %dma_start3A_12 = arith.constant 0 : i32
    %dma_start3A_13 = tpu.memref_slice %arg3[%dma_start3A_11, %dma_start3A_12] : memref<10240x128xf32, #tpu.memory_space<hbm>> -> memref<10240x128xf32, #tpu.memory_space<hbm>>
    tpu.enqueue_indirect_dma source(%dma_start3A_13 : memref<10240x128xf32, #tpu.memory_space<hbm>>) target(%arg10 : memref<128x128xf32, #tpu.memory_space<vmem>>) offsets(%dma_start3A_10 : memref<128xi32, #tpu.memory_space<vmem>>) semaphore(%arg15 : memref<!tpu.dma_semaphore, #tpu.memory_space<semaphore_mem>>)
    %dma_start3A_14 = arith.constant 1 : i32
    %dma_start3A_15 = arith.constant 0 : i32
    %dma_start3A_16 = tpu.memref_slice %arg7[%dma_start3A_14, %dma_start3A_15] : memref<40x128xi32, #tpu.memory_space<vmem>> -> memref<1x128xi32, #tpu.memory_space<vmem>>
    %dma_start3A_17 = tpu.memref_squeeze %dma_start3A_16 : memref<1x128xi32, #tpu.memory_space<vmem>> -> memref<128xi32, #tpu.memory_space<vmem>>
    %dma_start3A_18 = arith.constant 0 : i32
    %dma_start3A_19 = arith.constant 0 : i32
    %dma_start3A_20 = tpu.memref_slice %arg2[%dma_start3A_18, %dma_start3A_19] : memref<10240x128xf32, #tpu.memory_space<hbm>> -> memref<10240x128xf32, #tpu.memory_space<hbm>>
    tpu.enqueue_indirect_dma source(%dma_start3A_20 : memref<10240x128xf32, #tpu.memory_space<hbm>>) target(%arg11 : memref<128x128xf32, #tpu.memory_space<vmem>>) offsets(%dma_start3A_17 : memref<128xi32, #tpu.memory_space<vmem>>) semaphore(%arg16 : memref<!tpu.dma_semaphore, #tpu.memory_space<semaphore_mem>>)
    %dma_start3A_21 = arith.constant 1 : i32
    %dma_start3A_22 = arith.constant 0 : i32
    %dma_start3A_23 = tpu.memref_slice %arg8[%dma_start3A_21, %dma_start3A_22] : memref<40x128xi32, #tpu.memory_space<vmem>> -> memref<1x128xi32, #tpu.memory_space<vmem>>
    %dma_start3A_24 = tpu.memref_squeeze %dma_start3A_23 : memref<1x128xi32, #tpu.memory_space<vmem>> -> memref<128xi32, #tpu.memory_space<vmem>>
    %dma_start3A_25 = arith.constant 0 : i32
    %dma_start3A_26 = arith.constant 0 : i32
    %dma_start3A_27 = tpu.memref_slice %arg3[%dma_start3A_25, %dma_start3A_26] : memref<10240x128xf32, #tpu.memory_space<hbm>> -> memref<10240x128xf32, #tpu.memory_space<hbm>>
    tpu.enqueue_indirect_dma source(%dma_start3A_27 : memref<10240x128xf32, #tpu.memory_space<hbm>>) target(%arg12 : memref<128x128xf32, #tpu.memory_space<vmem>>) offsets(%dma_start3A_24 : memref<128xi32, #tpu.memory_space<vmem>>) semaphore(%arg16 : memref<!tpu.dma_semaphore, #tpu.memory_space<semaphore_mem>>)
    %dma_wait3A = arith.constant 0 : i32
    %dma_wait3A_28 = arith.constant 0 : i32
    %dma_wait3A_29 = tpu.memref_slice %arg2[%dma_wait3A, %dma_wait3A_28] : memref<10240x128xf32, #tpu.memory_space<hbm>> -> memref<128x128xf32, #tpu.memory_space<hbm>>
    %dma_wait3A_30 = arith.constant 0 : i32
    %dma_wait3A_31 = arith.constant 0 : i32
    %dma_wait3A_32 = tpu.memref_slice %arg2[%dma_wait3A_30, %dma_wait3A_31] : memref<10240x128xf32, #tpu.memory_space<hbm>> -> memref<128x128xf32, #tpu.memory_space<hbm>>
    tpu.wait_dma2 semaphore(%arg15 : memref<!tpu.dma_semaphore, #tpu.memory_space<semaphore_mem>>) src(%dma_wait3A_32 : memref<128x128xf32, #tpu.memory_space<hbm>>) dst(%arg9 : memref<128x128xf32, #tpu.memory_space<vmem>>)
    %dma_wait3A_33 = arith.constant 0 : i32
    %dma_wait3A_34 = arith.constant 0 : i32
    %dma_wait3A_35 = tpu.memref_slice %arg2[%dma_wait3A_33, %dma_wait3A_34] : memref<10240x128xf32, #tpu.memory_space<hbm>> -> memref<128x128xf32, #tpu.memory_space<hbm>>
    %dma_wait3A_36 = arith.constant 0 : i32
    %dma_wait3A_37 = arith.constant 0 : i32
    %dma_wait3A_38 = tpu.memref_slice %arg2[%dma_wait3A_36, %dma_wait3A_37] : memref<10240x128xf32, #tpu.memory_space<hbm>> -> memref<128x128xf32, #tpu.memory_space<hbm>>
    tpu.wait_dma2 semaphore(%arg15 : memref<!tpu.dma_semaphore, #tpu.memory_space<semaphore_mem>>) src(%dma_wait3A_38 : memref<128x128xf32, #tpu.memory_space<hbm>>) dst(%arg10 : memref<128x128xf32, #tpu.memory_space<vmem>>)
    %scan3A = arith.constant 0 : i32
    %scan3A_39 = arith.constant 0 : i32
    %scan3A_40 = arith.constant 64 : i32
    %scan3A_41 = arith.addi %scan3A_39, %scan3A_40 : i32
    %scan3A_42 = arith.constant 1 : i32
    scf.for %scan3A_178 = %scan3A_39 to %scan3A_41 step %scan3A_42  : i32 {
      %mul3A_179 = arith.constant 2 : i32
      %mul3A_180 = arith.muli %mul3A_179, %scan3A_178 : i32
      %add3A_181 = arith.constant 0 : i32
      %add3A_182 = arith.addi %mul3A_180, %add3A_181 : i32
      %get3A = arith.index_cast %add3A_182 : i32 to index
      %get3A_183 = arith.constant 0 : index
      %get3A_184 = tpu.vector_load %arg9[%get3A, %get3A_183] {strides = array<i32>} : memref<128x128xf32, #tpu.memory_space<vmem>>, vector<16xf32>,
      %mul3A_185 = arith.constant 2 : i32
      %mul3A_186 = arith.muli %mul3A_185, %scan3A_178 : i32
      %add3A_187 = arith.constant 0 : i32
      %add3A_188 = arith.addi %mul3A_186, %add3A_187 : i32
      %get3A_189 = arith.index_cast %add3A_188 : i32 to index
      %get3A_190 = arith.constant 0 : index
      %get3A_191 = tpu.vector_load %arg10[%get3A_189, %get3A_190] {strides = array<i32>} : memref<128x128xf32, #tpu.memory_space<vmem>>, vector<16xf32>,
      %add3A_192 = arith.addf %get3A_184, %get3A_191 : vector<16xf32>
      %mul3A_193 = arith.constant 2 : i32
      %mul3A_194 = arith.muli %mul3A_193, %scan3A_178 : i32
      %add3A_195 = arith.constant 0 : i32
      %add3A_196 = arith.addi %mul3A_194, %add3A_195 : i32
      %swap3A = arith.index_cast %add3A_196 : i32 to index
      %swap3A_197 = arith.constant 0 : index
      %swap3A_198 = tpu.vector_load %arg9[%swap3A, %swap3A_197] {strides = array<i32>} : memref<128x128xf32, #tpu.memory_space<vmem>>, vector<16xf32>,
      tpu.vector_store %arg9[%swap3A, %swap3A_197], %add3A_192 {strides = array<i32>} : memref<128x128xf32, #tpu.memory_space<vmem>>, vector<16xf32>,
      %mul3A_199 = arith.constant 2 : i32
      %mul3A_200 = arith.muli %mul3A_199, %scan3A_178 : i32
      %add3A_201 = arith.constant 0 : i32
      %add3A_202 = arith.addi %mul3A_200, %add3A_201 : i32
      %get3A_203 = arith.index_cast %add3A_202 : i32 to index
      %get3A_204 = arith.constant 16 : index
      %get3A_205 = tpu.vector_load %arg9[%get3A_203, %get3A_204] {strides = array<i32>} : memref<128x128xf32, #tpu.memory_space<vmem>>, vector<16xf32>,
      %mul3A_206 = arith.constant 2 : i32
      %mul3A_207 = arith.muli %mul3A_206, %scan3A_178 : i32
      %add3A_208 = arith.constant 0 : i32
      %add3A_209 = arith.addi %mul3A_207, %add3A_208 : i32
      %get3A_210 = arith.index_cast %add3A_209 : i32 to index
      %get3A_211 = arith.constant 16 : index
      %get3A_212 = tpu.vector_load %arg10[%get3A_210, %get3A_211] {strides = array<i32>} : memref<128x128xf32, #tpu.memory_space<vmem>>, vector<16xf32>,
      %add3A_213 = arith.addf %get3A_205, %get3A_212 : vector<16xf32>
      %mul3A_214 = arith.constant 2 : i32
      %mul3A_215 = arith.muli %mul3A_214, %scan3A_178 : i32
      %add3A_216 = arith.constant 0 : i32
      %add3A_217 = arith.addi %mul3A_215, %add3A_216 : i32
      %swap3A_218 = arith.index_cast %add3A_217 : i32 to index
      %swap3A_219 = arith.constant 16 : index
      %swap3A_220 = tpu.vector_load %arg9[%swap3A_218, %swap3A_219] {strides = array<i32>} : memref<128x128xf32, #tpu.memory_space<vmem>>, vector<16xf32>,
      tpu.vector_store %arg9[%swap3A_218, %swap3A_219], %add3A_213 {strides = array<i32>} : memref<128x128xf32, #tpu.memory_space<vmem>>, vector<16xf32>,
      %mul3A_221 = arith.constant 2 : i32
      %mul3A_222 = arith.muli %mul3A_221, %scan3A_178 : i32
      %add3A_223 = arith.constant 0 : i32
      %add3A_224 = arith.addi %mul3A_222, %add3A_223 : i32
      %get3A_225 = arith.index_cast %add3A_224 : i32 to index
      %get3A_226 = arith.constant 32 : index
      %get3A_227 = tpu.vector_load %arg9[%get3A_225, %get3A_226] {strides = array<i32>} : memref<128x128xf32, #tpu.memory_space<vmem>>, vector<16xf32>,
      %mul3A_228 = arith.constant 2 : i32
      %mul3A_229 = arith.muli %mul3A_228, %scan3A_178 : i32
      %add3A_230 = arith.constant 0 : i32
      %add3A_231 = arith.addi %mul3A_229, %add3A_230 : i32
      %get3A_232 = arith.index_cast %add3A_231 : i32 to index
      %get3A_233 = arith.constant 32 : index
      %get3A_234 = tpu.vector_load %arg10[%get3A_232, %get3A_233] {strides = array<i32>} : memref<128x128xf32, #tpu.memory_space<vmem>>, vector<16xf32>,
      %add3A_235 = arith.addf %get3A_227, %get3A_234 : vector<16xf32>
      %mul3A_236 = arith.constant 2 : i32
      %mul3A_237 = arith.muli %mul3A_236, %scan3A_178 : i32
      %add3A_238 = arith.constant 0 : i32
      %add3A_239 = arith.addi %mul3A_237, %add3A_238 : i32
      %swap3A_240 = arith.index_cast %add3A_239 : i32 to index
      %swap3A_241 = arith.constant 32 : index
      %swap3A_242 = tpu.vector_load %arg9[%swap3A_240, %swap3A_241] {strides = array<i32>} : memref<128x128xf32, #tpu.memory_space<vmem>>, vector<16xf32>,
      tpu.vector_store %arg9[%swap3A_240, %swap3A_241], %add3A_235 {strides = array<i32>} : memref<128x128xf32, #tpu.memory_space<vmem>>, vector<16xf32>,
      %mul3A_243 = arith.constant 2 : i32
      %mul3A_244 = arith.muli %mul3A_243, %scan3A_178 : i32
      %add3A_245 = arith.constant 0 : i32
      %add3A_246 = arith.addi %mul3A_244, %add3A_245 : i32
      %get3A_247 = arith.index_cast %add3A_246 : i32 to index
      %get3A_248 = arith.constant 48 : index
      %get3A_249 = tpu.vector_load %arg9[%get3A_247, %get3A_248] {strides = array<i32>} : memref<128x128xf32, #tpu.memory_space<vmem>>, vector<16xf32>,
      %mul3A_250 = arith.constant 2 : i32
      %mul3A_251 = arith.muli %mul3A_250, %scan3A_178 : i32
      %add3A_252 = arith.constant 0 : i32
      %add3A_253 = arith.addi %mul3A_251, %add3A_252 : i32
      %get3A_254 = arith.index_cast %add3A_253 : i32 to index
      %get3A_255 = arith.constant 48 : index
      %get3A_256 = tpu.vector_load %arg10[%get3A_254, %get3A_255] {strides = array<i32>} : memref<128x128xf32, #tpu.memory_space<vmem>>, vector<16xf32>,
      %add3A_257 = arith.addf %get3A_249, %get3A_256 : vector<16xf32>
      %mul3A_258 = arith.constant 2 : i32
      %mul3A_259 = arith.muli %mul3A_258, %scan3A_178 : i32
      %add3A_260 = arith.constant 0 : i32
      %add3A_261 = arith.addi %mul3A_259, %add3A_260 : i32
      %swap3A_262 = arith.index_cast %add3A_261 : i32 to index
      %swap3A_263 = arith.constant 48 : index
      %swap3A_264 = tpu.vector_load %arg9[%swap3A_262, %swap3A_263] {strides = array<i32>} : memref<128x128xf32, #tpu.memory_space<vmem>>, vector<16xf32>,
      tpu.vector_store %arg9[%swap3A_262, %swap3A_263], %add3A_257 {strides = array<i32>} : memref<128x128xf32, #tpu.memory_space<vmem>>, vector<16xf32>,
      %mul3A_265 = arith.constant 2 : i32
      %mul3A_266 = arith.muli %mul3A_265, %scan3A_178 : i32
      %add3A_267 = arith.constant 0 : i32
      %add3A_268 = arith.addi %mul3A_266, %add3A_267 : i32
      %get3A_269 = arith.index_cast %add3A_268 : i32 to index
      %get3A_270 = arith.constant 64 : index
      %get3A_271 = tpu.vector_load %arg9[%get3A_269, %get3A_270] {strides = array<i32>} : memref<128x128xf32, #tpu.memory_space<vmem>>, vector<16xf32>,
      %mul3A_272 = arith.constant 2 : i32
      %mul3A_273 = arith.muli %mul3A_272, %scan3A_178 : i32
      %add3A_274 = arith.constant 0 : i32
      %add3A_275 = arith.addi %mul3A_273, %add3A_274 : i32
      %get3A_276 = arith.index_cast %add3A_275 : i32 to index
      %get3A_277 = arith.constant 64 : index
      %get3A_278 = tpu.vector_load %arg10[%get3A_276, %get3A_277] {strides = array<i32>} : memref<128x128xf32, #tpu.memory_space<vmem>>, vector<16xf32>,
      %add3A_279 = arith.addf %get3A_271, %get3A_278 : vector<16xf32>
      %mul3A_280 = arith.constant 2 : i32
      %mul3A_281 = arith.muli %mul3A_280, %scan3A_178 : i32
      %add3A_282 = arith.constant 0 : i32
      %add3A_283 = arith.addi %mul3A_281, %add3A_282 : i32
      %swap3A_284 = arith.index_cast %add3A_283 : i32 to index
      %swap3A_285 = arith.constant 64 : index
      %swap3A_286 = tpu.vector_load %arg9[%swap3A_284, %swap3A_285] {strides = array<i32>} : memref<128x128xf32, #tpu.memory_space<vmem>>, vector<16xf32>,
      tpu.vector_store %arg9[%swap3A_284, %swap3A_285], %add3A_279 {strides = array<i32>} : memref<128x128xf32, #tpu.memory_space<vmem>>, vector<16xf32>,
      %mul3A_287 = arith.constant 2 : i32
      %mul3A_288 = arith.muli %mul3A_287, %scan3A_178 : i32
      %add3A_289 = arith.constant 0 : i32
      %add3A_290 = arith.addi %mul3A_288, %add3A_289 : i32
      %get3A_291 = arith.index_cast %add3A_290 : i32 to index
      %get3A_292 = arith.constant 80 : index
      %get3A_293 = tpu.vector_load %arg9[%get3A_291, %get3A_292] {strides = array<i32>} : memref<128x128xf32, #tpu.memory_space<vmem>>, vector<16xf32>,
      %mul3A_294 = arith.constant 2 : i32
      %mul3A_295 = arith.muli %mul3A_294, %scan3A_178 : i32
      %add3A_296 = arith.constant 0 : i32
      %add3A_297 = arith.addi %mul3A_295, %add3A_296 : i32
      %get3A_298 = arith.index_cast %add3A_297 : i32 to index
      %get3A_299 = arith.constant 80 : index
      %get3A_300 = tpu.vector_load %arg10[%get3A_298, %get3A_299] {strides = array<i32>} : memref<128x128xf32, #tpu.memory_space<vmem>>, vector<16xf32>,
      %add3A_301 = arith.addf %get3A_293, %get3A_300 : vector<16xf32>
      %mul3A_302 = arith.constant 2 : i32
      %mul3A_303 = arith.muli %mul3A_302, %scan3A_178 : i32
      %add3A_304 = arith.constant 0 : i32
      %add3A_305 = arith.addi %mul3A_303, %add3A_304 : i32
      %swap3A_306 = arith.index_cast %add3A_305 : i32 to index
      %swap3A_307 = arith.constant 80 : index
      %swap3A_308 = tpu.vector_load %arg9[%swap3A_306, %swap3A_307] {strides = array<i32>} : memref<128x128xf32, #tpu.memory_space<vmem>>, vector<16xf32>,
      tpu.vector_store %arg9[%swap3A_306, %swap3A_307], %add3A_301 {strides = array<i32>} : memref<128x128xf32, #tpu.memory_space<vmem>>, vector<16xf32>,
      %mul3A_309 = arith.constant 2 : i32
      %mul3A_310 = arith.muli %mul3A_309, %scan3A_178 : i32
      %add3A_311 = arith.constant 0 : i32
      %add3A_312 = arith.addi %mul3A_310, %add3A_311 : i32
      %get3A_313 = arith.index_cast %add3A_312 : i32 to index
      %get3A_314 = arith.constant 96 : index
      %get3A_315 = tpu.vector_load %arg9[%get3A_313, %get3A_314] {strides = array<i32>} : memref<128x128xf32, #tpu.memory_space<vmem>>, vector<16xf32>,
      %mul3A_316 = arith.constant 2 : i32
      %mul3A_317 = arith.muli %mul3A_316, %scan3A_178 : i32
      %add3A_318 = arith.constant 0 : i32
      %add3A_319 = arith.addi %mul3A_317, %add3A_318 : i32
      %get3A_320 = arith.index_cast %add3A_319 : i32 to index
      %get3A_321 = arith.constant 96 : index
      %get3A_322 = tpu.vector_load %arg10[%get3A_320, %get3A_321] {strides = array<i32>} : memref<128x128xf32, #tpu.memory_space<vmem>>, vector<16xf32>,
      %add3A_323 = arith.addf %get3A_315, %get3A_322 : vector<16xf32>
      %mul3A_324 = arith.constant 2 : i32
      %mul3A_325 = arith.muli %mul3A_324, %scan3A_178 : i32
      %add3A_326 = arith.constant 0 : i32
      %add3A_327 = arith.addi %mul3A_325, %add3A_326 : i32
      %swap3A_328 = arith.index_cast %add3A_327 : i32 to index
      %swap3A_329 = arith.constant 96 : index
      %swap3A_330 = tpu.vector_load %arg9[%swap3A_328, %swap3A_329] {strides = array<i32>} : memref<128x128xf32, #tpu.memory_space<vmem>>, vector<16xf32>,
      tpu.vector_store %arg9[%swap3A_328, %swap3A_329], %add3A_323 {strides = array<i32>} : memref<128x128xf32, #tpu.memory_space<vmem>>, vector<16xf32>,
      %mul3A_331 = arith.constant 2 : i32
      %mul3A_332 = arith.muli %mul3A_331, %scan3A_178 : i32
      %add3A_333 = arith.constant 0 : i32
      %add3A_334 = arith.addi %mul3A_332, %add3A_333 : i32
      %get3A_335 = arith.index_cast %add3A_334 : i32 to index
      %get3A_336 = arith.constant 112 : index
      %get3A_337 = tpu.vector_load %arg9[%get3A_335, %get3A_336] {strides = array<i32>} : memref<128x128xf32, #tpu.memory_space<vmem>>, vector<16xf32>,
      %mul3A_338 = arith.constant 2 : i32
      %mul3A_339 = arith.muli %mul3A_338, %scan3A_178 : i32
      %add3A_340 = arith.constant 0 : i32
      %add3A_341 = arith.addi %mul3A_339, %add3A_340 : i32
      %get3A_342 = arith.index_cast %add3A_341 : i32 to index
      %get3A_343 = arith.constant 112 : index
      %get3A_344 = tpu.vector_load %arg10[%get3A_342, %get3A_343] {strides = array<i32>} : memref<128x128xf32, #tpu.memory_space<vmem>>, vector<16xf32>,
      %add3A_345 = arith.addf %get3A_337, %get3A_344 : vector<16xf32>
      %mul3A_346 = arith.constant 2 : i32
      %mul3A_347 = arith.muli %mul3A_346, %scan3A_178 : i32
      %add3A_348 = arith.constant 0 : i32
      %add3A_349 = arith.addi %mul3A_347, %add3A_348 : i32
      %swap3A_350 = arith.index_cast %add3A_349 : i32 to index
      %swap3A_351 = arith.constant 112 : index
      %swap3A_352 = tpu.vector_load %arg9[%swap3A_350, %swap3A_351] {strides = array<i32>} : memref<128x128xf32, #tpu.memory_space<vmem>>, vector<16xf32>,
      tpu.vector_store %arg9[%swap3A_350, %swap3A_351], %add3A_345 {strides = array<i32>} : memref<128x128xf32, #tpu.memory_space<vmem>>, vector<16xf32>,
      %mul3A_353 = arith.constant 2 : i32
      %mul3A_354 = arith.muli %mul3A_353, %scan3A_178 : i32
      %add3A_355 = arith.constant 1 : i32
      %add3A_356 = arith.addi %mul3A_354, %add3A_355 : i32
      %get3A_357 = arith.index_cast %add3A_356 : i32 to index
      %get3A_358 = arith.constant 0 : index
      %get3A_359 = tpu.vector_load %arg9[%get3A_357, %get3A_358] {strides = array<i32>} : memref<128x128xf32, #tpu.memory_space<vmem>>, vector<16xf32>,
      %mul3A_360 = arith.constant 2 : i32
      %mul3A_361 = arith.muli %mul3A_360, %scan3A_178 : i32
      %add3A_362 = arith.constant 1 : i32
      %add3A_363 = arith.addi %mul3A_361, %add3A_362 : i32
      %get3A_364 = arith.index_cast %add3A_363 : i32 to index
      %get3A_365 = arith.constant 0 : index
      %get3A_366 = tpu.vector_load %arg10[%get3A_364, %get3A_365] {strides = array<i32>} : memref<128x128xf32, #tpu.memory_space<vmem>>, vector<16xf32>,
      %add3A_367 = arith.addf %get3A_359, %get3A_366 : vector<16xf32>
      %mul3A_368 = arith.constant 2 : i32
      %mul3A_369 = arith.muli %mul3A_368, %scan3A_178 : i32
      %add3A_370 = arith.constant 1 : i32
      %add3A_371 = arith.addi %mul3A_369, %add3A_370 : i32
      %swap3A_372 = arith.index_cast %add3A_371 : i32 to index
      %swap3A_373 = arith.constant 0 : index
      %swap3A_374 = tpu.vector_load %arg9[%swap3A_372, %swap3A_373] {strides = array<i32>} : memref<128x128xf32, #tpu.memory_space<vmem>>, vector<16xf32>,
      tpu.vector_store %arg9[%swap3A_372, %swap3A_373], %add3A_367 {strides = array<i32>} : memref<128x128xf32, #tpu.memory_space<vmem>>, vector<16xf32>,
      %mul3A_375 = arith.constant 2 : i32
      %mul3A_376 = arith.muli %mul3A_375, %scan3A_178 : i32
      %add3A_377 = arith.constant 1 : i32
      %add3A_378 = arith.addi %mul3A_376, %add3A_377 : i32
      %get3A_379 = arith.index_cast %add3A_378 : i32 to index
      %get3A_380 = arith.constant 16 : index
      %get3A_381 = tpu.vector_load %arg9[%get3A_379, %get3A_380] {strides = array<i32>} : memref<128x128xf32, #tpu.memory_space<vmem>>, vector<16xf32>,
      %mul3A_382 = arith.constant 2 : i32
      %mul3A_383 = arith.muli %mul3A_382, %scan3A_178 : i32
      %add3A_384 = arith.constant 1 : i32
      %add3A_385 = arith.addi %mul3A_383, %add3A_384 : i32
      %get3A_386 = arith.index_cast %add3A_385 : i32 to index
      %get3A_387 = arith.constant 16 : index
      %get3A_388 = tpu.vector_load %arg10[%get3A_386, %get3A_387] {strides = array<i32>} : memref<128x128xf32, #tpu.memory_space<vmem>>, vector<16xf32>,
      %add3A_389 = arith.addf %get3A_381, %get3A_388 : vector<16xf32>
      %mul3A_390 = arith.constant 2 : i32
      %mul3A_391 = arith.muli %mul3A_390, %scan3A_178 : i32
      %add3A_392 = arith.constant 1 : i32
      %add3A_393 = arith.addi %mul3A_391, %add3A_392 : i32
      %swap3A_394 = arith.index_cast %add3A_393 : i32 to index
      %swap3A_395 = arith.constant 16 : index
      %swap3A_396 = tpu.vector_load %arg9[%swap3A_394, %swap3A_395] {strides = array<i32>} : memref<128x128xf32, #tpu.memory_space<vmem>>, vector<16xf32>,
      tpu.vector_store %arg9[%swap3A_394, %swap3A_395], %add3A_389 {strides = array<i32>} : memref<128x128xf32, #tpu.memory_space<vmem>>, vector<16xf32>,
      %mul3A_397 = arith.constant 2 : i32
      %mul3A_398 = arith.muli %mul3A_397, %scan3A_178 : i32
      %add3A_399 = arith.constant 1 : i32
      %add3A_400 = arith.addi %mul3A_398, %add3A_399 : i32
      %get3A_401 = arith.index_cast %add3A_400 : i32 to index
      %get3A_402 = arith.constant 32 : index
      %get3A_403 = tpu.vector_load %arg9[%get3A_401, %get3A_402] {strides = array<i32>} : memref<128x128xf32, #tpu.memory_space<vmem>>, vector<16xf32>,
      %mul3A_404 = arith.constant 2 : i32
      %mul3A_405 = arith.muli %mul3A_404, %scan3A_178 : i32
      %add3A_406 = arith.constant 1 : i32
      %add3A_407 = arith.addi %mul3A_405, %add3A_406 : i32
      %get3A_408 = arith.index_cast %add3A_407 : i32 to index
      %get3A_409 = arith.constant 32 : index
      %get3A_410 = tpu.vector_load %arg10[%get3A_408, %get3A_409] {strides = array<i32>} : memref<128x128xf32, #tpu.memory_space<vmem>>, vector<16xf32>,
      %add3A_411 = arith.addf %get3A_403, %get3A_410 : vector<16xf32>
      %mul3A_412 = arith.constant 2 : i32
      %mul3A_413 = arith.muli %mul3A_412, %scan3A_178 : i32
      %add3A_414 = arith.constant 1 : i32
      %add3A_415 = arith.addi %mul3A_413, %add3A_414 : i32
      %swap3A_416 = arith.index_cast %add3A_415 : i32 to index
      %swap3A_417 = arith.constant 32 : index
      %swap3A_418 = tpu.vector_load %arg9[%swap3A_416, %swap3A_417] {strides = array<i32>} : memref<128x128xf32, #tpu.memory_space<vmem>>, vector<16xf32>,
      tpu.vector_store %arg9[%swap3A_416, %swap3A_417], %add3A_411 {strides = array<i32>} : memref<128x128xf32, #tpu.memory_space<vmem>>, vector<16xf32>,
      %mul3A_419 = arith.constant 2 : i32
      %mul3A_420 = arith.muli %mul3A_419, %scan3A_178 : i32
      %add3A_421 = arith.constant 1 : i32
      %add3A_422 = arith.addi %mul3A_420, %add3A_421 : i32
      %get3A_423 = arith.index_cast %add3A_422 : i32 to index
      %get3A_424 = arith.constant 48 : index
      %get3A_425 = tpu.vector_load %arg9[%get3A_423, %get3A_424] {strides = array<i32>} : memref<128x128xf32, #tpu.memory_space<vmem>>, vector<16xf32>,
      %mul3A_426 = arith.constant 2 : i32
      %mul3A_427 = arith.muli %mul3A_426, %scan3A_178 : i32
      %add3A_428 = arith.constant 1 : i32
      %add3A_429 = arith.addi %mul3A_427, %add3A_428 : i32
      %get3A_430 = arith.index_cast %add3A_429 : i32 to index
      %get3A_431 = arith.constant 48 : index
      %get3A_432 = tpu.vector_load %arg10[%get3A_430, %get3A_431] {strides = array<i32>} : memref<128x128xf32, #tpu.memory_space<vmem>>, vector<16xf32>,
      %add3A_433 = arith.addf %get3A_425, %get3A_432 : vector<16xf32>
      %mul3A_434 = arith.constant 2 : i32
      %mul3A_435 = arith.muli %mul3A_434, %scan3A_178 : i32
      %add3A_436 = arith.constant 1 : i32
      %add3A_437 = arith.addi %mul3A_435, %add3A_436 : i32
      %swap3A_438 = arith.index_cast %add3A_437 : i32 to index
      %swap3A_439 = arith.constant 48 : index
      %swap3A_440 = tpu.vector_load %arg9[%swap3A_438, %swap3A_439] {strides = array<i32>} : memref<128x128xf32, #tpu.memory_space<vmem>>, vector<16xf32>,
      tpu.vector_store %arg9[%swap3A_438, %swap3A_439], %add3A_433 {strides = array<i32>} : memref<128x128xf32, #tpu.memory_space<vmem>>, vector<16xf32>,
      %mul3A_441 = arith.constant 2 : i32
      %mul3A_442 = arith.muli %mul3A_441, %scan3A_178 : i32
      %add3A_443 = arith.constant 1 : i32
      %add3A_444 = arith.addi %mul3A_442, %add3A_443 : i32
      %get3A_445 = arith.index_cast %add3A_444 : i32 to index
      %get3A_446 = arith.constant 64 : index
      %get3A_447 = tpu.vector_load %arg9[%get3A_445, %get3A_446] {strides = array<i32>} : memref<128x128xf32, #tpu.memory_space<vmem>>, vector<16xf32>,
      %mul3A_448 = arith.constant 2 : i32
      %mul3A_449 = arith.muli %mul3A_448, %scan3A_178 : i32
      %add3A_450 = arith.constant 1 : i32
      %add3A_451 = arith.addi %mul3A_449, %add3A_450 : i32
      %get3A_452 = arith.index_cast %add3A_451 : i32 to index
      %get3A_453 = arith.constant 64 : index
      %get3A_454 = tpu.vector_load %arg10[%get3A_452, %get3A_453] {strides = array<i32>} : memref<128x128xf32, #tpu.memory_space<vmem>>, vector<16xf32>,
      %add3A_455 = arith.addf %get3A_447, %get3A_454 : vector<16xf32>
      %mul3A_456 = arith.constant 2 : i32
      %mul3A_457 = arith.muli %mul3A_456, %scan3A_178 : i32
      %add3A_458 = arith.constant 1 : i32
      %add3A_459 = arith.addi %mul3A_457, %add3A_458 : i32
      %swap3A_460 = arith.index_cast %add3A_459 : i32 to index
      %swap3A_461 = arith.constant 64 : index
      %swap3A_462 = tpu.vector_load %arg9[%swap3A_460, %swap3A_461] {strides = array<i32>} : memref<128x128xf32, #tpu.memory_space<vmem>>, vector<16xf32>,
      tpu.vector_store %arg9[%swap3A_460, %swap3A_461], %add3A_455 {strides = array<i32>} : memref<128x128xf32, #tpu.memory_space<vmem>>, vector<16xf32>,
      %mul3A_463 = arith.constant 2 : i32
      %mul3A_464 = arith.muli %mul3A_463, %scan3A_178 : i32
      %add3A_465 = arith.constant 1 : i32
      %add3A_466 = arith.addi %mul3A_464, %add3A_465 : i32
      %get3A_467 = arith.index_cast %add3A_466 : i32 to index
      %get3A_468 = arith.constant 80 : index
      %get3A_469 = tpu.vector_load %arg9[%get3A_467, %get3A_468] {strides = array<i32>} : memref<128x128xf32, #tpu.memory_space<vmem>>, vector<16xf32>,
      %mul3A_470 = arith.constant 2 : i32
      %mul3A_471 = arith.muli %mul3A_470, %scan3A_178 : i32
      %add3A_472 = arith.constant 1 : i32
      %add3A_473 = arith.addi %mul3A_471, %add3A_472 : i32
      %get3A_474 = arith.index_cast %add3A_473 : i32 to index
      %get3A_475 = arith.constant 80 : index
      %get3A_476 = tpu.vector_load %arg10[%get3A_474, %get3A_475] {strides = array<i32>} : memref<128x128xf32, #tpu.memory_space<vmem>>, vector<16xf32>,
      %add3A_477 = arith.addf %get3A_469, %get3A_476 : vector<16xf32>
      %mul3A_478 = arith.constant 2 : i32
      %mul3A_479 = arith.muli %mul3A_478, %scan3A_178 : i32
      %add3A_480 = arith.constant 1 : i32
      %add3A_481 = arith.addi %mul3A_479, %add3A_480 : i32
      %swap3A_482 = arith.index_cast %add3A_481 : i32 to index
      %swap3A_483 = arith.constant 80 : index
      %swap3A_484 = tpu.vector_load %arg9[%swap3A_482, %swap3A_483] {strides = array<i32>} : memref<128x128xf32, #tpu.memory_space<vmem>>, vector<16xf32>,
      tpu.vector_store %arg9[%swap3A_482, %swap3A_483], %add3A_477 {strides = array<i32>} : memref<128x128xf32, #tpu.memory_space<vmem>>, vector<16xf32>,
      %mul3A_485 = arith.constant 2 : i32
      %mul3A_486 = arith.muli %mul3A_485, %scan3A_178 : i32
      %add3A_487 = arith.constant 1 : i32
      %add3A_488 = arith.addi %mul3A_486, %add3A_487 : i32
      %get3A_489 = arith.index_cast %add3A_488 : i32 to index
      %get3A_490 = arith.constant 96 : index
      %get3A_491 = tpu.vector_load %arg9[%get3A_489, %get3A_490] {strides = array<i32>} : memref<128x128xf32, #tpu.memory_space<vmem>>, vector<16xf32>,
      %mul3A_492 = arith.constant 2 : i32
      %mul3A_493 = arith.muli %mul3A_492, %scan3A_178 : i32
      %add3A_494 = arith.constant 1 : i32
      %add3A_495 = arith.addi %mul3A_493, %add3A_494 : i32
      %get3A_496 = arith.index_cast %add3A_495 : i32 to index
      %get3A_497 = arith.constant 96 : index
      %get3A_498 = tpu.vector_load %arg10[%get3A_496, %get3A_497] {strides = array<i32>} : memref<128x128xf32, #tpu.memory_space<vmem>>, vector<16xf32>,
      %add3A_499 = arith.addf %get3A_491, %get3A_498 : vector<16xf32>
      %mul3A_500 = arith.constant 2 : i32
      %mul3A_501 = arith.muli %mul3A_500, %scan3A_178 : i32
      %add3A_502 = arith.constant 1 : i32
      %add3A_503 = arith.addi %mul3A_501, %add3A_502 : i32
      %swap3A_504 = arith.index_cast %add3A_503 : i32 to index
      %swap3A_505 = arith.constant 96 : index
      %swap3A_506 = tpu.vector_load %arg9[%swap3A_504, %swap3A_505] {strides = array<i32>} : memref<128x128xf32, #tpu.memory_space<vmem>>, vector<16xf32>,
      tpu.vector_store %arg9[%swap3A_504, %swap3A_505], %add3A_499 {strides = array<i32>} : memref<128x128xf32, #tpu.memory_space<vmem>>, vector<16xf32>,
      %mul3A_507 = arith.constant 2 : i32
      %mul3A_508 = arith.muli %mul3A_507, %scan3A_178 : i32
      %add3A_509 = arith.constant 1 : i32
      %add3A_510 = arith.addi %mul3A_508, %add3A_509 : i32
      %get3A_511 = arith.index_cast %add3A_510 : i32 to index
      %get3A_512 = arith.constant 112 : index
      %get3A_513 = tpu.vector_load %arg9[%get3A_511, %get3A_512] {strides = array<i32>} : memref<128x128xf32, #tpu.memory_space<vmem>>, vector<16xf32>,
      %mul3A_514 = arith.constant 2 : i32
      %mul3A_515 = arith.muli %mul3A_514, %scan3A_178 : i32
      %add3A_516 = arith.constant 1 : i32
      %add3A_517 = arith.addi %mul3A_515, %add3A_516 : i32
      %get3A_518 = arith.index_cast %add3A_517 : i32 to index
      %get3A_519 = arith.constant 112 : index
      %get3A_520 = tpu.vector_load %arg10[%get3A_518, %get3A_519] {strides = array<i32>} : memref<128x128xf32, #tpu.memory_space<vmem>>, vector<16xf32>,
      %add3A_521 = arith.addf %get3A_513, %get3A_520 : vector<16xf32>
      %mul3A_522 = arith.constant 2 : i32
      %mul3A_523 = arith.muli %mul3A_522, %scan3A_178 : i32
      %add3A_524 = arith.constant 1 : i32
      %add3A_525 = arith.addi %mul3A_523, %add3A_524 : i32
      %swap3A_526 = arith.index_cast %add3A_525 : i32 to index
      %swap3A_527 = arith.constant 112 : index
      %swap3A_528 = tpu.vector_load %arg9[%swap3A_526, %swap3A_527] {strides = array<i32>} : memref<128x128xf32, #tpu.memory_space<vmem>>, vector<16xf32>,
      tpu.vector_store %arg9[%swap3A_526, %swap3A_527], %add3A_521 {strides = array<i32>} : memref<128x128xf32, #tpu.memory_space<vmem>>, vector<16xf32>,
    }
    %scan3A_43 = arith.constant 64 : i32
    %mul3A_44 = arith.constant 5000 : i32
    %mul3A_45 = arith.muli %add3A, %mul3A_44 : i32
    %add3A_46 = arith.constant 0 : i32
    %add3A_47 = arith.addi %mul3A_45, %add3A_46 : i32
    %dma_start3A_48 = arith.constant 0 : i32
    %dma_start3A_49 = tpu.memref_slice %arg6[%add3A_47, %dma_start3A_48] : memref<160000x128xf32, #tpu.memory_space<hbm>> -> memref<128x128xf32, #tpu.memory_space<hbm>>
    %dma_start3A_50 = arith.constant 0 : i32
    %dma_start3A_51 = tpu.memref_slice %arg6[%add3A_47, %dma_start3A_50] : memref<160000x128xf32, #tpu.memory_space<hbm>> -> memref<128x128xf32, #tpu.memory_space<hbm>>
    tpu.enqueue_dma source(%arg9 : memref<128x128xf32, #tpu.memory_space<vmem>>) target(%dma_start3A_51 : memref<128x128xf32, #tpu.memory_space<hbm>>) target_semaphore(%arg18 : memref<!tpu.dma_semaphore, #tpu.memory_space<semaphore_mem>>)
    %dma_start3A_52 = arith.constant 2 : i32
    %dma_start3A_53 = arith.constant 0 : i32
    %dma_start3A_54 = tpu.memref_slice %arg7[%dma_start3A_52, %dma_start3A_53] : memref<40x128xi32, #tpu.memory_space<vmem>> -> memref<1x128xi32, #tpu.memory_space<vmem>>
    %dma_start3A_55 = tpu.memref_squeeze %dma_start3A_54 : memref<1x128xi32, #tpu.memory_space<vmem>> -> memref<128xi32, #tpu.memory_space<vmem>>
    %dma_start3A_56 = arith.constant 0 : i32
    %dma_start3A_57 = arith.constant 0 : i32
    %dma_start3A_58 = tpu.memref_slice %arg2[%dma_start3A_56, %dma_start3A_57] : memref<10240x128xf32, #tpu.memory_space<hbm>> -> memref<10240x128xf32, #tpu.memory_space<hbm>>
    tpu.enqueue_indirect_dma source(%dma_start3A_58 : memref<10240x128xf32, #tpu.memory_space<hbm>>) target(%arg13 : memref<128x128xf32, #tpu.memory_space<vmem>>) offsets(%dma_start3A_55 : memref<128xi32, #tpu.memory_space<vmem>>) semaphore(%arg17 : memref<!tpu.dma_semaphore, #tpu.memory_space<semaphore_mem>>)
    %dma_start3A_59 = arith.constant 2 : i32
    %dma_start3A_60 = arith.constant 0 : i32
    %dma_start3A_61 = tpu.memref_slice %arg8[%dma_start3A_59, %dma_start3A_60] : memref<40x128xi32, #tpu.memory_space<vmem>> -> memref<1x128xi32, #tpu.memory_space<vmem>>
    %dma_start3A_62 = tpu.memref_squeeze %dma_start3A_61 : memref<1x128xi32, #tpu.memory_space<vmem>> -> memref<128xi32, #tpu.memory_space<vmem>>
    %dma_start3A_63 = arith.constant 0 : i32
    %dma_start3A_64 = arith.constant 0 : i32
    %dma_start3A_65 = tpu.memref_slice %arg3[%dma_start3A_63, %dma_start3A_64] : memref<10240x128xf32, #tpu.memory_space<hbm>> -> memref<10240x128xf32, #tpu.memory_space<hbm>>
    tpu.enqueue_indirect_dma source(%dma_start3A_65 : memref<10240x128xf32, #tpu.memory_space<hbm>>) target(%arg14 : memref<128x128xf32, #tpu.memory_space<vmem>>) offsets(%dma_start3A_62 : memref<128xi32, #tpu.memory_space<vmem>>) semaphore(%arg17 : memref<!tpu.dma_semaphore, #tpu.memory_space<semaphore_mem>>)
    %dma_wait3A_66 = arith.constant 0 : i32
    %dma_wait3A_67 = arith.constant 0 : i32
    %dma_wait3A_68 = tpu.memref_slice %arg2[%dma_wait3A_66, %dma_wait3A_67] : memref<10240x128xf32, #tpu.memory_space<hbm>> -> memref<128x128xf32, #tpu.memory_space<hbm>>
    %dma_wait3A_69 = arith.constant 0 : i32
    %dma_wait3A_70 = arith.constant 0 : i32
    %dma_wait3A_71 = tpu.memref_slice %arg2[%dma_wait3A_69, %dma_wait3A_70] : memref<10240x128xf32, #tpu.memory_space<hbm>> -> memref<128x128xf32, #tpu.memory_space<hbm>>
    tpu.wait_dma2 semaphore(%arg16 : memref<!tpu.dma_semaphore, #tpu.memory_space<semaphore_mem>>) src(%dma_wait3A_71 : memref<128x128xf32, #tpu.memory_space<hbm>>) dst(%arg11 : memref<128x128xf32, #tpu.memory_space<vmem>>)
    %dma_wait3A_72 = arith.constant 0 : i32
    %dma_wait3A_73 = arith.constant 0 : i32
    %dma_wait3A_74 = tpu.memref_slice %arg2[%dma_wait3A_72, %dma_wait3A_73] : memref<10240x128xf32, #tpu.memory_space<hbm>> -> memref<128x128xf32, #tpu.memory_space<hbm>>
    %dma_wait3A_75 = arith.constant 0 : i32
    %dma_wait3A_76 = arith.constant 0 : i32
    %dma_wait3A_77 = tpu.memref_slice %arg2[%dma_wait3A_75, %dma_wait3A_76] : memref<10240x128xf32, #tpu.memory_space<hbm>> -> memref<128x128xf32, #tpu.memory_space<hbm>>
    tpu.wait_dma2 semaphore(%arg16 : memref<!tpu.dma_semaphore, #tpu.memory_space<semaphore_mem>>) src(%dma_wait3A_77 : memref<128x128xf32, #tpu.memory_space<hbm>>) dst(%arg12 : memref<128x128xf32, #tpu.memory_space<vmem>>)
    %scan3A_78 = arith.constant 0 : i32
    %scan3A_79 = arith.constant 0 : i32
    %scan3A_80 = arith.constant 64 : i32
    %scan3A_81 = arith.addi %scan3A_79, %scan3A_80 : i32
    %scan3A_82 = arith.constant 1 : i32
    scf.for %scan3A_178 = %scan3A_79 to %scan3A_81 step %scan3A_82  : i32 {
      %mul3A_179 = arith.constant 2 : i32
      %mul3A_180 = arith.muli %mul3A_179, %scan3A_178 : i32
      %add3A_181 = arith.constant 0 : i32
      %add3A_182 = arith.addi %mul3A_180, %add3A_181 : i32
      %get3A = arith.index_cast %add3A_182 : i32 to index
      %get3A_183 = arith.constant 0 : index
      %get3A_184 = tpu.vector_load %arg11[%get3A, %get3A_183] {strides = array<i32>} : memref<128x128xf32, #tpu.memory_space<vmem>>, vector<16xf32>,
      %mul3A_185 = arith.constant 2 : i32
      %mul3A_186 = arith.muli %mul3A_185, %scan3A_178 : i32
      %add3A_187 = arith.constant 0 : i32
      %add3A_188 = arith.addi %mul3A_186, %add3A_187 : i32
      %get3A_189 = arith.index_cast %add3A_188 : i32 to index
      %get3A_190 = arith.constant 0 : index
      %get3A_191 = tpu.vector_load %arg12[%get3A_189, %get3A_190] {strides = array<i32>} : memref<128x128xf32, #tpu.memory_space<vmem>>, vector<16xf32>,
      %add3A_192 = arith.addf %get3A_184, %get3A_191 : vector<16xf32>
      %mul3A_193 = arith.constant 2 : i32
      %mul3A_194 = arith.muli %mul3A_193, %scan3A_178 : i32
      %add3A_195 = arith.constant 0 : i32
      %add3A_196 = arith.addi %mul3A_194, %add3A_195 : i32
      %swap3A = arith.index_cast %add3A_196 : i32 to index
      %swap3A_197 = arith.constant 0 : index
      %swap3A_198 = tpu.vector_load %arg11[%swap3A, %swap3A_197] {strides = array<i32>} : memref<128x128xf32, #tpu.memory_space<vmem>>, vector<16xf32>,
      tpu.vector_store %arg11[%swap3A, %swap3A_197], %add3A_192 {strides = array<i32>} : memref<128x128xf32, #tpu.memory_space<vmem>>, vector<16xf32>,
      %mul3A_199 = arith.constant 2 : i32
      %mul3A_200 = arith.muli %mul3A_199, %scan3A_178 : i32
      %add3A_201 = arith.constant 0 : i32
      %add3A_202 = arith.addi %mul3A_200, %add3A_201 : i32
      %get3A_203 = arith.index_cast %add3A_202 : i32 to index
      %get3A_204 = arith.constant 16 : index
      %get3A_205 = tpu.vector_load %arg11[%get3A_203, %get3A_204] {strides = array<i32>} : memref<128x128xf32, #tpu.memory_space<vmem>>, vector<16xf32>,
      %mul3A_206 = arith.constant 2 : i32
      %mul3A_207 = arith.muli %mul3A_206, %scan3A_178 : i32
      %add3A_208 = arith.constant 0 : i32
      %add3A_209 = arith.addi %mul3A_207, %add3A_208 : i32
      %get3A_210 = arith.index_cast %add3A_209 : i32 to index
      %get3A_211 = arith.constant 16 : index
      %get3A_212 = tpu.vector_load %arg12[%get3A_210, %get3A_211] {strides = array<i32>} : memref<128x128xf32, #tpu.memory_space<vmem>>, vector<16xf32>,
      %add3A_213 = arith.addf %get3A_205, %get3A_212 : vector<16xf32>
      %mul3A_214 = arith.constant 2 : i32
      %mul3A_215 = arith.muli %mul3A_214, %scan3A_178 : i32
      %add3A_216 = arith.constant 0 : i32
      %add3A_217 = arith.addi %mul3A_215, %add3A_216 : i32
      %swap3A_218 = arith.index_cast %add3A_217 : i32 to index
      %swap3A_219 = arith.constant 16 : index
      %swap3A_220 = tpu.vector_load %arg11[%swap3A_218, %swap3A_219] {strides = array<i32>} : memref<128x128xf32, #tpu.memory_space<vmem>>, vector<16xf32>,
      tpu.vector_store %arg11[%swap3A_218, %swap3A_219], %add3A_213 {strides = array<i32>} : memref<128x128xf32, #tpu.memory_space<vmem>>, vector<16xf32>,
      %mul3A_221 = arith.constant 2 : i32
      %mul3A_222 = arith.muli %mul3A_221, %scan3A_178 : i32
      %add3A_223 = arith.constant 0 : i32
      %add3A_224 = arith.addi %mul3A_222, %add3A_223 : i32
      %get3A_225 = arith.index_cast %add3A_224 : i32 to index
      %get3A_226 = arith.constant 32 : index
      %get3A_227 = tpu.vector_load %arg11[%get3A_225, %get3A_226] {strides = array<i32>} : memref<128x128xf32, #tpu.memory_space<vmem>>, vector<16xf32>,
      %mul3A_228 = arith.constant 2 : i32
      %mul3A_229 = arith.muli %mul3A_228, %scan3A_178 : i32
      %add3A_230 = arith.constant 0 : i32
      %add3A_231 = arith.addi %mul3A_229, %add3A_230 : i32
      %get3A_232 = arith.index_cast %add3A_231 : i32 to index
      %get3A_233 = arith.constant 32 : index
      %get3A_234 = tpu.vector_load %arg12[%get3A_232, %get3A_233] {strides = array<i32>} : memref<128x128xf32, #tpu.memory_space<vmem>>, vector<16xf32>,
      %add3A_235 = arith.addf %get3A_227, %get3A_234 : vector<16xf32>
      %mul3A_236 = arith.constant 2 : i32
      %mul3A_237 = arith.muli %mul3A_236, %scan3A_178 : i32
      %add3A_238 = arith.constant 0 : i32
      %add3A_239 = arith.addi %mul3A_237, %add3A_238 : i32
      %swap3A_240 = arith.index_cast %add3A_239 : i32 to index
      %swap3A_241 = arith.constant 32 : index
      %swap3A_242 = tpu.vector_load %arg11[%swap3A_240, %swap3A_241] {strides = array<i32>} : memref<128x128xf32, #tpu.memory_space<vmem>>, vector<16xf32>,
      tpu.vector_store %arg11[%swap3A_240, %swap3A_241], %add3A_235 {strides = array<i32>} : memref<128x128xf32, #tpu.memory_space<vmem>>, vector<16xf32>,
      %mul3A_243 = arith.constant 2 : i32
      %mul3A_244 = arith.muli %mul3A_243, %scan3A_178 : i32
      %add3A_245 = arith.constant 0 : i32
      %add3A_246 = arith.addi %mul3A_244, %add3A_245 : i32
      %get3A_247 = arith.index_cast %add3A_246 : i32 to index
      %get3A_248 = arith.constant 48 : index
      %get3A_249 = tpu.vector_load %arg11[%get3A_247, %get3A_248] {strides = array<i32>} : memref<128x128xf32, #tpu.memory_space<vmem>>, vector<16xf32>,
      %mul3A_250 = arith.constant 2 : i32
      %mul3A_251 = arith.muli %mul3A_250, %scan3A_178 : i32
      %add3A_252 = arith.constant 0 : i32
      %add3A_253 = arith.addi %mul3A_251, %add3A_252 : i32
      %get3A_254 = arith.index_cast %add3A_253 : i32 to index
      %get3A_255 = arith.constant 48 : index
      %get3A_256 = tpu.vector_load %arg12[%get3A_254, %get3A_255] {strides = array<i32>} : memref<128x128xf32, #tpu.memory_space<vmem>>, vector<16xf32>,
      %add3A_257 = arith.addf %get3A_249, %get3A_256 : vector<16xf32>
      %mul3A_258 = arith.constant 2 : i32
      %mul3A_259 = arith.muli %mul3A_258, %scan3A_178 : i32
      %add3A_260 = arith.constant 0 : i32
      %add3A_261 = arith.addi %mul3A_259, %add3A_260 : i32
      %swap3A_262 = arith.index_cast %add3A_261 : i32 to index
      %swap3A_263 = arith.constant 48 : index
      %swap3A_264 = tpu.vector_load %arg11[%swap3A_262, %swap3A_263] {strides = array<i32>} : memref<128x128xf32, #tpu.memory_space<vmem>>, vector<16xf32>,
      tpu.vector_store %arg11[%swap3A_262, %swap3A_263], %add3A_257 {strides = array<i32>} : memref<128x128xf32, #tpu.memory_space<vmem>>, vector<16xf32>,
      %mul3A_265 = arith.constant 2 : i32
      %mul3A_266 = arith.muli %mul3A_265, %scan3A_178 : i32
      %add3A_267 = arith.constant 0 : i32
      %add3A_268 = arith.addi %mul3A_266, %add3A_267 : i32
      %get3A_269 = arith.index_cast %add3A_268 : i32 to index
      %get3A_270 = arith.constant 64 : index
      %get3A_271 = tpu.vector_load %arg11[%get3A_269, %get3A_270] {strides = array<i32>} : memref<128x128xf32, #tpu.memory_space<vmem>>, vector<16xf32>,
      %mul3A_272 = arith.constant 2 : i32
      %mul3A_273 = arith.muli %mul3A_272, %scan3A_178 : i32
      %add3A_274 = arith.constant 0 : i32
      %add3A_275 = arith.addi %mul3A_273, %add3A_274 : i32
      %get3A_276 = arith.index_cast %add3A_275 : i32 to index
      %get3A_277 = arith.constant 64 : index
      %get3A_278 = tpu.vector_load %arg12[%get3A_276, %get3A_277] {strides = array<i32>} : memref<128x128xf32, #tpu.memory_space<vmem>>, vector<16xf32>,
      %add3A_279 = arith.addf %get3A_271, %get3A_278 : vector<16xf32>
      %mul3A_280 = arith.constant 2 : i32
      %mul3A_281 = arith.muli %mul3A_280, %scan3A_178 : i32
      %add3A_282 = arith.constant 0 : i32
      %add3A_283 = arith.addi %mul3A_281, %add3A_282 : i32
      %swap3A_284 = arith.index_cast %add3A_283 : i32 to index
      %swap3A_285 = arith.constant 64 : index
      %swap3A_286 = tpu.vector_load %arg11[%swap3A_284, %swap3A_285] {strides = array<i32>} : memref<128x128xf32, #tpu.memory_space<vmem>>, vector<16xf32>,
      tpu.vector_store %arg11[%swap3A_284, %swap3A_285], %add3A_279 {strides = array<i32>} : memref<128x128xf32, #tpu.memory_space<vmem>>, vector<16xf32>,
      %mul3A_287 = arith.constant 2 : i32
      %mul3A_288 = arith.muli %mul3A_287, %scan3A_178 : i32
      %add3A_289 = arith.constant 0 : i32
      %add3A_290 = arith.addi %mul3A_288, %add3A_289 : i32
      %get3A_291 = arith.index_cast %add3A_290 : i32 to index
      %get3A_292 = arith.constant 80 : index
      %get3A_293 = tpu.vector_load %arg11[%get3A_291, %get3A_292] {strides = array<i32>} : memref<128x128xf32, #tpu.memory_space<vmem>>, vector<16xf32>,
      %mul3A_294 = arith.constant 2 : i32
      %mul3A_295 = arith.muli %mul3A_294, %scan3A_178 : i32
      %add3A_296 = arith.constant 0 : i32
      %add3A_297 = arith.addi %mul3A_295, %add3A_296 : i32
      %get3A_298 = arith.index_cast %add3A_297 : i32 to index
      %get3A_299 = arith.constant 80 : index
      %get3A_300 = tpu.vector_load %arg12[%get3A_298, %get3A_299] {strides = array<i32>} : memref<128x128xf32, #tpu.memory_space<vmem>>, vector<16xf32>,
      %add3A_301 = arith.addf %get3A_293, %get3A_300 : vector<16xf32>
      %mul3A_302 = arith.constant 2 : i32
      %mul3A_303 = arith.muli %mul3A_302, %scan3A_178 : i32
      %add3A_304 = arith.constant 0 : i32
      %add3A_305 = arith.addi %mul3A_303, %add3A_304 : i32
      %swap3A_306 = arith.index_cast %add3A_305 : i32 to index
      %swap3A_307 = arith.constant 80 : index
      %swap3A_308 = tpu.vector_load %arg11[%swap3A_306, %swap3A_307] {strides = array<i32>} : memref<128x128xf32, #tpu.memory_space<vmem>>, vector<16xf32>,
      tpu.vector_store %arg11[%swap3A_306, %swap3A_307], %add3A_301 {strides = array<i32>} : memref<128x128xf32, #tpu.memory_space<vmem>>, vector<16xf32>,
      %mul3A_309 = arith.constant 2 : i32
      %mul3A_310 = arith.muli %mul3A_309, %scan3A_178 : i32
      %add3A_311 = arith.constant 0 : i32
      %add3A_312 = arith.addi %mul3A_310, %add3A_311 : i32
      %get3A_313 = arith.index_cast %add3A_312 : i32 to index
      %get3A_314 = arith.constant 96 : index
      %get3A_315 = tpu.vector_load %arg11[%get3A_313, %get3A_314] {strides = array<i32>} : memref<128x128xf32, #tpu.memory_space<vmem>>, vector<16xf32>,
      %mul3A_316 = arith.constant 2 : i32
      %mul3A_317 = arith.muli %mul3A_316, %scan3A_178 : i32
      %add3A_318 = arith.constant 0 : i32
      %add3A_319 = arith.addi %mul3A_317, %add3A_318 : i32
      %get3A_320 = arith.index_cast %add3A_319 : i32 to index
      %get3A_321 = arith.constant 96 : index
      %get3A_322 = tpu.vector_load %arg12[%get3A_320, %get3A_321] {strides = array<i32>} : memref<128x128xf32, #tpu.memory_space<vmem>>, vector<16xf32>,
      %add3A_323 = arith.addf %get3A_315, %get3A_322 : vector<16xf32>
      %mul3A_324 = arith.constant 2 : i32
      %mul3A_325 = arith.muli %mul3A_324, %scan3A_178 : i32
      %add3A_326 = arith.constant 0 : i32
      %add3A_327 = arith.addi %mul3A_325, %add3A_326 : i32
      %swap3A_328 = arith.index_cast %add3A_327 : i32 to index
      %swap3A_329 = arith.constant 96 : index
      %swap3A_330 = tpu.vector_load %arg11[%swap3A_328, %swap3A_329] {strides = array<i32>} : memref<128x128xf32, #tpu.memory_space<vmem>>, vector<16xf32>,
      tpu.vector_store %arg11[%swap3A_328, %swap3A_329], %add3A_323 {strides = array<i32>} : memref<128x128xf32, #tpu.memory_space<vmem>>, vector<16xf32>,
      %mul3A_331 = arith.constant 2 : i32
      %mul3A_332 = arith.muli %mul3A_331, %scan3A_178 : i32
      %add3A_333 = arith.constant 0 : i32
      %add3A_334 = arith.addi %mul3A_332, %add3A_333 : i32
      %get3A_335 = arith.index_cast %add3A_334 : i32 to index
      %get3A_336 = arith.constant 112 : index
      %get3A_337 = tpu.vector_load %arg11[%get3A_335, %get3A_336] {strides = array<i32>} : memref<128x128xf32, #tpu.memory_space<vmem>>, vector<16xf32>,
      %mul3A_338 = arith.constant 2 : i32
      %mul3A_339 = arith.muli %mul3A_338, %scan3A_178 : i32
      %add3A_340 = arith.constant 0 : i32
      %add3A_341 = arith.addi %mul3A_339, %add3A_340 : i32
      %get3A_342 = arith.index_cast %add3A_341 : i32 to index
      %get3A_343 = arith.constant 112 : index
      %get3A_344 = tpu.vector_load %arg12[%get3A_342, %get3A_343] {strides = array<i32>} : memref<128x128xf32, #tpu.memory_space<vmem>>, vector<16xf32>,
      %add3A_345 = arith.addf %get3A_337, %get3A_344 : vector<16xf32>
      %mul3A_346 = arith.constant 2 : i32
      %mul3A_347 = arith.muli %mul3A_346, %scan3A_178 : i32
      %add3A_348 = arith.constant 0 : i32
      %add3A_349 = arith.addi %mul3A_347, %add3A_348 : i32
      %swap3A_350 = arith.index_cast %add3A_349 : i32 to index
      %swap3A_351 = arith.constant 112 : index
      %swap3A_352 = tpu.vector_load %arg11[%swap3A_350, %swap3A_351] {strides = array<i32>} : memref<128x128xf32, #tpu.memory_space<vmem>>, vector<16xf32>,
      tpu.vector_store %arg11[%swap3A_350, %swap3A_351], %add3A_345 {strides = array<i32>} : memref<128x128xf32, #tpu.memory_space<vmem>>, vector<16xf32>,
      %mul3A_353 = arith.constant 2 : i32
      %mul3A_354 = arith.muli %mul3A_353, %scan3A_178 : i32
      %add3A_355 = arith.constant 1 : i32
      %add3A_356 = arith.addi %mul3A_354, %add3A_355 : i32
      %get3A_357 = arith.index_cast %add3A_356 : i32 to index
      %get3A_358 = arith.constant 0 : index
      %get3A_359 = tpu.vector_load %arg11[%get3A_357, %get3A_358] {strides = array<i32>} : memref<128x128xf32, #tpu.memory_space<vmem>>, vector<16xf32>,
      %mul3A_360 = arith.constant 2 : i32
      %mul3A_361 = arith.muli %mul3A_360, %scan3A_178 : i32
      %add3A_362 = arith.constant 1 : i32
      %add3A_363 = arith.addi %mul3A_361, %add3A_362 : i32
      %get3A_364 = arith.index_cast %add3A_363 : i32 to index
      %get3A_365 = arith.constant 0 : index
      %get3A_366 = tpu.vector_load %arg12[%get3A_364, %get3A_365] {strides = array<i32>} : memref<128x128xf32, #tpu.memory_space<vmem>>, vector<16xf32>,
      %add3A_367 = arith.addf %get3A_359, %get3A_366 : vector<16xf32>
      %mul3A_368 = arith.constant 2 : i32
      %mul3A_369 = arith.muli %mul3A_368, %scan3A_178 : i32
      %add3A_370 = arith.constant 1 : i32
      %add3A_371 = arith.addi %mul3A_369, %add3A_370 : i32
      %swap3A_372 = arith.index_cast %add3A_371 : i32 to index
      %swap3A_373 = arith.constant 0 : index
      %swap3A_374 = tpu.vector_load %arg11[%swap3A_372, %swap3A_373] {strides = array<i32>} : memref<128x128xf32, #tpu.memory_space<vmem>>, vector<16xf32>,
      tpu.vector_store %arg11[%swap3A_372, %swap3A_373], %add3A_367 {strides = array<i32>} : memref<128x128xf32, #tpu.memory_space<vmem>>, vector<16xf32>,
      %mul3A_375 = arith.constant 2 : i32
      %mul3A_376 = arith.muli %mul3A_375, %scan3A_178 : i32
      %add3A_377 = arith.constant 1 : i32
      %add3A_378 = arith.addi %mul3A_376, %add3A_377 : i32
      %get3A_379 = arith.index_cast %add3A_378 : i32 to index
      %get3A_380 = arith.constant 16 : index
      %get3A_381 = tpu.vector_load %arg11[%get3A_379, %get3A_380] {strides = array<i32>} : memref<128x128xf32, #tpu.memory_space<vmem>>, vector<16xf32>,
      %mul3A_382 = arith.constant 2 : i32
      %mul3A_383 = arith.muli %mul3A_382, %scan3A_178 : i32
      %add3A_384 = arith.constant 1 : i32
      %add3A_385 = arith.addi %mul3A_383, %add3A_384 : i32
      %get3A_386 = arith.index_cast %add3A_385 : i32 to index
      %get3A_387 = arith.constant 16 : index
      %get3A_388 = tpu.vector_load %arg12[%get3A_386, %get3A_387] {strides = array<i32>} : memref<128x128xf32, #tpu.memory_space<vmem>>, vector<16xf32>,
      %add3A_389 = arith.addf %get3A_381, %get3A_388 : vector<16xf32>
      %mul3A_390 = arith.constant 2 : i32
      %mul3A_391 = arith.muli %mul3A_390, %scan3A_178 : i32
      %add3A_392 = arith.constant 1 : i32
      %add3A_393 = arith.addi %mul3A_391, %add3A_392 : i32
      %swap3A_394 = arith.index_cast %add3A_393 : i32 to index
      %swap3A_395 = arith.constant 16 : index
      %swap3A_396 = tpu.vector_load %arg11[%swap3A_394, %swap3A_395] {strides = array<i32>} : memref<128x128xf32, #tpu.memory_space<vmem>>, vector<16xf32>,
      tpu.vector_store %arg11[%swap3A_394, %swap3A_395], %add3A_389 {strides = array<i32>} : memref<128x128xf32, #tpu.memory_space<vmem>>, vector<16xf32>,
      %mul3A_397 = arith.constant 2 : i32
      %mul3A_398 = arith.muli %mul3A_397, %scan3A_178 : i32
      %add3A_399 = arith.constant 1 : i32
      %add3A_400 = arith.addi %mul3A_398, %add3A_399 : i32
      %get3A_401 = arith.index_cast %add3A_400 : i32 to index
      %get3A_402 = arith.constant 32 : index
      %get3A_403 = tpu.vector_load %arg11[%get3A_401, %get3A_402] {strides = array<i32>} : memref<128x128xf32, #tpu.memory_space<vmem>>, vector<16xf32>,
      %mul3A_404 = arith.constant 2 : i32
      %mul3A_405 = arith.muli %mul3A_404, %scan3A_178 : i32
      %add3A_406 = arith.constant 1 : i32
      %add3A_407 = arith.addi %mul3A_405, %add3A_406 : i32
      %get3A_408 = arith.index_cast %add3A_407 : i32 to index
      %get3A_409 = arith.constant 32 : index
      %get3A_410 = tpu.vector_load %arg12[%get3A_408, %get3A_409] {strides = array<i32>} : memref<128x128xf32, #tpu.memory_space<vmem>>, vector<16xf32>,
      %add3A_411 = arith.addf %get3A_403, %get3A_410 : vector<16xf32>
      %mul3A_412 = arith.constant 2 : i32
      %mul3A_413 = arith.muli %mul3A_412, %scan3A_178 : i32
      %add3A_414 = arith.constant 1 : i32
      %add3A_415 = arith.addi %mul3A_413, %add3A_414 : i32
      %swap3A_416 = arith.index_cast %add3A_415 : i32 to index
      %swap3A_417 = arith.constant 32 : index
      %swap3A_418 = tpu.vector_load %arg11[%swap3A_416, %swap3A_417] {strides = array<i32>} : memref<128x128xf32, #tpu.memory_space<vmem>>, vector<16xf32>,
      tpu.vector_store %arg11[%swap3A_416, %swap3A_417], %add3A_411 {strides = array<i32>} : memref<128x128xf32, #tpu.memory_space<vmem>>, vector<16xf32>,
      %mul3A_419 = arith.constant 2 : i32
      %mul3A_420 = arith.muli %mul3A_419, %scan3A_178 : i32
      %add3A_421 = arith.constant 1 : i32
      %add3A_422 = arith.addi %mul3A_420, %add3A_421 : i32
      %get3A_423 = arith.index_cast %add3A_422 : i32 to index
      %get3A_424 = arith.constant 48 : index
      %get3A_425 = tpu.vector_load %arg11[%get3A_423, %get3A_424] {strides = array<i32>} : memref<128x128xf32, #tpu.memory_space<vmem>>, vector<16xf32>,
      %mul3A_426 = arith.constant 2 : i32
      %mul3A_427 = arith.muli %mul3A_426, %scan3A_178 : i32
      %add3A_428 = arith.constant 1 : i32
      %add3A_429 = arith.addi %mul3A_427, %add3A_428 : i32
      %get3A_430 = arith.index_cast %add3A_429 : i32 to index
      %get3A_431 = arith.constant 48 : index
      %get3A_432 = tpu.vector_load %arg12[%get3A_430, %get3A_431] {strides = array<i32>} : memref<128x128xf32, #tpu.memory_space<vmem>>, vector<16xf32>,
      %add3A_433 = arith.addf %get3A_425, %get3A_432 : vector<16xf32>
      %mul3A_434 = arith.constant 2 : i32
      %mul3A_435 = arith.muli %mul3A_434, %scan3A_178 : i32
      %add3A_436 = arith.constant 1 : i32
      %add3A_437 = arith.addi %mul3A_435, %add3A_436 : i32
      %swap3A_438 = arith.index_cast %add3A_437 : i32 to index
      %swap3A_439 = arith.constant 48 : index
      %swap3A_440 = tpu.vector_load %arg11[%swap3A_438, %swap3A_439] {strides = array<i32>} : memref<128x128xf32, #tpu.memory_space<vmem>>, vector<16xf32>,
      tpu.vector_store %arg11[%swap3A_438, %swap3A_439], %add3A_433 {strides = array<i32>} : memref<128x128xf32, #tpu.memory_space<vmem>>, vector<16xf32>,
      %mul3A_441 = arith.constant 2 : i32
      %mul3A_442 = arith.muli %mul3A_441, %scan3A_178 : i32
      %add3A_443 = arith.constant 1 : i32
      %add3A_444 = arith.addi %mul3A_442, %add3A_443 : i32
      %get3A_445 = arith.index_cast %add3A_444 : i32 to index
      %get3A_446 = arith.constant 64 : index
      %get3A_447 = tpu.vector_load %arg11[%get3A_445, %get3A_446] {strides = array<i32>} : memref<128x128xf32, #tpu.memory_space<vmem>>, vector<16xf32>,
      %mul3A_448 = arith.constant 2 : i32
      %mul3A_449 = arith.muli %mul3A_448, %scan3A_178 : i32
      %add3A_450 = arith.constant 1 : i32
      %add3A_451 = arith.addi %mul3A_449, %add3A_450 : i32
      %get3A_452 = arith.index_cast %add3A_451 : i32 to index
      %get3A_453 = arith.constant 64 : index
      %get3A_454 = tpu.vector_load %arg12[%get3A_452, %get3A_453] {strides = array<i32>} : memref<128x128xf32, #tpu.memory_space<vmem>>, vector<16xf32>,
      %add3A_455 = arith.addf %get3A_447, %get3A_454 : vector<16xf32>
      %mul3A_456 = arith.constant 2 : i32
      %mul3A_457 = arith.muli %mul3A_456, %scan3A_178 : i32
      %add3A_458 = arith.constant 1 : i32
      %add3A_459 = arith.addi %mul3A_457, %add3A_458 : i32
      %swap3A_460 = arith.index_cast %add3A_459 : i32 to index
      %swap3A_461 = arith.constant 64 : index
      %swap3A_462 = tpu.vector_load %arg11[%swap3A_460, %swap3A_461] {strides = array<i32>} : memref<128x128xf32, #tpu.memory_space<vmem>>, vector<16xf32>,
      tpu.vector_store %arg11[%swap3A_460, %swap3A_461], %add3A_455 {strides = array<i32>} : memref<128x128xf32, #tpu.memory_space<vmem>>, vector<16xf32>,
      %mul3A_463 = arith.constant 2 : i32
      %mul3A_464 = arith.muli %mul3A_463, %scan3A_178 : i32
      %add3A_465 = arith.constant 1 : i32
      %add3A_466 = arith.addi %mul3A_464, %add3A_465 : i32
      %get3A_467 = arith.index_cast %add3A_466 : i32 to index
      %get3A_468 = arith.constant 80 : index
      %get3A_469 = tpu.vector_load %arg11[%get3A_467, %get3A_468] {strides = array<i32>} : memref<128x128xf32, #tpu.memory_space<vmem>>, vector<16xf32>,
      %mul3A_470 = arith.constant 2 : i32
      %mul3A_471 = arith.muli %mul3A_470, %scan3A_178 : i32
      %add3A_472 = arith.constant 1 : i32
      %add3A_473 = arith.addi %mul3A_471, %add3A_472 : i32
      %get3A_474 = arith.index_cast %add3A_473 : i32 to index
      %get3A_475 = arith.constant 80 : index
      %get3A_476 = tpu.vector_load %arg12[%get3A_474, %get3A_475] {strides = array<i32>} : memref<128x128xf32, #tpu.memory_space<vmem>>, vector<16xf32>,
      %add3A_477 = arith.addf %get3A_469, %get3A_476 : vector<16xf32>
      %mul3A_478 = arith.constant 2 : i32
      %mul3A_479 = arith.muli %mul3A_478, %scan3A_178 : i32
      %add3A_480 = arith.constant 1 : i32
      %add3A_481 = arith.addi %mul3A_479, %add3A_480 : i32
      %swap3A_482 = arith.index_cast %add3A_481 : i32 to index
      %swap3A_483 = arith.constant 80 : index
      %swap3A_484 = tpu.vector_load %arg11[%swap3A_482, %swap3A_483] {strides = array<i32>} : memref<128x128xf32, #tpu.memory_space<vmem>>, vector<16xf32>,
      tpu.vector_store %arg11[%swap3A_482, %swap3A_483], %add3A_477 {strides = array<i32>} : memref<128x128xf32, #tpu.memory_space<vmem>>, vector<16xf32>,
      %mul3A_485 = arith.constant 2 : i32
      %mul3A_486 = arith.muli %mul3A_485, %scan3A_178 : i32
      %add3A_487 = arith.constant 1 : i32
      %add3A_488 = arith.addi %mul3A_486, %add3A_487 : i32
      %get3A_489 = arith.index_cast %add3A_488 : i32 to index
      %get3A_490 = arith.constant 96 : index
      %get3A_491 = tpu.vector_load %arg11[%get3A_489, %get3A_490] {strides = array<i32>} : memref<128x128xf32, #tpu.memory_space<vmem>>, vector<16xf32>,
      %mul3A_492 = arith.constant 2 : i32
      %mul3A_493 = arith.muli %mul3A_492, %scan3A_178 : i32
      %add3A_494 = arith.constant 1 : i32
      %add3A_495 = arith.addi %mul3A_493, %add3A_494 : i32
      %get3A_496 = arith.index_cast %add3A_495 : i32 to index
      %get3A_497 = arith.constant 96 : index
      %get3A_498 = tpu.vector_load %arg12[%get3A_496, %get3A_497] {strides = array<i32>} : memref<128x128xf32, #tpu.memory_space<vmem>>, vector<16xf32>,
      %add3A_499 = arith.addf %get3A_491, %get3A_498 : vector<16xf32>
      %mul3A_500 = arith.constant 2 : i32
      %mul3A_501 = arith.muli %mul3A_500, %scan3A_178 : i32
      %add3A_502 = arith.constant 1 : i32
      %add3A_503 = arith.addi %mul3A_501, %add3A_502 : i32
      %swap3A_504 = arith.index_cast %add3A_503 : i32 to index
      %swap3A_505 = arith.constant 96 : index
      %swap3A_506 = tpu.vector_load %arg11[%swap3A_504, %swap3A_505] {strides = array<i32>} : memref<128x128xf32, #tpu.memory_space<vmem>>, vector<16xf32>,
      tpu.vector_store %arg11[%swap3A_504, %swap3A_505], %add3A_499 {strides = array<i32>} : memref<128x128xf32, #tpu.memory_space<vmem>>, vector<16xf32>,
      %mul3A_507 = arith.constant 2 : i32
      %mul3A_508 = arith.muli %mul3A_507, %scan3A_178 : i32
      %add3A_509 = arith.constant 1 : i32
      %add3A_510 = arith.addi %mul3A_508, %add3A_509 : i32
      %get3A_511 = arith.index_cast %add3A_510 : i32 to index
      %get3A_512 = arith.constant 112 : index
      %get3A_513 = tpu.vector_load %arg11[%get3A_511, %get3A_512] {strides = array<i32>} : memref<128x128xf32, #tpu.memory_space<vmem>>, vector<16xf32>,
      %mul3A_514 = arith.constant 2 : i32
      %mul3A_515 = arith.muli %mul3A_514, %scan3A_178 : i32
      %add3A_516 = arith.constant 1 : i32
      %add3A_517 = arith.addi %mul3A_515, %add3A_516 : i32
      %get3A_518 = arith.index_cast %add3A_517 : i32 to index
      %get3A_519 = arith.constant 112 : index
      %get3A_520 = tpu.vector_load %arg12[%get3A_518, %get3A_519] {strides = array<i32>} : memref<128x128xf32, #tpu.memory_space<vmem>>, vector<16xf32>,
      %add3A_521 = arith.addf %get3A_513, %get3A_520 : vector<16xf32>
      %mul3A_522 = arith.constant 2 : i32
      %mul3A_523 = arith.muli %mul3A_522, %scan3A_178 : i32
      %add3A_524 = arith.constant 1 : i32
      %add3A_525 = arith.addi %mul3A_523, %add3A_524 : i32
      %swap3A_526 = arith.index_cast %add3A_525 : i32 to index
      %swap3A_527 = arith.constant 112 : index
      %swap3A_528 = tpu.vector_load %arg11[%swap3A_526, %swap3A_527] {strides = array<i32>} : memref<128x128xf32, #tpu.memory_space<vmem>>, vector<16xf32>,
      tpu.vector_store %arg11[%swap3A_526, %swap3A_527], %add3A_521 {strides = array<i32>} : memref<128x128xf32, #tpu.memory_space<vmem>>, vector<16xf32>,
    }
    %scan3A_83 = arith.constant 64 : i32
    %mul3A_84 = arith.constant 5000 : i32
    %mul3A_85 = arith.muli %add3A, %mul3A_84 : i32
    %add3A_86 = arith.constant 128 : i32
    %add3A_87 = arith.addi %mul3A_85, %add3A_86 : i32
    %dma_start3A_88 = arith.constant 0 : i32
    %dma_start3A_89 = tpu.memref_slice %arg6[%add3A_87, %dma_start3A_88] : memref<160000x128xf32, #tpu.memory_space<hbm>> -> memref<128x128xf32, #tpu.memory_space<hbm>>
    %dma_start3A_90 = arith.constant 0 : i32
    %dma_start3A_91 = tpu.memref_slice %arg6[%add3A_87, %dma_start3A_90] : memref<160000x128xf32, #tpu.memory_space<hbm>> -> memref<128x128xf32, #tpu.memory_space<hbm>>
    tpu.enqueue_dma source(%arg11 : memref<128x128xf32, #tpu.memory_space<vmem>>) target(%dma_start3A_91 : memref<128x128xf32, #tpu.memory_space<hbm>>) target_semaphore(%arg19 : memref<!tpu.dma_semaphore, #tpu.memory_space<semaphore_mem>>)
    %dma_wait3A_92 = arith.constant 0 : i32
    %dma_wait3A_93 = arith.constant 0 : i32
    %dma_wait3A_94 = tpu.memref_slice %arg2[%dma_wait3A_92, %dma_wait3A_93] : memref<10240x128xf32, #tpu.memory_space<hbm>> -> memref<128x128xf32, #tpu.memory_space<hbm>>
    %dma_wait3A_95 = arith.constant 0 : i32
    %dma_wait3A_96 = arith.constant 0 : i32
    %dma_wait3A_97 = tpu.memref_slice %arg2[%dma_wait3A_95, %dma_wait3A_96] : memref<10240x128xf32, #tpu.memory_space<hbm>> -> memref<128x128xf32, #tpu.memory_space<hbm>>
    tpu.wait_dma2 semaphore(%arg18 : memref<!tpu.dma_semaphore, #tpu.memory_space<semaphore_mem>>) src(%dma_wait3A_97 : memref<128x128xf32, #tpu.memory_space<hbm>>) dst(%arg9 : memref<128x128xf32, #tpu.memory_space<vmem>>)
    %dma_start3A_98 = arith.constant 3 : i32
    %dma_start3A_99 = arith.constant 0 : i32
    %dma_start3A_100 = tpu.memref_slice %arg7[%dma_start3A_98, %dma_start3A_99] : memref<40x128xi32, #tpu.memory_space<vmem>> -> memref<1x128xi32, #tpu.memory_space<vmem>>
    %dma_start3A_101 = tpu.memref_squeeze %dma_start3A_100 : memref<1x128xi32, #tpu.memory_space<vmem>> -> memref<128xi32, #tpu.memory_space<vmem>>
    %dma_start3A_102 = arith.constant 0 : i32
    %dma_start3A_103 = arith.constant 0 : i32
    %dma_start3A_104 = tpu.memref_slice %arg2[%dma_start3A_102, %dma_start3A_103] : memref<10240x128xf32, #tpu.memory_space<hbm>> -> memref<10240x128xf32, #tpu.memory_space<hbm>>
    tpu.enqueue_indirect_dma source(%dma_start3A_104 : memref<10240x128xf32, #tpu.memory_space<hbm>>) target(%arg9 : memref<128x128xf32, #tpu.memory_space<vmem>>) offsets(%dma_start3A_101 : memref<128xi32, #tpu.memory_space<vmem>>) semaphore(%arg15 : memref<!tpu.dma_semaphore, #tpu.memory_space<semaphore_mem>>)
    %dma_start3A_105 = arith.constant 3 : i32
    %dma_start3A_106 = arith.constant 0 : i32
    %dma_start3A_107 = tpu.memref_slice %arg8[%dma_start3A_105, %dma_start3A_106] : memref<40x128xi32, #tpu.memory_space<vmem>> -> memref<1x128xi32, #tpu.memory_space<vmem>>
    %dma_start3A_108 = tpu.memref_squeeze %dma_start3A_107 : memref<1x128xi32, #tpu.memory_space<vmem>> -> memref<128xi32, #tpu.memory_space<vmem>>
    %dma_start3A_109 = arith.constant 0 : i32
    %dma_start3A_110 = arith.constant 0 : i32
    %dma_start3A_111 = tpu.memref_slice %arg3[%dma_start3A_109, %dma_start3A_110] : memref<10240x128xf32, #tpu.memory_space<hbm>> -> memref<10240x128xf32, #tpu.memory_space<hbm>>
    tpu.enqueue_indirect_dma source(%dma_start3A_111 : memref<10240x128xf32, #tpu.memory_space<hbm>>) target(%arg10 : memref<128x128xf32, #tpu.memory_space<vmem>>) offsets(%dma_start3A_108 : memref<128xi32, #tpu.memory_space<vmem>>) semaphore(%arg15 : memref<!tpu.dma_semaphore, #tpu.memory_space<semaphore_mem>>)
    %scan3A_112 = arith.constant 0 : i32
    %scan3A_113 = arith.constant 1 : i32
    %scan3A_114 = arith.constant 12 : i32
    %scan3A_115 = arith.addi %scan3A_113, %scan3A_114 : i32
    %scan3A_116 = arith.constant 1 : i32
    scf.for %scan3A_178 = %scan3A_113 to %scan3A_115 step %scan3A_116  : i32 {
      %mul3A_179 = arith.constant 3 : i32
      %mul3A_180 = arith.muli %mul3A_179, %scan3A_178 : i32
      %sub3A = arith.constant 1 : i32
      %sub3A_181 = arith.subi %mul3A_180, %sub3A : i32
      %dma_wait3A_182 = arith.constant 0 : i32
      %dma_wait3A_183 = arith.constant 0 : i32
      %dma_wait3A_184 = tpu.memref_slice %arg2[%dma_wait3A_182, %dma_wait3A_183] : memref<10240x128xf32, #tpu.memory_space<hbm>> -> memref<128x128xf32, #tpu.memory_space<hbm>>
      %dma_wait3A_185 = arith.constant 0 : i32
      %dma_wait3A_186 = arith.constant 0 : i32
      %dma_wait3A_187 = tpu.memref_slice %arg2[%dma_wait3A_185, %dma_wait3A_186] : memref<10240x128xf32, #tpu.memory_space<hbm>> -> memref<128x128xf32, #tpu.memory_space<hbm>>
      tpu.wait_dma2 semaphore(%arg17 : memref<!tpu.dma_semaphore, #tpu.memory_space<semaphore_mem>>) src(%dma_wait3A_187 : memref<128x128xf32, #tpu.memory_space<hbm>>) dst(%arg13 : memref<128x128xf32, #tpu.memory_space<vmem>>)
      %dma_wait3A_188 = arith.constant 0 : i32
      %dma_wait3A_189 = arith.constant 0 : i32
      %dma_wait3A_190 = tpu.memref_slice %arg2[%dma_wait3A_188, %dma_wait3A_189] : memref<10240x128xf32, #tpu.memory_space<hbm>> -> memref<128x128xf32, #tpu.memory_space<hbm>>
      %dma_wait3A_191 = arith.constant 0 : i32
      %dma_wait3A_192 = arith.constant 0 : i32
      %dma_wait3A_193 = tpu.memref_slice %arg2[%dma_wait3A_191, %dma_wait3A_192] : memref<10240x128xf32, #tpu.memory_space<hbm>> -> memref<128x128xf32, #tpu.memory_space<hbm>>
      tpu.wait_dma2 semaphore(%arg17 : memref<!tpu.dma_semaphore, #tpu.memory_space<semaphore_mem>>) src(%dma_wait3A_193 : memref<128x128xf32, #tpu.memory_space<hbm>>) dst(%arg14 : memref<128x128xf32, #tpu.memory_space<vmem>>)
      %scan3A_194 = arith.constant 0 : i32
      %scan3A_195 = arith.constant 0 : i32
      %scan3A_196 = arith.constant 64 : i32
      %scan3A_197 = arith.addi %scan3A_195, %scan3A_196 : i32
      %scan3A_198 = arith.constant 1 : i32
      scf.for %scan3A_325 = %scan3A_195 to %scan3A_197 step %scan3A_198  : i32 {
        %mul3A_326 = arith.constant 2 : i32
        %mul3A_327 = arith.muli %mul3A_326, %scan3A_325 : i32
        %add3A_328 = arith.constant 0 : i32
        %add3A_329 = arith.addi %mul3A_327, %add3A_328 : i32
        %get3A = arith.index_cast %add3A_329 : i32 to index
        %get3A_330 = arith.constant 0 : index
        %get3A_331 = tpu.vector_load %arg13[%get3A, %get3A_330] {strides = array<i32>} : memref<128x128xf32, #tpu.memory_space<vmem>>, vector<16xf32>,
        %mul3A_332 = arith.constant 2 : i32
        %mul3A_333 = arith.muli %mul3A_332, %scan3A_325 : i32
        %add3A_334 = arith.constant 0 : i32
        %add3A_335 = arith.addi %mul3A_333, %add3A_334 : i32
        %get3A_336 = arith.index_cast %add3A_335 : i32 to index
        %get3A_337 = arith.constant 0 : index
        %get3A_338 = tpu.vector_load %arg14[%get3A_336, %get3A_337] {strides = array<i32>} : memref<128x128xf32, #tpu.memory_space<vmem>>, vector<16xf32>,
        %add3A_339 = arith.addf %get3A_331, %get3A_338 : vector<16xf32>
        %mul3A_340 = arith.constant 2 : i32
        %mul3A_341 = arith.muli %mul3A_340, %scan3A_325 : i32
        %add3A_342 = arith.constant 0 : i32
        %add3A_343 = arith.addi %mul3A_341, %add3A_342 : i32
        %swap3A = arith.index_cast %add3A_343 : i32 to index
        %swap3A_344 = arith.constant 0 : index
        %swap3A_345 = tpu.vector_load %arg13[%swap3A, %swap3A_344] {strides = array<i32>} : memref<128x128xf32, #tpu.memory_space<vmem>>, vector<16xf32>,
        tpu.vector_store %arg13[%swap3A, %swap3A_344], %add3A_339 {strides = array<i32>} : memref<128x128xf32, #tpu.memory_space<vmem>>, vector<16xf32>,
        %mul3A_346 = arith.constant 2 : i32
        %mul3A_347 = arith.muli %mul3A_346, %scan3A_325 : i32
        %add3A_348 = arith.constant 0 : i32
        %add3A_349 = arith.addi %mul3A_347, %add3A_348 : i32
        %get3A_350 = arith.index_cast %add3A_349 : i32 to index
        %get3A_351 = arith.constant 16 : index
        %get3A_352 = tpu.vector_load %arg13[%get3A_350, %get3A_351] {strides = array<i32>} : memref<128x128xf32, #tpu.memory_space<vmem>>, vector<16xf32>,
        %mul3A_353 = arith.constant 2 : i32
        %mul3A_354 = arith.muli %mul3A_353, %scan3A_325 : i32
        %add3A_355 = arith.constant 0 : i32
        %add3A_356 = arith.addi %mul3A_354, %add3A_355 : i32
        %get3A_357 = arith.index_cast %add3A_356 : i32 to index
        %get3A_358 = arith.constant 16 : index
        %get3A_359 = tpu.vector_load %arg14[%get3A_357, %get3A_358] {strides = array<i32>} : memref<128x128xf32, #tpu.memory_space<vmem>>, vector<16xf32>,
        %add3A_360 = arith.addf %get3A_352, %get3A_359 : vector<16xf32>
        %mul3A_361 = arith.constant 2 : i32
        %mul3A_362 = arith.muli %mul3A_361, %scan3A_325 : i32
        %add3A_363 = arith.constant 0 : i32
        %add3A_364 = arith.addi %mul3A_362, %add3A_363 : i32
        %swap3A_365 = arith.index_cast %add3A_364 : i32 to index
        %swap3A_366 = arith.constant 16 : index
        %swap3A_367 = tpu.vector_load %arg13[%swap3A_365, %swap3A_366] {strides = array<i32>} : memref<128x128xf32, #tpu.memory_space<vmem>>, vector<16xf32>,
        tpu.vector_store %arg13[%swap3A_365, %swap3A_366], %add3A_360 {strides = array<i32>} : memref<128x128xf32, #tpu.memory_space<vmem>>, vector<16xf32>,
        %mul3A_368 = arith.constant 2 : i32
        %mul3A_369 = arith.muli %mul3A_368, %scan3A_325 : i32
        %add3A_370 = arith.constant 0 : i32
        %add3A_371 = arith.addi %mul3A_369, %add3A_370 : i32
        %get3A_372 = arith.index_cast %add3A_371 : i32 to index
        %get3A_373 = arith.constant 32 : index
        %get3A_374 = tpu.vector_load %arg13[%get3A_372, %get3A_373] {strides = array<i32>} : memref<128x128xf32, #tpu.memory_space<vmem>>, vector<16xf32>,
        %mul3A_375 = arith.constant 2 : i32
        %mul3A_376 = arith.muli %mul3A_375, %scan3A_325 : i32
        %add3A_377 = arith.constant 0 : i32
        %add3A_378 = arith.addi %mul3A_376, %add3A_377 : i32
        %get3A_379 = arith.index_cast %add3A_378 : i32 to index
        %get3A_380 = arith.constant 32 : index
        %get3A_381 = tpu.vector_load %arg14[%get3A_379, %get3A_380] {strides = array<i32>} : memref<128x128xf32, #tpu.memory_space<vmem>>, vector<16xf32>,
        %add3A_382 = arith.addf %get3A_374, %get3A_381 : vector<16xf32>
        %mul3A_383 = arith.constant 2 : i32
        %mul3A_384 = arith.muli %mul3A_383, %scan3A_325 : i32
        %add3A_385 = arith.constant 0 : i32
        %add3A_386 = arith.addi %mul3A_384, %add3A_385 : i32
        %swap3A_387 = arith.index_cast %add3A_386 : i32 to index
        %swap3A_388 = arith.constant 32 : index
        %swap3A_389 = tpu.vector_load %arg13[%swap3A_387, %swap3A_388] {strides = array<i32>} : memref<128x128xf32, #tpu.memory_space<vmem>>, vector<16xf32>,
        tpu.vector_store %arg13[%swap3A_387, %swap3A_388], %add3A_382 {strides = array<i32>} : memref<128x128xf32, #tpu.memory_space<vmem>>, vector<16xf32>,
        %mul3A_390 = arith.constant 2 : i32
        %mul3A_391 = arith.muli %mul3A_390, %scan3A_325 : i32
        %add3A_392 = arith.constant 0 : i32
        %add3A_393 = arith.addi %mul3A_391, %add3A_392 : i32
        %get3A_394 = arith.index_cast %add3A_393 : i32 to index
        %get3A_395 = arith.constant 48 : index
        %get3A_396 = tpu.vector_load %arg13[%get3A_394, %get3A_395] {strides = array<i32>} : memref<128x128xf32, #tpu.memory_space<vmem>>, vector<16xf32>,
        %mul3A_397 = arith.constant 2 : i32
        %mul3A_398 = arith.muli %mul3A_397, %scan3A_325 : i32
        %add3A_399 = arith.constant 0 : i32
        %add3A_400 = arith.addi %mul3A_398, %add3A_399 : i32
        %get3A_401 = arith.index_cast %add3A_400 : i32 to index
        %get3A_402 = arith.constant 48 : index
        %get3A_403 = tpu.vector_load %arg14[%get3A_401, %get3A_402] {strides = array<i32>} : memref<128x128xf32, #tpu.memory_space<vmem>>, vector<16xf32>,
        %add3A_404 = arith.addf %get3A_396, %get3A_403 : vector<16xf32>
        %mul3A_405 = arith.constant 2 : i32
        %mul3A_406 = arith.muli %mul3A_405, %scan3A_325 : i32
        %add3A_407 = arith.constant 0 : i32
        %add3A_408 = arith.addi %mul3A_406, %add3A_407 : i32
        %swap3A_409 = arith.index_cast %add3A_408 : i32 to index
        %swap3A_410 = arith.constant 48 : index
        %swap3A_411 = tpu.vector_load %arg13[%swap3A_409, %swap3A_410] {strides = array<i32>} : memref<128x128xf32, #tpu.memory_space<vmem>>, vector<16xf32>,
        tpu.vector_store %arg13[%swap3A_409, %swap3A_410], %add3A_404 {strides = array<i32>} : memref<128x128xf32, #tpu.memory_space<vmem>>, vector<16xf32>,
        %mul3A_412 = arith.constant 2 : i32
        %mul3A_413 = arith.muli %mul3A_412, %scan3A_325 : i32
        %add3A_414 = arith.constant 0 : i32
        %add3A_415 = arith.addi %mul3A_413, %add3A_414 : i32
        %get3A_416 = arith.index_cast %add3A_415 : i32 to index
        %get3A_417 = arith.constant 64 : index
        %get3A_418 = tpu.vector_load %arg13[%get3A_416, %get3A_417] {strides = array<i32>} : memref<128x128xf32, #tpu.memory_space<vmem>>, vector<16xf32>,
        %mul3A_419 = arith.constant 2 : i32
        %mul3A_420 = arith.muli %mul3A_419, %scan3A_325 : i32
        %add3A_421 = arith.constant 0 : i32
        %add3A_422 = arith.addi %mul3A_420, %add3A_421 : i32
        %get3A_423 = arith.index_cast %add3A_422 : i32 to index
        %get3A_424 = arith.constant 64 : index
        %get3A_425 = tpu.vector_load %arg14[%get3A_423, %get3A_424] {strides = array<i32>} : memref<128x128xf32, #tpu.memory_space<vmem>>, vector<16xf32>,
        %add3A_426 = arith.addf %get3A_418, %get3A_425 : vector<16xf32>
        %mul3A_427 = arith.constant 2 : i32
        %mul3A_428 = arith.muli %mul3A_427, %scan3A_325 : i32
        %add3A_429 = arith.constant 0 : i32
        %add3A_430 = arith.addi %mul3A_428, %add3A_429 : i32
        %swap3A_431 = arith.index_cast %add3A_430 : i32 to index
        %swap3A_432 = arith.constant 64 : index
        %swap3A_433 = tpu.vector_load %arg13[%swap3A_431, %swap3A_432] {strides = array<i32>} : memref<128x128xf32, #tpu.memory_space<vmem>>, vector<16xf32>,
        tpu.vector_store %arg13[%swap3A_431, %swap3A_432], %add3A_426 {strides = array<i32>} : memref<128x128xf32, #tpu.memory_space<vmem>>, vector<16xf32>,
        %mul3A_434 = arith.constant 2 : i32
        %mul3A_435 = arith.muli %mul3A_434, %scan3A_325 : i32
        %add3A_436 = arith.constant 0 : i32
        %add3A_437 = arith.addi %mul3A_435, %add3A_436 : i32
        %get3A_438 = arith.index_cast %add3A_437 : i32 to index
        %get3A_439 = arith.constant 80 : index
        %get3A_440 = tpu.vector_load %arg13[%get3A_438, %get3A_439] {strides = array<i32>} : memref<128x128xf32, #tpu.memory_space<vmem>>, vector<16xf32>,
        %mul3A_441 = arith.constant 2 : i32
        %mul3A_442 = arith.muli %mul3A_441, %scan3A_325 : i32
        %add3A_443 = arith.constant 0 : i32
        %add3A_444 = arith.addi %mul3A_442, %add3A_443 : i32
        %get3A_445 = arith.index_cast %add3A_444 : i32 to index
        %get3A_446 = arith.constant 80 : index
        %get3A_447 = tpu.vector_load %arg14[%get3A_445, %get3A_446] {strides = array<i32>} : memref<128x128xf32, #tpu.memory_space<vmem>>, vector<16xf32>,
        %add3A_448 = arith.addf %get3A_440, %get3A_447 : vector<16xf32>
        %mul3A_449 = arith.constant 2 : i32
        %mul3A_450 = arith.muli %mul3A_449, %scan3A_325 : i32
        %add3A_451 = arith.constant 0 : i32
        %add3A_452 = arith.addi %mul3A_450, %add3A_451 : i32
        %swap3A_453 = arith.index_cast %add3A_452 : i32 to index
        %swap3A_454 = arith.constant 80 : index
        %swap3A_455 = tpu.vector_load %arg13[%swap3A_453, %swap3A_454] {strides = array<i32>} : memref<128x128xf32, #tpu.memory_space<vmem>>, vector<16xf32>,
        tpu.vector_store %arg13[%swap3A_453, %swap3A_454], %add3A_448 {strides = array<i32>} : memref<128x128xf32, #tpu.memory_space<vmem>>, vector<16xf32>,
        %mul3A_456 = arith.constant 2 : i32
        %mul3A_457 = arith.muli %mul3A_456, %scan3A_325 : i32
        %add3A_458 = arith.constant 0 : i32
        %add3A_459 = arith.addi %mul3A_457, %add3A_458 : i32
        %get3A_460 = arith.index_cast %add3A_459 : i32 to index
        %get3A_461 = arith.constant 96 : index
        %get3A_462 = tpu.vector_load %arg13[%get3A_460, %get3A_461] {strides = array<i32>} : memref<128x128xf32, #tpu.memory_space<vmem>>, vector<16xf32>,
        %mul3A_463 = arith.constant 2 : i32
        %mul3A_464 = arith.muli %mul3A_463, %scan3A_325 : i32
        %add3A_465 = arith.constant 0 : i32
        %add3A_466 = arith.addi %mul3A_464, %add3A_465 : i32
        %get3A_467 = arith.index_cast %add3A_466 : i32 to index
        %get3A_468 = arith.constant 96 : index
        %get3A_469 = tpu.vector_load %arg14[%get3A_467, %get3A_468] {strides = array<i32>} : memref<128x128xf32, #tpu.memory_space<vmem>>, vector<16xf32>,
        %add3A_470 = arith.addf %get3A_462, %get3A_469 : vector<16xf32>
        %mul3A_471 = arith.constant 2 : i32
        %mul3A_472 = arith.muli %mul3A_471, %scan3A_325 : i32
        %add3A_473 = arith.constant 0 : i32
        %add3A_474 = arith.addi %mul3A_472, %add3A_473 : i32
        %swap3A_475 = arith.index_cast %add3A_474 : i32 to index
        %swap3A_476 = arith.constant 96 : index
        %swap3A_477 = tpu.vector_load %arg13[%swap3A_475, %swap3A_476] {strides = array<i32>} : memref<128x128xf32, #tpu.memory_space<vmem>>, vector<16xf32>,
        tpu.vector_store %arg13[%swap3A_475, %swap3A_476], %add3A_470 {strides = array<i32>} : memref<128x128xf32, #tpu.memory_space<vmem>>, vector<16xf32>,
        %mul3A_478 = arith.constant 2 : i32
        %mul3A_479 = arith.muli %mul3A_478, %scan3A_325 : i32
        %add3A_480 = arith.constant 0 : i32
        %add3A_481 = arith.addi %mul3A_479, %add3A_480 : i32
        %get3A_482 = arith.index_cast %add3A_481 : i32 to index
        %get3A_483 = arith.constant 112 : index
        %get3A_484 = tpu.vector_load %arg13[%get3A_482, %get3A_483] {strides = array<i32>} : memref<128x128xf32, #tpu.memory_space<vmem>>, vector<16xf32>,
        %mul3A_485 = arith.constant 2 : i32
        %mul3A_486 = arith.muli %mul3A_485, %scan3A_325 : i32
        %add3A_487 = arith.constant 0 : i32
        %add3A_488 = arith.addi %mul3A_486, %add3A_487 : i32
        %get3A_489 = arith.index_cast %add3A_488 : i32 to index
        %get3A_490 = arith.constant 112 : index
        %get3A_491 = tpu.vector_load %arg14[%get3A_489, %get3A_490] {strides = array<i32>} : memref<128x128xf32, #tpu.memory_space<vmem>>, vector<16xf32>,
        %add3A_492 = arith.addf %get3A_484, %get3A_491 : vector<16xf32>
        %mul3A_493 = arith.constant 2 : i32
        %mul3A_494 = arith.muli %mul3A_493, %scan3A_325 : i32
        %add3A_495 = arith.constant 0 : i32
        %add3A_496 = arith.addi %mul3A_494, %add3A_495 : i32
        %swap3A_497 = arith.index_cast %add3A_496 : i32 to index
        %swap3A_498 = arith.constant 112 : index
        %swap3A_499 = tpu.vector_load %arg13[%swap3A_497, %swap3A_498] {strides = array<i32>} : memref<128x128xf32, #tpu.memory_space<vmem>>, vector<16xf32>,
        tpu.vector_store %arg13[%swap3A_497, %swap3A_498], %add3A_492 {strides = array<i32>} : memref<128x128xf32, #tpu.memory_space<vmem>>, vector<16xf32>,
        %mul3A_500 = arith.constant 2 : i32
        %mul3A_501 = arith.muli %mul3A_500, %scan3A_325 : i32
        %add3A_502 = arith.constant 1 : i32
        %add3A_503 = arith.addi %mul3A_501, %add3A_502 : i32
        %get3A_504 = arith.index_cast %add3A_503 : i32 to index
        %get3A_505 = arith.constant 0 : index
        %get3A_506 = tpu.vector_load %arg13[%get3A_504, %get3A_505] {strides = array<i32>} : memref<128x128xf32, #tpu.memory_space<vmem>>, vector<16xf32>,
        %mul3A_507 = arith.constant 2 : i32
        %mul3A_508 = arith.muli %mul3A_507, %scan3A_325 : i32
        %add3A_509 = arith.constant 1 : i32
        %add3A_510 = arith.addi %mul3A_508, %add3A_509 : i32
        %get3A_511 = arith.index_cast %add3A_510 : i32 to index
        %get3A_512 = arith.constant 0 : index
        %get3A_513 = tpu.vector_load %arg14[%get3A_511, %get3A_512] {strides = array<i32>} : memref<128x128xf32, #tpu.memory_space<vmem>>, vector<16xf32>,
        %add3A_514 = arith.addf %get3A_506, %get3A_513 : vector<16xf32>
        %mul3A_515 = arith.constant 2 : i32
        %mul3A_516 = arith.muli %mul3A_515, %scan3A_325 : i32
        %add3A_517 = arith.constant 1 : i32
        %add3A_518 = arith.addi %mul3A_516, %add3A_517 : i32
        %swap3A_519 = arith.index_cast %add3A_518 : i32 to index
        %swap3A_520 = arith.constant 0 : index
        %swap3A_521 = tpu.vector_load %arg13[%swap3A_519, %swap3A_520] {strides = array<i32>} : memref<128x128xf32, #tpu.memory_space<vmem>>, vector<16xf32>,
        tpu.vector_store %arg13[%swap3A_519, %swap3A_520], %add3A_514 {strides = array<i32>} : memref<128x128xf32, #tpu.memory_space<vmem>>, vector<16xf32>,
        %mul3A_522 = arith.constant 2 : i32
        %mul3A_523 = arith.muli %mul3A_522, %scan3A_325 : i32
        %add3A_524 = arith.constant 1 : i32
        %add3A_525 = arith.addi %mul3A_523, %add3A_524 : i32
        %get3A_526 = arith.index_cast %add3A_525 : i32 to index
        %get3A_527 = arith.constant 16 : index
        %get3A_528 = tpu.vector_load %arg13[%get3A_526, %get3A_527] {strides = array<i32>} : memref<128x128xf32, #tpu.memory_space<vmem>>, vector<16xf32>,
        %mul3A_529 = arith.constant 2 : i32
        %mul3A_530 = arith.muli %mul3A_529, %scan3A_325 : i32
        %add3A_531 = arith.constant 1 : i32
        %add3A_532 = arith.addi %mul3A_530, %add3A_531 : i32
        %get3A_533 = arith.index_cast %add3A_532 : i32 to index
        %get3A_534 = arith.constant 16 : index
        %get3A_535 = tpu.vector_load %arg14[%get3A_533, %get3A_534] {strides = array<i32>} : memref<128x128xf32, #tpu.memory_space<vmem>>, vector<16xf32>,
        %add3A_536 = arith.addf %get3A_528, %get3A_535 : vector<16xf32>
        %mul3A_537 = arith.constant 2 : i32
        %mul3A_538 = arith.muli %mul3A_537, %scan3A_325 : i32
        %add3A_539 = arith.constant 1 : i32
        %add3A_540 = arith.addi %mul3A_538, %add3A_539 : i32
        %swap3A_541 = arith.index_cast %add3A_540 : i32 to index
        %swap3A_542 = arith.constant 16 : index
        %swap3A_543 = tpu.vector_load %arg13[%swap3A_541, %swap3A_542] {strides = array<i32>} : memref<128x128xf32, #tpu.memory_space<vmem>>, vector<16xf32>,
        tpu.vector_store %arg13[%swap3A_541, %swap3A_542], %add3A_536 {strides = array<i32>} : memref<128x128xf32, #tpu.memory_space<vmem>>, vector<16xf32>,
        %mul3A_544 = arith.constant 2 : i32
        %mul3A_545 = arith.muli %mul3A_544, %scan3A_325 : i32
        %add3A_546 = arith.constant 1 : i32
        %add3A_547 = arith.addi %mul3A_545, %add3A_546 : i32
        %get3A_548 = arith.index_cast %add3A_547 : i32 to index
        %get3A_549 = arith.constant 32 : index
        %get3A_550 = tpu.vector_load %arg13[%get3A_548, %get3A_549] {strides = array<i32>} : memref<128x128xf32, #tpu.memory_space<vmem>>, vector<16xf32>,
        %mul3A_551 = arith.constant 2 : i32
        %mul3A_552 = arith.muli %mul3A_551, %scan3A_325 : i32
        %add3A_553 = arith.constant 1 : i32
        %add3A_554 = arith.addi %mul3A_552, %add3A_553 : i32
        %get3A_555 = arith.index_cast %add3A_554 : i32 to index
        %get3A_556 = arith.constant 32 : index
        %get3A_557 = tpu.vector_load %arg14[%get3A_555, %get3A_556] {strides = array<i32>} : memref<128x128xf32, #tpu.memory_space<vmem>>, vector<16xf32>,
        %add3A_558 = arith.addf %get3A_550, %get3A_557 : vector<16xf32>
        %mul3A_559 = arith.constant 2 : i32
        %mul3A_560 = arith.muli %mul3A_559, %scan3A_325 : i32
        %add3A_561 = arith.constant 1 : i32
        %add3A_562 = arith.addi %mul3A_560, %add3A_561 : i32
        %swap3A_563 = arith.index_cast %add3A_562 : i32 to index
        %swap3A_564 = arith.constant 32 : index
        %swap3A_565 = tpu.vector_load %arg13[%swap3A_563, %swap3A_564] {strides = array<i32>} : memref<128x128xf32, #tpu.memory_space<vmem>>, vector<16xf32>,
        tpu.vector_store %arg13[%swap3A_563, %swap3A_564], %add3A_558 {strides = array<i32>} : memref<128x128xf32, #tpu.memory_space<vmem>>, vector<16xf32>,
        %mul3A_566 = arith.constant 2 : i32
        %mul3A_567 = arith.muli %mul3A_566, %scan3A_325 : i32
        %add3A_568 = arith.constant 1 : i32
        %add3A_569 = arith.addi %mul3A_567, %add3A_568 : i32
        %get3A_570 = arith.index_cast %add3A_569 : i32 to index
        %get3A_571 = arith.constant 48 : index
        %get3A_572 = tpu.vector_load %arg13[%get3A_570, %get3A_571] {strides = array<i32>} : memref<128x128xf32, #tpu.memory_space<vmem>>, vector<16xf32>,
        %mul3A_573 = arith.constant 2 : i32
        %mul3A_574 = arith.muli %mul3A_573, %scan3A_325 : i32
        %add3A_575 = arith.constant 1 : i32
        %add3A_576 = arith.addi %mul3A_574, %add3A_575 : i32
        %get3A_577 = arith.index_cast %add3A_576 : i32 to index
        %get3A_578 = arith.constant 48 : index
        %get3A_579 = tpu.vector_load %arg14[%get3A_577, %get3A_578] {strides = array<i32>} : memref<128x128xf32, #tpu.memory_space<vmem>>, vector<16xf32>,
        %add3A_580 = arith.addf %get3A_572, %get3A_579 : vector<16xf32>
        %mul3A_581 = arith.constant 2 : i32
        %mul3A_582 = arith.muli %mul3A_581, %scan3A_325 : i32
        %add3A_583 = arith.constant 1 : i32
        %add3A_584 = arith.addi %mul3A_582, %add3A_583 : i32
        %swap3A_585 = arith.index_cast %add3A_584 : i32 to index
        %swap3A_586 = arith.constant 48 : index
        %swap3A_587 = tpu.vector_load %arg13[%swap3A_585, %swap3A_586] {strides = array<i32>} : memref<128x128xf32, #tpu.memory_space<vmem>>, vector<16xf32>,
        tpu.vector_store %arg13[%swap3A_585, %swap3A_586], %add3A_580 {strides = array<i32>} : memref<128x128xf32, #tpu.memory_space<vmem>>, vector<16xf32>,
        %mul3A_588 = arith.constant 2 : i32
        %mul3A_589 = arith.muli %mul3A_588, %scan3A_325 : i32
        %add3A_590 = arith.constant 1 : i32
        %add3A_591 = arith.addi %mul3A_589, %add3A_590 : i32
        %get3A_592 = arith.index_cast %add3A_591 : i32 to index
        %get3A_593 = arith.constant 64 : index
        %get3A_594 = tpu.vector_load %arg13[%get3A_592, %get3A_593] {strides = array<i32>} : memref<128x128xf32, #tpu.memory_space<vmem>>, vector<16xf32>,
        %mul3A_595 = arith.constant 2 : i32
        %mul3A_596 = arith.muli %mul3A_595, %scan3A_325 : i32
        %add3A_597 = arith.constant 1 : i32
        %add3A_598 = arith.addi %mul3A_596, %add3A_597 : i32
        %get3A_599 = arith.index_cast %add3A_598 : i32 to index
        %get3A_600 = arith.constant 64 : index
        %get3A_601 = tpu.vector_load %arg14[%get3A_599, %get3A_600] {strides = array<i32>} : memref<128x128xf32, #tpu.memory_space<vmem>>, vector<16xf32>,
        %add3A_602 = arith.addf %get3A_594, %get3A_601 : vector<16xf32>
        %mul3A_603 = arith.constant 2 : i32
        %mul3A_604 = arith.muli %mul3A_603, %scan3A_325 : i32
        %add3A_605 = arith.constant 1 : i32
        %add3A_606 = arith.addi %mul3A_604, %add3A_605 : i32
        %swap3A_607 = arith.index_cast %add3A_606 : i32 to index
        %swap3A_608 = arith.constant 64 : index
        %swap3A_609 = tpu.vector_load %arg13[%swap3A_607, %swap3A_608] {strides = array<i32>} : memref<128x128xf32, #tpu.memory_space<vmem>>, vector<16xf32>,
        tpu.vector_store %arg13[%swap3A_607, %swap3A_608], %add3A_602 {strides = array<i32>} : memref<128x128xf32, #tpu.memory_space<vmem>>, vector<16xf32>,
        %mul3A_610 = arith.constant 2 : i32
        %mul3A_611 = arith.muli %mul3A_610, %scan3A_325 : i32
        %add3A_612 = arith.constant 1 : i32
        %add3A_613 = arith.addi %mul3A_611, %add3A_612 : i32
        %get3A_614 = arith.index_cast %add3A_613 : i32 to index
        %get3A_615 = arith.constant 80 : index
        %get3A_616 = tpu.vector_load %arg13[%get3A_614, %get3A_615] {strides = array<i32>} : memref<128x128xf32, #tpu.memory_space<vmem>>, vector<16xf32>,
        %mul3A_617 = arith.constant 2 : i32
        %mul3A_618 = arith.muli %mul3A_617, %scan3A_325 : i32
        %add3A_619 = arith.constant 1 : i32
        %add3A_620 = arith.addi %mul3A_618, %add3A_619 : i32
        %get3A_621 = arith.index_cast %add3A_620 : i32 to index
        %get3A_622 = arith.constant 80 : index
        %get3A_623 = tpu.vector_load %arg14[%get3A_621, %get3A_622] {strides = array<i32>} : memref<128x128xf32, #tpu.memory_space<vmem>>, vector<16xf32>,
        %add3A_624 = arith.addf %get3A_616, %get3A_623 : vector<16xf32>
        %mul3A_625 = arith.constant 2 : i32
        %mul3A_626 = arith.muli %mul3A_625, %scan3A_325 : i32
        %add3A_627 = arith.constant 1 : i32
        %add3A_628 = arith.addi %mul3A_626, %add3A_627 : i32
        %swap3A_629 = arith.index_cast %add3A_628 : i32 to index
        %swap3A_630 = arith.constant 80 : index
        %swap3A_631 = tpu.vector_load %arg13[%swap3A_629, %swap3A_630] {strides = array<i32>} : memref<128x128xf32, #tpu.memory_space<vmem>>, vector<16xf32>,
        tpu.vector_store %arg13[%swap3A_629, %swap3A_630], %add3A_624 {strides = array<i32>} : memref<128x128xf32, #tpu.memory_space<vmem>>, vector<16xf32>,
        %mul3A_632 = arith.constant 2 : i32
        %mul3A_633 = arith.muli %mul3A_632, %scan3A_325 : i32
        %add3A_634 = arith.constant 1 : i32
        %add3A_635 = arith.addi %mul3A_633, %add3A_634 : i32
        %get3A_636 = arith.index_cast %add3A_635 : i32 to index
        %get3A_637 = arith.constant 96 : index
        %get3A_638 = tpu.vector_load %arg13[%get3A_636, %get3A_637] {strides = array<i32>} : memref<128x128xf32, #tpu.memory_space<vmem>>, vector<16xf32>,
        %mul3A_639 = arith.constant 2 : i32
        %mul3A_640 = arith.muli %mul3A_639, %scan3A_325 : i32
        %add3A_641 = arith.constant 1 : i32
        %add3A_642 = arith.addi %mul3A_640, %add3A_641 : i32
        %get3A_643 = arith.index_cast %add3A_642 : i32 to index
        %get3A_644 = arith.constant 96 : index
        %get3A_645 = tpu.vector_load %arg14[%get3A_643, %get3A_644] {strides = array<i32>} : memref<128x128xf32, #tpu.memory_space<vmem>>, vector<16xf32>,
        %add3A_646 = arith.addf %get3A_638, %get3A_645 : vector<16xf32>
        %mul3A_647 = arith.constant 2 : i32
        %mul3A_648 = arith.muli %mul3A_647, %scan3A_325 : i32
        %add3A_649 = arith.constant 1 : i32
        %add3A_650 = arith.addi %mul3A_648, %add3A_649 : i32
        %swap3A_651 = arith.index_cast %add3A_650 : i32 to index
        %swap3A_652 = arith.constant 96 : index
        %swap3A_653 = tpu.vector_load %arg13[%swap3A_651, %swap3A_652] {strides = array<i32>} : memref<128x128xf32, #tpu.memory_space<vmem>>, vector<16xf32>,
        tpu.vector_store %arg13[%swap3A_651, %swap3A_652], %add3A_646 {strides = array<i32>} : memref<128x128xf32, #tpu.memory_space<vmem>>, vector<16xf32>,
        %mul3A_654 = arith.constant 2 : i32
        %mul3A_655 = arith.muli %mul3A_654, %scan3A_325 : i32
        %add3A_656 = arith.constant 1 : i32
        %add3A_657 = arith.addi %mul3A_655, %add3A_656 : i32
        %get3A_658 = arith.index_cast %add3A_657 : i32 to index
        %get3A_659 = arith.constant 112 : index
        %get3A_660 = tpu.vector_load %arg13[%get3A_658, %get3A_659] {strides = array<i32>} : memref<128x128xf32, #tpu.memory_space<vmem>>, vector<16xf32>,
        %mul3A_661 = arith.constant 2 : i32
        %mul3A_662 = arith.muli %mul3A_661, %scan3A_325 : i32
        %add3A_663 = arith.constant 1 : i32
        %add3A_664 = arith.addi %mul3A_662, %add3A_663 : i32
        %get3A_665 = arith.index_cast %add3A_664 : i32 to index
        %get3A_666 = arith.constant 112 : index
        %get3A_667 = tpu.vector_load %arg14[%get3A_665, %get3A_666] {strides = array<i32>} : memref<128x128xf32, #tpu.memory_space<vmem>>, vector<16xf32>,
        %add3A_668 = arith.addf %get3A_660, %get3A_667 : vector<16xf32>
        %mul3A_669 = arith.constant 2 : i32
        %mul3A_670 = arith.muli %mul3A_669, %scan3A_325 : i32
        %add3A_671 = arith.constant 1 : i32
        %add3A_672 = arith.addi %mul3A_670, %add3A_671 : i32
        %swap3A_673 = arith.index_cast %add3A_672 : i32 to index
        %swap3A_674 = arith.constant 112 : index
        %swap3A_675 = tpu.vector_load %arg13[%swap3A_673, %swap3A_674] {strides = array<i32>} : memref<128x128xf32, #tpu.memory_space<vmem>>, vector<16xf32>,
        tpu.vector_store %arg13[%swap3A_673, %swap3A_674], %add3A_668 {strides = array<i32>} : memref<128x128xf32, #tpu.memory_space<vmem>>, vector<16xf32>,
      }
      %scan3A_199 = arith.constant 64 : i32
      %mul3A_200 = arith.constant 5000 : i32
      %mul3A_201 = arith.muli %add3A, %mul3A_200 : i32
      %mul3A_202 = arith.constant 128 : i32
      %mul3A_203 = arith.muli %sub3A_181, %mul3A_202 : i32
      %add3A_204 = arith.addi %mul3A_201, %mul3A_203 : i32
      %dma_start3A_205 = arith.constant 0 : i32
      %dma_start3A_206 = tpu.memref_slice %arg6[%add3A_204, %dma_start3A_205] : memref<160000x128xf32, #tpu.memory_space<hbm>> -> memref<128x128xf32, #tpu.memory_space<hbm>>
      %dma_start3A_207 = arith.constant 0 : i32
      %dma_start3A_208 = tpu.memref_slice %arg6[%add3A_204, %dma_start3A_207] : memref<160000x128xf32, #tpu.memory_space<hbm>> -> memref<128x128xf32, #tpu.memory_space<hbm>>
      tpu.enqueue_dma source(%arg13 : memref<128x128xf32, #tpu.memory_space<vmem>>) target(%dma_start3A_208 : memref<128x128xf32, #tpu.memory_space<hbm>>) target_semaphore(%arg20 : memref<!tpu.dma_semaphore, #tpu.memory_space<semaphore_mem>>)
      %dma_wait3A_209 = arith.constant 0 : i32
      %dma_wait3A_210 = arith.constant 0 : i32
      %dma_wait3A_211 = tpu.memref_slice %arg2[%dma_wait3A_209, %dma_wait3A_210] : memref<10240x128xf32, #tpu.memory_space<hbm>> -> memref<128x128xf32, #tpu.memory_space<hbm>>
      %dma_wait3A_212 = arith.constant 0 : i32
      %dma_wait3A_213 = arith.constant 0 : i32
      %dma_wait3A_214 = tpu.memref_slice %arg2[%dma_wait3A_212, %dma_wait3A_213] : memref<10240x128xf32, #tpu.memory_space<hbm>> -> memref<128x128xf32, #tpu.memory_space<hbm>>
      tpu.wait_dma2 semaphore(%arg19 : memref<!tpu.dma_semaphore, #tpu.memory_space<semaphore_mem>>) src(%dma_wait3A_214 : memref<128x128xf32, #tpu.memory_space<hbm>>) dst(%arg11 : memref<128x128xf32, #tpu.memory_space<vmem>>)
      %add3A_215 = arith.constant 1 : i32
      %add3A_216 = arith.addi %mul3A_180, %add3A_215 : i32
      %dma_start3A_217 = arith.constant 0 : i32
      %dma_start3A_218 = tpu.memref_slice %arg7[%add3A_216, %dma_start3A_217] : memref<40x128xi32, #tpu.memory_space<vmem>> -> memref<1x128xi32, #tpu.memory_space<vmem>>
      %dma_start3A_219 = tpu.memref_squeeze %dma_start3A_218 : memref<1x128xi32, #tpu.memory_space<vmem>> -> memref<128xi32, #tpu.memory_space<vmem>>
      %dma_start3A_220 = arith.constant 0 : i32
      %dma_start3A_221 = arith.constant 0 : i32
      %dma_start3A_222 = tpu.memref_slice %arg2[%dma_start3A_220, %dma_start3A_221] : memref<10240x128xf32, #tpu.memory_space<hbm>> -> memref<10240x128xf32, #tpu.memory_space<hbm>>
      tpu.enqueue_indirect_dma source(%dma_start3A_222 : memref<10240x128xf32, #tpu.memory_space<hbm>>) target(%arg11 : memref<128x128xf32, #tpu.memory_space<vmem>>) offsets(%dma_start3A_219 : memref<128xi32, #tpu.memory_space<vmem>>) semaphore(%arg16 : memref<!tpu.dma_semaphore, #tpu.memory_space<semaphore_mem>>)
      %dma_start3A_223 = arith.constant 0 : i32
      %dma_start3A_224 = tpu.memref_slice %arg8[%add3A_216, %dma_start3A_223] : memref<40x128xi32, #tpu.memory_space<vmem>> -> memref<1x128xi32, #tpu.memory_space<vmem>>
      %dma_start3A_225 = tpu.memref_squeeze %dma_start3A_224 : memref<1x128xi32, #tpu.memory_space<vmem>> -> memref<128xi32, #tpu.memory_space<vmem>>
      %dma_start3A_226 = arith.constant 0 : i32
      %dma_start3A_227 = arith.constant 0 : i32
      %dma_start3A_228 = tpu.memref_slice %arg3[%dma_start3A_226, %dma_start3A_227] : memref<10240x128xf32, #tpu.memory_space<hbm>> -> memref<10240x128xf32, #tpu.memory_space<hbm>>
      tpu.enqueue_indirect_dma source(%dma_start3A_228 : memref<10240x128xf32, #tpu.memory_space<hbm>>) target(%arg12 : memref<128x128xf32, #tpu.memory_space<vmem>>) offsets(%dma_start3A_225 : memref<128xi32, #tpu.memory_space<vmem>>) semaphore(%arg16 : memref<!tpu.dma_semaphore, #tpu.memory_space<semaphore_mem>>)
      %dma_wait3A_229 = arith.constant 0 : i32
      %dma_wait3A_230 = arith.constant 0 : i32
      %dma_wait3A_231 = tpu.memref_slice %arg2[%dma_wait3A_229, %dma_wait3A_230] : memref<10240x128xf32, #tpu.memory_space<hbm>> -> memref<128x128xf32, #tpu.memory_space<hbm>>
      %dma_wait3A_232 = arith.constant 0 : i32
      %dma_wait3A_233 = arith.constant 0 : i32
      %dma_wait3A_234 = tpu.memref_slice %arg2[%dma_wait3A_232, %dma_wait3A_233] : memref<10240x128xf32, #tpu.memory_space<hbm>> -> memref<128x128xf32, #tpu.memory_space<hbm>>
      tpu.wait_dma2 semaphore(%arg15 : memref<!tpu.dma_semaphore, #tpu.memory_space<semaphore_mem>>) src(%dma_wait3A_234 : memref<128x128xf32, #tpu.memory_space<hbm>>) dst(%arg9 : memref<128x128xf32, #tpu.memory_space<vmem>>)
      %dma_wait3A_235 = arith.constant 0 : i32
      %dma_wait3A_236 = arith.constant 0 : i32
      %dma_wait3A_237 = tpu.memref_slice %arg2[%dma_wait3A_235, %dma_wait3A_236] : memref<10240x128xf32, #tpu.memory_space<hbm>> -> memref<128x128xf32, #tpu.memory_space<hbm>>
      %dma_wait3A_238 = arith.constant 0 : i32
      %dma_wait3A_239 = arith.constant 0 : i32
      %dma_wait3A_240 = tpu.memref_slice %arg2[%dma_wait3A_238, %dma_wait3A_239] : memref<10240x128xf32, #tpu.memory_space<hbm>> -> memref<128x128xf32, #tpu.memory_space<hbm>>
      tpu.wait_dma2 semaphore(%arg15 : memref<!tpu.dma_semaphore, #tpu.memory_space<semaphore_mem>>) src(%dma_wait3A_240 : memref<128x128xf32, #tpu.memory_space<hbm>>) dst(%arg10 : memref<128x128xf32, #tpu.memory_space<vmem>>)
      %scan3A_241 = arith.constant 0 : i32
      %scan3A_242 = arith.constant 0 : i32
      %scan3A_243 = arith.constant 64 : i32
      %scan3A_244 = arith.addi %scan3A_242, %scan3A_243 : i32
      %scan3A_245 = arith.constant 1 : i32
      scf.for %scan3A_325 = %scan3A_242 to %scan3A_244 step %scan3A_245  : i32 {
        %mul3A_326 = arith.constant 2 : i32
        %mul3A_327 = arith.muli %mul3A_326, %scan3A_325 : i32
        %add3A_328 = arith.constant 0 : i32
        %add3A_329 = arith.addi %mul3A_327, %add3A_328 : i32
        %get3A = arith.index_cast %add3A_329 : i32 to index
        %get3A_330 = arith.constant 0 : index
        %get3A_331 = tpu.vector_load %arg9[%get3A, %get3A_330] {strides = array<i32>} : memref<128x128xf32, #tpu.memory_space<vmem>>, vector<16xf32>,
        %mul3A_332 = arith.constant 2 : i32
        %mul3A_333 = arith.muli %mul3A_332, %scan3A_325 : i32
        %add3A_334 = arith.constant 0 : i32
        %add3A_335 = arith.addi %mul3A_333, %add3A_334 : i32
        %get3A_336 = arith.index_cast %add3A_335 : i32 to index
        %get3A_337 = arith.constant 0 : index
        %get3A_338 = tpu.vector_load %arg10[%get3A_336, %get3A_337] {strides = array<i32>} : memref<128x128xf32, #tpu.memory_space<vmem>>, vector<16xf32>,
        %add3A_339 = arith.addf %get3A_331, %get3A_338 : vector<16xf32>
        %mul3A_340 = arith.constant 2 : i32
        %mul3A_341 = arith.muli %mul3A_340, %scan3A_325 : i32
        %add3A_342 = arith.constant 0 : i32
        %add3A_343 = arith.addi %mul3A_341, %add3A_342 : i32
        %swap3A = arith.index_cast %add3A_343 : i32 to index
        %swap3A_344 = arith.constant 0 : index
        %swap3A_345 = tpu.vector_load %arg9[%swap3A, %swap3A_344] {strides = array<i32>} : memref<128x128xf32, #tpu.memory_space<vmem>>, vector<16xf32>,
        tpu.vector_store %arg9[%swap3A, %swap3A_344], %add3A_339 {strides = array<i32>} : memref<128x128xf32, #tpu.memory_space<vmem>>, vector<16xf32>,
        %mul3A_346 = arith.constant 2 : i32
        %mul3A_347 = arith.muli %mul3A_346, %scan3A_325 : i32
        %add3A_348 = arith.constant 0 : i32
        %add3A_349 = arith.addi %mul3A_347, %add3A_348 : i32
        %get3A_350 = arith.index_cast %add3A_349 : i32 to index
        %get3A_351 = arith.constant 16 : index
        %get3A_352 = tpu.vector_load %arg9[%get3A_350, %get3A_351] {strides = array<i32>} : memref<128x128xf32, #tpu.memory_space<vmem>>, vector<16xf32>,
        %mul3A_353 = arith.constant 2 : i32
        %mul3A_354 = arith.muli %mul3A_353, %scan3A_325 : i32
        %add3A_355 = arith.constant 0 : i32
        %add3A_356 = arith.addi %mul3A_354, %add3A_355 : i32
        %get3A_357 = arith.index_cast %add3A_356 : i32 to index
        %get3A_358 = arith.constant 16 : index
        %get3A_359 = tpu.vector_load %arg10[%get3A_357, %get3A_358] {strides = array<i32>} : memref<128x128xf32, #tpu.memory_space<vmem>>, vector<16xf32>,
        %add3A_360 = arith.addf %get3A_352, %get3A_359 : vector<16xf32>
        %mul3A_361 = arith.constant 2 : i32
        %mul3A_362 = arith.muli %mul3A_361, %scan3A_325 : i32
        %add3A_363 = arith.constant 0 : i32
        %add3A_364 = arith.addi %mul3A_362, %add3A_363 : i32
        %swap3A_365 = arith.index_cast %add3A_364 : i32 to index
        %swap3A_366 = arith.constant 16 : index
        %swap3A_367 = tpu.vector_load %arg9[%swap3A_365, %swap3A_366] {strides = array<i32>} : memref<128x128xf32, #tpu.memory_space<vmem>>, vector<16xf32>,
        tpu.vector_store %arg9[%swap3A_365, %swap3A_366], %add3A_360 {strides = array<i32>} : memref<128x128xf32, #tpu.memory_space<vmem>>, vector<16xf32>,
        %mul3A_368 = arith.constant 2 : i32
        %mul3A_369 = arith.muli %mul3A_368, %scan3A_325 : i32
        %add3A_370 = arith.constant 0 : i32
        %add3A_371 = arith.addi %mul3A_369, %add3A_370 : i32
        %get3A_372 = arith.index_cast %add3A_371 : i32 to index
        %get3A_373 = arith.constant 32 : index
        %get3A_374 = tpu.vector_load %arg9[%get3A_372, %get3A_373] {strides = array<i32>} : memref<128x128xf32, #tpu.memory_space<vmem>>, vector<16xf32>,
        %mul3A_375 = arith.constant 2 : i32
        %mul3A_376 = arith.muli %mul3A_375, %scan3A_325 : i32
        %add3A_377 = arith.constant 0 : i32
        %add3A_378 = arith.addi %mul3A_376, %add3A_377 : i32
        %get3A_379 = arith.index_cast %add3A_378 : i32 to index
        %get3A_380 = arith.constant 32 : index
        %get3A_381 = tpu.vector_load %arg10[%get3A_379, %get3A_380] {strides = array<i32>} : memref<128x128xf32, #tpu.memory_space<vmem>>, vector<16xf32>,
        %add3A_382 = arith.addf %get3A_374, %get3A_381 : vector<16xf32>
        %mul3A_383 = arith.constant 2 : i32
        %mul3A_384 = arith.muli %mul3A_383, %scan3A_325 : i32
        %add3A_385 = arith.constant 0 : i32
        %add3A_386 = arith.addi %mul3A_384, %add3A_385 : i32
        %swap3A_387 = arith.index_cast %add3A_386 : i32 to index
        %swap3A_388 = arith.constant 32 : index
        %swap3A_389 = tpu.vector_load %arg9[%swap3A_387, %swap3A_388] {strides = array<i32>} : memref<128x128xf32, #tpu.memory_space<vmem>>, vector<16xf32>,
        tpu.vector_store %arg9[%swap3A_387, %swap3A_388], %add3A_382 {strides = array<i32>} : memref<128x128xf32, #tpu.memory_space<vmem>>, vector<16xf32>,
        %mul3A_390 = arith.constant 2 : i32
        %mul3A_391 = arith.muli %mul3A_390, %scan3A_325 : i32
        %add3A_392 = arith.constant 0 : i32
        %add3A_393 = arith.addi %mul3A_391, %add3A_392 : i32
        %get3A_394 = arith.index_cast %add3A_393 : i32 to index
        %get3A_395 = arith.constant 48 : index
        %get3A_396 = tpu.vector_load %arg9[%get3A_394, %get3A_395] {strides = array<i32>} : memref<128x128xf32, #tpu.memory_space<vmem>>, vector<16xf32>,
        %mul3A_397 = arith.constant 2 : i32
        %mul3A_398 = arith.muli %mul3A_397, %scan3A_325 : i32
        %add3A_399 = arith.constant 0 : i32
        %add3A_400 = arith.addi %mul3A_398, %add3A_399 : i32
        %get3A_401 = arith.index_cast %add3A_400 : i32 to index
        %get3A_402 = arith.constant 48 : index
        %get3A_403 = tpu.vector_load %arg10[%get3A_401, %get3A_402] {strides = array<i32>} : memref<128x128xf32, #tpu.memory_space<vmem>>, vector<16xf32>,
        %add3A_404 = arith.addf %get3A_396, %get3A_403 : vector<16xf32>
        %mul3A_405 = arith.constant 2 : i32
        %mul3A_406 = arith.muli %mul3A_405, %scan3A_325 : i32
        %add3A_407 = arith.constant 0 : i32
        %add3A_408 = arith.addi %mul3A_406, %add3A_407 : i32
        %swap3A_409 = arith.index_cast %add3A_408 : i32 to index
        %swap3A_410 = arith.constant 48 : index
        %swap3A_411 = tpu.vector_load %arg9[%swap3A_409, %swap3A_410] {strides = array<i32>} : memref<128x128xf32, #tpu.memory_space<vmem>>, vector<16xf32>,
        tpu.vector_store %arg9[%swap3A_409, %swap3A_410], %add3A_404 {strides = array<i32>} : memref<128x128xf32, #tpu.memory_space<vmem>>, vector<16xf32>,
        %mul3A_412 = arith.constant 2 : i32
        %mul3A_413 = arith.muli %mul3A_412, %scan3A_325 : i32
        %add3A_414 = arith.constant 0 : i32
        %add3A_415 = arith.addi %mul3A_413, %add3A_414 : i32
        %get3A_416 = arith.index_cast %add3A_415 : i32 to index
        %get3A_417 = arith.constant 64 : index
        %get3A_418 = tpu.vector_load %arg9[%get3A_416, %get3A_417] {strides = array<i32>} : memref<128x128xf32, #tpu.memory_space<vmem>>, vector<16xf32>,
        %mul3A_419 = arith.constant 2 : i32
        %mul3A_420 = arith.muli %mul3A_419, %scan3A_325 : i32
        %add3A_421 = arith.constant 0 : i32
        %add3A_422 = arith.addi %mul3A_420, %add3A_421 : i32
        %get3A_423 = arith.index_cast %add3A_422 : i32 to index
        %get3A_424 = arith.constant 64 : index
        %get3A_425 = tpu.vector_load %arg10[%get3A_423, %get3A_424] {strides = array<i32>} : memref<128x128xf32, #tpu.memory_space<vmem>>, vector<16xf32>,
        %add3A_426 = arith.addf %get3A_418, %get3A_425 : vector<16xf32>
        %mul3A_427 = arith.constant 2 : i32
        %mul3A_428 = arith.muli %mul3A_427, %scan3A_325 : i32
        %add3A_429 = arith.constant 0 : i32
        %add3A_430 = arith.addi %mul3A_428, %add3A_429 : i32
        %swap3A_431 = arith.index_cast %add3A_430 : i32 to index
        %swap3A_432 = arith.constant 64 : index
        %swap3A_433 = tpu.vector_load %arg9[%swap3A_431, %swap3A_432] {strides = array<i32>} : memref<128x128xf32, #tpu.memory_space<vmem>>, vector<16xf32>,
        tpu.vector_store %arg9[%swap3A_431, %swap3A_432], %add3A_426 {strides = array<i32>} : memref<128x128xf32, #tpu.memory_space<vmem>>, vector<16xf32>,
        %mul3A_434 = arith.constant 2 : i32
        %mul3A_435 = arith.muli %mul3A_434, %scan3A_325 : i32
        %add3A_436 = arith.constant 0 : i32
        %add3A_437 = arith.addi %mul3A_435, %add3A_436 : i32
        %get3A_438 = arith.index_cast %add3A_437 : i32 to index
        %get3A_439 = arith.constant 80 : index
        %get3A_440 = tpu.vector_load %arg9[%get3A_438, %get3A_439] {strides = array<i32>} : memref<128x128xf32, #tpu.memory_space<vmem>>, vector<16xf32>,
        %mul3A_441 = arith.constant 2 : i32
        %mul3A_442 = arith.muli %mul3A_441, %scan3A_325 : i32
        %add3A_443 = arith.constant 0 : i32
        %add3A_444 = arith.addi %mul3A_442, %add3A_443 : i32
        %get3A_445 = arith.index_cast %add3A_444 : i32 to index
        %get3A_446 = arith.constant 80 : index
        %get3A_447 = tpu.vector_load %arg10[%get3A_445, %get3A_446] {strides = array<i32>} : memref<128x128xf32, #tpu.memory_space<vmem>>, vector<16xf32>,
        %add3A_448 = arith.addf %get3A_440, %get3A_447 : vector<16xf32>
        %mul3A_449 = arith.constant 2 : i32
        %mul3A_450 = arith.muli %mul3A_449, %scan3A_325 : i32
        %add3A_451 = arith.constant 0 : i32
        %add3A_452 = arith.addi %mul3A_450, %add3A_451 : i32
        %swap3A_453 = arith.index_cast %add3A_452 : i32 to index
        %swap3A_454 = arith.constant 80 : index
        %swap3A_455 = tpu.vector_load %arg9[%swap3A_453, %swap3A_454] {strides = array<i32>} : memref<128x128xf32, #tpu.memory_space<vmem>>, vector<16xf32>,
        tpu.vector_store %arg9[%swap3A_453, %swap3A_454], %add3A_448 {strides = array<i32>} : memref<128x128xf32, #tpu.memory_space<vmem>>, vector<16xf32>,
        %mul3A_456 = arith.constant 2 : i32
        %mul3A_457 = arith.muli %mul3A_456, %scan3A_325 : i32
        %add3A_458 = arith.constant 0 : i32
        %add3A_459 = arith.addi %mul3A_457, %add3A_458 : i32
        %get3A_460 = arith.index_cast %add3A_459 : i32 to index
        %get3A_461 = arith.constant 96 : index
        %get3A_462 = tpu.vector_load %arg9[%get3A_460, %get3A_461] {strides = array<i32>} : memref<128x128xf32, #tpu.memory_space<vmem>>, vector<16xf32>,
        %mul3A_463 = arith.constant 2 : i32
        %mul3A_464 = arith.muli %mul3A_463, %scan3A_325 : i32
        %add3A_465 = arith.constant 0 : i32
        %add3A_466 = arith.addi %mul3A_464, %add3A_465 : i32
        %get3A_467 = arith.index_cast %add3A_466 : i32 to index
        %get3A_468 = arith.constant 96 : index
        %get3A_469 = tpu.vector_load %arg10[%get3A_467, %get3A_468] {strides = array<i32>} : memref<128x128xf32, #tpu.memory_space<vmem>>, vector<16xf32>,
        %add3A_470 = arith.addf %get3A_462, %get3A_469 : vector<16xf32>
        %mul3A_471 = arith.constant 2 : i32
        %mul3A_472 = arith.muli %mul3A_471, %scan3A_325 : i32
        %add3A_473 = arith.constant 0 : i32
        %add3A_474 = arith.addi %mul3A_472, %add3A_473 : i32
        %swap3A_475 = arith.index_cast %add3A_474 : i32 to index
        %swap3A_476 = arith.constant 96 : index
        %swap3A_477 = tpu.vector_load %arg9[%swap3A_475, %swap3A_476] {strides = array<i32>} : memref<128x128xf32, #tpu.memory_space<vmem>>, vector<16xf32>,
        tpu.vector_store %arg9[%swap3A_475, %swap3A_476], %add3A_470 {strides = array<i32>} : memref<128x128xf32, #tpu.memory_space<vmem>>, vector<16xf32>,
        %mul3A_478 = arith.constant 2 : i32
        %mul3A_479 = arith.muli %mul3A_478, %scan3A_325 : i32
        %add3A_480 = arith.constant 0 : i32
        %add3A_481 = arith.addi %mul3A_479, %add3A_480 : i32
        %get3A_482 = arith.index_cast %add3A_481 : i32 to index
        %get3A_483 = arith.constant 112 : index
        %get3A_484 = tpu.vector_load %arg9[%get3A_482, %get3A_483] {strides = array<i32>} : memref<128x128xf32, #tpu.memory_space<vmem>>, vector<16xf32>,
        %mul3A_485 = arith.constant 2 : i32
        %mul3A_486 = arith.muli %mul3A_485, %scan3A_325 : i32
        %add3A_487 = arith.constant 0 : i32
        %add3A_488 = arith.addi %mul3A_486, %add3A_487 : i32
        %get3A_489 = arith.index_cast %add3A_488 : i32 to index
        %get3A_490 = arith.constant 112 : index
        %get3A_491 = tpu.vector_load %arg10[%get3A_489, %get3A_490] {strides = array<i32>} : memref<128x128xf32, #tpu.memory_space<vmem>>, vector<16xf32>,
        %add3A_492 = arith.addf %get3A_484, %get3A_491 : vector<16xf32>
        %mul3A_493 = arith.constant 2 : i32
        %mul3A_494 = arith.muli %mul3A_493, %scan3A_325 : i32
        %add3A_495 = arith.constant 0 : i32
        %add3A_496 = arith.addi %mul3A_494, %add3A_495 : i32
        %swap3A_497 = arith.index_cast %add3A_496 : i32 to index
        %swap3A_498 = arith.constant 112 : index
        %swap3A_499 = tpu.vector_load %arg9[%swap3A_497, %swap3A_498] {strides = array<i32>} : memref<128x128xf32, #tpu.memory_space<vmem>>, vector<16xf32>,
        tpu.vector_store %arg9[%swap3A_497, %swap3A_498], %add3A_492 {strides = array<i32>} : memref<128x128xf32, #tpu.memory_space<vmem>>, vector<16xf32>,
        %mul3A_500 = arith.constant 2 : i32
        %mul3A_501 = arith.muli %mul3A_500, %scan3A_325 : i32
        %add3A_502 = arith.constant 1 : i32
        %add3A_503 = arith.addi %mul3A_501, %add3A_502 : i32
        %get3A_504 = arith.index_cast %add3A_503 : i32 to index
        %get3A_505 = arith.constant 0 : index
        %get3A_506 = tpu.vector_load %arg9[%get3A_504, %get3A_505] {strides = array<i32>} : memref<128x128xf32, #tpu.memory_space<vmem>>, vector<16xf32>,
        %mul3A_507 = arith.constant 2 : i32
        %mul3A_508 = arith.muli %mul3A_507, %scan3A_325 : i32
        %add3A_509 = arith.constant 1 : i32
        %add3A_510 = arith.addi %mul3A_508, %add3A_509 : i32
        %get3A_511 = arith.index_cast %add3A_510 : i32 to index
        %get3A_512 = arith.constant 0 : index
        %get3A_513 = tpu.vector_load %arg10[%get3A_511, %get3A_512] {strides = array<i32>} : memref<128x128xf32, #tpu.memory_space<vmem>>, vector<16xf32>,
        %add3A_514 = arith.addf %get3A_506, %get3A_513 : vector<16xf32>
        %mul3A_515 = arith.constant 2 : i32
        %mul3A_516 = arith.muli %mul3A_515, %scan3A_325 : i32
        %add3A_517 = arith.constant 1 : i32
        %add3A_518 = arith.addi %mul3A_516, %add3A_517 : i32
        %swap3A_519 = arith.index_cast %add3A_518 : i32 to index
        %swap3A_520 = arith.constant 0 : index
        %swap3A_521 = tpu.vector_load %arg9[%swap3A_519, %swap3A_520] {strides = array<i32>} : memref<128x128xf32, #tpu.memory_space<vmem>>, vector<16xf32>,
        tpu.vector_store %arg9[%swap3A_519, %swap3A_520], %add3A_514 {strides = array<i32>} : memref<128x128xf32, #tpu.memory_space<vmem>>, vector<16xf32>,
        %mul3A_522 = arith.constant 2 : i32
        %mul3A_523 = arith.muli %mul3A_522, %scan3A_325 : i32
        %add3A_524 = arith.constant 1 : i32
        %add3A_525 = arith.addi %mul3A_523, %add3A_524 : i32
        %get3A_526 = arith.index_cast %add3A_525 : i32 to index
        %get3A_527 = arith.constant 16 : index
        %get3A_528 = tpu.vector_load %arg9[%get3A_526, %get3A_527] {strides = array<i32>} : memref<128x128xf32, #tpu.memory_space<vmem>>, vector<16xf32>,
        %mul3A_529 = arith.constant 2 : i32
        %mul3A_530 = arith.muli %mul3A_529, %scan3A_325 : i32
        %add3A_531 = arith.constant 1 : i32
        %add3A_532 = arith.addi %mul3A_530, %add3A_531 : i32
        %get3A_533 = arith.index_cast %add3A_532 : i32 to index
        %get3A_534 = arith.constant 16 : index
        %get3A_535 = tpu.vector_load %arg10[%get3A_533, %get3A_534] {strides = array<i32>} : memref<128x128xf32, #tpu.memory_space<vmem>>, vector<16xf32>,
        %add3A_536 = arith.addf %get3A_528, %get3A_535 : vector<16xf32>
        %mul3A_537 = arith.constant 2 : i32
        %mul3A_538 = arith.muli %mul3A_537, %scan3A_325 : i32
        %add3A_539 = arith.constant 1 : i32
        %add3A_540 = arith.addi %mul3A_538, %add3A_539 : i32
        %swap3A_541 = arith.index_cast %add3A_540 : i32 to index
        %swap3A_542 = arith.constant 16 : index
        %swap3A_543 = tpu.vector_load %arg9[%swap3A_541, %swap3A_542] {strides = array<i32>} : memref<128x128xf32, #tpu.memory_space<vmem>>, vector<16xf32>,
        tpu.vector_store %arg9[%swap3A_541, %swap3A_542], %add3A_536 {strides = array<i32>} : memref<128x128xf32, #tpu.memory_space<vmem>>, vector<16xf32>,
        %mul3A_544 = arith.constant 2 : i32
        %mul3A_545 = arith.muli %mul3A_544, %scan3A_325 : i32
        %add3A_546 = arith.constant 1 : i32
        %add3A_547 = arith.addi %mul3A_545, %add3A_546 : i32
        %get3A_548 = arith.index_cast %add3A_547 : i32 to index
        %get3A_549 = arith.constant 32 : index
        %get3A_550 = tpu.vector_load %arg9[%get3A_548, %get3A_549] {strides = array<i32>} : memref<128x128xf32, #tpu.memory_space<vmem>>, vector<16xf32>,
        %mul3A_551 = arith.constant 2 : i32
        %mul3A_552 = arith.muli %mul3A_551, %scan3A_325 : i32
        %add3A_553 = arith.constant 1 : i32
        %add3A_554 = arith.addi %mul3A_552, %add3A_553 : i32
        %get3A_555 = arith.index_cast %add3A_554 : i32 to index
        %get3A_556 = arith.constant 32 : index
        %get3A_557 = tpu.vector_load %arg10[%get3A_555, %get3A_556] {strides = array<i32>} : memref<128x128xf32, #tpu.memory_space<vmem>>, vector<16xf32>,
        %add3A_558 = arith.addf %get3A_550, %get3A_557 : vector<16xf32>
        %mul3A_559 = arith.constant 2 : i32
        %mul3A_560 = arith.muli %mul3A_559, %scan3A_325 : i32
        %add3A_561 = arith.constant 1 : i32
        %add3A_562 = arith.addi %mul3A_560, %add3A_561 : i32
        %swap3A_563 = arith.index_cast %add3A_562 : i32 to index
        %swap3A_564 = arith.constant 32 : index
        %swap3A_565 = tpu.vector_load %arg9[%swap3A_563, %swap3A_564] {strides = array<i32>} : memref<128x128xf32, #tpu.memory_space<vmem>>, vector<16xf32>,
        tpu.vector_store %arg9[%swap3A_563, %swap3A_564], %add3A_558 {strides = array<i32>} : memref<128x128xf32, #tpu.memory_space<vmem>>, vector<16xf32>,
        %mul3A_566 = arith.constant 2 : i32
        %mul3A_567 = arith.muli %mul3A_566, %scan3A_325 : i32
        %add3A_568 = arith.constant 1 : i32
        %add3A_569 = arith.addi %mul3A_567, %add3A_568 : i32
        %get3A_570 = arith.index_cast %add3A_569 : i32 to index
        %get3A_571 = arith.constant 48 : index
        %get3A_572 = tpu.vector_load %arg9[%get3A_570, %get3A_571] {strides = array<i32>} : memref<128x128xf32, #tpu.memory_space<vmem>>, vector<16xf32>,
        %mul3A_573 = arith.constant 2 : i32
        %mul3A_574 = arith.muli %mul3A_573, %scan3A_325 : i32
        %add3A_575 = arith.constant 1 : i32
        %add3A_576 = arith.addi %mul3A_574, %add3A_575 : i32
        %get3A_577 = arith.index_cast %add3A_576 : i32 to index
        %get3A_578 = arith.constant 48 : index
        %get3A_579 = tpu.vector_load %arg10[%get3A_577, %get3A_578] {strides = array<i32>} : memref<128x128xf32, #tpu.memory_space<vmem>>, vector<16xf32>,
        %add3A_580 = arith.addf %get3A_572, %get3A_579 : vector<16xf32>
        %mul3A_581 = arith.constant 2 : i32
        %mul3A_582 = arith.muli %mul3A_581, %scan3A_325 : i32
        %add3A_583 = arith.constant 1 : i32
        %add3A_584 = arith.addi %mul3A_582, %add3A_583 : i32
        %swap3A_585 = arith.index_cast %add3A_584 : i32 to index
        %swap3A_586 = arith.constant 48 : index
        %swap3A_587 = tpu.vector_load %arg9[%swap3A_585, %swap3A_586] {strides = array<i32>} : memref<128x128xf32, #tpu.memory_space<vmem>>, vector<16xf32>,
        tpu.vector_store %arg9[%swap3A_585, %swap3A_586], %add3A_580 {strides = array<i32>} : memref<128x128xf32, #tpu.memory_space<vmem>>, vector<16xf32>,
        %mul3A_588 = arith.constant 2 : i32
        %mul3A_589 = arith.muli %mul3A_588, %scan3A_325 : i32
        %add3A_590 = arith.constant 1 : i32
        %add3A_591 = arith.addi %mul3A_589, %add3A_590 : i32
        %get3A_592 = arith.index_cast %add3A_591 : i32 to index
        %get3A_593 = arith.constant 64 : index
        %get3A_594 = tpu.vector_load %arg9[%get3A_592, %get3A_593] {strides = array<i32>} : memref<128x128xf32, #tpu.memory_space<vmem>>, vector<16xf32>,
        %mul3A_595 = arith.constant 2 : i32
        %mul3A_596 = arith.muli %mul3A_595, %scan3A_325 : i32
        %add3A_597 = arith.constant 1 : i32
        %add3A_598 = arith.addi %mul3A_596, %add3A_597 : i32
        %get3A_599 = arith.index_cast %add3A_598 : i32 to index
        %get3A_600 = arith.constant 64 : index
        %get3A_601 = tpu.vector_load %arg10[%get3A_599, %get3A_600] {strides = array<i32>} : memref<128x128xf32, #tpu.memory_space<vmem>>, vector<16xf32>,
        %add3A_602 = arith.addf %get3A_594, %get3A_601 : vector<16xf32>
        %mul3A_603 = arith.constant 2 : i32
        %mul3A_604 = arith.muli %mul3A_603, %scan3A_325 : i32
        %add3A_605 = arith.constant 1 : i32
        %add3A_606 = arith.addi %mul3A_604, %add3A_605 : i32
        %swap3A_607 = arith.index_cast %add3A_606 : i32 to index
        %swap3A_608 = arith.constant 64 : index
        %swap3A_609 = tpu.vector_load %arg9[%swap3A_607, %swap3A_608] {strides = array<i32>} : memref<128x128xf32, #tpu.memory_space<vmem>>, vector<16xf32>,
        tpu.vector_store %arg9[%swap3A_607, %swap3A_608], %add3A_602 {strides = array<i32>} : memref<128x128xf32, #tpu.memory_space<vmem>>, vector<16xf32>,
        %mul3A_610 = arith.constant 2 : i32
        %mul3A_611 = arith.muli %mul3A_610, %scan3A_325 : i32
        %add3A_612 = arith.constant 1 : i32
        %add3A_613 = arith.addi %mul3A_611, %add3A_612 : i32
        %get3A_614 = arith.index_cast %add3A_613 : i32 to index
        %get3A_615 = arith.constant 80 : index
        %get3A_616 = tpu.vector_load %arg9[%get3A_614, %get3A_615] {strides = array<i32>} : memref<128x128xf32, #tpu.memory_space<vmem>>, vector<16xf32>,
        %mul3A_617 = arith.constant 2 : i32
        %mul3A_618 = arith.muli %mul3A_617, %scan3A_325 : i32
        %add3A_619 = arith.constant 1 : i32
        %add3A_620 = arith.addi %mul3A_618, %add3A_619 : i32
        %get3A_621 = arith.index_cast %add3A_620 : i32 to index
        %get3A_622 = arith.constant 80 : index
        %get3A_623 = tpu.vector_load %arg10[%get3A_621, %get3A_622] {strides = array<i32>} : memref<128x128xf32, #tpu.memory_space<vmem>>, vector<16xf32>,
        %add3A_624 = arith.addf %get3A_616, %get3A_623 : vector<16xf32>
        %mul3A_625 = arith.constant 2 : i32
        %mul3A_626 = arith.muli %mul3A_625, %scan3A_325 : i32
        %add3A_627 = arith.constant 1 : i32
        %add3A_628 = arith.addi %mul3A_626, %add3A_627 : i32
        %swap3A_629 = arith.index_cast %add3A_628 : i32 to index
        %swap3A_630 = arith.constant 80 : index
        %swap3A_631 = tpu.vector_load %arg9[%swap3A_629, %swap3A_630] {strides = array<i32>} : memref<128x128xf32, #tpu.memory_space<vmem>>, vector<16xf32>,
        tpu.vector_store %arg9[%swap3A_629, %swap3A_630], %add3A_624 {strides = array<i32>} : memref<128x128xf32, #tpu.memory_space<vmem>>, vector<16xf32>,
        %mul3A_632 = arith.constant 2 : i32
        %mul3A_633 = arith.muli %mul3A_632, %scan3A_325 : i32
        %add3A_634 = arith.constant 1 : i32
        %add3A_635 = arith.addi %mul3A_633, %add3A_634 : i32
        %get3A_636 = arith.index_cast %add3A_635 : i32 to index
        %get3A_637 = arith.constant 96 : index
        %get3A_638 = tpu.vector_load %arg9[%get3A_636, %get3A_637] {strides = array<i32>} : memref<128x128xf32, #tpu.memory_space<vmem>>, vector<16xf32>,
        %mul3A_639 = arith.constant 2 : i32
        %mul3A_640 = arith.muli %mul3A_639, %scan3A_325 : i32
        %add3A_641 = arith.constant 1 : i32
        %add3A_642 = arith.addi %mul3A_640, %add3A_641 : i32
        %get3A_643 = arith.index_cast %add3A_642 : i32 to index
        %get3A_644 = arith.constant 96 : index
        %get3A_645 = tpu.vector_load %arg10[%get3A_643, %get3A_644] {strides = array<i32>} : memref<128x128xf32, #tpu.memory_space<vmem>>, vector<16xf32>,
        %add3A_646 = arith.addf %get3A_638, %get3A_645 : vector<16xf32>
        %mul3A_647 = arith.constant 2 : i32
        %mul3A_648 = arith.muli %mul3A_647, %scan3A_325 : i32
        %add3A_649 = arith.constant 1 : i32
        %add3A_650 = arith.addi %mul3A_648, %add3A_649 : i32
        %swap3A_651 = arith.index_cast %add3A_650 : i32 to index
        %swap3A_652 = arith.constant 96 : index
        %swap3A_653 = tpu.vector_load %arg9[%swap3A_651, %swap3A_652] {strides = array<i32>} : memref<128x128xf32, #tpu.memory_space<vmem>>, vector<16xf32>,
        tpu.vector_store %arg9[%swap3A_651, %swap3A_652], %add3A_646 {strides = array<i32>} : memref<128x128xf32, #tpu.memory_space<vmem>>, vector<16xf32>,
        %mul3A_654 = arith.constant 2 : i32
        %mul3A_655 = arith.muli %mul3A_654, %scan3A_325 : i32
        %add3A_656 = arith.constant 1 : i32
        %add3A_657 = arith.addi %mul3A_655, %add3A_656 : i32
        %get3A_658 = arith.index_cast %add3A_657 : i32 to index
        %get3A_659 = arith.constant 112 : index
        %get3A_660 = tpu.vector_load %arg9[%get3A_658, %get3A_659] {strides = array<i32>} : memref<128x128xf32, #tpu.memory_space<vmem>>, vector<16xf32>,
        %mul3A_661 = arith.constant 2 : i32
        %mul3A_662 = arith.muli %mul3A_661, %scan3A_325 : i32
        %add3A_663 = arith.constant 1 : i32
        %add3A_664 = arith.addi %mul3A_662, %add3A_663 : i32
        %get3A_665 = arith.index_cast %add3A_664 : i32 to index
        %get3A_666 = arith.constant 112 : index
        %get3A_667 = tpu.vector_load %arg10[%get3A_665, %get3A_666] {strides = array<i32>} : memref<128x128xf32, #tpu.memory_space<vmem>>, vector<16xf32>,
        %add3A_668 = arith.addf %get3A_660, %get3A_667 : vector<16xf32>
        %mul3A_669 = arith.constant 2 : i32
        %mul3A_670 = arith.muli %mul3A_669, %scan3A_325 : i32
        %add3A_671 = arith.constant 1 : i32
        %add3A_672 = arith.addi %mul3A_670, %add3A_671 : i32
        %swap3A_673 = arith.index_cast %add3A_672 : i32 to index
        %swap3A_674 = arith.constant 112 : index
        %swap3A_675 = tpu.vector_load %arg9[%swap3A_673, %swap3A_674] {strides = array<i32>} : memref<128x128xf32, #tpu.memory_space<vmem>>, vector<16xf32>,
        tpu.vector_store %arg9[%swap3A_673, %swap3A_674], %add3A_668 {strides = array<i32>} : memref<128x128xf32, #tpu.memory_space<vmem>>, vector<16xf32>,
      }
      %scan3A_246 = arith.constant 64 : i32
      %mul3A_247 = arith.constant 5000 : i32
      %mul3A_248 = arith.muli %add3A, %mul3A_247 : i32
      %mul3A_249 = arith.constant 128 : i32
      %mul3A_250 = arith.muli %mul3A_180, %mul3A_249 : i32
      %add3A_251 = arith.addi %mul3A_248, %mul3A_250 : i32
      %dma_start3A_252 = arith.constant 0 : i32
      %dma_start3A_253 = tpu.memref_slice %arg6[%add3A_251, %dma_start3A_252] : memref<160000x128xf32, #tpu.memory_space<hbm>> -> memref<128x128xf32, #tpu.memory_space<hbm>>
      %dma_start3A_254 = arith.constant 0 : i32
      %dma_start3A_255 = tpu.memref_slice %arg6[%add3A_251, %dma_start3A_254] : memref<160000x128xf32, #tpu.memory_space<hbm>> -> memref<128x128xf32, #tpu.memory_space<hbm>>
      tpu.enqueue_dma source(%arg9 : memref<128x128xf32, #tpu.memory_space<vmem>>) target(%dma_start3A_255 : memref<128x128xf32, #tpu.memory_space<hbm>>) target_semaphore(%arg18 : memref<!tpu.dma_semaphore, #tpu.memory_space<semaphore_mem>>)
      %dma_wait3A_256 = arith.constant 0 : i32
      %dma_wait3A_257 = arith.constant 0 : i32
      %dma_wait3A_258 = tpu.memref_slice %arg2[%dma_wait3A_256, %dma_wait3A_257] : memref<10240x128xf32, #tpu.memory_space<hbm>> -> memref<128x128xf32, #tpu.memory_space<hbm>>
      %dma_wait3A_259 = arith.constant 0 : i32
      %dma_wait3A_260 = arith.constant 0 : i32
      %dma_wait3A_261 = tpu.memref_slice %arg2[%dma_wait3A_259, %dma_wait3A_260] : memref<10240x128xf32, #tpu.memory_space<hbm>> -> memref<128x128xf32, #tpu.memory_space<hbm>>
      tpu.wait_dma2 semaphore(%arg20 : memref<!tpu.dma_semaphore, #tpu.memory_space<semaphore_mem>>) src(%dma_wait3A_261 : memref<128x128xf32, #tpu.memory_space<hbm>>) dst(%arg13 : memref<128x128xf32, #tpu.memory_space<vmem>>)
      %add3A_262 = arith.constant 2 : i32
      %add3A_263 = arith.addi %mul3A_180, %add3A_262 : i32
      %dma_start3A_264 = arith.constant 0 : i32
      %dma_start3A_265 = tpu.memref_slice %arg7[%add3A_263, %dma_start3A_264] : memref<40x128xi32, #tpu.memory_space<vmem>> -> memref<1x128xi32, #tpu.memory_space<vmem>>
      %dma_start3A_266 = tpu.memref_squeeze %dma_start3A_265 : memref<1x128xi32, #tpu.memory_space<vmem>> -> memref<128xi32, #tpu.memory_space<vmem>>
      %dma_start3A_267 = arith.constant 0 : i32
      %dma_start3A_268 = arith.constant 0 : i32
      %dma_start3A_269 = tpu.memref_slice %arg2[%dma_start3A_267, %dma_start3A_268] : memref<10240x128xf32, #tpu.memory_space<hbm>> -> memref<10240x128xf32, #tpu.memory_space<hbm>>
      tpu.enqueue_indirect_dma source(%dma_start3A_269 : memref<10240x128xf32, #tpu.memory_space<hbm>>) target(%arg13 : memref<128x128xf32, #tpu.memory_space<vmem>>) offsets(%dma_start3A_266 : memref<128xi32, #tpu.memory_space<vmem>>) semaphore(%arg17 : memref<!tpu.dma_semaphore, #tpu.memory_space<semaphore_mem>>)
      %dma_start3A_270 = arith.constant 0 : i32
      %dma_start3A_271 = tpu.memref_slice %arg8[%add3A_263, %dma_start3A_270] : memref<40x128xi32, #tpu.memory_space<vmem>> -> memref<1x128xi32, #tpu.memory_space<vmem>>
      %dma_start3A_272 = tpu.memref_squeeze %dma_start3A_271 : memref<1x128xi32, #tpu.memory_space<vmem>> -> memref<128xi32, #tpu.memory_space<vmem>>
      %dma_start3A_273 = arith.constant 0 : i32
      %dma_start3A_274 = arith.constant 0 : i32
      %dma_start3A_275 = tpu.memref_slice %arg3[%dma_start3A_273, %dma_start3A_274] : memref<10240x128xf32, #tpu.memory_space<hbm>> -> memref<10240x128xf32, #tpu.memory_space<hbm>>
      tpu.enqueue_indirect_dma source(%dma_start3A_275 : memref<10240x128xf32, #tpu.memory_space<hbm>>) target(%arg14 : memref<128x128xf32, #tpu.memory_space<vmem>>) offsets(%dma_start3A_272 : memref<128xi32, #tpu.memory_space<vmem>>) semaphore(%arg17 : memref<!tpu.dma_semaphore, #tpu.memory_space<semaphore_mem>>)
      %add3A_276 = arith.constant 1 : i32
      %add3A_277 = arith.addi %mul3A_180, %add3A_276 : i32
      %dma_wait3A_278 = arith.constant 0 : i32
      %dma_wait3A_279 = arith.constant 0 : i32
      %dma_wait3A_280 = tpu.memref_slice %arg2[%dma_wait3A_278, %dma_wait3A_279] : memref<10240x128xf32, #tpu.memory_space<hbm>> -> memref<128x128xf32, #tpu.memory_space<hbm>>
      %dma_wait3A_281 = arith.constant 0 : i32
      %dma_wait3A_282 = arith.constant 0 : i32
      %dma_wait3A_283 = tpu.memref_slice %arg2[%dma_wait3A_281, %dma_wait3A_282] : memref<10240x128xf32, #tpu.memory_space<hbm>> -> memref<128x128xf32, #tpu.memory_space<hbm>>
      tpu.wait_dma2 semaphore(%arg16 : memref<!tpu.dma_semaphore, #tpu.memory_space<semaphore_mem>>) src(%dma_wait3A_283 : memref<128x128xf32, #tpu.memory_space<hbm>>) dst(%arg11 : memref<128x128xf32, #tpu.memory_space<vmem>>)
      %dma_wait3A_284 = arith.constant 0 : i32
      %dma_wait3A_285 = arith.constant 0 : i32
      %dma_wait3A_286 = tpu.memref_slice %arg2[%dma_wait3A_284, %dma_wait3A_285] : memref<10240x128xf32, #tpu.memory_space<hbm>> -> memref<128x128xf32, #tpu.memory_space<hbm>>
      %dma_wait3A_287 = arith.constant 0 : i32
      %dma_wait3A_288 = arith.constant 0 : i32
      %dma_wait3A_289 = tpu.memref_slice %arg2[%dma_wait3A_287, %dma_wait3A_288] : memref<10240x128xf32, #tpu.memory_space<hbm>> -> memref<128x128xf32, #tpu.memory_space<hbm>>
      tpu.wait_dma2 semaphore(%arg16 : memref<!tpu.dma_semaphore, #tpu.memory_space<semaphore_mem>>) src(%dma_wait3A_289 : memref<128x128xf32, #tpu.memory_space<hbm>>) dst(%arg12 : memref<128x128xf32, #tpu.memory_space<vmem>>)
      %scan3A_290 = arith.constant 0 : i32
      %scan3A_291 = arith.constant 0 : i32
      %scan3A_292 = arith.constant 64 : i32
      %scan3A_293 = arith.addi %scan3A_291, %scan3A_292 : i32
      %scan3A_294 = arith.constant 1 : i32
      scf.for %scan3A_325 = %scan3A_291 to %scan3A_293 step %scan3A_294  : i32 {
        %mul3A_326 = arith.constant 2 : i32
        %mul3A_327 = arith.muli %mul3A_326, %scan3A_325 : i32
        %add3A_328 = arith.constant 0 : i32
        %add3A_329 = arith.addi %mul3A_327, %add3A_328 : i32
        %get3A = arith.index_cast %add3A_329 : i32 to index
        %get3A_330 = arith.constant 0 : index
        %get3A_331 = tpu.vector_load %arg11[%get3A, %get3A_330] {strides = array<i32>} : memref<128x128xf32, #tpu.memory_space<vmem>>, vector<16xf32>,
        %mul3A_332 = arith.constant 2 : i32
        %mul3A_333 = arith.muli %mul3A_332, %scan3A_325 : i32
        %add3A_334 = arith.constant 0 : i32
        %add3A_335 = arith.addi %mul3A_333, %add3A_334 : i32
        %get3A_336 = arith.index_cast %add3A_335 : i32 to index
        %get3A_337 = arith.constant 0 : index
        %get3A_338 = tpu.vector_load %arg12[%get3A_336, %get3A_337] {strides = array<i32>} : memref<128x128xf32, #tpu.memory_space<vmem>>, vector<16xf32>,
        %add3A_339 = arith.addf %get3A_331, %get3A_338 : vector<16xf32>
        %mul3A_340 = arith.constant 2 : i32
        %mul3A_341 = arith.muli %mul3A_340, %scan3A_325 : i32
        %add3A_342 = arith.constant 0 : i32
        %add3A_343 = arith.addi %mul3A_341, %add3A_342 : i32
        %swap3A = arith.index_cast %add3A_343 : i32 to index
        %swap3A_344 = arith.constant 0 : index
        %swap3A_345 = tpu.vector_load %arg11[%swap3A, %swap3A_344] {strides = array<i32>} : memref<128x128xf32, #tpu.memory_space<vmem>>, vector<16xf32>,
        tpu.vector_store %arg11[%swap3A, %swap3A_344], %add3A_339 {strides = array<i32>} : memref<128x128xf32, #tpu.memory_space<vmem>>, vector<16xf32>,
        %mul3A_346 = arith.constant 2 : i32
        %mul3A_347 = arith.muli %mul3A_346, %scan3A_325 : i32
        %add3A_348 = arith.constant 0 : i32
        %add3A_349 = arith.addi %mul3A_347, %add3A_348 : i32
        %get3A_350 = arith.index_cast %add3A_349 : i32 to index
        %get3A_351 = arith.constant 16 : index
        %get3A_352 = tpu.vector_load %arg11[%get3A_350, %get3A_351] {strides = array<i32>} : memref<128x128xf32, #tpu.memory_space<vmem>>, vector<16xf32>,
        %mul3A_353 = arith.constant 2 : i32
        %mul3A_354 = arith.muli %mul3A_353, %scan3A_325 : i32
        %add3A_355 = arith.constant 0 : i32
        %add3A_356 = arith.addi %mul3A_354, %add3A_355 : i32
        %get3A_357 = arith.index_cast %add3A_356 : i32 to index
        %get3A_358 = arith.constant 16 : index
        %get3A_359 = tpu.vector_load %arg12[%get3A_357, %get3A_358] {strides = array<i32>} : memref<128x128xf32, #tpu.memory_space<vmem>>, vector<16xf32>,
        %add3A_360 = arith.addf %get3A_352, %get3A_359 : vector<16xf32>
        %mul3A_361 = arith.constant 2 : i32
        %mul3A_362 = arith.muli %mul3A_361, %scan3A_325 : i32
        %add3A_363 = arith.constant 0 : i32
        %add3A_364 = arith.addi %mul3A_362, %add3A_363 : i32
        %swap3A_365 = arith.index_cast %add3A_364 : i32 to index
        %swap3A_366 = arith.constant 16 : index
        %swap3A_367 = tpu.vector_load %arg11[%swap3A_365, %swap3A_366] {strides = array<i32>} : memref<128x128xf32, #tpu.memory_space<vmem>>, vector<16xf32>,
        tpu.vector_store %arg11[%swap3A_365, %swap3A_366], %add3A_360 {strides = array<i32>} : memref<128x128xf32, #tpu.memory_space<vmem>>, vector<16xf32>,
        %mul3A_368 = arith.constant 2 : i32
        %mul3A_369 = arith.muli %mul3A_368, %scan3A_325 : i32
        %add3A_370 = arith.constant 0 : i32
        %add3A_371 = arith.addi %mul3A_369, %add3A_370 : i32
        %get3A_372 = arith.index_cast %add3A_371 : i32 to index
        %get3A_373 = arith.constant 32 : index
        %get3A_374 = tpu.vector_load %arg11[%get3A_372, %get3A_373] {strides = array<i32>} : memref<128x128xf32, #tpu.memory_space<vmem>>, vector<16xf32>,
        %mul3A_375 = arith.constant 2 : i32
        %mul3A_376 = arith.muli %mul3A_375, %scan3A_325 : i32
        %add3A_377 = arith.constant 0 : i32
        %add3A_378 = arith.addi %mul3A_376, %add3A_377 : i32
        %get3A_379 = arith.index_cast %add3A_378 : i32 to index
        %get3A_380 = arith.constant 32 : index
        %get3A_381 = tpu.vector_load %arg12[%get3A_379, %get3A_380] {strides = array<i32>} : memref<128x128xf32, #tpu.memory_space<vmem>>, vector<16xf32>,
        %add3A_382 = arith.addf %get3A_374, %get3A_381 : vector<16xf32>
        %mul3A_383 = arith.constant 2 : i32
        %mul3A_384 = arith.muli %mul3A_383, %scan3A_325 : i32
        %add3A_385 = arith.constant 0 : i32
        %add3A_386 = arith.addi %mul3A_384, %add3A_385 : i32
        %swap3A_387 = arith.index_cast %add3A_386 : i32 to index
        %swap3A_388 = arith.constant 32 : index
        %swap3A_389 = tpu.vector_load %arg11[%swap3A_387, %swap3A_388] {strides = array<i32>} : memref<128x128xf32, #tpu.memory_space<vmem>>, vector<16xf32>,
        tpu.vector_store %arg11[%swap3A_387, %swap3A_388], %add3A_382 {strides = array<i32>} : memref<128x128xf32, #tpu.memory_space<vmem>>, vector<16xf32>,
        %mul3A_390 = arith.constant 2 : i32
        %mul3A_391 = arith.muli %mul3A_390, %scan3A_325 : i32
        %add3A_392 = arith.constant 0 : i32
        %add3A_393 = arith.addi %mul3A_391, %add3A_392 : i32
        %get3A_394 = arith.index_cast %add3A_393 : i32 to index
        %get3A_395 = arith.constant 48 : index
        %get3A_396 = tpu.vector_load %arg11[%get3A_394, %get3A_395] {strides = array<i32>} : memref<128x128xf32, #tpu.memory_space<vmem>>, vector<16xf32>,
        %mul3A_397 = arith.constant 2 : i32
        %mul3A_398 = arith.muli %mul3A_397, %scan3A_325 : i32
        %add3A_399 = arith.constant 0 : i32
        %add3A_400 = arith.addi %mul3A_398, %add3A_399 : i32
        %get3A_401 = arith.index_cast %add3A_400 : i32 to index
        %get3A_402 = arith.constant 48 : index
        %get3A_403 = tpu.vector_load %arg12[%get3A_401, %get3A_402] {strides = array<i32>} : memref<128x128xf32, #tpu.memory_space<vmem>>, vector<16xf32>,
        %add3A_404 = arith.addf %get3A_396, %get3A_403 : vector<16xf32>
        %mul3A_405 = arith.constant 2 : i32
        %mul3A_406 = arith.muli %mul3A_405, %scan3A_325 : i32
        %add3A_407 = arith.constant 0 : i32
        %add3A_408 = arith.addi %mul3A_406, %add3A_407 : i32
        %swap3A_409 = arith.index_cast %add3A_408 : i32 to index
        %swap3A_410 = arith.constant 48 : index
        %swap3A_411 = tpu.vector_load %arg11[%swap3A_409, %swap3A_410] {strides = array<i32>} : memref<128x128xf32, #tpu.memory_space<vmem>>, vector<16xf32>,
        tpu.vector_store %arg11[%swap3A_409, %swap3A_410], %add3A_404 {strides = array<i32>} : memref<128x128xf32, #tpu.memory_space<vmem>>, vector<16xf32>,
        %mul3A_412 = arith.constant 2 : i32
        %mul3A_413 = arith.muli %mul3A_412, %scan3A_325 : i32
        %add3A_414 = arith.constant 0 : i32
        %add3A_415 = arith.addi %mul3A_413, %add3A_414 : i32
        %get3A_416 = arith.index_cast %add3A_415 : i32 to index
        %get3A_417 = arith.constant 64 : index
        %get3A_418 = tpu.vector_load %arg11[%get3A_416, %get3A_417] {strides = array<i32>} : memref<128x128xf32, #tpu.memory_space<vmem>>, vector<16xf32>,
        %mul3A_419 = arith.constant 2 : i32
        %mul3A_420 = arith.muli %mul3A_419, %scan3A_325 : i32
        %add3A_421 = arith.constant 0 : i32
        %add3A_422 = arith.addi %mul3A_420, %add3A_421 : i32
        %get3A_423 = arith.index_cast %add3A_422 : i32 to index
        %get3A_424 = arith.constant 64 : index
        %get3A_425 = tpu.vector_load %arg12[%get3A_423, %get3A_424] {strides = array<i32>} : memref<128x128xf32, #tpu.memory_space<vmem>>, vector<16xf32>,
        %add3A_426 = arith.addf %get3A_418, %get3A_425 : vector<16xf32>
        %mul3A_427 = arith.constant 2 : i32
        %mul3A_428 = arith.muli %mul3A_427, %scan3A_325 : i32
        %add3A_429 = arith.constant 0 : i32
        %add3A_430 = arith.addi %mul3A_428, %add3A_429 : i32
        %swap3A_431 = arith.index_cast %add3A_430 : i32 to index
        %swap3A_432 = arith.constant 64 : index
        %swap3A_433 = tpu.vector_load %arg11[%swap3A_431, %swap3A_432] {strides = array<i32>} : memref<128x128xf32, #tpu.memory_space<vmem>>, vector<16xf32>,
        tpu.vector_store %arg11[%swap3A_431, %swap3A_432], %add3A_426 {strides = array<i32>} : memref<128x128xf32, #tpu.memory_space<vmem>>, vector<16xf32>,
        %mul3A_434 = arith.constant 2 : i32
        %mul3A_435 = arith.muli %mul3A_434, %scan3A_325 : i32
        %add3A_436 = arith.constant 0 : i32
        %add3A_437 = arith.addi %mul3A_435, %add3A_436 : i32
        %get3A_438 = arith.index_cast %add3A_437 : i32 to index
        %get3A_439 = arith.constant 80 : index
        %get3A_440 = tpu.vector_load %arg11[%get3A_438, %get3A_439] {strides = array<i32>} : memref<128x128xf32, #tpu.memory_space<vmem>>, vector<16xf32>,
        %mul3A_441 = arith.constant 2 : i32
        %mul3A_442 = arith.muli %mul3A_441, %scan3A_325 : i32
        %add3A_443 = arith.constant 0 : i32
        %add3A_444 = arith.addi %mul3A_442, %add3A_443 : i32
        %get3A_445 = arith.index_cast %add3A_444 : i32 to index
        %get3A_446 = arith.constant 80 : index
        %get3A_447 = tpu.vector_load %arg12[%get3A_445, %get3A_446] {strides = array<i32>} : memref<128x128xf32, #tpu.memory_space<vmem>>, vector<16xf32>,
        %add3A_448 = arith.addf %get3A_440, %get3A_447 : vector<16xf32>
        %mul3A_449 = arith.constant 2 : i32
        %mul3A_450 = arith.muli %mul3A_449, %scan3A_325 : i32
        %add3A_451 = arith.constant 0 : i32
        %add3A_452 = arith.addi %mul3A_450, %add3A_451 : i32
        %swap3A_453 = arith.index_cast %add3A_452 : i32 to index
        %swap3A_454 = arith.constant 80 : index
        %swap3A_455 = tpu.vector_load %arg11[%swap3A_453, %swap3A_454] {strides = array<i32>} : memref<128x128xf32, #tpu.memory_space<vmem>>, vector<16xf32>,
        tpu.vector_store %arg11[%swap3A_453, %swap3A_454], %add3A_448 {strides = array<i32>} : memref<128x128xf32, #tpu.memory_space<vmem>>, vector<16xf32>,
        %mul3A_456 = arith.constant 2 : i32
        %mul3A_457 = arith.muli %mul3A_456, %scan3A_325 : i32
        %add3A_458 = arith.constant 0 : i32
        %add3A_459 = arith.addi %mul3A_457, %add3A_458 : i32
        %get3A_460 = arith.index_cast %add3A_459 : i32 to index
        %get3A_461 = arith.constant 96 : index
        %get3A_462 = tpu.vector_load %arg11[%get3A_460, %get3A_461] {strides = array<i32>} : memref<128x128xf32, #tpu.memory_space<vmem>>, vector<16xf32>,
        %mul3A_463 = arith.constant 2 : i32
        %mul3A_464 = arith.muli %mul3A_463, %scan3A_325 : i32
        %add3A_465 = arith.constant 0 : i32
        %add3A_466 = arith.addi %mul3A_464, %add3A_465 : i32
        %get3A_467 = arith.index_cast %add3A_466 : i32 to index
        %get3A_468 = arith.constant 96 : index
        %get3A_469 = tpu.vector_load %arg12[%get3A_467, %get3A_468] {strides = array<i32>} : memref<128x128xf32, #tpu.memory_space<vmem>>, vector<16xf32>,
        %add3A_470 = arith.addf %get3A_462, %get3A_469 : vector<16xf32>
        %mul3A_471 = arith.constant 2 : i32
        %mul3A_472 = arith.muli %mul3A_471, %scan3A_325 : i32
        %add3A_473 = arith.constant 0 : i32
        %add3A_474 = arith.addi %mul3A_472, %add3A_473 : i32
        %swap3A_475 = arith.index_cast %add3A_474 : i32 to index
        %swap3A_476 = arith.constant 96 : index
        %swap3A_477 = tpu.vector_load %arg11[%swap3A_475, %swap3A_476] {strides = array<i32>} : memref<128x128xf32, #tpu.memory_space<vmem>>, vector<16xf32>,
        tpu.vector_store %arg11[%swap3A_475, %swap3A_476], %add3A_470 {strides = array<i32>} : memref<128x128xf32, #tpu.memory_space<vmem>>, vector<16xf32>,
        %mul3A_478 = arith.constant 2 : i32
        %mul3A_479 = arith.muli %mul3A_478, %scan3A_325 : i32
        %add3A_480 = arith.constant 0 : i32
        %add3A_481 = arith.addi %mul3A_479, %add3A_480 : i32
        %get3A_482 = arith.index_cast %add3A_481 : i32 to index
        %get3A_483 = arith.constant 112 : index
        %get3A_484 = tpu.vector_load %arg11[%get3A_482, %get3A_483] {strides = array<i32>} : memref<128x128xf32, #tpu.memory_space<vmem>>, vector<16xf32>,
        %mul3A_485 = arith.constant 2 : i32
        %mul3A_486 = arith.muli %mul3A_485, %scan3A_325 : i32
        %add3A_487 = arith.constant 0 : i32
        %add3A_488 = arith.addi %mul3A_486, %add3A_487 : i32
        %get3A_489 = arith.index_cast %add3A_488 : i32 to index
        %get3A_490 = arith.constant 112 : index
        %get3A_491 = tpu.vector_load %arg12[%get3A_489, %get3A_490] {strides = array<i32>} : memref<128x128xf32, #tpu.memory_space<vmem>>, vector<16xf32>,
        %add3A_492 = arith.addf %get3A_484, %get3A_491 : vector<16xf32>
        %mul3A_493 = arith.constant 2 : i32
        %mul3A_494 = arith.muli %mul3A_493, %scan3A_325 : i32
        %add3A_495 = arith.constant 0 : i32
        %add3A_496 = arith.addi %mul3A_494, %add3A_495 : i32
        %swap3A_497 = arith.index_cast %add3A_496 : i32 to index
        %swap3A_498 = arith.constant 112 : index
        %swap3A_499 = tpu.vector_load %arg11[%swap3A_497, %swap3A_498] {strides = array<i32>} : memref<128x128xf32, #tpu.memory_space<vmem>>, vector<16xf32>,
        tpu.vector_store %arg11[%swap3A_497, %swap3A_498], %add3A_492 {strides = array<i32>} : memref<128x128xf32, #tpu.memory_space<vmem>>, vector<16xf32>,
        %mul3A_500 = arith.constant 2 : i32
        %mul3A_501 = arith.muli %mul3A_500, %scan3A_325 : i32
        %add3A_502 = arith.constant 1 : i32
        %add3A_503 = arith.addi %mul3A_501, %add3A_502 : i32
        %get3A_504 = arith.index_cast %add3A_503 : i32 to index
        %get3A_505 = arith.constant 0 : index
        %get3A_506 = tpu.vector_load %arg11[%get3A_504, %get3A_505] {strides = array<i32>} : memref<128x128xf32, #tpu.memory_space<vmem>>, vector<16xf32>,
        %mul3A_507 = arith.constant 2 : i32
        %mul3A_508 = arith.muli %mul3A_507, %scan3A_325 : i32
        %add3A_509 = arith.constant 1 : i32
        %add3A_510 = arith.addi %mul3A_508, %add3A_509 : i32
        %get3A_511 = arith.index_cast %add3A_510 : i32 to index
        %get3A_512 = arith.constant 0 : index
        %get3A_513 = tpu.vector_load %arg12[%get3A_511, %get3A_512] {strides = array<i32>} : memref<128x128xf32, #tpu.memory_space<vmem>>, vector<16xf32>,
        %add3A_514 = arith.addf %get3A_506, %get3A_513 : vector<16xf32>
        %mul3A_515 = arith.constant 2 : i32
        %mul3A_516 = arith.muli %mul3A_515, %scan3A_325 : i32
        %add3A_517 = arith.constant 1 : i32
        %add3A_518 = arith.addi %mul3A_516, %add3A_517 : i32
        %swap3A_519 = arith.index_cast %add3A_518 : i32 to index
        %swap3A_520 = arith.constant 0 : index
        %swap3A_521 = tpu.vector_load %arg11[%swap3A_519, %swap3A_520] {strides = array<i32>} : memref<128x128xf32, #tpu.memory_space<vmem>>, vector<16xf32>,
        tpu.vector_store %arg11[%swap3A_519, %swap3A_520], %add3A_514 {strides = array<i32>} : memref<128x128xf32, #tpu.memory_space<vmem>>, vector<16xf32>,
        %mul3A_522 = arith.constant 2 : i32
        %mul3A_523 = arith.muli %mul3A_522, %scan3A_325 : i32
        %add3A_524 = arith.constant 1 : i32
        %add3A_525 = arith.addi %mul3A_523, %add3A_524 : i32
        %get3A_526 = arith.index_cast %add3A_525 : i32 to index
        %get3A_527 = arith.constant 16 : index
        %get3A_528 = tpu.vector_load %arg11[%get3A_526, %get3A_527] {strides = array<i32>} : memref<128x128xf32, #tpu.memory_space<vmem>>, vector<16xf32>,
        %mul3A_529 = arith.constant 2 : i32
        %mul3A_530 = arith.muli %mul3A_529, %scan3A_325 : i32
        %add3A_531 = arith.constant 1 : i32
        %add3A_532 = arith.addi %mul3A_530, %add3A_531 : i32
        %get3A_533 = arith.index_cast %add3A_532 : i32 to index
        %get3A_534 = arith.constant 16 : index
        %get3A_535 = tpu.vector_load %arg12[%get3A_533, %get3A_534] {strides = array<i32>} : memref<128x128xf32, #tpu.memory_space<vmem>>, vector<16xf32>,
        %add3A_536 = arith.addf %get3A_528, %get3A_535 : vector<16xf32>
        %mul3A_537 = arith.constant 2 : i32
        %mul3A_538 = arith.muli %mul3A_537, %scan3A_325 : i32
        %add3A_539 = arith.constant 1 : i32
        %add3A_540 = arith.addi %mul3A_538, %add3A_539 : i32
        %swap3A_541 = arith.index_cast %add3A_540 : i32 to index
        %swap3A_542 = arith.constant 16 : index
        %swap3A_543 = tpu.vector_load %arg11[%swap3A_541, %swap3A_542] {strides = array<i32>} : memref<128x128xf32, #tpu.memory_space<vmem>>, vector<16xf32>,
        tpu.vector_store %arg11[%swap3A_541, %swap3A_542], %add3A_536 {strides = array<i32>} : memref<128x128xf32, #tpu.memory_space<vmem>>, vector<16xf32>,
        %mul3A_544 = arith.constant 2 : i32
        %mul3A_545 = arith.muli %mul3A_544, %scan3A_325 : i32
        %add3A_546 = arith.constant 1 : i32
        %add3A_547 = arith.addi %mul3A_545, %add3A_546 : i32
        %get3A_548 = arith.index_cast %add3A_547 : i32 to index
        %get3A_549 = arith.constant 32 : index
        %get3A_550 = tpu.vector_load %arg11[%get3A_548, %get3A_549] {strides = array<i32>} : memref<128x128xf32, #tpu.memory_space<vmem>>, vector<16xf32>,
        %mul3A_551 = arith.constant 2 : i32
        %mul3A_552 = arith.muli %mul3A_551, %scan3A_325 : i32
        %add3A_553 = arith.constant 1 : i32
        %add3A_554 = arith.addi %mul3A_552, %add3A_553 : i32
        %get3A_555 = arith.index_cast %add3A_554 : i32 to index
        %get3A_556 = arith.constant 32 : index
        %get3A_557 = tpu.vector_load %arg12[%get3A_555, %get3A_556] {strides = array<i32>} : memref<128x128xf32, #tpu.memory_space<vmem>>, vector<16xf32>,
        %add3A_558 = arith.addf %get3A_550, %get3A_557 : vector<16xf32>
        %mul3A_559 = arith.constant 2 : i32
        %mul3A_560 = arith.muli %mul3A_559, %scan3A_325 : i32
        %add3A_561 = arith.constant 1 : i32
        %add3A_562 = arith.addi %mul3A_560, %add3A_561 : i32
        %swap3A_563 = arith.index_cast %add3A_562 : i32 to index
        %swap3A_564 = arith.constant 32 : index
        %swap3A_565 = tpu.vector_load %arg11[%swap3A_563, %swap3A_564] {strides = array<i32>} : memref<128x128xf32, #tpu.memory_space<vmem>>, vector<16xf32>,
        tpu.vector_store %arg11[%swap3A_563, %swap3A_564], %add3A_558 {strides = array<i32>} : memref<128x128xf32, #tpu.memory_space<vmem>>, vector<16xf32>,
        %mul3A_566 = arith.constant 2 : i32
        %mul3A_567 = arith.muli %mul3A_566, %scan3A_325 : i32
        %add3A_568 = arith.constant 1 : i32
        %add3A_569 = arith.addi %mul3A_567, %add3A_568 : i32
        %get3A_570 = arith.index_cast %add3A_569 : i32 to index
        %get3A_571 = arith.constant 48 : index
        %get3A_572 = tpu.vector_load %arg11[%get3A_570, %get3A_571] {strides = array<i32>} : memref<128x128xf32, #tpu.memory_space<vmem>>, vector<16xf32>,
        %mul3A_573 = arith.constant 2 : i32
        %mul3A_574 = arith.muli %mul3A_573, %scan3A_325 : i32
        %add3A_575 = arith.constant 1 : i32
        %add3A_576 = arith.addi %mul3A_574, %add3A_575 : i32
        %get3A_577 = arith.index_cast %add3A_576 : i32 to index
        %get3A_578 = arith.constant 48 : index
        %get3A_579 = tpu.vector_load %arg12[%get3A_577, %get3A_578] {strides = array<i32>} : memref<128x128xf32, #tpu.memory_space<vmem>>, vector<16xf32>,
        %add3A_580 = arith.addf %get3A_572, %get3A_579 : vector<16xf32>
        %mul3A_581 = arith.constant 2 : i32
        %mul3A_582 = arith.muli %mul3A_581, %scan3A_325 : i32
        %add3A_583 = arith.constant 1 : i32
        %add3A_584 = arith.addi %mul3A_582, %add3A_583 : i32
        %swap3A_585 = arith.index_cast %add3A_584 : i32 to index
        %swap3A_586 = arith.constant 48 : index
        %swap3A_587 = tpu.vector_load %arg11[%swap3A_585, %swap3A_586] {strides = array<i32>} : memref<128x128xf32, #tpu.memory_space<vmem>>, vector<16xf32>,
        tpu.vector_store %arg11[%swap3A_585, %swap3A_586], %add3A_580 {strides = array<i32>} : memref<128x128xf32, #tpu.memory_space<vmem>>, vector<16xf32>,
        %mul3A_588 = arith.constant 2 : i32
        %mul3A_589 = arith.muli %mul3A_588, %scan3A_325 : i32
        %add3A_590 = arith.constant 1 : i32
        %add3A_591 = arith.addi %mul3A_589, %add3A_590 : i32
        %get3A_592 = arith.index_cast %add3A_591 : i32 to index
        %get3A_593 = arith.constant 64 : index
        %get3A_594 = tpu.vector_load %arg11[%get3A_592, %get3A_593] {strides = array<i32>} : memref<128x128xf32, #tpu.memory_space<vmem>>, vector<16xf32>,
        %mul3A_595 = arith.constant 2 : i32
        %mul3A_596 = arith.muli %mul3A_595, %scan3A_325 : i32
        %add3A_597 = arith.constant 1 : i32
        %add3A_598 = arith.addi %mul3A_596, %add3A_597 : i32
        %get3A_599 = arith.index_cast %add3A_598 : i32 to index
        %get3A_600 = arith.constant 64 : index
        %get3A_601 = tpu.vector_load %arg12[%get3A_599, %get3A_600] {strides = array<i32>} : memref<128x128xf32, #tpu.memory_space<vmem>>, vector<16xf32>,
        %add3A_602 = arith.addf %get3A_594, %get3A_601 : vector<16xf32>
        %mul3A_603 = arith.constant 2 : i32
        %mul3A_604 = arith.muli %mul3A_603, %scan3A_325 : i32
        %add3A_605 = arith.constant 1 : i32
        %add3A_606 = arith.addi %mul3A_604, %add3A_605 : i32
        %swap3A_607 = arith.index_cast %add3A_606 : i32 to index
        %swap3A_608 = arith.constant 64 : index
        %swap3A_609 = tpu.vector_load %arg11[%swap3A_607, %swap3A_608] {strides = array<i32>} : memref<128x128xf32, #tpu.memory_space<vmem>>, vector<16xf32>,
        tpu.vector_store %arg11[%swap3A_607, %swap3A_608], %add3A_602 {strides = array<i32>} : memref<128x128xf32, #tpu.memory_space<vmem>>, vector<16xf32>,
        %mul3A_610 = arith.constant 2 : i32
        %mul3A_611 = arith.muli %mul3A_610, %scan3A_325 : i32
        %add3A_612 = arith.constant 1 : i32
        %add3A_613 = arith.addi %mul3A_611, %add3A_612 : i32
        %get3A_614 = arith.index_cast %add3A_613 : i32 to index
        %get3A_615 = arith.constant 80 : index
        %get3A_616 = tpu.vector_load %arg11[%get3A_614, %get3A_615] {strides = array<i32>} : memref<128x128xf32, #tpu.memory_space<vmem>>, vector<16xf32>,
        %mul3A_617 = arith.constant 2 : i32
        %mul3A_618 = arith.muli %mul3A_617, %scan3A_325 : i32
        %add3A_619 = arith.constant 1 : i32
        %add3A_620 = arith.addi %mul3A_618, %add3A_619 : i32
        %get3A_621 = arith.index_cast %add3A_620 : i32 to index
        %get3A_622 = arith.constant 80 : index
        %get3A_623 = tpu.vector_load %arg12[%get3A_621, %get3A_622] {strides = array<i32>} : memref<128x128xf32, #tpu.memory_space<vmem>>, vector<16xf32>,
        %add3A_624 = arith.addf %get3A_616, %get3A_623 : vector<16xf32>
        %mul3A_625 = arith.constant 2 : i32
        %mul3A_626 = arith.muli %mul3A_625, %scan3A_325 : i32
        %add3A_627 = arith.constant 1 : i32
        %add3A_628 = arith.addi %mul3A_626, %add3A_627 : i32
        %swap3A_629 = arith.index_cast %add3A_628 : i32 to index
        %swap3A_630 = arith.constant 80 : index
        %swap3A_631 = tpu.vector_load %arg11[%swap3A_629, %swap3A_630] {strides = array<i32>} : memref<128x128xf32, #tpu.memory_space<vmem>>, vector<16xf32>,
        tpu.vector_store %arg11[%swap3A_629, %swap3A_630], %add3A_624 {strides = array<i32>} : memref<128x128xf32, #tpu.memory_space<vmem>>, vector<16xf32>,
        %mul3A_632 = arith.constant 2 : i32
        %mul3A_633 = arith.muli %mul3A_632, %scan3A_325 : i32
        %add3A_634 = arith.constant 1 : i32
        %add3A_635 = arith.addi %mul3A_633, %add3A_634 : i32
        %get3A_636 = arith.index_cast %add3A_635 : i32 to index
        %get3A_637 = arith.constant 96 : index
        %get3A_638 = tpu.vector_load %arg11[%get3A_636, %get3A_637] {strides = array<i32>} : memref<128x128xf32, #tpu.memory_space<vmem>>, vector<16xf32>,
        %mul3A_639 = arith.constant 2 : i32
        %mul3A_640 = arith.muli %mul3A_639, %scan3A_325 : i32
        %add3A_641 = arith.constant 1 : i32
        %add3A_642 = arith.addi %mul3A_640, %add3A_641 : i32
        %get3A_643 = arith.index_cast %add3A_642 : i32 to index
        %get3A_644 = arith.constant 96 : index
        %get3A_645 = tpu.vector_load %arg12[%get3A_643, %get3A_644] {strides = array<i32>} : memref<128x128xf32, #tpu.memory_space<vmem>>, vector<16xf32>,
        %add3A_646 = arith.addf %get3A_638, %get3A_645 : vector<16xf32>
        %mul3A_647 = arith.constant 2 : i32
        %mul3A_648 = arith.muli %mul3A_647, %scan3A_325 : i32
        %add3A_649 = arith.constant 1 : i32
        %add3A_650 = arith.addi %mul3A_648, %add3A_649 : i32
        %swap3A_651 = arith.index_cast %add3A_650 : i32 to index
        %swap3A_652 = arith.constant 96 : index
        %swap3A_653 = tpu.vector_load %arg11[%swap3A_651, %swap3A_652] {strides = array<i32>} : memref<128x128xf32, #tpu.memory_space<vmem>>, vector<16xf32>,
        tpu.vector_store %arg11[%swap3A_651, %swap3A_652], %add3A_646 {strides = array<i32>} : memref<128x128xf32, #tpu.memory_space<vmem>>, vector<16xf32>,
        %mul3A_654 = arith.constant 2 : i32
        %mul3A_655 = arith.muli %mul3A_654, %scan3A_325 : i32
        %add3A_656 = arith.constant 1 : i32
        %add3A_657 = arith.addi %mul3A_655, %add3A_656 : i32
        %get3A_658 = arith.index_cast %add3A_657 : i32 to index
        %get3A_659 = arith.constant 112 : index
        %get3A_660 = tpu.vector_load %arg11[%get3A_658, %get3A_659] {strides = array<i32>} : memref<128x128xf32, #tpu.memory_space<vmem>>, vector<16xf32>,
        %mul3A_661 = arith.constant 2 : i32
        %mul3A_662 = arith.muli %mul3A_661, %scan3A_325 : i32
        %add3A_663 = arith.constant 1 : i32
        %add3A_664 = arith.addi %mul3A_662, %add3A_663 : i32
        %get3A_665 = arith.index_cast %add3A_664 : i32 to index
        %get3A_666 = arith.constant 112 : index
        %get3A_667 = tpu.vector_load %arg12[%get3A_665, %get3A_666] {strides = array<i32>} : memref<128x128xf32, #tpu.memory_space<vmem>>, vector<16xf32>,
        %add3A_668 = arith.addf %get3A_660, %get3A_667 : vector<16xf32>
        %mul3A_669 = arith.constant 2 : i32
        %mul3A_670 = arith.muli %mul3A_669, %scan3A_325 : i32
        %add3A_671 = arith.constant 1 : i32
        %add3A_672 = arith.addi %mul3A_670, %add3A_671 : i32
        %swap3A_673 = arith.index_cast %add3A_672 : i32 to index
        %swap3A_674 = arith.constant 112 : index
        %swap3A_675 = tpu.vector_load %arg11[%swap3A_673, %swap3A_674] {strides = array<i32>} : memref<128x128xf32, #tpu.memory_space<vmem>>, vector<16xf32>,
        tpu.vector_store %arg11[%swap3A_673, %swap3A_674], %add3A_668 {strides = array<i32>} : memref<128x128xf32, #tpu.memory_space<vmem>>, vector<16xf32>,
      }
      %scan3A_295 = arith.constant 64 : i32
      %mul3A_296 = arith.constant 5000 : i32
      %mul3A_297 = arith.muli %add3A, %mul3A_296 : i32
      %mul3A_298 = arith.constant 128 : i32
      %mul3A_299 = arith.muli %add3A_277, %mul3A_298 : i32
      %add3A_300 = arith.addi %mul3A_297, %mul3A_299 : i32
      %dma_start3A_301 = arith.constant 0 : i32
      %dma_start3A_302 = tpu.memref_slice %arg6[%add3A_300, %dma_start3A_301] : memref<160000x128xf32, #tpu.memory_space<hbm>> -> memref<128x128xf32, #tpu.memory_space<hbm>>
      %dma_start3A_303 = arith.constant 0 : i32
      %dma_start3A_304 = tpu.memref_slice %arg6[%add3A_300, %dma_start3A_303] : memref<160000x128xf32, #tpu.memory_space<hbm>> -> memref<128x128xf32, #tpu.memory_space<hbm>>
      tpu.enqueue_dma source(%arg11 : memref<128x128xf32, #tpu.memory_space<vmem>>) target(%dma_start3A_304 : memref<128x128xf32, #tpu.memory_space<hbm>>) target_semaphore(%arg19 : memref<!tpu.dma_semaphore, #tpu.memory_space<semaphore_mem>>)
      %dma_wait3A_305 = arith.constant 0 : i32
      %dma_wait3A_306 = arith.constant 0 : i32
      %dma_wait3A_307 = tpu.memref_slice %arg2[%dma_wait3A_305, %dma_wait3A_306] : memref<10240x128xf32, #tpu.memory_space<hbm>> -> memref<128x128xf32, #tpu.memory_space<hbm>>
      %dma_wait3A_308 = arith.constant 0 : i32
      %dma_wait3A_309 = arith.constant 0 : i32
      %dma_wait3A_310 = tpu.memref_slice %arg2[%dma_wait3A_308, %dma_wait3A_309] : memref<10240x128xf32, #tpu.memory_space<hbm>> -> memref<128x128xf32, #tpu.memory_space<hbm>>
      tpu.wait_dma2 semaphore(%arg18 : memref<!tpu.dma_semaphore, #tpu.memory_space<semaphore_mem>>) src(%dma_wait3A_310 : memref<128x128xf32, #tpu.memory_space<hbm>>) dst(%arg9 : memref<128x128xf32, #tpu.memory_space<vmem>>)
      %add3A_311 = arith.constant 3 : i32
      %add3A_312 = arith.addi %mul3A_180, %add3A_311 : i32
      %dma_start3A_313 = arith.constant 0 : i32
      %dma_start3A_314 = tpu.memref_slice %arg7[%add3A_312, %dma_start3A_313] : memref<40x128xi32, #tpu.memory_space<vmem>> -> memref<1x128xi32, #tpu.memory_space<vmem>>
      %dma_start3A_315 = tpu.memref_squeeze %dma_start3A_314 : memref<1x128xi32, #tpu.memory_space<vmem>> -> memref<128xi32, #tpu.memory_space<vmem>>
      %dma_start3A_316 = arith.constant 0 : i32
      %dma_start3A_317 = arith.constant 0 : i32
      %dma_start3A_318 = tpu.memref_slice %arg2[%dma_start3A_316, %dma_start3A_317] : memref<10240x128xf32, #tpu.memory_space<hbm>> -> memref<10240x128xf32, #tpu.memory_space<hbm>>
      tpu.enqueue_indirect_dma source(%dma_start3A_318 : memref<10240x128xf32, #tpu.memory_space<hbm>>) target(%arg9 : memref<128x128xf32, #tpu.memory_space<vmem>>) offsets(%dma_start3A_315 : memref<128xi32, #tpu.memory_space<vmem>>) semaphore(%arg15 : memref<!tpu.dma_semaphore, #tpu.memory_space<semaphore_mem>>)
      %dma_start3A_319 = arith.constant 0 : i32
      %dma_start3A_320 = tpu.memref_slice %arg8[%add3A_312, %dma_start3A_319] : memref<40x128xi32, #tpu.memory_space<vmem>> -> memref<1x128xi32, #tpu.memory_space<vmem>>
      %dma_start3A_321 = tpu.memref_squeeze %dma_start3A_320 : memref<1x128xi32, #tpu.memory_space<vmem>> -> memref<128xi32, #tpu.memory_space<vmem>>
      %dma_start3A_322 = arith.constant 0 : i32
      %dma_start3A_323 = arith.constant 0 : i32
      %dma_start3A_324 = tpu.memref_slice %arg3[%dma_start3A_322, %dma_start3A_323] : memref<10240x128xf32, #tpu.memory_space<hbm>> -> memref<10240x128xf32, #tpu.memory_space<hbm>>
      tpu.enqueue_indirect_dma source(%dma_start3A_324 : memref<10240x128xf32, #tpu.memory_space<hbm>>) target(%arg10 : memref<128x128xf32, #tpu.memory_space<vmem>>) offsets(%dma_start3A_321 : memref<128xi32, #tpu.memory_space<vmem>>) semaphore(%arg15 : memref<!tpu.dma_semaphore, #tpu.memory_space<semaphore_mem>>)
    }
    %scan3A_117 = arith.constant 12 : i32
    %dma_wait3A_118 = arith.constant 0 : i32
    %dma_wait3A_119 = arith.constant 0 : i32
    %dma_wait3A_120 = tpu.memref_slice %arg2[%dma_wait3A_118, %dma_wait3A_119] : memref<10240x128xf32, #tpu.memory_space<hbm>> -> memref<128x128xf32, #tpu.memory_space<hbm>>
    %dma_wait3A_121 = arith.constant 0 : i32
    %dma_wait3A_122 = arith.constant 0 : i32
    %dma_wait3A_123 = tpu.memref_slice %arg2[%dma_wait3A_121, %dma_wait3A_122] : memref<10240x128xf32, #tpu.memory_space<hbm>> -> memref<128x128xf32, #tpu.memory_space<hbm>>
    tpu.wait_dma2 semaphore(%arg17 : memref<!tpu.dma_semaphore, #tpu.memory_space<semaphore_mem>>) src(%dma_wait3A_123 : memref<128x128xf32, #tpu.memory_space<hbm>>) dst(%arg13 : memref<128x128xf32, #tpu.memory_space<vmem>>)
    %dma_wait3A_124 = arith.constant 0 : i32
    %dma_wait3A_125 = arith.constant 0 : i32
    %dma_wait3A_126 = tpu.memref_slice %arg2[%dma_wait3A_124, %dma_wait3A_125] : memref<10240x128xf32, #tpu.memory_space<hbm>> -> memref<128x128xf32, #tpu.memory_space<hbm>>
    %dma_wait3A_127 = arith.constant 0 : i32
    %dma_wait3A_128 = arith.constant 0 : i32
    %dma_wait3A_129 = tpu.memref_slice %arg2[%dma_wait3A_127, %dma_wait3A_128] : memref<10240x128xf32, #tpu.memory_space<hbm>> -> memref<128x128xf32, #tpu.memory_space<hbm>>
    tpu.wait_dma2 semaphore(%arg17 : memref<!tpu.dma_semaphore, #tpu.memory_space<semaphore_mem>>) src(%dma_wait3A_129 : memref<128x128xf32, #tpu.memory_space<hbm>>) dst(%arg14 : memref<128x128xf32, #tpu.memory_space<vmem>>)
    %scan3A_130 = arith.constant 0 : i32
    %scan3A_131 = arith.constant 0 : i32
    %scan3A_132 = arith.constant 64 : i32
    %scan3A_133 = arith.addi %scan3A_131, %scan3A_132 : i32
    %scan3A_134 = arith.constant 1 : i32
    scf.for %scan3A_178 = %scan3A_131 to %scan3A_133 step %scan3A_134  : i32 {
      %mul3A_179 = arith.constant 2 : i32
      %mul3A_180 = arith.muli %mul3A_179, %scan3A_178 : i32
      %add3A_181 = arith.constant 0 : i32
      %add3A_182 = arith.addi %mul3A_180, %add3A_181 : i32
      %get3A = arith.index_cast %add3A_182 : i32 to index
      %get3A_183 = arith.constant 0 : index
      %get3A_184 = tpu.vector_load %arg13[%get3A, %get3A_183] {strides = array<i32>} : memref<128x128xf32, #tpu.memory_space<vmem>>, vector<16xf32>,
      %mul3A_185 = arith.constant 2 : i32
      %mul3A_186 = arith.muli %mul3A_185, %scan3A_178 : i32
      %add3A_187 = arith.constant 0 : i32
      %add3A_188 = arith.addi %mul3A_186, %add3A_187 : i32
      %get3A_189 = arith.index_cast %add3A_188 : i32 to index
      %get3A_190 = arith.constant 0 : index
      %get3A_191 = tpu.vector_load %arg14[%get3A_189, %get3A_190] {strides = array<i32>} : memref<128x128xf32, #tpu.memory_space<vmem>>, vector<16xf32>,
      %add3A_192 = arith.addf %get3A_184, %get3A_191 : vector<16xf32>
      %mul3A_193 = arith.constant 2 : i32
      %mul3A_194 = arith.muli %mul3A_193, %scan3A_178 : i32
      %add3A_195 = arith.constant 0 : i32
      %add3A_196 = arith.addi %mul3A_194, %add3A_195 : i32
      %swap3A = arith.index_cast %add3A_196 : i32 to index
      %swap3A_197 = arith.constant 0 : index
      %swap3A_198 = tpu.vector_load %arg13[%swap3A, %swap3A_197] {strides = array<i32>} : memref<128x128xf32, #tpu.memory_space<vmem>>, vector<16xf32>,
      tpu.vector_store %arg13[%swap3A, %swap3A_197], %add3A_192 {strides = array<i32>} : memref<128x128xf32, #tpu.memory_space<vmem>>, vector<16xf32>,
      %mul3A_199 = arith.constant 2 : i32
      %mul3A_200 = arith.muli %mul3A_199, %scan3A_178 : i32
      %add3A_201 = arith.constant 0 : i32
      %add3A_202 = arith.addi %mul3A_200, %add3A_201 : i32
      %get3A_203 = arith.index_cast %add3A_202 : i32 to index
      %get3A_204 = arith.constant 16 : index
      %get3A_205 = tpu.vector_load %arg13[%get3A_203, %get3A_204] {strides = array<i32>} : memref<128x128xf32, #tpu.memory_space<vmem>>, vector<16xf32>,
      %mul3A_206 = arith.constant 2 : i32
      %mul3A_207 = arith.muli %mul3A_206, %scan3A_178 : i32
      %add3A_208 = arith.constant 0 : i32
      %add3A_209 = arith.addi %mul3A_207, %add3A_208 : i32
      %get3A_210 = arith.index_cast %add3A_209 : i32 to index
      %get3A_211 = arith.constant 16 : index
      %get3A_212 = tpu.vector_load %arg14[%get3A_210, %get3A_211] {strides = array<i32>} : memref<128x128xf32, #tpu.memory_space<vmem>>, vector<16xf32>,
      %add3A_213 = arith.addf %get3A_205, %get3A_212 : vector<16xf32>
      %mul3A_214 = arith.constant 2 : i32
      %mul3A_215 = arith.muli %mul3A_214, %scan3A_178 : i32
      %add3A_216 = arith.constant 0 : i32
      %add3A_217 = arith.addi %mul3A_215, %add3A_216 : i32
      %swap3A_218 = arith.index_cast %add3A_217 : i32 to index
      %swap3A_219 = arith.constant 16 : index
      %swap3A_220 = tpu.vector_load %arg13[%swap3A_218, %swap3A_219] {strides = array<i32>} : memref<128x128xf32, #tpu.memory_space<vmem>>, vector<16xf32>,
      tpu.vector_store %arg13[%swap3A_218, %swap3A_219], %add3A_213 {strides = array<i32>} : memref<128x128xf32, #tpu.memory_space<vmem>>, vector<16xf32>,
      %mul3A_221 = arith.constant 2 : i32
      %mul3A_222 = arith.muli %mul3A_221, %scan3A_178 : i32
      %add3A_223 = arith.constant 0 : i32
      %add3A_224 = arith.addi %mul3A_222, %add3A_223 : i32
      %get3A_225 = arith.index_cast %add3A_224 : i32 to index
      %get3A_226 = arith.constant 32 : index
      %get3A_227 = tpu.vector_load %arg13[%get3A_225, %get3A_226] {strides = array<i32>} : memref<128x128xf32, #tpu.memory_space<vmem>>, vector<16xf32>,
      %mul3A_228 = arith.constant 2 : i32
      %mul3A_229 = arith.muli %mul3A_228, %scan3A_178 : i32
      %add3A_230 = arith.constant 0 : i32
      %add3A_231 = arith.addi %mul3A_229, %add3A_230 : i32
      %get3A_232 = arith.index_cast %add3A_231 : i32 to index
      %get3A_233 = arith.constant 32 : index
      %get3A_234 = tpu.vector_load %arg14[%get3A_232, %get3A_233] {strides = array<i32>} : memref<128x128xf32, #tpu.memory_space<vmem>>, vector<16xf32>,
      %add3A_235 = arith.addf %get3A_227, %get3A_234 : vector<16xf32>
      %mul3A_236 = arith.constant 2 : i32
      %mul3A_237 = arith.muli %mul3A_236, %scan3A_178 : i32
      %add3A_238 = arith.constant 0 : i32
      %add3A_239 = arith.addi %mul3A_237, %add3A_238 : i32
      %swap3A_240 = arith.index_cast %add3A_239 : i32 to index
      %swap3A_241 = arith.constant 32 : index
      %swap3A_242 = tpu.vector_load %arg13[%swap3A_240, %swap3A_241] {strides = array<i32>} : memref<128x128xf32, #tpu.memory_space<vmem>>, vector<16xf32>,
      tpu.vector_store %arg13[%swap3A_240, %swap3A_241], %add3A_235 {strides = array<i32>} : memref<128x128xf32, #tpu.memory_space<vmem>>, vector<16xf32>,
      %mul3A_243 = arith.constant 2 : i32
      %mul3A_244 = arith.muli %mul3A_243, %scan3A_178 : i32
      %add3A_245 = arith.constant 0 : i32
      %add3A_246 = arith.addi %mul3A_244, %add3A_245 : i32
      %get3A_247 = arith.index_cast %add3A_246 : i32 to index
      %get3A_248 = arith.constant 48 : index
      %get3A_249 = tpu.vector_load %arg13[%get3A_247, %get3A_248] {strides = array<i32>} : memref<128x128xf32, #tpu.memory_space<vmem>>, vector<16xf32>,
      %mul3A_250 = arith.constant 2 : i32
      %mul3A_251 = arith.muli %mul3A_250, %scan3A_178 : i32
      %add3A_252 = arith.constant 0 : i32
      %add3A_253 = arith.addi %mul3A_251, %add3A_252 : i32
      %get3A_254 = arith.index_cast %add3A_253 : i32 to index
      %get3A_255 = arith.constant 48 : index
      %get3A_256 = tpu.vector_load %arg14[%get3A_254, %get3A_255] {strides = array<i32>} : memref<128x128xf32, #tpu.memory_space<vmem>>, vector<16xf32>,
      %add3A_257 = arith.addf %get3A_249, %get3A_256 : vector<16xf32>
      %mul3A_258 = arith.constant 2 : i32
      %mul3A_259 = arith.muli %mul3A_258, %scan3A_178 : i32
      %add3A_260 = arith.constant 0 : i32
      %add3A_261 = arith.addi %mul3A_259, %add3A_260 : i32
      %swap3A_262 = arith.index_cast %add3A_261 : i32 to index
      %swap3A_263 = arith.constant 48 : index
      %swap3A_264 = tpu.vector_load %arg13[%swap3A_262, %swap3A_263] {strides = array<i32>} : memref<128x128xf32, #tpu.memory_space<vmem>>, vector<16xf32>,
      tpu.vector_store %arg13[%swap3A_262, %swap3A_263], %add3A_257 {strides = array<i32>} : memref<128x128xf32, #tpu.memory_space<vmem>>, vector<16xf32>,
      %mul3A_265 = arith.constant 2 : i32
      %mul3A_266 = arith.muli %mul3A_265, %scan3A_178 : i32
      %add3A_267 = arith.constant 0 : i32
      %add3A_268 = arith.addi %mul3A_266, %add3A_267 : i32
      %get3A_269 = arith.index_cast %add3A_268 : i32 to index
      %get3A_270 = arith.constant 64 : index
      %get3A_271 = tpu.vector_load %arg13[%get3A_269, %get3A_270] {strides = array<i32>} : memref<128x128xf32, #tpu.memory_space<vmem>>, vector<16xf32>,
      %mul3A_272 = arith.constant 2 : i32
      %mul3A_273 = arith.muli %mul3A_272, %scan3A_178 : i32
      %add3A_274 = arith.constant 0 : i32
      %add3A_275 = arith.addi %mul3A_273, %add3A_274 : i32
      %get3A_276 = arith.index_cast %add3A_275 : i32 to index
      %get3A_277 = arith.constant 64 : index
      %get3A_278 = tpu.vector_load %arg14[%get3A_276, %get3A_277] {strides = array<i32>} : memref<128x128xf32, #tpu.memory_space<vmem>>, vector<16xf32>,
      %add3A_279 = arith.addf %get3A_271, %get3A_278 : vector<16xf32>
      %mul3A_280 = arith.constant 2 : i32
      %mul3A_281 = arith.muli %mul3A_280, %scan3A_178 : i32
      %add3A_282 = arith.constant 0 : i32
      %add3A_283 = arith.addi %mul3A_281, %add3A_282 : i32
      %swap3A_284 = arith.index_cast %add3A_283 : i32 to index
      %swap3A_285 = arith.constant 64 : index
      %swap3A_286 = tpu.vector_load %arg13[%swap3A_284, %swap3A_285] {strides = array<i32>} : memref<128x128xf32, #tpu.memory_space<vmem>>, vector<16xf32>,
      tpu.vector_store %arg13[%swap3A_284, %swap3A_285], %add3A_279 {strides = array<i32>} : memref<128x128xf32, #tpu.memory_space<vmem>>, vector<16xf32>,
      %mul3A_287 = arith.constant 2 : i32
      %mul3A_288 = arith.muli %mul3A_287, %scan3A_178 : i32
      %add3A_289 = arith.constant 0 : i32
      %add3A_290 = arith.addi %mul3A_288, %add3A_289 : i32
      %get3A_291 = arith.index_cast %add3A_290 : i32 to index
      %get3A_292 = arith.constant 80 : index
      %get3A_293 = tpu.vector_load %arg13[%get3A_291, %get3A_292] {strides = array<i32>} : memref<128x128xf32, #tpu.memory_space<vmem>>, vector<16xf32>,
      %mul3A_294 = arith.constant 2 : i32
      %mul3A_295 = arith.muli %mul3A_294, %scan3A_178 : i32
      %add3A_296 = arith.constant 0 : i32
      %add3A_297 = arith.addi %mul3A_295, %add3A_296 : i32
      %get3A_298 = arith.index_cast %add3A_297 : i32 to index
      %get3A_299 = arith.constant 80 : index
      %get3A_300 = tpu.vector_load %arg14[%get3A_298, %get3A_299] {strides = array<i32>} : memref<128x128xf32, #tpu.memory_space<vmem>>, vector<16xf32>,
      %add3A_301 = arith.addf %get3A_293, %get3A_300 : vector<16xf32>
      %mul3A_302 = arith.constant 2 : i32
      %mul3A_303 = arith.muli %mul3A_302, %scan3A_178 : i32
      %add3A_304 = arith.constant 0 : i32
      %add3A_305 = arith.addi %mul3A_303, %add3A_304 : i32
      %swap3A_306 = arith.index_cast %add3A_305 : i32 to index
      %swap3A_307 = arith.constant 80 : index
      %swap3A_308 = tpu.vector_load %arg13[%swap3A_306, %swap3A_307] {strides = array<i32>} : memref<128x128xf32, #tpu.memory_space<vmem>>, vector<16xf32>,
      tpu.vector_store %arg13[%swap3A_306, %swap3A_307], %add3A_301 {strides = array<i32>} : memref<128x128xf32, #tpu.memory_space<vmem>>, vector<16xf32>,
      %mul3A_309 = arith.constant 2 : i32
      %mul3A_310 = arith.muli %mul3A_309, %scan3A_178 : i32
      %add3A_311 = arith.constant 0 : i32
      %add3A_312 = arith.addi %mul3A_310, %add3A_311 : i32
      %get3A_313 = arith.index_cast %add3A_312 : i32 to index
      %get3A_314 = arith.constant 96 : index
      %get3A_315 = tpu.vector_load %arg13[%get3A_313, %get3A_314] {strides = array<i32>} : memref<128x128xf32, #tpu.memory_space<vmem>>, vector<16xf32>,
      %mul3A_316 = arith.constant 2 : i32
      %mul3A_317 = arith.muli %mul3A_316, %scan3A_178 : i32
      %add3A_318 = arith.constant 0 : i32
      %add3A_319 = arith.addi %mul3A_317, %add3A_318 : i32
      %get3A_320 = arith.index_cast %add3A_319 : i32 to index
      %get3A_321 = arith.constant 96 : index
      %get3A_322 = tpu.vector_load %arg14[%get3A_320, %get3A_321] {strides = array<i32>} : memref<128x128xf32, #tpu.memory_space<vmem>>, vector<16xf32>,
      %add3A_323 = arith.addf %get3A_315, %get3A_322 : vector<16xf32>
      %mul3A_324 = arith.constant 2 : i32
      %mul3A_325 = arith.muli %mul3A_324, %scan3A_178 : i32
      %add3A_326 = arith.constant 0 : i32
      %add3A_327 = arith.addi %mul3A_325, %add3A_326 : i32
      %swap3A_328 = arith.index_cast %add3A_327 : i32 to index
      %swap3A_329 = arith.constant 96 : index
      %swap3A_330 = tpu.vector_load %arg13[%swap3A_328, %swap3A_329] {strides = array<i32>} : memref<128x128xf32, #tpu.memory_space<vmem>>, vector<16xf32>,
      tpu.vector_store %arg13[%swap3A_328, %swap3A_329], %add3A_323 {strides = array<i32>} : memref<128x128xf32, #tpu.memory_space<vmem>>, vector<16xf32>,
      %mul3A_331 = arith.constant 2 : i32
      %mul3A_332 = arith.muli %mul3A_331, %scan3A_178 : i32
      %add3A_333 = arith.constant 0 : i32
      %add3A_334 = arith.addi %mul3A_332, %add3A_333 : i32
      %get3A_335 = arith.index_cast %add3A_334 : i32 to index
      %get3A_336 = arith.constant 112 : index
      %get3A_337 = tpu.vector_load %arg13[%get3A_335, %get3A_336] {strides = array<i32>} : memref<128x128xf32, #tpu.memory_space<vmem>>, vector<16xf32>,
      %mul3A_338 = arith.constant 2 : i32
      %mul3A_339 = arith.muli %mul3A_338, %scan3A_178 : i32
      %add3A_340 = arith.constant 0 : i32
      %add3A_341 = arith.addi %mul3A_339, %add3A_340 : i32
      %get3A_342 = arith.index_cast %add3A_341 : i32 to index
      %get3A_343 = arith.constant 112 : index
      %get3A_344 = tpu.vector_load %arg14[%get3A_342, %get3A_343] {strides = array<i32>} : memref<128x128xf32, #tpu.memory_space<vmem>>, vector<16xf32>,
      %add3A_345 = arith.addf %get3A_337, %get3A_344 : vector<16xf32>
      %mul3A_346 = arith.constant 2 : i32
      %mul3A_347 = arith.muli %mul3A_346, %scan3A_178 : i32
      %add3A_348 = arith.constant 0 : i32
      %add3A_349 = arith.addi %mul3A_347, %add3A_348 : i32
      %swap3A_350 = arith.index_cast %add3A_349 : i32 to index
      %swap3A_351 = arith.constant 112 : index
      %swap3A_352 = tpu.vector_load %arg13[%swap3A_350, %swap3A_351] {strides = array<i32>} : memref<128x128xf32, #tpu.memory_space<vmem>>, vector<16xf32>,
      tpu.vector_store %arg13[%swap3A_350, %swap3A_351], %add3A_345 {strides = array<i32>} : memref<128x128xf32, #tpu.memory_space<vmem>>, vector<16xf32>,
      %mul3A_353 = arith.constant 2 : i32
      %mul3A_354 = arith.muli %mul3A_353, %scan3A_178 : i32
      %add3A_355 = arith.constant 1 : i32
      %add3A_356 = arith.addi %mul3A_354, %add3A_355 : i32
      %get3A_357 = arith.index_cast %add3A_356 : i32 to index
      %get3A_358 = arith.constant 0 : index
      %get3A_359 = tpu.vector_load %arg13[%get3A_357, %get3A_358] {strides = array<i32>} : memref<128x128xf32, #tpu.memory_space<vmem>>, vector<16xf32>,
      %mul3A_360 = arith.constant 2 : i32
      %mul3A_361 = arith.muli %mul3A_360, %scan3A_178 : i32
      %add3A_362 = arith.constant 1 : i32
      %add3A_363 = arith.addi %mul3A_361, %add3A_362 : i32
      %get3A_364 = arith.index_cast %add3A_363 : i32 to index
      %get3A_365 = arith.constant 0 : index
      %get3A_366 = tpu.vector_load %arg14[%get3A_364, %get3A_365] {strides = array<i32>} : memref<128x128xf32, #tpu.memory_space<vmem>>, vector<16xf32>,
      %add3A_367 = arith.addf %get3A_359, %get3A_366 : vector<16xf32>
      %mul3A_368 = arith.constant 2 : i32
      %mul3A_369 = arith.muli %mul3A_368, %scan3A_178 : i32
      %add3A_370 = arith.constant 1 : i32
      %add3A_371 = arith.addi %mul3A_369, %add3A_370 : i32
      %swap3A_372 = arith.index_cast %add3A_371 : i32 to index
      %swap3A_373 = arith.constant 0 : index
      %swap3A_374 = tpu.vector_load %arg13[%swap3A_372, %swap3A_373] {strides = array<i32>} : memref<128x128xf32, #tpu.memory_space<vmem>>, vector<16xf32>,
      tpu.vector_store %arg13[%swap3A_372, %swap3A_373], %add3A_367 {strides = array<i32>} : memref<128x128xf32, #tpu.memory_space<vmem>>, vector<16xf32>,
      %mul3A_375 = arith.constant 2 : i32
      %mul3A_376 = arith.muli %mul3A_375, %scan3A_178 : i32
      %add3A_377 = arith.constant 1 : i32
      %add3A_378 = arith.addi %mul3A_376, %add3A_377 : i32
      %get3A_379 = arith.index_cast %add3A_378 : i32 to index
      %get3A_380 = arith.constant 16 : index
      %get3A_381 = tpu.vector_load %arg13[%get3A_379, %get3A_380] {strides = array<i32>} : memref<128x128xf32, #tpu.memory_space<vmem>>, vector<16xf32>,
      %mul3A_382 = arith.constant 2 : i32
      %mul3A_383 = arith.muli %mul3A_382, %scan3A_178 : i32
      %add3A_384 = arith.constant 1 : i32
      %add3A_385 = arith.addi %mul3A_383, %add3A_384 : i32
      %get3A_386 = arith.index_cast %add3A_385 : i32 to index
      %get3A_387 = arith.constant 16 : index
      %get3A_388 = tpu.vector_load %arg14[%get3A_386, %get3A_387] {strides = array<i32>} : memref<128x128xf32, #tpu.memory_space<vmem>>, vector<16xf32>,
      %add3A_389 = arith.addf %get3A_381, %get3A_388 : vector<16xf32>
      %mul3A_390 = arith.constant 2 : i32
      %mul3A_391 = arith.muli %mul3A_390, %scan3A_178 : i32
      %add3A_392 = arith.constant 1 : i32
      %add3A_393 = arith.addi %mul3A_391, %add3A_392 : i32
      %swap3A_394 = arith.index_cast %add3A_393 : i32 to index
      %swap3A_395 = arith.constant 16 : index
      %swap3A_396 = tpu.vector_load %arg13[%swap3A_394, %swap3A_395] {strides = array<i32>} : memref<128x128xf32, #tpu.memory_space<vmem>>, vector<16xf32>,
      tpu.vector_store %arg13[%swap3A_394, %swap3A_395], %add3A_389 {strides = array<i32>} : memref<128x128xf32, #tpu.memory_space<vmem>>, vector<16xf32>,
      %mul3A_397 = arith.constant 2 : i32
      %mul3A_398 = arith.muli %mul3A_397, %scan3A_178 : i32
      %add3A_399 = arith.constant 1 : i32
      %add3A_400 = arith.addi %mul3A_398, %add3A_399 : i32
      %get3A_401 = arith.index_cast %add3A_400 : i32 to index
      %get3A_402 = arith.constant 32 : index
      %get3A_403 = tpu.vector_load %arg13[%get3A_401, %get3A_402] {strides = array<i32>} : memref<128x128xf32, #tpu.memory_space<vmem>>, vector<16xf32>,
      %mul3A_404 = arith.constant 2 : i32
      %mul3A_405 = arith.muli %mul3A_404, %scan3A_178 : i32
      %add3A_406 = arith.constant 1 : i32
      %add3A_407 = arith.addi %mul3A_405, %add3A_406 : i32
      %get3A_408 = arith.index_cast %add3A_407 : i32 to index
      %get3A_409 = arith.constant 32 : index
      %get3A_410 = tpu.vector_load %arg14[%get3A_408, %get3A_409] {strides = array<i32>} : memref<128x128xf32, #tpu.memory_space<vmem>>, vector<16xf32>,
      %add3A_411 = arith.addf %get3A_403, %get3A_410 : vector<16xf32>
      %mul3A_412 = arith.constant 2 : i32
      %mul3A_413 = arith.muli %mul3A_412, %scan3A_178 : i32
      %add3A_414 = arith.constant 1 : i32
      %add3A_415 = arith.addi %mul3A_413, %add3A_414 : i32
      %swap3A_416 = arith.index_cast %add3A_415 : i32 to index
      %swap3A_417 = arith.constant 32 : index
      %swap3A_418 = tpu.vector_load %arg13[%swap3A_416, %swap3A_417] {strides = array<i32>} : memref<128x128xf32, #tpu.memory_space<vmem>>, vector<16xf32>,
      tpu.vector_store %arg13[%swap3A_416, %swap3A_417], %add3A_411 {strides = array<i32>} : memref<128x128xf32, #tpu.memory_space<vmem>>, vector<16xf32>,
      %mul3A_419 = arith.constant 2 : i32
      %mul3A_420 = arith.muli %mul3A_419, %scan3A_178 : i32
      %add3A_421 = arith.constant 1 : i32
      %add3A_422 = arith.addi %mul3A_420, %add3A_421 : i32
      %get3A_423 = arith.index_cast %add3A_422 : i32 to index
      %get3A_424 = arith.constant 48 : index
      %get3A_425 = tpu.vector_load %arg13[%get3A_423, %get3A_424] {strides = array<i32>} : memref<128x128xf32, #tpu.memory_space<vmem>>, vector<16xf32>,
      %mul3A_426 = arith.constant 2 : i32
      %mul3A_427 = arith.muli %mul3A_426, %scan3A_178 : i32
      %add3A_428 = arith.constant 1 : i32
      %add3A_429 = arith.addi %mul3A_427, %add3A_428 : i32
      %get3A_430 = arith.index_cast %add3A_429 : i32 to index
      %get3A_431 = arith.constant 48 : index
      %get3A_432 = tpu.vector_load %arg14[%get3A_430, %get3A_431] {strides = array<i32>} : memref<128x128xf32, #tpu.memory_space<vmem>>, vector<16xf32>,
      %add3A_433 = arith.addf %get3A_425, %get3A_432 : vector<16xf32>
      %mul3A_434 = arith.constant 2 : i32
      %mul3A_435 = arith.muli %mul3A_434, %scan3A_178 : i32
      %add3A_436 = arith.constant 1 : i32
      %add3A_437 = arith.addi %mul3A_435, %add3A_436 : i32
      %swap3A_438 = arith.index_cast %add3A_437 : i32 to index
      %swap3A_439 = arith.constant 48 : index
      %swap3A_440 = tpu.vector_load %arg13[%swap3A_438, %swap3A_439] {strides = array<i32>} : memref<128x128xf32, #tpu.memory_space<vmem>>, vector<16xf32>,
      tpu.vector_store %arg13[%swap3A_438, %swap3A_439], %add3A_433 {strides = array<i32>} : memref<128x128xf32, #tpu.memory_space<vmem>>, vector<16xf32>,
      %mul3A_441 = arith.constant 2 : i32
      %mul3A_442 = arith.muli %mul3A_441, %scan3A_178 : i32
      %add3A_443 = arith.constant 1 : i32
      %add3A_444 = arith.addi %mul3A_442, %add3A_443 : i32
      %get3A_445 = arith.index_cast %add3A_444 : i32 to index
      %get3A_446 = arith.constant 64 : index
      %get3A_447 = tpu.vector_load %arg13[%get3A_445, %get3A_446] {strides = array<i32>} : memref<128x128xf32, #tpu.memory_space<vmem>>, vector<16xf32>,
      %mul3A_448 = arith.constant 2 : i32
      %mul3A_449 = arith.muli %mul3A_448, %scan3A_178 : i32
      %add3A_450 = arith.constant 1 : i32
      %add3A_451 = arith.addi %mul3A_449, %add3A_450 : i32
      %get3A_452 = arith.index_cast %add3A_451 : i32 to index
      %get3A_453 = arith.constant 64 : index
      %get3A_454 = tpu.vector_load %arg14[%get3A_452, %get3A_453] {strides = array<i32>} : memref<128x128xf32, #tpu.memory_space<vmem>>, vector<16xf32>,
      %add3A_455 = arith.addf %get3A_447, %get3A_454 : vector<16xf32>
      %mul3A_456 = arith.constant 2 : i32
      %mul3A_457 = arith.muli %mul3A_456, %scan3A_178 : i32
      %add3A_458 = arith.constant 1 : i32
      %add3A_459 = arith.addi %mul3A_457, %add3A_458 : i32
      %swap3A_460 = arith.index_cast %add3A_459 : i32 to index
      %swap3A_461 = arith.constant 64 : index
      %swap3A_462 = tpu.vector_load %arg13[%swap3A_460, %swap3A_461] {strides = array<i32>} : memref<128x128xf32, #tpu.memory_space<vmem>>, vector<16xf32>,
      tpu.vector_store %arg13[%swap3A_460, %swap3A_461], %add3A_455 {strides = array<i32>} : memref<128x128xf32, #tpu.memory_space<vmem>>, vector<16xf32>,
      %mul3A_463 = arith.constant 2 : i32
      %mul3A_464 = arith.muli %mul3A_463, %scan3A_178 : i32
      %add3A_465 = arith.constant 1 : i32
      %add3A_466 = arith.addi %mul3A_464, %add3A_465 : i32
      %get3A_467 = arith.index_cast %add3A_466 : i32 to index
      %get3A_468 = arith.constant 80 : index
      %get3A_469 = tpu.vector_load %arg13[%get3A_467, %get3A_468] {strides = array<i32>} : memref<128x128xf32, #tpu.memory_space<vmem>>, vector<16xf32>,
      %mul3A_470 = arith.constant 2 : i32
      %mul3A_471 = arith.muli %mul3A_470, %scan3A_178 : i32
      %add3A_472 = arith.constant 1 : i32
      %add3A_473 = arith.addi %mul3A_471, %add3A_472 : i32
      %get3A_474 = arith.index_cast %add3A_473 : i32 to index
      %get3A_475 = arith.constant 80 : index
      %get3A_476 = tpu.vector_load %arg14[%get3A_474, %get3A_475] {strides = array<i32>} : memref<128x128xf32, #tpu.memory_space<vmem>>, vector<16xf32>,
      %add3A_477 = arith.addf %get3A_469, %get3A_476 : vector<16xf32>
      %mul3A_478 = arith.constant 2 : i32
      %mul3A_479 = arith.muli %mul3A_478, %scan3A_178 : i32
      %add3A_480 = arith.constant 1 : i32
      %add3A_481 = arith.addi %mul3A_479, %add3A_480 : i32
      %swap3A_482 = arith.index_cast %add3A_481 : i32 to index
      %swap3A_483 = arith.constant 80 : index
      %swap3A_484 = tpu.vector_load %arg13[%swap3A_482, %swap3A_483] {strides = array<i32>} : memref<128x128xf32, #tpu.memory_space<vmem>>, vector<16xf32>,
      tpu.vector_store %arg13[%swap3A_482, %swap3A_483], %add3A_477 {strides = array<i32>} : memref<128x128xf32, #tpu.memory_space<vmem>>, vector<16xf32>,
      %mul3A_485 = arith.constant 2 : i32
      %mul3A_486 = arith.muli %mul3A_485, %scan3A_178 : i32
      %add3A_487 = arith.constant 1 : i32
      %add3A_488 = arith.addi %mul3A_486, %add3A_487 : i32
      %get3A_489 = arith.index_cast %add3A_488 : i32 to index
      %get3A_490 = arith.constant 96 : index
      %get3A_491 = tpu.vector_load %arg13[%get3A_489, %get3A_490] {strides = array<i32>} : memref<128x128xf32, #tpu.memory_space<vmem>>, vector<16xf32>,
      %mul3A_492 = arith.constant 2 : i32
      %mul3A_493 = arith.muli %mul3A_492, %scan3A_178 : i32
      %add3A_494 = arith.constant 1 : i32
      %add3A_495 = arith.addi %mul3A_493, %add3A_494 : i32
      %get3A_496 = arith.index_cast %add3A_495 : i32 to index
      %get3A_497 = arith.constant 96 : index
      %get3A_498 = tpu.vector_load %arg14[%get3A_496, %get3A_497] {strides = array<i32>} : memref<128x128xf32, #tpu.memory_space<vmem>>, vector<16xf32>,
      %add3A_499 = arith.addf %get3A_491, %get3A_498 : vector<16xf32>
      %mul3A_500 = arith.constant 2 : i32
      %mul3A_501 = arith.muli %mul3A_500, %scan3A_178 : i32
      %add3A_502 = arith.constant 1 : i32
      %add3A_503 = arith.addi %mul3A_501, %add3A_502 : i32
      %swap3A_504 = arith.index_cast %add3A_503 : i32 to index
      %swap3A_505 = arith.constant 96 : index
      %swap3A_506 = tpu.vector_load %arg13[%swap3A_504, %swap3A_505] {strides = array<i32>} : memref<128x128xf32, #tpu.memory_space<vmem>>, vector<16xf32>,
      tpu.vector_store %arg13[%swap3A_504, %swap3A_505], %add3A_499 {strides = array<i32>} : memref<128x128xf32, #tpu.memory_space<vmem>>, vector<16xf32>,
      %mul3A_507 = arith.constant 2 : i32
      %mul3A_508 = arith.muli %mul3A_507, %scan3A_178 : i32
      %add3A_509 = arith.constant 1 : i32
      %add3A_510 = arith.addi %mul3A_508, %add3A_509 : i32
      %get3A_511 = arith.index_cast %add3A_510 : i32 to index
      %get3A_512 = arith.constant 112 : index
      %get3A_513 = tpu.vector_load %arg13[%get3A_511, %get3A_512] {strides = array<i32>} : memref<128x128xf32, #tpu.memory_space<vmem>>, vector<16xf32>,
      %mul3A_514 = arith.constant 2 : i32
      %mul3A_515 = arith.muli %mul3A_514, %scan3A_178 : i32
      %add3A_516 = arith.constant 1 : i32
      %add3A_517 = arith.addi %mul3A_515, %add3A_516 : i32
      %get3A_518 = arith.index_cast %add3A_517 : i32 to index
      %get3A_519 = arith.constant 112 : index
      %get3A_520 = tpu.vector_load %arg14[%get3A_518, %get3A_519] {strides = array<i32>} : memref<128x128xf32, #tpu.memory_space<vmem>>, vector<16xf32>,
      %add3A_521 = arith.addf %get3A_513, %get3A_520 : vector<16xf32>
      %mul3A_522 = arith.constant 2 : i32
      %mul3A_523 = arith.muli %mul3A_522, %scan3A_178 : i32
      %add3A_524 = arith.constant 1 : i32
      %add3A_525 = arith.addi %mul3A_523, %add3A_524 : i32
      %swap3A_526 = arith.index_cast %add3A_525 : i32 to index
      %swap3A_527 = arith.constant 112 : index
      %swap3A_528 = tpu.vector_load %arg13[%swap3A_526, %swap3A_527] {strides = array<i32>} : memref<128x128xf32, #tpu.memory_space<vmem>>, vector<16xf32>,
      tpu.vector_store %arg13[%swap3A_526, %swap3A_527], %add3A_521 {strides = array<i32>} : memref<128x128xf32, #tpu.memory_space<vmem>>, vector<16xf32>,
    }
    %scan3A_135 = arith.constant 64 : i32
    %mul3A_136 = arith.constant 5000 : i32
    %mul3A_137 = arith.muli %add3A, %mul3A_136 : i32
    %add3A_138 = arith.constant 4864 : i32
    %add3A_139 = arith.addi %mul3A_137, %add3A_138 : i32
    %dma_start3A_140 = arith.constant 0 : i32
    %dma_start3A_141 = tpu.memref_slice %arg6[%add3A_139, %dma_start3A_140] : memref<160000x128xf32, #tpu.memory_space<hbm>> -> memref<128x128xf32, #tpu.memory_space<hbm>>
    %dma_start3A_142 = arith.constant 0 : i32
    %dma_start3A_143 = tpu.memref_slice %arg6[%add3A_139, %dma_start3A_142] : memref<160000x128xf32, #tpu.memory_space<hbm>> -> memref<128x128xf32, #tpu.memory_space<hbm>>
    tpu.enqueue_dma source(%arg13 : memref<128x128xf32, #tpu.memory_space<vmem>>) target(%dma_start3A_143 : memref<128x128xf32, #tpu.memory_space<hbm>>) target_semaphore(%arg20 : memref<!tpu.dma_semaphore, #tpu.memory_space<semaphore_mem>>)
    %dma_wait3A_144 = arith.constant 0 : i32
    %dma_wait3A_145 = arith.constant 0 : i32
    %dma_wait3A_146 = tpu.memref_slice %arg2[%dma_wait3A_144, %dma_wait3A_145] : memref<10240x128xf32, #tpu.memory_space<hbm>> -> memref<128x128xf32, #tpu.memory_space<hbm>>
    %dma_wait3A_147 = arith.constant 0 : i32
    %dma_wait3A_148 = arith.constant 0 : i32
    %dma_wait3A_149 = tpu.memref_slice %arg2[%dma_wait3A_147, %dma_wait3A_148] : memref<10240x128xf32, #tpu.memory_space<hbm>> -> memref<128x128xf32, #tpu.memory_space<hbm>>
    tpu.wait_dma2 semaphore(%arg15 : memref<!tpu.dma_semaphore, #tpu.memory_space<semaphore_mem>>) src(%dma_wait3A_149 : memref<128x128xf32, #tpu.memory_space<hbm>>) dst(%arg9 : memref<128x128xf32, #tpu.memory_space<vmem>>)
    %dma_wait3A_150 = arith.constant 0 : i32
    %dma_wait3A_151 = arith.constant 0 : i32
    %dma_wait3A_152 = tpu.memref_slice %arg2[%dma_wait3A_150, %dma_wait3A_151] : memref<10240x128xf32, #tpu.memory_space<hbm>> -> memref<128x128xf32, #tpu.memory_space<hbm>>
    %dma_wait3A_153 = arith.constant 0 : i32
    %dma_wait3A_154 = arith.constant 0 : i32
    %dma_wait3A_155 = tpu.memref_slice %arg2[%dma_wait3A_153, %dma_wait3A_154] : memref<10240x128xf32, #tpu.memory_space<hbm>> -> memref<128x128xf32, #tpu.memory_space<hbm>>
    tpu.wait_dma2 semaphore(%arg15 : memref<!tpu.dma_semaphore, #tpu.memory_space<semaphore_mem>>) src(%dma_wait3A_155 : memref<128x128xf32, #tpu.memory_space<hbm>>) dst(%arg10 : memref<128x128xf32, #tpu.memory_space<vmem>>)
    %scan3A_156 = arith.constant 0 : i32
    %scan3A_157 = arith.constant 0 : i32
    %scan3A_158 = arith.constant 4 : i32
    %scan3A_159 = arith.addi %scan3A_157, %scan3A_158 : i32
    %scan3A_160 = arith.constant 1 : i32
    scf.for %scan3A_178 = %scan3A_157 to %scan3A_159 step %scan3A_160  : i32 {
      %mul3A_179 = arith.constant 2 : i32
      %mul3A_180 = arith.muli %mul3A_179, %scan3A_178 : i32
      %add3A_181 = arith.constant 0 : i32
      %add3A_182 = arith.addi %mul3A_180, %add3A_181 : i32
      %get3A = arith.index_cast %add3A_182 : i32 to index
      %get3A_183 = arith.constant 0 : index
      %get3A_184 = tpu.vector_load %arg9[%get3A, %get3A_183] {strides = array<i32>} : memref<128x128xf32, #tpu.memory_space<vmem>>, vector<16xf32>,
      %mul3A_185 = arith.constant 2 : i32
      %mul3A_186 = arith.muli %mul3A_185, %scan3A_178 : i32
      %add3A_187 = arith.constant 0 : i32
      %add3A_188 = arith.addi %mul3A_186, %add3A_187 : i32
      %get3A_189 = arith.index_cast %add3A_188 : i32 to index
      %get3A_190 = arith.constant 0 : index
      %get3A_191 = tpu.vector_load %arg10[%get3A_189, %get3A_190] {strides = array<i32>} : memref<128x128xf32, #tpu.memory_space<vmem>>, vector<16xf32>,
      %add3A_192 = arith.addf %get3A_184, %get3A_191 : vector<16xf32>
      %mul3A_193 = arith.constant 2 : i32
      %mul3A_194 = arith.muli %mul3A_193, %scan3A_178 : i32
      %add3A_195 = arith.constant 0 : i32
      %add3A_196 = arith.addi %mul3A_194, %add3A_195 : i32
      %swap3A = arith.index_cast %add3A_196 : i32 to index
      %swap3A_197 = arith.constant 0 : index
      %swap3A_198 = tpu.vector_load %arg9[%swap3A, %swap3A_197] {strides = array<i32>} : memref<128x128xf32, #tpu.memory_space<vmem>>, vector<16xf32>,
      tpu.vector_store %arg9[%swap3A, %swap3A_197], %add3A_192 {strides = array<i32>} : memref<128x128xf32, #tpu.memory_space<vmem>>, vector<16xf32>,
      %mul3A_199 = arith.constant 2 : i32
      %mul3A_200 = arith.muli %mul3A_199, %scan3A_178 : i32
      %add3A_201 = arith.constant 0 : i32
      %add3A_202 = arith.addi %mul3A_200, %add3A_201 : i32
      %get3A_203 = arith.index_cast %add3A_202 : i32 to index
      %get3A_204 = arith.constant 16 : index
      %get3A_205 = tpu.vector_load %arg9[%get3A_203, %get3A_204] {strides = array<i32>} : memref<128x128xf32, #tpu.memory_space<vmem>>, vector<16xf32>,
      %mul3A_206 = arith.constant 2 : i32
      %mul3A_207 = arith.muli %mul3A_206, %scan3A_178 : i32
      %add3A_208 = arith.constant 0 : i32
      %add3A_209 = arith.addi %mul3A_207, %add3A_208 : i32
      %get3A_210 = arith.index_cast %add3A_209 : i32 to index
      %get3A_211 = arith.constant 16 : index
      %get3A_212 = tpu.vector_load %arg10[%get3A_210, %get3A_211] {strides = array<i32>} : memref<128x128xf32, #tpu.memory_space<vmem>>, vector<16xf32>,
      %add3A_213 = arith.addf %get3A_205, %get3A_212 : vector<16xf32>
      %mul3A_214 = arith.constant 2 : i32
      %mul3A_215 = arith.muli %mul3A_214, %scan3A_178 : i32
      %add3A_216 = arith.constant 0 : i32
      %add3A_217 = arith.addi %mul3A_215, %add3A_216 : i32
      %swap3A_218 = arith.index_cast %add3A_217 : i32 to index
      %swap3A_219 = arith.constant 16 : index
      %swap3A_220 = tpu.vector_load %arg9[%swap3A_218, %swap3A_219] {strides = array<i32>} : memref<128x128xf32, #tpu.memory_space<vmem>>, vector<16xf32>,
      tpu.vector_store %arg9[%swap3A_218, %swap3A_219], %add3A_213 {strides = array<i32>} : memref<128x128xf32, #tpu.memory_space<vmem>>, vector<16xf32>,
      %mul3A_221 = arith.constant 2 : i32
      %mul3A_222 = arith.muli %mul3A_221, %scan3A_178 : i32
      %add3A_223 = arith.constant 0 : i32
      %add3A_224 = arith.addi %mul3A_222, %add3A_223 : i32
      %get3A_225 = arith.index_cast %add3A_224 : i32 to index
      %get3A_226 = arith.constant 32 : index
      %get3A_227 = tpu.vector_load %arg9[%get3A_225, %get3A_226] {strides = array<i32>} : memref<128x128xf32, #tpu.memory_space<vmem>>, vector<16xf32>,
      %mul3A_228 = arith.constant 2 : i32
      %mul3A_229 = arith.muli %mul3A_228, %scan3A_178 : i32
      %add3A_230 = arith.constant 0 : i32
      %add3A_231 = arith.addi %mul3A_229, %add3A_230 : i32
      %get3A_232 = arith.index_cast %add3A_231 : i32 to index
      %get3A_233 = arith.constant 32 : index
      %get3A_234 = tpu.vector_load %arg10[%get3A_232, %get3A_233] {strides = array<i32>} : memref<128x128xf32, #tpu.memory_space<vmem>>, vector<16xf32>,
      %add3A_235 = arith.addf %get3A_227, %get3A_234 : vector<16xf32>
      %mul3A_236 = arith.constant 2 : i32
      %mul3A_237 = arith.muli %mul3A_236, %scan3A_178 : i32
      %add3A_238 = arith.constant 0 : i32
      %add3A_239 = arith.addi %mul3A_237, %add3A_238 : i32
      %swap3A_240 = arith.index_cast %add3A_239 : i32 to index
      %swap3A_241 = arith.constant 32 : index
      %swap3A_242 = tpu.vector_load %arg9[%swap3A_240, %swap3A_241] {strides = array<i32>} : memref<128x128xf32, #tpu.memory_space<vmem>>, vector<16xf32>,
      tpu.vector_store %arg9[%swap3A_240, %swap3A_241], %add3A_235 {strides = array<i32>} : memref<128x128xf32, #tpu.memory_space<vmem>>, vector<16xf32>,
      %mul3A_243 = arith.constant 2 : i32
      %mul3A_244 = arith.muli %mul3A_243, %scan3A_178 : i32
      %add3A_245 = arith.constant 0 : i32
      %add3A_246 = arith.addi %mul3A_244, %add3A_245 : i32
      %get3A_247 = arith.index_cast %add3A_246 : i32 to index
      %get3A_248 = arith.constant 48 : index
      %get3A_249 = tpu.vector_load %arg9[%get3A_247, %get3A_248] {strides = array<i32>} : memref<128x128xf32, #tpu.memory_space<vmem>>, vector<16xf32>,
      %mul3A_250 = arith.constant 2 : i32
      %mul3A_251 = arith.muli %mul3A_250, %scan3A_178 : i32
      %add3A_252 = arith.constant 0 : i32
      %add3A_253 = arith.addi %mul3A_251, %add3A_252 : i32
      %get3A_254 = arith.index_cast %add3A_253 : i32 to index
      %get3A_255 = arith.constant 48 : index
      %get3A_256 = tpu.vector_load %arg10[%get3A_254, %get3A_255] {strides = array<i32>} : memref<128x128xf32, #tpu.memory_space<vmem>>, vector<16xf32>,
      %add3A_257 = arith.addf %get3A_249, %get3A_256 : vector<16xf32>
      %mul3A_258 = arith.constant 2 : i32
      %mul3A_259 = arith.muli %mul3A_258, %scan3A_178 : i32
      %add3A_260 = arith.constant 0 : i32
      %add3A_261 = arith.addi %mul3A_259, %add3A_260 : i32
      %swap3A_262 = arith.index_cast %add3A_261 : i32 to index
      %swap3A_263 = arith.constant 48 : index
      %swap3A_264 = tpu.vector_load %arg9[%swap3A_262, %swap3A_263] {strides = array<i32>} : memref<128x128xf32, #tpu.memory_space<vmem>>, vector<16xf32>,
      tpu.vector_store %arg9[%swap3A_262, %swap3A_263], %add3A_257 {strides = array<i32>} : memref<128x128xf32, #tpu.memory_space<vmem>>, vector<16xf32>,
      %mul3A_265 = arith.constant 2 : i32
      %mul3A_266 = arith.muli %mul3A_265, %scan3A_178 : i32
      %add3A_267 = arith.constant 0 : i32
      %add3A_268 = arith.addi %mul3A_266, %add3A_267 : i32
      %get3A_269 = arith.index_cast %add3A_268 : i32 to index
      %get3A_270 = arith.constant 64 : index
      %get3A_271 = tpu.vector_load %arg9[%get3A_269, %get3A_270] {strides = array<i32>} : memref<128x128xf32, #tpu.memory_space<vmem>>, vector<16xf32>,
      %mul3A_272 = arith.constant 2 : i32
      %mul3A_273 = arith.muli %mul3A_272, %scan3A_178 : i32
      %add3A_274 = arith.constant 0 : i32
      %add3A_275 = arith.addi %mul3A_273, %add3A_274 : i32
      %get3A_276 = arith.index_cast %add3A_275 : i32 to index
      %get3A_277 = arith.constant 64 : index
      %get3A_278 = tpu.vector_load %arg10[%get3A_276, %get3A_277] {strides = array<i32>} : memref<128x128xf32, #tpu.memory_space<vmem>>, vector<16xf32>,
      %add3A_279 = arith.addf %get3A_271, %get3A_278 : vector<16xf32>
      %mul3A_280 = arith.constant 2 : i32
      %mul3A_281 = arith.muli %mul3A_280, %scan3A_178 : i32
      %add3A_282 = arith.constant 0 : i32
      %add3A_283 = arith.addi %mul3A_281, %add3A_282 : i32
      %swap3A_284 = arith.index_cast %add3A_283 : i32 to index
      %swap3A_285 = arith.constant 64 : index
      %swap3A_286 = tpu.vector_load %arg9[%swap3A_284, %swap3A_285] {strides = array<i32>} : memref<128x128xf32, #tpu.memory_space<vmem>>, vector<16xf32>,
      tpu.vector_store %arg9[%swap3A_284, %swap3A_285], %add3A_279 {strides = array<i32>} : memref<128x128xf32, #tpu.memory_space<vmem>>, vector<16xf32>,
      %mul3A_287 = arith.constant 2 : i32
      %mul3A_288 = arith.muli %mul3A_287, %scan3A_178 : i32
      %add3A_289 = arith.constant 0 : i32
      %add3A_290 = arith.addi %mul3A_288, %add3A_289 : i32
      %get3A_291 = arith.index_cast %add3A_290 : i32 to index
      %get3A_292 = arith.constant 80 : index
      %get3A_293 = tpu.vector_load %arg9[%get3A_291, %get3A_292] {strides = array<i32>} : memref<128x128xf32, #tpu.memory_space<vmem>>, vector<16xf32>,
      %mul3A_294 = arith.constant 2 : i32
      %mul3A_295 = arith.muli %mul3A_294, %scan3A_178 : i32
      %add3A_296 = arith.constant 0 : i32
      %add3A_297 = arith.addi %mul3A_295, %add3A_296 : i32
      %get3A_298 = arith.index_cast %add3A_297 : i32 to index
      %get3A_299 = arith.constant 80 : index
      %get3A_300 = tpu.vector_load %arg10[%get3A_298, %get3A_299] {strides = array<i32>} : memref<128x128xf32, #tpu.memory_space<vmem>>, vector<16xf32>,
      %add3A_301 = arith.addf %get3A_293, %get3A_300 : vector<16xf32>
      %mul3A_302 = arith.constant 2 : i32
      %mul3A_303 = arith.muli %mul3A_302, %scan3A_178 : i32
      %add3A_304 = arith.constant 0 : i32
      %add3A_305 = arith.addi %mul3A_303, %add3A_304 : i32
      %swap3A_306 = arith.index_cast %add3A_305 : i32 to index
      %swap3A_307 = arith.constant 80 : index
      %swap3A_308 = tpu.vector_load %arg9[%swap3A_306, %swap3A_307] {strides = array<i32>} : memref<128x128xf32, #tpu.memory_space<vmem>>, vector<16xf32>,
      tpu.vector_store %arg9[%swap3A_306, %swap3A_307], %add3A_301 {strides = array<i32>} : memref<128x128xf32, #tpu.memory_space<vmem>>, vector<16xf32>,
      %mul3A_309 = arith.constant 2 : i32
      %mul3A_310 = arith.muli %mul3A_309, %scan3A_178 : i32
      %add3A_311 = arith.constant 0 : i32
      %add3A_312 = arith.addi %mul3A_310, %add3A_311 : i32
      %get3A_313 = arith.index_cast %add3A_312 : i32 to index
      %get3A_314 = arith.constant 96 : index
      %get3A_315 = tpu.vector_load %arg9[%get3A_313, %get3A_314] {strides = array<i32>} : memref<128x128xf32, #tpu.memory_space<vmem>>, vector<16xf32>,
      %mul3A_316 = arith.constant 2 : i32
      %mul3A_317 = arith.muli %mul3A_316, %scan3A_178 : i32
      %add3A_318 = arith.constant 0 : i32
      %add3A_319 = arith.addi %mul3A_317, %add3A_318 : i32
      %get3A_320 = arith.index_cast %add3A_319 : i32 to index
      %get3A_321 = arith.constant 96 : index
      %get3A_322 = tpu.vector_load %arg10[%get3A_320, %get3A_321] {strides = array<i32>} : memref<128x128xf32, #tpu.memory_space<vmem>>, vector<16xf32>,
      %add3A_323 = arith.addf %get3A_315, %get3A_322 : vector<16xf32>
      %mul3A_324 = arith.constant 2 : i32
      %mul3A_325 = arith.muli %mul3A_324, %scan3A_178 : i32
      %add3A_326 = arith.constant 0 : i32
      %add3A_327 = arith.addi %mul3A_325, %add3A_326 : i32
      %swap3A_328 = arith.index_cast %add3A_327 : i32 to index
      %swap3A_329 = arith.constant 96 : index
      %swap3A_330 = tpu.vector_load %arg9[%swap3A_328, %swap3A_329] {strides = array<i32>} : memref<128x128xf32, #tpu.memory_space<vmem>>, vector<16xf32>,
      tpu.vector_store %arg9[%swap3A_328, %swap3A_329], %add3A_323 {strides = array<i32>} : memref<128x128xf32, #tpu.memory_space<vmem>>, vector<16xf32>,
      %mul3A_331 = arith.constant 2 : i32
      %mul3A_332 = arith.muli %mul3A_331, %scan3A_178 : i32
      %add3A_333 = arith.constant 0 : i32
      %add3A_334 = arith.addi %mul3A_332, %add3A_333 : i32
      %get3A_335 = arith.index_cast %add3A_334 : i32 to index
      %get3A_336 = arith.constant 112 : index
      %get3A_337 = tpu.vector_load %arg9[%get3A_335, %get3A_336] {strides = array<i32>} : memref<128x128xf32, #tpu.memory_space<vmem>>, vector<16xf32>,
      %mul3A_338 = arith.constant 2 : i32
      %mul3A_339 = arith.muli %mul3A_338, %scan3A_178 : i32
      %add3A_340 = arith.constant 0 : i32
      %add3A_341 = arith.addi %mul3A_339, %add3A_340 : i32
      %get3A_342 = arith.index_cast %add3A_341 : i32 to index
      %get3A_343 = arith.constant 112 : index
      %get3A_344 = tpu.vector_load %arg10[%get3A_342, %get3A_343] {strides = array<i32>} : memref<128x128xf32, #tpu.memory_space<vmem>>, vector<16xf32>,
      %add3A_345 = arith.addf %get3A_337, %get3A_344 : vector<16xf32>
      %mul3A_346 = arith.constant 2 : i32
      %mul3A_347 = arith.muli %mul3A_346, %scan3A_178 : i32
      %add3A_348 = arith.constant 0 : i32
      %add3A_349 = arith.addi %mul3A_347, %add3A_348 : i32
      %swap3A_350 = arith.index_cast %add3A_349 : i32 to index
      %swap3A_351 = arith.constant 112 : index
      %swap3A_352 = tpu.vector_load %arg9[%swap3A_350, %swap3A_351] {strides = array<i32>} : memref<128x128xf32, #tpu.memory_space<vmem>>, vector<16xf32>,
      tpu.vector_store %arg9[%swap3A_350, %swap3A_351], %add3A_345 {strides = array<i32>} : memref<128x128xf32, #tpu.memory_space<vmem>>, vector<16xf32>,
      %mul3A_353 = arith.constant 2 : i32
      %mul3A_354 = arith.muli %mul3A_353, %scan3A_178 : i32
      %add3A_355 = arith.constant 1 : i32
      %add3A_356 = arith.addi %mul3A_354, %add3A_355 : i32
      %get3A_357 = arith.index_cast %add3A_356 : i32 to index
      %get3A_358 = arith.constant 0 : index
      %get3A_359 = tpu.vector_load %arg9[%get3A_357, %get3A_358] {strides = array<i32>} : memref<128x128xf32, #tpu.memory_space<vmem>>, vector<16xf32>,
      %mul3A_360 = arith.constant 2 : i32
      %mul3A_361 = arith.muli %mul3A_360, %scan3A_178 : i32
      %add3A_362 = arith.constant 1 : i32
      %add3A_363 = arith.addi %mul3A_361, %add3A_362 : i32
      %get3A_364 = arith.index_cast %add3A_363 : i32 to index
      %get3A_365 = arith.constant 0 : index
      %get3A_366 = tpu.vector_load %arg10[%get3A_364, %get3A_365] {strides = array<i32>} : memref<128x128xf32, #tpu.memory_space<vmem>>, vector<16xf32>,
      %add3A_367 = arith.addf %get3A_359, %get3A_366 : vector<16xf32>
      %mul3A_368 = arith.constant 2 : i32
      %mul3A_369 = arith.muli %mul3A_368, %scan3A_178 : i32
      %add3A_370 = arith.constant 1 : i32
      %add3A_371 = arith.addi %mul3A_369, %add3A_370 : i32
      %swap3A_372 = arith.index_cast %add3A_371 : i32 to index
      %swap3A_373 = arith.constant 0 : index
      %swap3A_374 = tpu.vector_load %arg9[%swap3A_372, %swap3A_373] {strides = array<i32>} : memref<128x128xf32, #tpu.memory_space<vmem>>, vector<16xf32>,
      tpu.vector_store %arg9[%swap3A_372, %swap3A_373], %add3A_367 {strides = array<i32>} : memref<128x128xf32, #tpu.memory_space<vmem>>, vector<16xf32>,
      %mul3A_375 = arith.constant 2 : i32
      %mul3A_376 = arith.muli %mul3A_375, %scan3A_178 : i32
      %add3A_377 = arith.constant 1 : i32
      %add3A_378 = arith.addi %mul3A_376, %add3A_377 : i32
      %get3A_379 = arith.index_cast %add3A_378 : i32 to index
      %get3A_380 = arith.constant 16 : index
      %get3A_381 = tpu.vector_load %arg9[%get3A_379, %get3A_380] {strides = array<i32>} : memref<128x128xf32, #tpu.memory_space<vmem>>, vector<16xf32>,
      %mul3A_382 = arith.constant 2 : i32
      %mul3A_383 = arith.muli %mul3A_382, %scan3A_178 : i32
      %add3A_384 = arith.constant 1 : i32
      %add3A_385 = arith.addi %mul3A_383, %add3A_384 : i32
      %get3A_386 = arith.index_cast %add3A_385 : i32 to index
      %get3A_387 = arith.constant 16 : index
      %get3A_388 = tpu.vector_load %arg10[%get3A_386, %get3A_387] {strides = array<i32>} : memref<128x128xf32, #tpu.memory_space<vmem>>, vector<16xf32>,
      %add3A_389 = arith.addf %get3A_381, %get3A_388 : vector<16xf32>
      %mul3A_390 = arith.constant 2 : i32
      %mul3A_391 = arith.muli %mul3A_390, %scan3A_178 : i32
      %add3A_392 = arith.constant 1 : i32
      %add3A_393 = arith.addi %mul3A_391, %add3A_392 : i32
      %swap3A_394 = arith.index_cast %add3A_393 : i32 to index
      %swap3A_395 = arith.constant 16 : index
      %swap3A_396 = tpu.vector_load %arg9[%swap3A_394, %swap3A_395] {strides = array<i32>} : memref<128x128xf32, #tpu.memory_space<vmem>>, vector<16xf32>,
      tpu.vector_store %arg9[%swap3A_394, %swap3A_395], %add3A_389 {strides = array<i32>} : memref<128x128xf32, #tpu.memory_space<vmem>>, vector<16xf32>,
      %mul3A_397 = arith.constant 2 : i32
      %mul3A_398 = arith.muli %mul3A_397, %scan3A_178 : i32
      %add3A_399 = arith.constant 1 : i32
      %add3A_400 = arith.addi %mul3A_398, %add3A_399 : i32
      %get3A_401 = arith.index_cast %add3A_400 : i32 to index
      %get3A_402 = arith.constant 32 : index
      %get3A_403 = tpu.vector_load %arg9[%get3A_401, %get3A_402] {strides = array<i32>} : memref<128x128xf32, #tpu.memory_space<vmem>>, vector<16xf32>,
      %mul3A_404 = arith.constant 2 : i32
      %mul3A_405 = arith.muli %mul3A_404, %scan3A_178 : i32
      %add3A_406 = arith.constant 1 : i32
      %add3A_407 = arith.addi %mul3A_405, %add3A_406 : i32
      %get3A_408 = arith.index_cast %add3A_407 : i32 to index
      %get3A_409 = arith.constant 32 : index
      %get3A_410 = tpu.vector_load %arg10[%get3A_408, %get3A_409] {strides = array<i32>} : memref<128x128xf32, #tpu.memory_space<vmem>>, vector<16xf32>,
      %add3A_411 = arith.addf %get3A_403, %get3A_410 : vector<16xf32>
      %mul3A_412 = arith.constant 2 : i32
      %mul3A_413 = arith.muli %mul3A_412, %scan3A_178 : i32
      %add3A_414 = arith.constant 1 : i32
      %add3A_415 = arith.addi %mul3A_413, %add3A_414 : i32
      %swap3A_416 = arith.index_cast %add3A_415 : i32 to index
      %swap3A_417 = arith.constant 32 : index
      %swap3A_418 = tpu.vector_load %arg9[%swap3A_416, %swap3A_417] {strides = array<i32>} : memref<128x128xf32, #tpu.memory_space<vmem>>, vector<16xf32>,
      tpu.vector_store %arg9[%swap3A_416, %swap3A_417], %add3A_411 {strides = array<i32>} : memref<128x128xf32, #tpu.memory_space<vmem>>, vector<16xf32>,
      %mul3A_419 = arith.constant 2 : i32
      %mul3A_420 = arith.muli %mul3A_419, %scan3A_178 : i32
      %add3A_421 = arith.constant 1 : i32
      %add3A_422 = arith.addi %mul3A_420, %add3A_421 : i32
      %get3A_423 = arith.index_cast %add3A_422 : i32 to index
      %get3A_424 = arith.constant 48 : index
      %get3A_425 = tpu.vector_load %arg9[%get3A_423, %get3A_424] {strides = array<i32>} : memref<128x128xf32, #tpu.memory_space<vmem>>, vector<16xf32>,
      %mul3A_426 = arith.constant 2 : i32
      %mul3A_427 = arith.muli %mul3A_426, %scan3A_178 : i32
      %add3A_428 = arith.constant 1 : i32
      %add3A_429 = arith.addi %mul3A_427, %add3A_428 : i32
      %get3A_430 = arith.index_cast %add3A_429 : i32 to index
      %get3A_431 = arith.constant 48 : index
      %get3A_432 = tpu.vector_load %arg10[%get3A_430, %get3A_431] {strides = array<i32>} : memref<128x128xf32, #tpu.memory_space<vmem>>, vector<16xf32>,
      %add3A_433 = arith.addf %get3A_425, %get3A_432 : vector<16xf32>
      %mul3A_434 = arith.constant 2 : i32
      %mul3A_435 = arith.muli %mul3A_434, %scan3A_178 : i32
      %add3A_436 = arith.constant 1 : i32
      %add3A_437 = arith.addi %mul3A_435, %add3A_436 : i32
      %swap3A_438 = arith.index_cast %add3A_437 : i32 to index
      %swap3A_439 = arith.constant 48 : index
      %swap3A_440 = tpu.vector_load %arg9[%swap3A_438, %swap3A_439] {strides = array<i32>} : memref<128x128xf32, #tpu.memory_space<vmem>>, vector<16xf32>,
      tpu.vector_store %arg9[%swap3A_438, %swap3A_439], %add3A_433 {strides = array<i32>} : memref<128x128xf32, #tpu.memory_space<vmem>>, vector<16xf32>,
      %mul3A_441 = arith.constant 2 : i32
      %mul3A_442 = arith.muli %mul3A_441, %scan3A_178 : i32
      %add3A_443 = arith.constant 1 : i32
      %add3A_444 = arith.addi %mul3A_442, %add3A_443 : i32
      %get3A_445 = arith.index_cast %add3A_444 : i32 to index
      %get3A_446 = arith.constant 64 : index
      %get3A_447 = tpu.vector_load %arg9[%get3A_445, %get3A_446] {strides = array<i32>} : memref<128x128xf32, #tpu.memory_space<vmem>>, vector<16xf32>,
      %mul3A_448 = arith.constant 2 : i32
      %mul3A_449 = arith.muli %mul3A_448, %scan3A_178 : i32
      %add3A_450 = arith.constant 1 : i32
      %add3A_451 = arith.addi %mul3A_449, %add3A_450 : i32
      %get3A_452 = arith.index_cast %add3A_451 : i32 to index
      %get3A_453 = arith.constant 64 : index
      %get3A_454 = tpu.vector_load %arg10[%get3A_452, %get3A_453] {strides = array<i32>} : memref<128x128xf32, #tpu.memory_space<vmem>>, vector<16xf32>,
      %add3A_455 = arith.addf %get3A_447, %get3A_454 : vector<16xf32>
      %mul3A_456 = arith.constant 2 : i32
      %mul3A_457 = arith.muli %mul3A_456, %scan3A_178 : i32
      %add3A_458 = arith.constant 1 : i32
      %add3A_459 = arith.addi %mul3A_457, %add3A_458 : i32
      %swap3A_460 = arith.index_cast %add3A_459 : i32 to index
      %swap3A_461 = arith.constant 64 : index
      %swap3A_462 = tpu.vector_load %arg9[%swap3A_460, %swap3A_461] {strides = array<i32>} : memref<128x128xf32, #tpu.memory_space<vmem>>, vector<16xf32>,
      tpu.vector_store %arg9[%swap3A_460, %swap3A_461], %add3A_455 {strides = array<i32>} : memref<128x128xf32, #tpu.memory_space<vmem>>, vector<16xf32>,
      %mul3A_463 = arith.constant 2 : i32
      %mul3A_464 = arith.muli %mul3A_463, %scan3A_178 : i32
      %add3A_465 = arith.constant 1 : i32
      %add3A_466 = arith.addi %mul3A_464, %add3A_465 : i32
      %get3A_467 = arith.index_cast %add3A_466 : i32 to index
      %get3A_468 = arith.constant 80 : index
      %get3A_469 = tpu.vector_load %arg9[%get3A_467, %get3A_468] {strides = array<i32>} : memref<128x128xf32, #tpu.memory_space<vmem>>, vector<16xf32>,
      %mul3A_470 = arith.constant 2 : i32
      %mul3A_471 = arith.muli %mul3A_470, %scan3A_178 : i32
      %add3A_472 = arith.constant 1 : i32
      %add3A_473 = arith.addi %mul3A_471, %add3A_472 : i32
      %get3A_474 = arith.index_cast %add3A_473 : i32 to index
      %get3A_475 = arith.constant 80 : index
      %get3A_476 = tpu.vector_load %arg10[%get3A_474, %get3A_475] {strides = array<i32>} : memref<128x128xf32, #tpu.memory_space<vmem>>, vector<16xf32>,
      %add3A_477 = arith.addf %get3A_469, %get3A_476 : vector<16xf32>
      %mul3A_478 = arith.constant 2 : i32
      %mul3A_479 = arith.muli %mul3A_478, %scan3A_178 : i32
      %add3A_480 = arith.constant 1 : i32
      %add3A_481 = arith.addi %mul3A_479, %add3A_480 : i32
      %swap3A_482 = arith.index_cast %add3A_481 : i32 to index
      %swap3A_483 = arith.constant 80 : index
      %swap3A_484 = tpu.vector_load %arg9[%swap3A_482, %swap3A_483] {strides = array<i32>} : memref<128x128xf32, #tpu.memory_space<vmem>>, vector<16xf32>,
      tpu.vector_store %arg9[%swap3A_482, %swap3A_483], %add3A_477 {strides = array<i32>} : memref<128x128xf32, #tpu.memory_space<vmem>>, vector<16xf32>,
      %mul3A_485 = arith.constant 2 : i32
      %mul3A_486 = arith.muli %mul3A_485, %scan3A_178 : i32
      %add3A_487 = arith.constant 1 : i32
      %add3A_488 = arith.addi %mul3A_486, %add3A_487 : i32
      %get3A_489 = arith.index_cast %add3A_488 : i32 to index
      %get3A_490 = arith.constant 96 : index
      %get3A_491 = tpu.vector_load %arg9[%get3A_489, %get3A_490] {strides = array<i32>} : memref<128x128xf32, #tpu.memory_space<vmem>>, vector<16xf32>,
      %mul3A_492 = arith.constant 2 : i32
      %mul3A_493 = arith.muli %mul3A_492, %scan3A_178 : i32
      %add3A_494 = arith.constant 1 : i32
      %add3A_495 = arith.addi %mul3A_493, %add3A_494 : i32
      %get3A_496 = arith.index_cast %add3A_495 : i32 to index
      %get3A_497 = arith.constant 96 : index
      %get3A_498 = tpu.vector_load %arg10[%get3A_496, %get3A_497] {strides = array<i32>} : memref<128x128xf32, #tpu.memory_space<vmem>>, vector<16xf32>,
      %add3A_499 = arith.addf %get3A_491, %get3A_498 : vector<16xf32>
      %mul3A_500 = arith.constant 2 : i32
      %mul3A_501 = arith.muli %mul3A_500, %scan3A_178 : i32
      %add3A_502 = arith.constant 1 : i32
      %add3A_503 = arith.addi %mul3A_501, %add3A_502 : i32
      %swap3A_504 = arith.index_cast %add3A_503 : i32 to index
      %swap3A_505 = arith.constant 96 : index
      %swap3A_506 = tpu.vector_load %arg9[%swap3A_504, %swap3A_505] {strides = array<i32>} : memref<128x128xf32, #tpu.memory_space<vmem>>, vector<16xf32>,
      tpu.vector_store %arg9[%swap3A_504, %swap3A_505], %add3A_499 {strides = array<i32>} : memref<128x128xf32, #tpu.memory_space<vmem>>, vector<16xf32>,
      %mul3A_507 = arith.constant 2 : i32
      %mul3A_508 = arith.muli %mul3A_507, %scan3A_178 : i32
      %add3A_509 = arith.constant 1 : i32
      %add3A_510 = arith.addi %mul3A_508, %add3A_509 : i32
      %get3A_511 = arith.index_cast %add3A_510 : i32 to index
      %get3A_512 = arith.constant 112 : index
      %get3A_513 = tpu.vector_load %arg9[%get3A_511, %get3A_512] {strides = array<i32>} : memref<128x128xf32, #tpu.memory_space<vmem>>, vector<16xf32>,
      %mul3A_514 = arith.constant 2 : i32
      %mul3A_515 = arith.muli %mul3A_514, %scan3A_178 : i32
      %add3A_516 = arith.constant 1 : i32
      %add3A_517 = arith.addi %mul3A_515, %add3A_516 : i32
      %get3A_518 = arith.index_cast %add3A_517 : i32 to index
      %get3A_519 = arith.constant 112 : index
      %get3A_520 = tpu.vector_load %arg10[%get3A_518, %get3A_519] {strides = array<i32>} : memref<128x128xf32, #tpu.memory_space<vmem>>, vector<16xf32>,
      %add3A_521 = arith.addf %get3A_513, %get3A_520 : vector<16xf32>
      %mul3A_522 = arith.constant 2 : i32
      %mul3A_523 = arith.muli %mul3A_522, %scan3A_178 : i32
      %add3A_524 = arith.constant 1 : i32
      %add3A_525 = arith.addi %mul3A_523, %add3A_524 : i32
      %swap3A_526 = arith.index_cast %add3A_525 : i32 to index
      %swap3A_527 = arith.constant 112 : index
      %swap3A_528 = tpu.vector_load %arg9[%swap3A_526, %swap3A_527] {strides = array<i32>} : memref<128x128xf32, #tpu.memory_space<vmem>>, vector<16xf32>,
      tpu.vector_store %arg9[%swap3A_526, %swap3A_527], %add3A_521 {strides = array<i32>} : memref<128x128xf32, #tpu.memory_space<vmem>>, vector<16xf32>,
    }
    %scan3A_161 = arith.constant 4 : i32
    %dma_wait3A_162 = arith.constant 0 : i32
    %dma_wait3A_163 = arith.constant 0 : i32
    %dma_wait3A_164 = tpu.memref_slice %arg2[%dma_wait3A_162, %dma_wait3A_163] : memref<10240x128xf32, #tpu.memory_space<hbm>> -> memref<128x128xf32, #tpu.memory_space<hbm>>
    %dma_wait3A_165 = arith.constant 0 : i32
    %dma_wait3A_166 = arith.constant 0 : i32
    %dma_wait3A_167 = tpu.memref_slice %arg2[%dma_wait3A_165, %dma_wait3A_166] : memref<10240x128xf32, #tpu.memory_space<hbm>> -> memref<128x128xf32, #tpu.memory_space<hbm>>
    tpu.wait_dma2 semaphore(%arg19 : memref<!tpu.dma_semaphore, #tpu.memory_space<semaphore_mem>>) src(%dma_wait3A_167 : memref<128x128xf32, #tpu.memory_space<hbm>>) dst(%arg11 : memref<128x128xf32, #tpu.memory_space<vmem>>)
    %dma_wait3A_168 = arith.constant 0 : i32
    %dma_wait3A_169 = arith.constant 0 : i32
    %dma_wait3A_170 = tpu.memref_slice %arg2[%dma_wait3A_168, %dma_wait3A_169] : memref<10240x128xf32, #tpu.memory_space<hbm>> -> memref<128x128xf32, #tpu.memory_space<hbm>>
    %dma_wait3A_171 = arith.constant 0 : i32
    %dma_wait3A_172 = arith.constant 0 : i32
    %dma_wait3A_173 = tpu.memref_slice %arg2[%dma_wait3A_171, %dma_wait3A_172] : memref<10240x128xf32, #tpu.memory_space<hbm>> -> memref<128x128xf32, #tpu.memory_space<hbm>>
    tpu.wait_dma2 semaphore(%arg20 : memref<!tpu.dma_semaphore, #tpu.memory_space<semaphore_mem>>) src(%dma_wait3A_173 : memref<128x128xf32, #tpu.memory_space<hbm>>) dst(%arg13 : memref<128x128xf32, #tpu.memory_space<vmem>>)
    %mul3A_174 = arith.constant 5000 : i32
    %mul3A_175 = arith.muli %add3A, %mul3A_174 : i32
    %add3A_176 = arith.constant 4992 : i32
    %add3A_177 = arith.addi %mul3A_175, %add3A_176 : i32
    "tpu.region"() ({
      %run_scoped3A = tpu.sem_alloc : memref<!tpu.dma_semaphore, #tpu.memory_space<semaphore_mem>>
      %dma_start3A_178 = arith.constant 0 : i32
      %dma_start3A_179 = arith.constant 0 : i32
      %dma_start3A_180 = tpu.memref_slice %arg9[%dma_start3A_178, %dma_start3A_179] : memref<128x128xf32, #tpu.memory_space<vmem>> -> memref<8x128xf32, #tpu.memory_space<vmem>>
      %dma_start3A_181 = arith.constant 0 : i32
      %dma_start3A_182 = tpu.memref_slice %arg6[%add3A_177, %dma_start3A_181] : memref<160000x128xf32, #tpu.memory_space<hbm>> -> memref<8x128xf32, #tpu.memory_space<hbm>>
      %dma_start3A_183 = arith.constant 0 : i32
      %dma_start3A_184 = tpu.memref_slice %arg6[%add3A_177, %dma_start3A_183] : memref<160000x128xf32, #tpu.memory_space<hbm>> -> memref<8x128xf32, #tpu.memory_space<hbm>>
      %dma_start3A_185 = arith.constant 0 : i32
      %dma_start3A_186 = arith.constant 0 : i32
      %dma_start3A_187 = tpu.memref_slice %arg9[%dma_start3A_185, %dma_start3A_186] : memref<128x128xf32, #tpu.memory_space<vmem>> -> memref<8x128xf32, #tpu.memory_space<vmem>>
      tpu.enqueue_dma source(%dma_start3A_187 : memref<8x128xf32, #tpu.memory_space<vmem>>) target(%dma_start3A_184 : memref<8x128xf32, #tpu.memory_space<hbm>>) target_semaphore(%run_scoped3A : memref<!tpu.dma_semaphore, #tpu.memory_space<semaphore_mem>>)
      %dma_wait3A_188 = arith.constant 0 : i32
      %dma_wait3A_189 = arith.constant 0 : i32
      %dma_wait3A_190 = tpu.memref_slice %arg9[%dma_wait3A_188, %dma_wait3A_189] : memref<128x128xf32, #tpu.memory_space<vmem>> -> memref<8x128xf32, #tpu.memory_space<vmem>>
      %dma_wait3A_191 = arith.constant 0 : i32
      %dma_wait3A_192 = tpu.memref_slice %arg6[%add3A_177, %dma_wait3A_191] : memref<160000x128xf32, #tpu.memory_space<hbm>> -> memref<8x128xf32, #tpu.memory_space<hbm>>
      %dma_wait3A_193 = arith.constant 0 : i32
      %dma_wait3A_194 = tpu.memref_slice %arg6[%add3A_177, %dma_wait3A_193] : memref<160000x128xf32, #tpu.memory_space<hbm>> -> memref<8x128xf32, #tpu.memory_space<hbm>>
      %dma_wait3A_195 = arith.constant 0 : i32
      %dma_wait3A_196 = arith.constant 0 : i32
      %dma_wait3A_197 = tpu.memref_slice %arg9[%dma_wait3A_195, %dma_wait3A_196] : memref<128x128xf32, #tpu.memory_space<vmem>> -> memref<8x128xf32, #tpu.memory_space<vmem>>
      tpu.wait_dma2 semaphore(%run_scoped3A : memref<!tpu.dma_semaphore, #tpu.memory_space<semaphore_mem>>) src(%dma_wait3A_197 : memref<8x128xf32, #tpu.memory_space<vmem>>) dst(%dma_wait3A_194 : memref<8x128xf32, #tpu.memory_space<hbm>>)
      tpu.yield
    }) : () -> ()
    return
  }
}

#map = affine_map<(d0, d1) -> (0, 0)>
#map1 = affine_map<(d0, d1) -> (0)>
module attributes {stable_mosaic.version = 14 : i64} {
  func.func @sc_seg_sum_cnt(%arg0: i32, %arg1: i32, %arg2: memref<20480x128xf32, #tpu.memory_space<hbm>>, %arg3: memref<320000xi32, #tpu.memory_space<hbm>>, %arg4: memref<160000xi32, #tpu.memory_space<hbm>>, %arg5: memref<640x128xf32, #tpu.memory_space<hbm>>, %arg6: memref<20480x128xf32, #tpu.memory_space<hbm>>, %arg7: memref<327680xf32, #tpu.memory_space<hbm>>, %arg8: memref<80xi32, #tpu.memory_space<vmem>>, %arg9: memref<80xi32, #tpu.memory_space<vmem>>, %arg10: memref<80xi32, #tpu.memory_space<vmem>>, %arg11: memref<80xi32, #tpu.memory_space<vmem>>, %arg12: memref<80x128xf32, #tpu.memory_space<vmem>>, %arg13: memref<80x128xf32, #tpu.memory_space<vmem>>, %arg14: memref<10240xf32, #tpu.memory_space<vmem>>, %arg15: memref<10240x128xf32, #tpu.memory_space<vmem_shared>>, %arg16: memref<!tpu.dma_semaphore, #tpu.memory_space<semaphore_mem>>, %arg17: memref<!tpu.dma_semaphore, #tpu.memory_space<semaphore_mem>>, %arg18: memref<!tpu.dma_semaphore, #tpu.memory_space<semaphore_mem>>, %arg19: memref<!tpu.dma_semaphore, #tpu.memory_space<semaphore_mem>>) attributes {dimension_semantics = [#tpu.dimension_semantics<core_parallel>, #tpu.dimension_semantics<subcore_parallel>], iteration_bounds = array<i64: 2, 16>, scalar_prefetch = 0 : i64, scratch_operands = 12 : i64, tpu.core_type = #tpu.core_type<sc_vector_subcore>, window_params = [{transform_indices = #map}, {transform_indices = #map1}, {transform_indices = #map1}, {transform_indices = #map}, {transform_indices = #map}, {transform_indices = #map1}]} {
    %mul3A = arith.constant 640 : i32
    %mul3A_0 = arith.muli %arg1, %mul3A : i32
    "tpu.region"() ({
      %run_scoped3A = tpu.sem_alloc : memref<!tpu.dma_semaphore, #tpu.memory_space<semaphore_mem>>
      %dma_start3A_70 = arith.constant 0 : i32
      %dma_start3A_71 = tpu.memref_slice %arg15[%mul3A_0, %dma_start3A_70] : memref<10240x128xf32, #tpu.memory_space<vmem_shared>> -> memref<640x128xf32, #tpu.memory_space<vmem_shared>>
      tpu.enqueue_dma source(%arg5 : memref<640x128xf32, #tpu.memory_space<hbm>>) target(%dma_start3A_71 : memref<640x128xf32, #tpu.memory_space<vmem_shared>>) target_semaphore(%run_scoped3A : memref<!tpu.dma_semaphore, #tpu.memory_space<semaphore_mem>>)
      %dma_wait3A_72 = arith.constant 0 : i32
      %dma_wait3A_73 = tpu.memref_slice %arg15[%mul3A_0, %dma_wait3A_72] : memref<10240x128xf32, #tpu.memory_space<vmem_shared>> -> memref<640x128xf32, #tpu.memory_space<vmem_shared>>
      tpu.wait_dma2 semaphore(%run_scoped3A : memref<!tpu.dma_semaphore, #tpu.memory_space<semaphore_mem>>) src(%arg5 : memref<640x128xf32, #tpu.memory_space<hbm>>) dst(%dma_wait3A_73 : memref<640x128xf32, #tpu.memory_space<vmem_shared>>)
      tpu.yield
    }) : () -> ()
    %broadcast_in_dim3A = arith.constant 0.000000e+00 : f32
    %broadcast_in_dim3A_1 = vector.broadcast %broadcast_in_dim3A : f32 to vector<16xf32>
    %scan3A = arith.constant 0 : i32
    %scan3A_2 = arith.constant 0 : i32
    %scan3A_3 = arith.constant 640 : i32
    %scan3A_4 = arith.addi %scan3A_2, %scan3A_3 : i32
    %scan3A_5 = arith.constant 1 : i32
    scf.for %scan3A_70 = %scan3A_2 to %scan3A_4 step %scan3A_5  : i32 {
      %mul3A_71 = arith.constant 16 : i32
      %mul3A_72 = arith.muli %scan3A_70, %mul3A_71 : i32
      %swap3A = arith.index_cast %mul3A_72 : i32 to index
      %swap3A_73 = tpu.vector_load %arg14[%swap3A] {strides = array<i32>} : memref<10240xf32, #tpu.memory_space<vmem>>, vector<16xf32>,
      tpu.vector_store %arg14[%swap3A], %broadcast_in_dim3A_1 {strides = array<i32>} : memref<10240xf32, #tpu.memory_space<vmem>>, vector<16xf32>,
    }
    %scan3A_6 = arith.constant 640 : i32
    %barrier3A = arith.constant 0 : index
    tpu.barrier barrier_id(%barrier3A)
    %mul3A_7 = arith.constant 160000 : i32
    %mul3A_8 = arith.muli %arg0, %mul3A_7 : i32
    %mul3A_9 = arith.constant 10000 : i32
    %mul3A_10 = arith.muli %arg1, %mul3A_9 : i32
    %add3A = arith.addi %mul3A_8, %mul3A_10 : i32
    %mul3A_11 = arith.constant 10000 : i32
    %mul3A_12 = arith.muli %arg1, %mul3A_11 : i32
    %broadcast_in_dim3A_13 = arith.constant 1.000000e+00 : f32
    %broadcast_in_dim3A_14 = vector.broadcast %broadcast_in_dim3A_13 : f32 to vector<16xf32>
    %add3A_15 = arith.constant 0 : i32
    %add3A_16 = arith.addi %add3A, %add3A_15 : i32
    %dma_start3A = tpu.memref_slice %arg3[%add3A_16] : memref<320000xi32, #tpu.memory_space<hbm>> -> memref<80xi32, #tpu.memory_space<hbm>>
    %dma_start3A_17 = tpu.memref_slice %arg3[%add3A_16] : memref<320000xi32, #tpu.memory_space<hbm>> -> memref<80xi32, #tpu.memory_space<hbm>>
    tpu.enqueue_dma source(%dma_start3A_17 : memref<80xi32, #tpu.memory_space<hbm>>) target(%arg8 : memref<80xi32, #tpu.memory_space<vmem>>) target_semaphore(%arg18 : memref<!tpu.dma_semaphore, #tpu.memory_space<semaphore_mem>>)
    %add3A_18 = arith.constant 0 : i32
    %add3A_19 = arith.addi %mul3A_12, %add3A_18 : i32
    %dma_start3A_20 = tpu.memref_slice %arg4[%add3A_19] : memref<160000xi32, #tpu.memory_space<hbm>> -> memref<80xi32, #tpu.memory_space<hbm>>
    %dma_start3A_21 = tpu.memref_slice %arg4[%add3A_19] : memref<160000xi32, #tpu.memory_space<hbm>> -> memref<80xi32, #tpu.memory_space<hbm>>
    tpu.enqueue_dma source(%dma_start3A_21 : memref<80xi32, #tpu.memory_space<hbm>>) target(%arg9 : memref<80xi32, #tpu.memory_space<vmem>>) target_semaphore(%arg18 : memref<!tpu.dma_semaphore, #tpu.memory_space<semaphore_mem>>)
    %add3A_22 = arith.constant 80 : i32
    %add3A_23 = arith.addi %add3A, %add3A_22 : i32
    %dma_start3A_24 = tpu.memref_slice %arg3[%add3A_23] : memref<320000xi32, #tpu.memory_space<hbm>> -> memref<80xi32, #tpu.memory_space<hbm>>
    %dma_start3A_25 = tpu.memref_slice %arg3[%add3A_23] : memref<320000xi32, #tpu.memory_space<hbm>> -> memref<80xi32, #tpu.memory_space<hbm>>
    tpu.enqueue_dma source(%dma_start3A_25 : memref<80xi32, #tpu.memory_space<hbm>>) target(%arg10 : memref<80xi32, #tpu.memory_space<vmem>>) target_semaphore(%arg19 : memref<!tpu.dma_semaphore, #tpu.memory_space<semaphore_mem>>)
    %add3A_26 = arith.constant 80 : i32
    %add3A_27 = arith.addi %mul3A_12, %add3A_26 : i32
    %dma_start3A_28 = tpu.memref_slice %arg4[%add3A_27] : memref<160000xi32, #tpu.memory_space<hbm>> -> memref<80xi32, #tpu.memory_space<hbm>>
    %dma_start3A_29 = tpu.memref_slice %arg4[%add3A_27] : memref<160000xi32, #tpu.memory_space<hbm>> -> memref<80xi32, #tpu.memory_space<hbm>>
    tpu.enqueue_dma source(%dma_start3A_29 : memref<80xi32, #tpu.memory_space<hbm>>) target(%arg11 : memref<80xi32, #tpu.memory_space<vmem>>) target_semaphore(%arg19 : memref<!tpu.dma_semaphore, #tpu.memory_space<semaphore_mem>>)
    %dma_wait3A = arith.constant 0 : i32
    %dma_wait3A_30 = tpu.memref_slice %arg3[%dma_wait3A] : memref<320000xi32, #tpu.memory_space<hbm>> -> memref<80xi32, #tpu.memory_space<hbm>>
    %dma_wait3A_31 = arith.constant 0 : i32
    %dma_wait3A_32 = tpu.memref_slice %arg3[%dma_wait3A_31] : memref<320000xi32, #tpu.memory_space<hbm>> -> memref<80xi32, #tpu.memory_space<hbm>>
    tpu.wait_dma2 semaphore(%arg18 : memref<!tpu.dma_semaphore, #tpu.memory_space<semaphore_mem>>) src(%dma_wait3A_32 : memref<80xi32, #tpu.memory_space<hbm>>) dst(%arg8 : memref<80xi32, #tpu.memory_space<vmem>>)
    %dma_wait3A_33 = arith.constant 0 : i32
    %dma_wait3A_34 = tpu.memref_slice %arg4[%dma_wait3A_33] : memref<160000xi32, #tpu.memory_space<hbm>> -> memref<80xi32, #tpu.memory_space<hbm>>
    %dma_wait3A_35 = arith.constant 0 : i32
    %dma_wait3A_36 = tpu.memref_slice %arg4[%dma_wait3A_35] : memref<160000xi32, #tpu.memory_space<hbm>> -> memref<80xi32, #tpu.memory_space<hbm>>
    tpu.wait_dma2 semaphore(%arg18 : memref<!tpu.dma_semaphore, #tpu.memory_space<semaphore_mem>>) src(%dma_wait3A_36 : memref<80xi32, #tpu.memory_space<hbm>>) dst(%arg9 : memref<80xi32, #tpu.memory_space<vmem>>)
    %dma_start3A_37 = arith.constant 0 : i32
    %dma_start3A_38 = arith.constant 0 : i32
    %dma_start3A_39 = tpu.memref_slice %arg2[%dma_start3A_37, %dma_start3A_38] : memref<20480x128xf32, #tpu.memory_space<hbm>> -> memref<20480x128xf32, #tpu.memory_space<hbm>>
    tpu.enqueue_indirect_dma source(%dma_start3A_39 : memref<20480x128xf32, #tpu.memory_space<hbm>>) target(%arg12 : memref<80x128xf32, #tpu.memory_space<vmem>>) offsets(%arg8 : memref<80xi32, #tpu.memory_space<vmem>>) semaphore(%arg16 : memref<!tpu.dma_semaphore, #tpu.memory_space<semaphore_mem>>)
    %scan3A_40 = arith.constant 0 : i32
    %scan3A_41 = arith.constant 0 : i32
    %scan3A_42 = arith.constant 62 : i32
    %scan3A_43 = arith.addi %scan3A_41, %scan3A_42 : i32
    %scan3A_44 = arith.constant 1 : i32
    scf.for %scan3A_70 = %scan3A_41 to %scan3A_43 step %scan3A_44  : i32 {
      %mul3A_71 = arith.constant 2 : i32
      %mul3A_72 = arith.muli %mul3A_71, %scan3A_70 : i32
      %dma_wait3A_73 = arith.constant 0 : i32
      %dma_wait3A_74 = tpu.memref_slice %arg3[%dma_wait3A_73] : memref<320000xi32, #tpu.memory_space<hbm>> -> memref<80xi32, #tpu.memory_space<hbm>>
      %dma_wait3A_75 = arith.constant 0 : i32
      %dma_wait3A_76 = tpu.memref_slice %arg3[%dma_wait3A_75] : memref<320000xi32, #tpu.memory_space<hbm>> -> memref<80xi32, #tpu.memory_space<hbm>>
      tpu.wait_dma2 semaphore(%arg19 : memref<!tpu.dma_semaphore, #tpu.memory_space<semaphore_mem>>) src(%dma_wait3A_76 : memref<80xi32, #tpu.memory_space<hbm>>) dst(%arg10 : memref<80xi32, #tpu.memory_space<vmem>>)
      %dma_wait3A_77 = arith.constant 0 : i32
      %dma_wait3A_78 = tpu.memref_slice %arg4[%dma_wait3A_77] : memref<160000xi32, #tpu.memory_space<hbm>> -> memref<80xi32, #tpu.memory_space<hbm>>
      %dma_wait3A_79 = arith.constant 0 : i32
      %dma_wait3A_80 = tpu.memref_slice %arg4[%dma_wait3A_79] : memref<160000xi32, #tpu.memory_space<hbm>> -> memref<80xi32, #tpu.memory_space<hbm>>
      tpu.wait_dma2 semaphore(%arg19 : memref<!tpu.dma_semaphore, #tpu.memory_space<semaphore_mem>>) src(%dma_wait3A_80 : memref<80xi32, #tpu.memory_space<hbm>>) dst(%arg11 : memref<80xi32, #tpu.memory_space<vmem>>)
      %dma_start3A_81 = arith.constant 0 : i32
      %dma_start3A_82 = arith.constant 0 : i32
      %dma_start3A_83 = tpu.memref_slice %arg2[%dma_start3A_81, %dma_start3A_82] : memref<20480x128xf32, #tpu.memory_space<hbm>> -> memref<20480x128xf32, #tpu.memory_space<hbm>>
      tpu.enqueue_indirect_dma source(%dma_start3A_83 : memref<20480x128xf32, #tpu.memory_space<hbm>>) target(%arg13 : memref<80x128xf32, #tpu.memory_space<vmem>>) offsets(%arg10 : memref<80xi32, #tpu.memory_space<vmem>>) semaphore(%arg17 : memref<!tpu.dma_semaphore, #tpu.memory_space<semaphore_mem>>)
      %dma_wait3A_84 = arith.constant 0 : i32
      %dma_wait3A_85 = arith.constant 0 : i32
      %dma_wait3A_86 = tpu.memref_slice %arg2[%dma_wait3A_84, %dma_wait3A_85] : memref<20480x128xf32, #tpu.memory_space<hbm>> -> memref<80x128xf32, #tpu.memory_space<hbm>>
      %dma_wait3A_87 = arith.constant 0 : i32
      %dma_wait3A_88 = arith.constant 0 : i32
      %dma_wait3A_89 = tpu.memref_slice %arg2[%dma_wait3A_87, %dma_wait3A_88] : memref<20480x128xf32, #tpu.memory_space<hbm>> -> memref<80x128xf32, #tpu.memory_space<hbm>>
      tpu.wait_dma2 semaphore(%arg16 : memref<!tpu.dma_semaphore, #tpu.memory_space<semaphore_mem>>) src(%dma_wait3A_89 : memref<80x128xf32, #tpu.memory_space<hbm>>) dst(%arg12 : memref<80x128xf32, #tpu.memory_space<vmem>>)
      "tpu.region"() ({
        %run_scoped3A = tpu.sem_alloc : memref<!tpu.dma_semaphore, #tpu.memory_space<semaphore_mem>>
        %dma_start3A_141 = arith.constant 0 : i32
        %dma_start3A_142 = arith.constant 0 : i32
        %dma_start3A_143 = tpu.memref_slice %arg15[%dma_start3A_141, %dma_start3A_142] : memref<10240x128xf32, #tpu.memory_space<vmem_shared>> -> memref<10240x128xf32, #tpu.memory_space<vmem_shared>>
        tpu.enqueue_indirect_dma source(%arg12 : memref<80x128xf32, #tpu.memory_space<vmem>>) target(%dma_start3A_143 : memref<10240x128xf32, #tpu.memory_space<vmem_shared>>) offsets(%arg9 : memref<80xi32, #tpu.memory_space<vmem>>) semaphore(%run_scoped3A : memref<!tpu.dma_semaphore, #tpu.memory_space<semaphore_mem>>) {add = true}
        %dma_wait3A_144 = arith.constant 0 : i32
        %dma_wait3A_145 = arith.constant 0 : i32
        %dma_wait3A_146 = tpu.memref_slice %arg15[%dma_wait3A_144, %dma_wait3A_145] : memref<10240x128xf32, #tpu.memory_space<vmem_shared>> -> memref<10240x128xf32, #tpu.memory_space<vmem_shared>>
        tpu.wait_indirect_dma semaphore(%run_scoped3A : memref<!tpu.dma_semaphore, #tpu.memory_space<semaphore_mem>>) src(%arg12 : memref<80x128xf32, #tpu.memory_space<vmem>>) dst(%dma_wait3A_146 : memref<10240x128xf32, #tpu.memory_space<vmem_shared>>)
        tpu.yield
      }) : () -> ()
      %get3A_90 = arith.constant 0 : index
      %get3A_91 = tpu.vector_load %arg9[%get3A_90] {strides = array<i32>} : memref<80xi32, #tpu.memory_space<vmem>>, vector<16xi32>,
      tpu.vector_store_idx %arg14[%get3A_91], %broadcast_in_dim3A_14 {add = true} : memref<10240xf32, #tpu.memory_space<vmem>>[vector<16xi32>], vector<16xf32>,
      %get3A_92 = arith.constant 16 : index
      %get3A_93 = tpu.vector_load %arg9[%get3A_92] {strides = array<i32>} : memref<80xi32, #tpu.memory_space<vmem>>, vector<16xi32>,
      tpu.vector_store_idx %arg14[%get3A_93], %broadcast_in_dim3A_14 {add = true} : memref<10240xf32, #tpu.memory_space<vmem>>[vector<16xi32>], vector<16xf32>,
      %get3A_94 = arith.constant 32 : index
      %get3A_95 = tpu.vector_load %arg9[%get3A_94] {strides = array<i32>} : memref<80xi32, #tpu.memory_space<vmem>>, vector<16xi32>,
      tpu.vector_store_idx %arg14[%get3A_95], %broadcast_in_dim3A_14 {add = true} : memref<10240xf32, #tpu.memory_space<vmem>>[vector<16xi32>], vector<16xf32>,
      %get3A_96 = arith.constant 48 : index
      %get3A_97 = tpu.vector_load %arg9[%get3A_96] {strides = array<i32>} : memref<80xi32, #tpu.memory_space<vmem>>, vector<16xi32>,
      tpu.vector_store_idx %arg14[%get3A_97], %broadcast_in_dim3A_14 {add = true} : memref<10240xf32, #tpu.memory_space<vmem>>[vector<16xi32>], vector<16xf32>,
      %get3A_98 = arith.constant 64 : index
      %get3A_99 = tpu.vector_load %arg9[%get3A_98] {strides = array<i32>} : memref<80xi32, #tpu.memory_space<vmem>>, vector<16xi32>,
      tpu.vector_store_idx %arg14[%get3A_99], %broadcast_in_dim3A_14 {add = true} : memref<10240xf32, #tpu.memory_space<vmem>>[vector<16xi32>], vector<16xf32>,
      %add3A_100 = arith.constant 2 : i32
      %add3A_101 = arith.addi %mul3A_72, %add3A_100 : i32
      %mul3A_102 = arith.constant 80 : i32
      %mul3A_103 = arith.muli %add3A_101, %mul3A_102 : i32
      %add3A_104 = arith.addi %add3A, %mul3A_103 : i32
      %dma_start3A_105 = tpu.memref_slice %arg3[%add3A_104] : memref<320000xi32, #tpu.memory_space<hbm>> -> memref<80xi32, #tpu.memory_space<hbm>>
      %dma_start3A_106 = tpu.memref_slice %arg3[%add3A_104] : memref<320000xi32, #tpu.memory_space<hbm>> -> memref<80xi32, #tpu.memory_space<hbm>>
      tpu.enqueue_dma source(%dma_start3A_106 : memref<80xi32, #tpu.memory_space<hbm>>) target(%arg8 : memref<80xi32, #tpu.memory_space<vmem>>) target_semaphore(%arg18 : memref<!tpu.dma_semaphore, #tpu.memory_space<semaphore_mem>>)
      %mul3A_107 = arith.constant 80 : i32
      %mul3A_108 = arith.muli %add3A_101, %mul3A_107 : i32
      %add3A_109 = arith.addi %mul3A_12, %mul3A_108 : i32
      %dma_start3A_110 = tpu.memref_slice %arg4[%add3A_109] : memref<160000xi32, #tpu.memory_space<hbm>> -> memref<80xi32, #tpu.memory_space<hbm>>
      %dma_start3A_111 = tpu.memref_slice %arg4[%add3A_109] : memref<160000xi32, #tpu.memory_space<hbm>> -> memref<80xi32, #tpu.memory_space<hbm>>
      tpu.enqueue_dma source(%dma_start3A_111 : memref<80xi32, #tpu.memory_space<hbm>>) target(%arg9 : memref<80xi32, #tpu.memory_space<vmem>>) target_semaphore(%arg18 : memref<!tpu.dma_semaphore, #tpu.memory_space<semaphore_mem>>)
      %dma_wait3A_112 = arith.constant 0 : i32
      %dma_wait3A_113 = arith.constant 0 : i32
      %dma_wait3A_114 = tpu.memref_slice %arg2[%dma_wait3A_112, %dma_wait3A_113] : memref<20480x128xf32, #tpu.memory_space<hbm>> -> memref<80x128xf32, #tpu.memory_space<hbm>>
      %dma_wait3A_115 = arith.constant 0 : i32
      %dma_wait3A_116 = arith.constant 0 : i32
      %dma_wait3A_117 = tpu.memref_slice %arg2[%dma_wait3A_115, %dma_wait3A_116] : memref<20480x128xf32, #tpu.memory_space<hbm>> -> memref<80x128xf32, #tpu.memory_space<hbm>>
      tpu.wait_dma2 semaphore(%arg17 : memref<!tpu.dma_semaphore, #tpu.memory_space<semaphore_mem>>) src(%dma_wait3A_117 : memref<80x128xf32, #tpu.memory_space<hbm>>) dst(%arg13 : memref<80x128xf32, #tpu.memory_space<vmem>>)
      "tpu.region"() ({
        %run_scoped3A = tpu.sem_alloc : memref<!tpu.dma_semaphore, #tpu.memory_space<semaphore_mem>>
        %dma_start3A_141 = arith.constant 0 : i32
        %dma_start3A_142 = arith.constant 0 : i32
        %dma_start3A_143 = tpu.memref_slice %arg15[%dma_start3A_141, %dma_start3A_142] : memref<10240x128xf32, #tpu.memory_space<vmem_shared>> -> memref<10240x128xf32, #tpu.memory_space<vmem_shared>>
        tpu.enqueue_indirect_dma source(%arg13 : memref<80x128xf32, #tpu.memory_space<vmem>>) target(%dma_start3A_143 : memref<10240x128xf32, #tpu.memory_space<vmem_shared>>) offsets(%arg11 : memref<80xi32, #tpu.memory_space<vmem>>) semaphore(%run_scoped3A : memref<!tpu.dma_semaphore, #tpu.memory_space<semaphore_mem>>) {add = true}
        %dma_wait3A_144 = arith.constant 0 : i32
        %dma_wait3A_145 = arith.constant 0 : i32
        %dma_wait3A_146 = tpu.memref_slice %arg15[%dma_wait3A_144, %dma_wait3A_145] : memref<10240x128xf32, #tpu.memory_space<vmem_shared>> -> memref<10240x128xf32, #tpu.memory_space<vmem_shared>>
        tpu.wait_indirect_dma semaphore(%run_scoped3A : memref<!tpu.dma_semaphore, #tpu.memory_space<semaphore_mem>>) src(%arg13 : memref<80x128xf32, #tpu.memory_space<vmem>>) dst(%dma_wait3A_146 : memref<10240x128xf32, #tpu.memory_space<vmem_shared>>)
        tpu.yield
      }) : () -> ()
      %get3A_118 = arith.constant 0 : index
      %get3A_119 = tpu.vector_load %arg11[%get3A_118] {strides = array<i32>} : memref<80xi32, #tpu.memory_space<vmem>>, vector<16xi32>,
      tpu.vector_store_idx %arg14[%get3A_119], %broadcast_in_dim3A_14 {add = true} : memref<10240xf32, #tpu.memory_space<vmem>>[vector<16xi32>], vector<16xf32>,
      %get3A_120 = arith.constant 16 : index
      %get3A_121 = tpu.vector_load %arg11[%get3A_120] {strides = array<i32>} : memref<80xi32, #tpu.memory_space<vmem>>, vector<16xi32>,
      tpu.vector_store_idx %arg14[%get3A_121], %broadcast_in_dim3A_14 {add = true} : memref<10240xf32, #tpu.memory_space<vmem>>[vector<16xi32>], vector<16xf32>,
      %get3A_122 = arith.constant 32 : index
      %get3A_123 = tpu.vector_load %arg11[%get3A_122] {strides = array<i32>} : memref<80xi32, #tpu.memory_space<vmem>>, vector<16xi32>,
      tpu.vector_store_idx %arg14[%get3A_123], %broadcast_in_dim3A_14 {add = true} : memref<10240xf32, #tpu.memory_space<vmem>>[vector<16xi32>], vector<16xf32>,
      %get3A_124 = arith.constant 48 : index
      %get3A_125 = tpu.vector_load %arg11[%get3A_124] {strides = array<i32>} : memref<80xi32, #tpu.memory_space<vmem>>, vector<16xi32>,
      tpu.vector_store_idx %arg14[%get3A_125], %broadcast_in_dim3A_14 {add = true} : memref<10240xf32, #tpu.memory_space<vmem>>[vector<16xi32>], vector<16xf32>,
      %get3A_126 = arith.constant 64 : index
      %get3A_127 = tpu.vector_load %arg11[%get3A_126] {strides = array<i32>} : memref<80xi32, #tpu.memory_space<vmem>>, vector<16xi32>,
      tpu.vector_store_idx %arg14[%get3A_127], %broadcast_in_dim3A_14 {add = true} : memref<10240xf32, #tpu.memory_space<vmem>>[vector<16xi32>], vector<16xf32>,
      %lt3A = arith.constant 61 : i32
      %lt3A_128 = arith.cmpi slt, %scan3A_70, %lt3A : i32
      %convert_element_type3A = arith.extui %lt3A_128 : i1 to i32
      %cond3A = arith.constant 0 : i32
      %cond3A_129 = arith.cmpi ne, %convert_element_type3A, %cond3A : i32
      scf.if %cond3A_129 {
        %add3A_141 = arith.constant 3 : i32
        %add3A_142 = arith.addi %mul3A_72, %add3A_141 : i32
        %mul3A_143 = arith.constant 80 : i32
        %mul3A_144 = arith.muli %add3A_142, %mul3A_143 : i32
        %add3A_145 = arith.addi %add3A, %mul3A_144 : i32
        %dma_start3A_146 = tpu.memref_slice %arg3[%add3A_145] : memref<320000xi32, #tpu.memory_space<hbm>> -> memref<80xi32, #tpu.memory_space<hbm>>
        %dma_start3A_147 = tpu.memref_slice %arg3[%add3A_145] : memref<320000xi32, #tpu.memory_space<hbm>> -> memref<80xi32, #tpu.memory_space<hbm>>
        tpu.enqueue_dma source(%dma_start3A_147 : memref<80xi32, #tpu.memory_space<hbm>>) target(%arg10 : memref<80xi32, #tpu.memory_space<vmem>>) target_semaphore(%arg19 : memref<!tpu.dma_semaphore, #tpu.memory_space<semaphore_mem>>)
        %mul3A_148 = arith.constant 80 : i32
        %mul3A_149 = arith.muli %add3A_142, %mul3A_148 : i32
        %add3A_150 = arith.addi %mul3A_12, %mul3A_149 : i32
        %dma_start3A_151 = tpu.memref_slice %arg4[%add3A_150] : memref<160000xi32, #tpu.memory_space<hbm>> -> memref<80xi32, #tpu.memory_space<hbm>>
        %dma_start3A_152 = tpu.memref_slice %arg4[%add3A_150] : memref<160000xi32, #tpu.memory_space<hbm>> -> memref<80xi32, #tpu.memory_space<hbm>>
        tpu.enqueue_dma source(%dma_start3A_152 : memref<80xi32, #tpu.memory_space<hbm>>) target(%arg11 : memref<80xi32, #tpu.memory_space<vmem>>) target_semaphore(%arg19 : memref<!tpu.dma_semaphore, #tpu.memory_space<semaphore_mem>>)
      } else {
      }
      %dma_wait3A_130 = arith.constant 0 : i32
      %dma_wait3A_131 = tpu.memref_slice %arg3[%dma_wait3A_130] : memref<320000xi32, #tpu.memory_space<hbm>> -> memref<80xi32, #tpu.memory_space<hbm>>
      %dma_wait3A_132 = arith.constant 0 : i32
      %dma_wait3A_133 = tpu.memref_slice %arg3[%dma_wait3A_132] : memref<320000xi32, #tpu.memory_space<hbm>> -> memref<80xi32, #tpu.memory_space<hbm>>
      tpu.wait_dma2 semaphore(%arg18 : memref<!tpu.dma_semaphore, #tpu.memory_space<semaphore_mem>>) src(%dma_wait3A_133 : memref<80xi32, #tpu.memory_space<hbm>>) dst(%arg8 : memref<80xi32, #tpu.memory_space<vmem>>)
      %dma_wait3A_134 = arith.constant 0 : i32
      %dma_wait3A_135 = tpu.memref_slice %arg4[%dma_wait3A_134] : memref<160000xi32, #tpu.memory_space<hbm>> -> memref<80xi32, #tpu.memory_space<hbm>>
      %dma_wait3A_136 = arith.constant 0 : i32
      %dma_wait3A_137 = tpu.memref_slice %arg4[%dma_wait3A_136] : memref<160000xi32, #tpu.memory_space<hbm>> -> memref<80xi32, #tpu.memory_space<hbm>>
      tpu.wait_dma2 semaphore(%arg18 : memref<!tpu.dma_semaphore, #tpu.memory_space<semaphore_mem>>) src(%dma_wait3A_137 : memref<80xi32, #tpu.memory_space<hbm>>) dst(%arg9 : memref<80xi32, #tpu.memory_space<vmem>>)
      %dma_start3A_138 = arith.constant 0 : i32
      %dma_start3A_139 = arith.constant 0 : i32
      %dma_start3A_140 = tpu.memref_slice %arg2[%dma_start3A_138, %dma_start3A_139] : memref<20480x128xf32, #tpu.memory_space<hbm>> -> memref<20480x128xf32, #tpu.memory_space<hbm>>
      tpu.enqueue_indirect_dma source(%dma_start3A_140 : memref<20480x128xf32, #tpu.memory_space<hbm>>) target(%arg12 : memref<80x128xf32, #tpu.memory_space<vmem>>) offsets(%arg8 : memref<80xi32, #tpu.memory_space<vmem>>) semaphore(%arg16 : memref<!tpu.dma_semaphore, #tpu.memory_space<semaphore_mem>>)
    }
    %scan3A_45 = arith.constant 62 : i32
    %dma_wait3A_46 = arith.constant 0 : i32
    %dma_wait3A_47 = arith.constant 0 : i32
    %dma_wait3A_48 = tpu.memref_slice %arg2[%dma_wait3A_46, %dma_wait3A_47] : memref<20480x128xf32, #tpu.memory_space<hbm>> -> memref<80x128xf32, #tpu.memory_space<hbm>>
    %dma_wait3A_49 = arith.constant 0 : i32
    %dma_wait3A_50 = arith.constant 0 : i32
    %dma_wait3A_51 = tpu.memref_slice %arg2[%dma_wait3A_49, %dma_wait3A_50] : memref<20480x128xf32, #tpu.memory_space<hbm>> -> memref<80x128xf32, #tpu.memory_space<hbm>>
    tpu.wait_dma2 semaphore(%arg16 : memref<!tpu.dma_semaphore, #tpu.memory_space<semaphore_mem>>) src(%dma_wait3A_51 : memref<80x128xf32, #tpu.memory_space<hbm>>) dst(%arg12 : memref<80x128xf32, #tpu.memory_space<vmem>>)
    "tpu.region"() ({
      %run_scoped3A = tpu.sem_alloc : memref<!tpu.dma_semaphore, #tpu.memory_space<semaphore_mem>>
      %dma_start3A_70 = arith.constant 0 : i32
      %dma_start3A_71 = arith.constant 0 : i32
      %dma_start3A_72 = tpu.memref_slice %arg15[%dma_start3A_70, %dma_start3A_71] : memref<10240x128xf32, #tpu.memory_space<vmem_shared>> -> memref<10240x128xf32, #tpu.memory_space<vmem_shared>>
      tpu.enqueue_indirect_dma source(%arg12 : memref<80x128xf32, #tpu.memory_space<vmem>>) target(%dma_start3A_72 : memref<10240x128xf32, #tpu.memory_space<vmem_shared>>) offsets(%arg9 : memref<80xi32, #tpu.memory_space<vmem>>) semaphore(%run_scoped3A : memref<!tpu.dma_semaphore, #tpu.memory_space<semaphore_mem>>) {add = true}
      %dma_wait3A_73 = arith.constant 0 : i32
      %dma_wait3A_74 = arith.constant 0 : i32
      %dma_wait3A_75 = tpu.memref_slice %arg15[%dma_wait3A_73, %dma_wait3A_74] : memref<10240x128xf32, #tpu.memory_space<vmem_shared>> -> memref<10240x128xf32, #tpu.memory_space<vmem_shared>>
      tpu.wait_indirect_dma semaphore(%run_scoped3A : memref<!tpu.dma_semaphore, #tpu.memory_space<semaphore_mem>>) src(%arg12 : memref<80x128xf32, #tpu.memory_space<vmem>>) dst(%dma_wait3A_75 : memref<10240x128xf32, #tpu.memory_space<vmem_shared>>)
      tpu.yield
    }) : () -> ()
    %get3A = arith.constant 0 : index
    %get3A_52 = tpu.vector_load %arg9[%get3A] {strides = array<i32>} : memref<80xi32, #tpu.memory_space<vmem>>, vector<16xi32>,
    tpu.vector_store_idx %arg14[%get3A_52], %broadcast_in_dim3A_14 {add = true} : memref<10240xf32, #tpu.memory_space<vmem>>[vector<16xi32>], vector<16xf32>,
    %get3A_53 = arith.constant 16 : index
    %get3A_54 = tpu.vector_load %arg9[%get3A_53] {strides = array<i32>} : memref<80xi32, #tpu.memory_space<vmem>>, vector<16xi32>,
    tpu.vector_store_idx %arg14[%get3A_54], %broadcast_in_dim3A_14 {add = true} : memref<10240xf32, #tpu.memory_space<vmem>>[vector<16xi32>], vector<16xf32>,
    %get3A_55 = arith.constant 32 : index
    %get3A_56 = tpu.vector_load %arg9[%get3A_55] {strides = array<i32>} : memref<80xi32, #tpu.memory_space<vmem>>, vector<16xi32>,
    tpu.vector_store_idx %arg14[%get3A_56], %broadcast_in_dim3A_14 {add = true} : memref<10240xf32, #tpu.memory_space<vmem>>[vector<16xi32>], vector<16xf32>,
    %get3A_57 = arith.constant 48 : index
    %get3A_58 = tpu.vector_load %arg9[%get3A_57] {strides = array<i32>} : memref<80xi32, #tpu.memory_space<vmem>>, vector<16xi32>,
    tpu.vector_store_idx %arg14[%get3A_58], %broadcast_in_dim3A_14 {add = true} : memref<10240xf32, #tpu.memory_space<vmem>>[vector<16xi32>], vector<16xf32>,
    %get3A_59 = arith.constant 64 : index
    %get3A_60 = tpu.vector_load %arg9[%get3A_59] {strides = array<i32>} : memref<80xi32, #tpu.memory_space<vmem>>, vector<16xi32>,
    tpu.vector_store_idx %arg14[%get3A_60], %broadcast_in_dim3A_14 {add = true} : memref<10240xf32, #tpu.memory_space<vmem>>[vector<16xi32>], vector<16xf32>,
    %barrier3A_61 = arith.constant 0 : index
    tpu.barrier barrier_id(%barrier3A_61)
    %mul3A_62 = arith.constant 10240 : i32
    %mul3A_63 = arith.muli %arg0, %mul3A_62 : i32
    %add3A_64 = arith.addi %mul3A_63, %mul3A_0 : i32
    "tpu.region"() ({
      %run_scoped3A = tpu.sem_alloc : memref<!tpu.dma_semaphore, #tpu.memory_space<semaphore_mem>>
      %dma_start3A_70 = arith.constant 0 : i32
      %dma_start3A_71 = tpu.memref_slice %arg6[%add3A_64, %dma_start3A_70] : memref<20480x128xf32, #tpu.memory_space<hbm>> -> memref<640x128xf32, #tpu.memory_space<hbm>>
      %dma_start3A_72 = arith.constant 0 : i32
      %dma_start3A_73 = tpu.memref_slice %arg15[%mul3A_0, %dma_start3A_72] : memref<10240x128xf32, #tpu.memory_space<vmem_shared>> -> memref<640x128xf32, #tpu.memory_space<vmem_shared>>
      tpu.enqueue_dma source(%dma_start3A_73 : memref<640x128xf32, #tpu.memory_space<vmem_shared>>) target(%dma_start3A_71 : memref<640x128xf32, #tpu.memory_space<hbm>>) target_semaphore(%run_scoped3A : memref<!tpu.dma_semaphore, #tpu.memory_space<semaphore_mem>>)
      %dma_wait3A_74 = arith.constant 0 : i32
      %dma_wait3A_75 = tpu.memref_slice %arg6[%add3A_64, %dma_wait3A_74] : memref<20480x128xf32, #tpu.memory_space<hbm>> -> memref<640x128xf32, #tpu.memory_space<hbm>>
      %dma_wait3A_76 = arith.constant 0 : i32
      %dma_wait3A_77 = tpu.memref_slice %arg15[%mul3A_0, %dma_wait3A_76] : memref<10240x128xf32, #tpu.memory_space<vmem_shared>> -> memref<640x128xf32, #tpu.memory_space<vmem_shared>>
      tpu.wait_dma2 semaphore(%run_scoped3A : memref<!tpu.dma_semaphore, #tpu.memory_space<semaphore_mem>>) src(%dma_wait3A_77 : memref<640x128xf32, #tpu.memory_space<vmem_shared>>) dst(%dma_wait3A_75 : memref<640x128xf32, #tpu.memory_space<hbm>>)
      tpu.yield
    }) : () -> ()
    %mul3A_65 = arith.constant 16 : i32
    %mul3A_66 = arith.muli %arg0, %mul3A_65 : i32
    %add3A_67 = arith.addi %mul3A_66, %arg1 : i32
    %mul3A_68 = arith.constant 10240 : i32
    %mul3A_69 = arith.muli %add3A_67, %mul3A_68 : i32
    "tpu.region"() ({
      %run_scoped3A = tpu.sem_alloc : memref<!tpu.dma_semaphore, #tpu.memory_space<semaphore_mem>>
      %dma_start3A_70 = tpu.memref_slice %arg7[%mul3A_69] : memref<327680xf32, #tpu.memory_space<hbm>> -> memref<10240xf32, #tpu.memory_space<hbm>>
      %dma_start3A_71 = tpu.memref_slice %arg7[%mul3A_69] : memref<327680xf32, #tpu.memory_space<hbm>> -> memref<10240xf32, #tpu.memory_space<hbm>>
      tpu.enqueue_dma source(%arg14 : memref<10240xf32, #tpu.memory_space<vmem>>) target(%dma_start3A_71 : memref<10240xf32, #tpu.memory_space<hbm>>) target_semaphore(%run_scoped3A : memref<!tpu.dma_semaphore, #tpu.memory_space<semaphore_mem>>)
      %dma_wait3A_72 = tpu.memref_slice %arg7[%mul3A_69] : memref<327680xf32, #tpu.memory_space<hbm>> -> memref<10240xf32, #tpu.memory_space<hbm>>
      %dma_wait3A_73 = tpu.memref_slice %arg7[%mul3A_69] : memref<327680xf32, #tpu.memory_space<hbm>> -> memref<10240xf32, #tpu.memory_space<hbm>>
      tpu.wait_dma2 semaphore(%run_scoped3A : memref<!tpu.dma_semaphore, #tpu.memory_space<semaphore_mem>>) src(%arg14 : memref<10240xf32, #tpu.memory_space<vmem>>) dst(%dma_wait3A_73 : memref<10240xf32, #tpu.memory_space<hbm>>)
      tpu.yield
    }) : () -> ()
    return
  }
}

#map = affine_map<(d0, d1) -> (0, 0)>
#map1 = affine_map<(d0, d1) -> (0)>
module attributes {stable_mosaic.version = 14 : i64} {
  func.func @sc_seg_sum(%arg0: i32, %arg1: i32, %arg2: memref<20480x128xf32, #tpu.memory_space<hbm>>, %arg3: memref<320000xi32, #tpu.memory_space<hbm>>, %arg4: memref<160000xi32, #tpu.memory_space<hbm>>, %arg5: memref<640x128xf32, #tpu.memory_space<hbm>>, %arg6: memref<20480x128xf32, #tpu.memory_space<hbm>>, %arg7: memref<80xi32, #tpu.memory_space<vmem>>, %arg8: memref<80xi32, #tpu.memory_space<vmem>>, %arg9: memref<80xi32, #tpu.memory_space<vmem>>, %arg10: memref<80xi32, #tpu.memory_space<vmem>>, %arg11: memref<80x128xf32, #tpu.memory_space<vmem>>, %arg12: memref<80x128xf32, #tpu.memory_space<vmem>>, %arg13: memref<10240x128xf32, #tpu.memory_space<vmem_shared>>, %arg14: memref<!tpu.dma_semaphore, #tpu.memory_space<semaphore_mem>>, %arg15: memref<!tpu.dma_semaphore, #tpu.memory_space<semaphore_mem>>, %arg16: memref<!tpu.dma_semaphore, #tpu.memory_space<semaphore_mem>>, %arg17: memref<!tpu.dma_semaphore, #tpu.memory_space<semaphore_mem>>) attributes {dimension_semantics = [#tpu.dimension_semantics<core_parallel>, #tpu.dimension_semantics<subcore_parallel>], iteration_bounds = array<i64: 2, 16>, scalar_prefetch = 0 : i64, scratch_operands = 11 : i64, tpu.core_type = #tpu.core_type<sc_vector_subcore>, window_params = [{transform_indices = #map}, {transform_indices = #map1}, {transform_indices = #map1}, {transform_indices = #map}, {transform_indices = #map}]} {
    %mul3A = arith.constant 640 : i32
    %mul3A_0 = arith.muli %arg1, %mul3A : i32
    "tpu.region"() ({
      %run_scoped3A = tpu.sem_alloc : memref<!tpu.dma_semaphore, #tpu.memory_space<semaphore_mem>>
      %dma_start3A_48 = arith.constant 0 : i32
      %dma_start3A_49 = tpu.memref_slice %arg13[%mul3A_0, %dma_start3A_48] : memref<10240x128xf32, #tpu.memory_space<vmem_shared>> -> memref<640x128xf32, #tpu.memory_space<vmem_shared>>
      tpu.enqueue_dma source(%arg5 : memref<640x128xf32, #tpu.memory_space<hbm>>) target(%dma_start3A_49 : memref<640x128xf32, #tpu.memory_space<vmem_shared>>) target_semaphore(%run_scoped3A : memref<!tpu.dma_semaphore, #tpu.memory_space<semaphore_mem>>)
      %dma_wait3A_50 = arith.constant 0 : i32
      %dma_wait3A_51 = tpu.memref_slice %arg13[%mul3A_0, %dma_wait3A_50] : memref<10240x128xf32, #tpu.memory_space<vmem_shared>> -> memref<640x128xf32, #tpu.memory_space<vmem_shared>>
      tpu.wait_dma2 semaphore(%run_scoped3A : memref<!tpu.dma_semaphore, #tpu.memory_space<semaphore_mem>>) src(%arg5 : memref<640x128xf32, #tpu.memory_space<hbm>>) dst(%dma_wait3A_51 : memref<640x128xf32, #tpu.memory_space<vmem_shared>>)
      tpu.yield
    }) : () -> ()
    %barrier3A = arith.constant 0 : index
    tpu.barrier barrier_id(%barrier3A)
    %mul3A_1 = arith.constant 160000 : i32
    %mul3A_2 = arith.muli %arg0, %mul3A_1 : i32
    %mul3A_3 = arith.constant 10000 : i32
    %mul3A_4 = arith.muli %arg1, %mul3A_3 : i32
    %add3A = arith.addi %mul3A_2, %mul3A_4 : i32
    %mul3A_5 = arith.constant 10000 : i32
    %mul3A_6 = arith.muli %arg1, %mul3A_5 : i32
    %broadcast_in_dim3A = arith.constant 1.000000e+00 : f32
    %broadcast_in_dim3A_7 = vector.broadcast %broadcast_in_dim3A : f32 to vector<16xf32>
    %add3A_8 = arith.constant 0 : i32
    %add3A_9 = arith.addi %add3A, %add3A_8 : i32
    %dma_start3A = tpu.memref_slice %arg3[%add3A_9] : memref<320000xi32, #tpu.memory_space<hbm>> -> memref<80xi32, #tpu.memory_space<hbm>>
    %dma_start3A_10 = tpu.memref_slice %arg3[%add3A_9] : memref<320000xi32, #tpu.memory_space<hbm>> -> memref<80xi32, #tpu.memory_space<hbm>>
    tpu.enqueue_dma source(%dma_start3A_10 : memref<80xi32, #tpu.memory_space<hbm>>) target(%arg7 : memref<80xi32, #tpu.memory_space<vmem>>) target_semaphore(%arg16 : memref<!tpu.dma_semaphore, #tpu.memory_space<semaphore_mem>>)
    %add3A_11 = arith.constant 0 : i32
    %add3A_12 = arith.addi %mul3A_6, %add3A_11 : i32
    %dma_start3A_13 = tpu.memref_slice %arg4[%add3A_12] : memref<160000xi32, #tpu.memory_space<hbm>> -> memref<80xi32, #tpu.memory_space<hbm>>
    %dma_start3A_14 = tpu.memref_slice %arg4[%add3A_12] : memref<160000xi32, #tpu.memory_space<hbm>> -> memref<80xi32, #tpu.memory_space<hbm>>
    tpu.enqueue_dma source(%dma_start3A_14 : memref<80xi32, #tpu.memory_space<hbm>>) target(%arg8 : memref<80xi32, #tpu.memory_space<vmem>>) target_semaphore(%arg16 : memref<!tpu.dma_semaphore, #tpu.memory_space<semaphore_mem>>)
    %add3A_15 = arith.constant 80 : i32
    %add3A_16 = arith.addi %add3A, %add3A_15 : i32
    %dma_start3A_17 = tpu.memref_slice %arg3[%add3A_16] : memref<320000xi32, #tpu.memory_space<hbm>> -> memref<80xi32, #tpu.memory_space<hbm>>
    %dma_start3A_18 = tpu.memref_slice %arg3[%add3A_16] : memref<320000xi32, #tpu.memory_space<hbm>> -> memref<80xi32, #tpu.memory_space<hbm>>
    tpu.enqueue_dma source(%dma_start3A_18 : memref<80xi32, #tpu.memory_space<hbm>>) target(%arg9 : memref<80xi32, #tpu.memory_space<vmem>>) target_semaphore(%arg17 : memref<!tpu.dma_semaphore, #tpu.memory_space<semaphore_mem>>)
    %add3A_19 = arith.constant 80 : i32
    %add3A_20 = arith.addi %mul3A_6, %add3A_19 : i32
    %dma_start3A_21 = tpu.memref_slice %arg4[%add3A_20] : memref<160000xi32, #tpu.memory_space<hbm>> -> memref<80xi32, #tpu.memory_space<hbm>>
    %dma_start3A_22 = tpu.memref_slice %arg4[%add3A_20] : memref<160000xi32, #tpu.memory_space<hbm>> -> memref<80xi32, #tpu.memory_space<hbm>>
    tpu.enqueue_dma source(%dma_start3A_22 : memref<80xi32, #tpu.memory_space<hbm>>) target(%arg10 : memref<80xi32, #tpu.memory_space<vmem>>) target_semaphore(%arg17 : memref<!tpu.dma_semaphore, #tpu.memory_space<semaphore_mem>>)
    %dma_wait3A = arith.constant 0 : i32
    %dma_wait3A_23 = tpu.memref_slice %arg3[%dma_wait3A] : memref<320000xi32, #tpu.memory_space<hbm>> -> memref<80xi32, #tpu.memory_space<hbm>>
    %dma_wait3A_24 = arith.constant 0 : i32
    %dma_wait3A_25 = tpu.memref_slice %arg3[%dma_wait3A_24] : memref<320000xi32, #tpu.memory_space<hbm>> -> memref<80xi32, #tpu.memory_space<hbm>>
    tpu.wait_dma2 semaphore(%arg16 : memref<!tpu.dma_semaphore, #tpu.memory_space<semaphore_mem>>) src(%dma_wait3A_25 : memref<80xi32, #tpu.memory_space<hbm>>) dst(%arg7 : memref<80xi32, #tpu.memory_space<vmem>>)
    %dma_wait3A_26 = arith.constant 0 : i32
    %dma_wait3A_27 = tpu.memref_slice %arg4[%dma_wait3A_26] : memref<160000xi32, #tpu.memory_space<hbm>> -> memref<80xi32, #tpu.memory_space<hbm>>
    %dma_wait3A_28 = arith.constant 0 : i32
    %dma_wait3A_29 = tpu.memref_slice %arg4[%dma_wait3A_28] : memref<160000xi32, #tpu.memory_space<hbm>> -> memref<80xi32, #tpu.memory_space<hbm>>
    tpu.wait_dma2 semaphore(%arg16 : memref<!tpu.dma_semaphore, #tpu.memory_space<semaphore_mem>>) src(%dma_wait3A_29 : memref<80xi32, #tpu.memory_space<hbm>>) dst(%arg8 : memref<80xi32, #tpu.memory_space<vmem>>)
    %dma_start3A_30 = arith.constant 0 : i32
    %dma_start3A_31 = arith.constant 0 : i32
    %dma_start3A_32 = tpu.memref_slice %arg2[%dma_start3A_30, %dma_start3A_31] : memref<20480x128xf32, #tpu.memory_space<hbm>> -> memref<20480x128xf32, #tpu.memory_space<hbm>>
    tpu.enqueue_indirect_dma source(%dma_start3A_32 : memref<20480x128xf32, #tpu.memory_space<hbm>>) target(%arg11 : memref<80x128xf32, #tpu.memory_space<vmem>>) offsets(%arg7 : memref<80xi32, #tpu.memory_space<vmem>>) semaphore(%arg14 : memref<!tpu.dma_semaphore, #tpu.memory_space<semaphore_mem>>)
    %scan3A = arith.constant 0 : i32
    %scan3A_33 = arith.constant 0 : i32
    %scan3A_34 = arith.constant 62 : i32
    %scan3A_35 = arith.addi %scan3A_33, %scan3A_34 : i32
    %scan3A_36 = arith.constant 1 : i32
    scf.for %scan3A_48 = %scan3A_33 to %scan3A_35 step %scan3A_36  : i32 {
      %mul3A_49 = arith.constant 2 : i32
      %mul3A_50 = arith.muli %mul3A_49, %scan3A_48 : i32
      %dma_wait3A_51 = arith.constant 0 : i32
      %dma_wait3A_52 = tpu.memref_slice %arg3[%dma_wait3A_51] : memref<320000xi32, #tpu.memory_space<hbm>> -> memref<80xi32, #tpu.memory_space<hbm>>
      %dma_wait3A_53 = arith.constant 0 : i32
      %dma_wait3A_54 = tpu.memref_slice %arg3[%dma_wait3A_53] : memref<320000xi32, #tpu.memory_space<hbm>> -> memref<80xi32, #tpu.memory_space<hbm>>
      tpu.wait_dma2 semaphore(%arg17 : memref<!tpu.dma_semaphore, #tpu.memory_space<semaphore_mem>>) src(%dma_wait3A_54 : memref<80xi32, #tpu.memory_space<hbm>>) dst(%arg9 : memref<80xi32, #tpu.memory_space<vmem>>)
      %dma_wait3A_55 = arith.constant 0 : i32
      %dma_wait3A_56 = tpu.memref_slice %arg4[%dma_wait3A_55] : memref<160000xi32, #tpu.memory_space<hbm>> -> memref<80xi32, #tpu.memory_space<hbm>>
      %dma_wait3A_57 = arith.constant 0 : i32
      %dma_wait3A_58 = tpu.memref_slice %arg4[%dma_wait3A_57] : memref<160000xi32, #tpu.memory_space<hbm>> -> memref<80xi32, #tpu.memory_space<hbm>>
      tpu.wait_dma2 semaphore(%arg17 : memref<!tpu.dma_semaphore, #tpu.memory_space<semaphore_mem>>) src(%dma_wait3A_58 : memref<80xi32, #tpu.memory_space<hbm>>) dst(%arg10 : memref<80xi32, #tpu.memory_space<vmem>>)
      %dma_start3A_59 = arith.constant 0 : i32
      %dma_start3A_60 = arith.constant 0 : i32
      %dma_start3A_61 = tpu.memref_slice %arg2[%dma_start3A_59, %dma_start3A_60] : memref<20480x128xf32, #tpu.memory_space<hbm>> -> memref<20480x128xf32, #tpu.memory_space<hbm>>
      tpu.enqueue_indirect_dma source(%dma_start3A_61 : memref<20480x128xf32, #tpu.memory_space<hbm>>) target(%arg12 : memref<80x128xf32, #tpu.memory_space<vmem>>) offsets(%arg9 : memref<80xi32, #tpu.memory_space<vmem>>) semaphore(%arg15 : memref<!tpu.dma_semaphore, #tpu.memory_space<semaphore_mem>>)
      %dma_wait3A_62 = arith.constant 0 : i32
      %dma_wait3A_63 = arith.constant 0 : i32
      %dma_wait3A_64 = tpu.memref_slice %arg2[%dma_wait3A_62, %dma_wait3A_63] : memref<20480x128xf32, #tpu.memory_space<hbm>> -> memref<80x128xf32, #tpu.memory_space<hbm>>
      %dma_wait3A_65 = arith.constant 0 : i32
      %dma_wait3A_66 = arith.constant 0 : i32
      %dma_wait3A_67 = tpu.memref_slice %arg2[%dma_wait3A_65, %dma_wait3A_66] : memref<20480x128xf32, #tpu.memory_space<hbm>> -> memref<80x128xf32, #tpu.memory_space<hbm>>
      tpu.wait_dma2 semaphore(%arg14 : memref<!tpu.dma_semaphore, #tpu.memory_space<semaphore_mem>>) src(%dma_wait3A_67 : memref<80x128xf32, #tpu.memory_space<hbm>>) dst(%arg11 : memref<80x128xf32, #tpu.memory_space<vmem>>)
      "tpu.region"() ({
        %run_scoped3A = tpu.sem_alloc : memref<!tpu.dma_semaphore, #tpu.memory_space<semaphore_mem>>
        %dma_start3A_99 = arith.constant 0 : i32
        %dma_start3A_100 = arith.constant 0 : i32
        %dma_start3A_101 = tpu.memref_slice %arg13[%dma_start3A_99, %dma_start3A_100] : memref<10240x128xf32, #tpu.memory_space<vmem_shared>> -> memref<10240x128xf32, #tpu.memory_space<vmem_shared>>
        tpu.enqueue_indirect_dma source(%arg11 : memref<80x128xf32, #tpu.memory_space<vmem>>) target(%dma_start3A_101 : memref<10240x128xf32, #tpu.memory_space<vmem_shared>>) offsets(%arg8 : memref<80xi32, #tpu.memory_space<vmem>>) semaphore(%run_scoped3A : memref<!tpu.dma_semaphore, #tpu.memory_space<semaphore_mem>>) {add = true}
        %dma_wait3A_102 = arith.constant 0 : i32
        %dma_wait3A_103 = arith.constant 0 : i32
        %dma_wait3A_104 = tpu.memref_slice %arg13[%dma_wait3A_102, %dma_wait3A_103] : memref<10240x128xf32, #tpu.memory_space<vmem_shared>> -> memref<10240x128xf32, #tpu.memory_space<vmem_shared>>
        tpu.wait_indirect_dma semaphore(%run_scoped3A : memref<!tpu.dma_semaphore, #tpu.memory_space<semaphore_mem>>) src(%arg11 : memref<80x128xf32, #tpu.memory_space<vmem>>) dst(%dma_wait3A_104 : memref<10240x128xf32, #tpu.memory_space<vmem_shared>>)
        tpu.yield
      }) : () -> ()
      %add3A_68 = arith.constant 2 : i32
      %add3A_69 = arith.addi %mul3A_50, %add3A_68 : i32
      %mul3A_70 = arith.constant 80 : i32
      %mul3A_71 = arith.muli %add3A_69, %mul3A_70 : i32
      %add3A_72 = arith.addi %add3A, %mul3A_71 : i32
      %dma_start3A_73 = tpu.memref_slice %arg3[%add3A_72] : memref<320000xi32, #tpu.memory_space<hbm>> -> memref<80xi32, #tpu.memory_space<hbm>>
      %dma_start3A_74 = tpu.memref_slice %arg3[%add3A_72] : memref<320000xi32, #tpu.memory_space<hbm>> -> memref<80xi32, #tpu.memory_space<hbm>>
      tpu.enqueue_dma source(%dma_start3A_74 : memref<80xi32, #tpu.memory_space<hbm>>) target(%arg7 : memref<80xi32, #tpu.memory_space<vmem>>) target_semaphore(%arg16 : memref<!tpu.dma_semaphore, #tpu.memory_space<semaphore_mem>>)
      %mul3A_75 = arith.constant 80 : i32
      %mul3A_76 = arith.muli %add3A_69, %mul3A_75 : i32
      %add3A_77 = arith.addi %mul3A_6, %mul3A_76 : i32
      %dma_start3A_78 = tpu.memref_slice %arg4[%add3A_77] : memref<160000xi32, #tpu.memory_space<hbm>> -> memref<80xi32, #tpu.memory_space<hbm>>
      %dma_start3A_79 = tpu.memref_slice %arg4[%add3A_77] : memref<160000xi32, #tpu.memory_space<hbm>> -> memref<80xi32, #tpu.memory_space<hbm>>
      tpu.enqueue_dma source(%dma_start3A_79 : memref<80xi32, #tpu.memory_space<hbm>>) target(%arg8 : memref<80xi32, #tpu.memory_space<vmem>>) target_semaphore(%arg16 : memref<!tpu.dma_semaphore, #tpu.memory_space<semaphore_mem>>)
      %dma_wait3A_80 = arith.constant 0 : i32
      %dma_wait3A_81 = arith.constant 0 : i32
      %dma_wait3A_82 = tpu.memref_slice %arg2[%dma_wait3A_80, %dma_wait3A_81] : memref<20480x128xf32, #tpu.memory_space<hbm>> -> memref<80x128xf32, #tpu.memory_space<hbm>>
      %dma_wait3A_83 = arith.constant 0 : i32
      %dma_wait3A_84 = arith.constant 0 : i32
      %dma_wait3A_85 = tpu.memref_slice %arg2[%dma_wait3A_83, %dma_wait3A_84] : memref<20480x128xf32, #tpu.memory_space<hbm>> -> memref<80x128xf32, #tpu.memory_space<hbm>>
      tpu.wait_dma2 semaphore(%arg15 : memref<!tpu.dma_semaphore, #tpu.memory_space<semaphore_mem>>) src(%dma_wait3A_85 : memref<80x128xf32, #tpu.memory_space<hbm>>) dst(%arg12 : memref<80x128xf32, #tpu.memory_space<vmem>>)
      "tpu.region"() ({
        %run_scoped3A = tpu.sem_alloc : memref<!tpu.dma_semaphore, #tpu.memory_space<semaphore_mem>>
        %dma_start3A_99 = arith.constant 0 : i32
        %dma_start3A_100 = arith.constant 0 : i32
        %dma_start3A_101 = tpu.memref_slice %arg13[%dma_start3A_99, %dma_start3A_100] : memref<10240x128xf32, #tpu.memory_space<vmem_shared>> -> memref<10240x128xf32, #tpu.memory_space<vmem_shared>>
        tpu.enqueue_indirect_dma source(%arg12 : memref<80x128xf32, #tpu.memory_space<vmem>>) target(%dma_start3A_101 : memref<10240x128xf32, #tpu.memory_space<vmem_shared>>) offsets(%arg10 : memref<80xi32, #tpu.memory_space<vmem>>) semaphore(%run_scoped3A : memref<!tpu.dma_semaphore, #tpu.memory_space<semaphore_mem>>) {add = true}
        %dma_wait3A_102 = arith.constant 0 : i32
        %dma_wait3A_103 = arith.constant 0 : i32
        %dma_wait3A_104 = tpu.memref_slice %arg13[%dma_wait3A_102, %dma_wait3A_103] : memref<10240x128xf32, #tpu.memory_space<vmem_shared>> -> memref<10240x128xf32, #tpu.memory_space<vmem_shared>>
        tpu.wait_indirect_dma semaphore(%run_scoped3A : memref<!tpu.dma_semaphore, #tpu.memory_space<semaphore_mem>>) src(%arg12 : memref<80x128xf32, #tpu.memory_space<vmem>>) dst(%dma_wait3A_104 : memref<10240x128xf32, #tpu.memory_space<vmem_shared>>)
        tpu.yield
      }) : () -> ()
      %lt3A = arith.constant 61 : i32
      %lt3A_86 = arith.cmpi slt, %scan3A_48, %lt3A : i32
      %convert_element_type3A = arith.extui %lt3A_86 : i1 to i32
      %cond3A = arith.constant 0 : i32
      %cond3A_87 = arith.cmpi ne, %convert_element_type3A, %cond3A : i32
      scf.if %cond3A_87 {
        %add3A_99 = arith.constant 3 : i32
        %add3A_100 = arith.addi %mul3A_50, %add3A_99 : i32
        %mul3A_101 = arith.constant 80 : i32
        %mul3A_102 = arith.muli %add3A_100, %mul3A_101 : i32
        %add3A_103 = arith.addi %add3A, %mul3A_102 : i32
        %dma_start3A_104 = tpu.memref_slice %arg3[%add3A_103] : memref<320000xi32, #tpu.memory_space<hbm>> -> memref<80xi32, #tpu.memory_space<hbm>>
        %dma_start3A_105 = tpu.memref_slice %arg3[%add3A_103] : memref<320000xi32, #tpu.memory_space<hbm>> -> memref<80xi32, #tpu.memory_space<hbm>>
        tpu.enqueue_dma source(%dma_start3A_105 : memref<80xi32, #tpu.memory_space<hbm>>) target(%arg9 : memref<80xi32, #tpu.memory_space<vmem>>) target_semaphore(%arg17 : memref<!tpu.dma_semaphore, #tpu.memory_space<semaphore_mem>>)
        %mul3A_106 = arith.constant 80 : i32
        %mul3A_107 = arith.muli %add3A_100, %mul3A_106 : i32
        %add3A_108 = arith.addi %mul3A_6, %mul3A_107 : i32
        %dma_start3A_109 = tpu.memref_slice %arg4[%add3A_108] : memref<160000xi32, #tpu.memory_space<hbm>> -> memref<80xi32, #tpu.memory_space<hbm>>
        %dma_start3A_110 = tpu.memref_slice %arg4[%add3A_108] : memref<160000xi32, #tpu.memory_space<hbm>> -> memref<80xi32, #tpu.memory_space<hbm>>
        tpu.enqueue_dma source(%dma_start3A_110 : memref<80xi32, #tpu.memory_space<hbm>>) target(%arg10 : memref<80xi32, #tpu.memory_space<vmem>>) target_semaphore(%arg17 : memref<!tpu.dma_semaphore, #tpu.memory_space<semaphore_mem>>)
      } else {
      }
      %dma_wait3A_88 = arith.constant 0 : i32
      %dma_wait3A_89 = tpu.memref_slice %arg3[%dma_wait3A_88] : memref<320000xi32, #tpu.memory_space<hbm>> -> memref<80xi32, #tpu.memory_space<hbm>>
      %dma_wait3A_90 = arith.constant 0 : i32
      %dma_wait3A_91 = tpu.memref_slice %arg3[%dma_wait3A_90] : memref<320000xi32, #tpu.memory_space<hbm>> -> memref<80xi32, #tpu.memory_space<hbm>>
      tpu.wait_dma2 semaphore(%arg16 : memref<!tpu.dma_semaphore, #tpu.memory_space<semaphore_mem>>) src(%dma_wait3A_91 : memref<80xi32, #tpu.memory_space<hbm>>) dst(%arg7 : memref<80xi32, #tpu.memory_space<vmem>>)
      %dma_wait3A_92 = arith.constant 0 : i32
      %dma_wait3A_93 = tpu.memref_slice %arg4[%dma_wait3A_92] : memref<160000xi32, #tpu.memory_space<hbm>> -> memref<80xi32, #tpu.memory_space<hbm>>
      %dma_wait3A_94 = arith.constant 0 : i32
      %dma_wait3A_95 = tpu.memref_slice %arg4[%dma_wait3A_94] : memref<160000xi32, #tpu.memory_space<hbm>> -> memref<80xi32, #tpu.memory_space<hbm>>
      tpu.wait_dma2 semaphore(%arg16 : memref<!tpu.dma_semaphore, #tpu.memory_space<semaphore_mem>>) src(%dma_wait3A_95 : memref<80xi32, #tpu.memory_space<hbm>>) dst(%arg8 : memref<80xi32, #tpu.memory_space<vmem>>)
      %dma_start3A_96 = arith.constant 0 : i32
      %dma_start3A_97 = arith.constant 0 : i32
      %dma_start3A_98 = tpu.memref_slice %arg2[%dma_start3A_96, %dma_start3A_97] : memref<20480x128xf32, #tpu.memory_space<hbm>> -> memref<20480x128xf32, #tpu.memory_space<hbm>>
      tpu.enqueue_indirect_dma source(%dma_start3A_98 : memref<20480x128xf32, #tpu.memory_space<hbm>>) target(%arg11 : memref<80x128xf32, #tpu.memory_space<vmem>>) offsets(%arg7 : memref<80xi32, #tpu.memory_space<vmem>>) semaphore(%arg14 : memref<!tpu.dma_semaphore, #tpu.memory_space<semaphore_mem>>)
    }
    %scan3A_37 = arith.constant 62 : i32
    %dma_wait3A_38 = arith.constant 0 : i32
    %dma_wait3A_39 = arith.constant 0 : i32
    %dma_wait3A_40 = tpu.memref_slice %arg2[%dma_wait3A_38, %dma_wait3A_39] : memref<20480x128xf32, #tpu.memory_space<hbm>> -> memref<80x128xf32, #tpu.memory_space<hbm>>
    %dma_wait3A_41 = arith.constant 0 : i32
    %dma_wait3A_42 = arith.constant 0 : i32
    %dma_wait3A_43 = tpu.memref_slice %arg2[%dma_wait3A_41, %dma_wait3A_42] : memref<20480x128xf32, #tpu.memory_space<hbm>> -> memref<80x128xf32, #tpu.memory_space<hbm>>
    tpu.wait_dma2 semaphore(%arg14 : memref<!tpu.dma_semaphore, #tpu.memory_space<semaphore_mem>>) src(%dma_wait3A_43 : memref<80x128xf32, #tpu.memory_space<hbm>>) dst(%arg11 : memref<80x128xf32, #tpu.memory_space<vmem>>)
    "tpu.region"() ({
      %run_scoped3A = tpu.sem_alloc : memref<!tpu.dma_semaphore, #tpu.memory_space<semaphore_mem>>
      %dma_start3A_48 = arith.constant 0 : i32
      %dma_start3A_49 = arith.constant 0 : i32
      %dma_start3A_50 = tpu.memref_slice %arg13[%dma_start3A_48, %dma_start3A_49] : memref<10240x128xf32, #tpu.memory_space<vmem_shared>> -> memref<10240x128xf32, #tpu.memory_space<vmem_shared>>
      tpu.enqueue_indirect_dma source(%arg11 : memref<80x128xf32, #tpu.memory_space<vmem>>) target(%dma_start3A_50 : memref<10240x128xf32, #tpu.memory_space<vmem_shared>>) offsets(%arg8 : memref<80xi32, #tpu.memory_space<vmem>>) semaphore(%run_scoped3A : memref<!tpu.dma_semaphore, #tpu.memory_space<semaphore_mem>>) {add = true}
      %dma_wait3A_51 = arith.constant 0 : i32
      %dma_wait3A_52 = arith.constant 0 : i32
      %dma_wait3A_53 = tpu.memref_slice %arg13[%dma_wait3A_51, %dma_wait3A_52] : memref<10240x128xf32, #tpu.memory_space<vmem_shared>> -> memref<10240x128xf32, #tpu.memory_space<vmem_shared>>
      tpu.wait_indirect_dma semaphore(%run_scoped3A : memref<!tpu.dma_semaphore, #tpu.memory_space<semaphore_mem>>) src(%arg11 : memref<80x128xf32, #tpu.memory_space<vmem>>) dst(%dma_wait3A_53 : memref<10240x128xf32, #tpu.memory_space<vmem_shared>>)
      tpu.yield
    }) : () -> ()
    %barrier3A_44 = arith.constant 0 : index
    tpu.barrier barrier_id(%barrier3A_44)
    %mul3A_45 = arith.constant 10240 : i32
    %mul3A_46 = arith.muli %arg0, %mul3A_45 : i32
    %add3A_47 = arith.addi %mul3A_46, %mul3A_0 : i32
    "tpu.region"() ({
      %run_scoped3A = tpu.sem_alloc : memref<!tpu.dma_semaphore, #tpu.memory_space<semaphore_mem>>
      %dma_start3A_48 = arith.constant 0 : i32
      %dma_start3A_49 = tpu.memref_slice %arg6[%add3A_47, %dma_start3A_48] : memref<20480x128xf32, #tpu.memory_space<hbm>> -> memref<640x128xf32, #tpu.memory_space<hbm>>
      %dma_start3A_50 = arith.constant 0 : i32
      %dma_start3A_51 = tpu.memref_slice %arg13[%mul3A_0, %dma_start3A_50] : memref<10240x128xf32, #tpu.memory_space<vmem_shared>> -> memref<640x128xf32, #tpu.memory_space<vmem_shared>>
      tpu.enqueue_dma source(%dma_start3A_51 : memref<640x128xf32, #tpu.memory_space<vmem_shared>>) target(%dma_start3A_49 : memref<640x128xf32, #tpu.memory_space<hbm>>) target_semaphore(%run_scoped3A : memref<!tpu.dma_semaphore, #tpu.memory_space<semaphore_mem>>)
      %dma_wait3A_52 = arith.constant 0 : i32
      %dma_wait3A_53 = tpu.memref_slice %arg6[%add3A_47, %dma_wait3A_52] : memref<20480x128xf32, #tpu.memory_space<hbm>> -> memref<640x128xf32, #tpu.memory_space<hbm>>
      %dma_wait3A_54 = arith.constant 0 : i32
      %dma_wait3A_55 = tpu.memref_slice %arg13[%mul3A_0, %dma_wait3A_54] : memref<10240x128xf32, #tpu.memory_space<vmem_shared>> -> memref<640x128xf32, #tpu.memory_space<vmem_shared>>
      tpu.wait_dma2 semaphore(%run_scoped3A : memref<!tpu.dma_semaphore, #tpu.memory_space<semaphore_mem>>) src(%dma_wait3A_55 : memref<640x128xf32, #tpu.memory_space<vmem_shared>>) dst(%dma_wait3A_53 : memref<640x128xf32, #tpu.memory_space<hbm>>)
      tpu.yield
    }) : () -> ()
    return
  }
}

module attributes {stable_mosaic.version = 14 : i64} {
  func.func @tc_layer1(%arg0: i32, %arg1: i32, %arg2: memref<2048x128xf32, #tpu.memory_space<vmem>>, %arg3: memref<2048x128xf32, #tpu.memory_space<vmem>>, %arg4: memref<32x2048xf32, #tpu.memory_space<vmem>>, %arg5: memref<2048x256xf32, #tpu.memory_space<vmem>>, %arg6: memref<256x128xf32, #tpu.memory_space<vmem>>, %arg7: memref<256x128xf32, #tpu.memory_space<vmem>>, %arg8: memref<1x128xf32, #tpu.memory_space<vmem>>, %arg9: memref<2048x128xf32, #tpu.memory_space<vmem>>) attributes {dimension_semantics = [#tpu.dimension_semantics<arbitrary>, #tpu.dimension_semantics<arbitrary>], iteration_bounds = array<i64: 5, 2>, scalar_prefetch = 0 : i64, scratch_operands = 0 : i64, tpu.core_type = #tpu.core_type<tc>, window_params = [{transform_indices = @transform_0, window_bounds = array<i64: 2048, 128>}, {transform_indices = @transform_1, window_bounds = array<i64: 2048, 128>}, {transform_indices = @transform_2, window_bounds = array<i64: 32, 2048>}, {transform_indices = @transform_3, window_bounds = array<i64: 2048, 256>}, {transform_indices = @transform_4, window_bounds = array<i64: 256, 128>}, {transform_indices = @transform_5, window_bounds = array<i64: 256, 128>}, {transform_indices = @transform_6, window_bounds = array<i64: 1, 128>}, {transform_indices = @transform_7, window_bounds = array<i64: 2048, 128>}]} {
    %get3A = arith.constant 0 : index
    %get3A_0 = arith.constant 0 : index
    %get3A_1 = vector.load %arg4[%get3A, %get3A_0] : memref<32x2048xf32, #tpu.memory_space<vmem>>, vector<32x2048xf32>
    %transpose3A = tpu.transpose %get3A_1, [1, 0] : vector<32x2048xf32> -> vector<2048x32xf32>
    %reduce_sum3A = arith.constant dense<0.000000e+00> : vector<2048xf32>
    %reduce_sum3A_2 = vector.multi_reduction <add>, %transpose3A, %reduce_sum3A [1] : vector<2048x32xf32> to vector<2048xf32>
    %broadcast_in_dim3A = vector.shape_cast %reduce_sum3A_2 : vector<2048xf32> to vector<2048x1xf32>
    %mul3A = arith.constant 5.000000e-01 : f32
    %mul3A_3 = vector.broadcast %mul3A : f32 to vector<2048x1xf32>
    %mul3A_4 = arith.mulf %mul3A_3, %broadcast_in_dim3A : vector<2048x1xf32>
    %max3A = arith.constant 1.000000e+00 : f32
    %max3A_5 = vector.broadcast %max3A : f32 to vector<2048x1xf32>
    %max3A_6 = arith.maximumf %mul3A_4, %max3A_5 : vector<2048x1xf32>
    %div3A = arith.constant 1.000000e+00 : f32
    %div3A_7 = vector.broadcast %div3A : f32 to vector<2048x1xf32>
    %div3A_8 = arith.divf %div3A_7, %max3A_6 : vector<2048x1xf32>
    %get3A_9 = arith.constant 0 : index
    %get3A_10 = arith.constant 0 : index
    %get3A_11 = vector.load %arg2[%get3A_9, %get3A_10] : memref<2048x128xf32, #tpu.memory_space<vmem>>, vector<2048x128xf32>
    %get3A_12 = arith.constant 0 : index
    %get3A_13 = arith.constant 0 : index
    %get3A_14 = vector.load %arg3[%get3A_12, %get3A_13] : memref<2048x128xf32, #tpu.memory_space<vmem>>, vector<2048x128xf32>
    %concatenate3A = tpu.concatenate %get3A_11, %get3A_14 in 1 : vector<2048x128xf32>, vector<2048x128xf32> -> vector<2048x256xf32>
    %mul3A_15 = vector.broadcast %div3A_8 : vector<2048x1xf32> to vector<2048x256xf32>
    %mul3A_16 = arith.mulf %concatenate3A, %mul3A_15 : vector<2048x256xf32>
    %get3A_17 = arith.constant 0 : index
    %get3A_18 = arith.constant 0 : index
    %get3A_19 = vector.load %arg6[%get3A_17, %get3A_18] : memref<256x128xf32, #tpu.memory_space<vmem>>, vector<256x128xf32>
    %dot_general3A = arith.constant dense<0.000000e+00> : vector<2048x128xf32>
    %dot_general3A_20 = tpu.matmul %mul3A_16, %get3A_19, %dot_general3A {dimension_numbers = #tpu.dot_dimension_numbers<[1], [0], [0], [1], [0, 0, 1, 1], [], []>, transpose_lhs_hint = false} : vector<2048x256xf32>, vector<256x128xf32>, vector<2048x128xf32> -> vector<2048x128xf32>
    %get3A_21 = arith.constant 0 : index
    %get3A_22 = arith.constant 0 : index
    %get3A_23 = vector.load %arg5[%get3A_21, %get3A_22] : memref<2048x256xf32, #tpu.memory_space<vmem>>, vector<2048x256xf32>
    %get3A_24 = arith.constant 0 : index
    %get3A_25 = arith.constant 0 : index
    %get3A_26 = vector.load %arg7[%get3A_24, %get3A_25] : memref<256x128xf32, #tpu.memory_space<vmem>>, vector<256x128xf32>
    %dot_general3A_27 = arith.constant dense<0.000000e+00> : vector<2048x128xf32>
    %dot_general3A_28 = tpu.matmul %get3A_23, %get3A_26, %dot_general3A_27 {dimension_numbers = #tpu.dot_dimension_numbers<[1], [0], [0], [1], [0, 0, 1, 1], [], []>, transpose_lhs_hint = false} : vector<2048x256xf32>, vector<256x128xf32>, vector<2048x128xf32> -> vector<2048x128xf32>
    %add3A = arith.addf %dot_general3A_20, %dot_general3A_28 : vector<2048x128xf32>
    %get3A_29 = arith.constant 0 : index
    %get3A_30 = arith.constant 0 : index
    %get3A_31 = vector.load %arg8[%get3A_29, %get3A_30] : memref<1x128xf32, #tpu.memory_space<vmem>>, vector<1x128xf32>
    %add3A_32 = vector.broadcast %get3A_31 : vector<1x128xf32> to vector<2048x128xf32>
    %add3A_33 = arith.addf %add3A, %add3A_32 : vector<2048x128xf32>
    %max3A_34 = arith.constant 0.000000e+00 : f32
    %max3A_35 = vector.broadcast %max3A_34 : f32 to vector<2048x128xf32>
    %max3A_36 = arith.maximumf %add3A_33, %max3A_35 : vector<2048x128xf32>
    %swap3A = arith.constant 0 : index
    %swap3A_37 = arith.constant 0 : index
    %swap3A_38 = vector.load %arg9[%swap3A, %swap3A_37] : memref<2048x128xf32, #tpu.memory_space<vmem>>, vector<2048x128xf32>
    tpu.vector_store %arg9[%swap3A, %swap3A_37], %max3A_36 {strides = array<i32>} : memref<2048x128xf32, #tpu.memory_space<vmem>>, vector<2048x128xf32>,
    return
  }
  func.func @transform_0(%arg0: i32, %arg1: i32) -> (i32, i32) {
    %c0_i32 = arith.constant 0 : i32
    %c0_i32_0 = arith.constant 0 : i32
    return %arg0, %c0_i32 : i32, i32
  }
  func.func @transform_1(%arg0: i32, %arg1: i32) -> (i32, i32) {
    %add3A = arith.constant 5 : i32
    %add3A_0 = arith.addi %arg0, %add3A : i32
    %c0_i32 = arith.constant 0 : i32
    %c0_i32_1 = arith.constant 0 : i32
    return %add3A_0, %c0_i32 : i32, i32
  }
  func.func @transform_2(%arg0: i32, %arg1: i32) -> (i32, i32) {
    %c0_i32 = arith.constant 0 : i32
    %c0_i32_0 = arith.constant 0 : i32
    return %c0_i32, %arg0 : i32, i32
  }
  func.func @transform_3(%arg0: i32, %arg1: i32) -> (i32, i32) {
    %c0_i32 = arith.constant 0 : i32
    %c0_i32_0 = arith.constant 0 : i32
    return %arg0, %c0_i32 : i32, i32
  }
  func.func @transform_4(%arg0: i32, %arg1: i32) -> (i32, i32) {
    %c0_i32 = arith.constant 0 : i32
    %c0_i32_0 = arith.constant 0 : i32
    return %c0_i32, %arg1 : i32, i32
  }
  func.func @transform_5(%arg0: i32, %arg1: i32) -> (i32, i32) {
    %c0_i32 = arith.constant 0 : i32
    %c0_i32_0 = arith.constant 0 : i32
    return %c0_i32, %arg1 : i32, i32
  }
  func.func @transform_6(%arg0: i32, %arg1: i32) -> (i32, i32) {
    %c0_i32 = arith.constant 0 : i32
    %c0_i32_0 = arith.constant 0 : i32
    return %c0_i32, %arg1 : i32, i32
  }
  func.func @transform_7(%arg0: i32, %arg1: i32) -> (i32, i32) {
    %mul3A = arith.constant 5 : i32
    %mul3A_0 = arith.muli %arg1, %mul3A : i32
    %add3A = arith.addi %mul3A_0, %arg0 : i32
    %c0_i32 = arith.constant 0 : i32
    %c0_i32_1 = arith.constant 0 : i32
    return %add3A, %c0_i32 : i32, i32
  }
}

module attributes {stable_mosaic.version = 14 : i64} {
  func.func @tc_layer2(%arg0: i32, %arg1: i32, %arg2: memref<2048x128xf32, #tpu.memory_space<vmem>>, %arg3: memref<2048x128xf32, #tpu.memory_space<vmem>>, %arg4: memref<32x2048xf32, #tpu.memory_space<vmem>>, %arg5: memref<2048x128xf32, #tpu.memory_space<vmem>>, %arg6: memref<2048x128xf32, #tpu.memory_space<vmem>>, %arg7: memref<256x128xf32, #tpu.memory_space<vmem>>, %arg8: memref<256x128xf32, #tpu.memory_space<vmem>>, %arg9: memref<1x128xf32, #tpu.memory_space<vmem>>, %arg10: memref<128x128xf32, #tpu.memory_space<vmem>>, %arg11: memref<128x128xf32, #tpu.memory_space<vmem>>, %arg12: memref<2048x128xf32, #tpu.memory_space<vmem>>, %arg13: memref<2048x128xf32, #tpu.memory_space<vmem>>) attributes {dimension_semantics = [#tpu.dimension_semantics<arbitrary>, #tpu.dimension_semantics<arbitrary>], iteration_bounds = array<i64: 5, 2>, scalar_prefetch = 0 : i64, scratch_operands = 0 : i64, tpu.core_type = #tpu.core_type<tc>, window_params = [{transform_indices = @transform_0, window_bounds = array<i64: 2048, 128>}, {transform_indices = @transform_1, window_bounds = array<i64: 2048, 128>}, {transform_indices = @transform_2, window_bounds = array<i64: 32, 2048>}, {transform_indices = @transform_3, window_bounds = array<i64: 2048, 128>}, {transform_indices = @transform_4, window_bounds = array<i64: 2048, 128>}, {transform_indices = @transform_5, window_bounds = array<i64: 256, 128>}, {transform_indices = @transform_6, window_bounds = array<i64: 256, 128>}, {transform_indices = @transform_7, window_bounds = array<i64: 1, 128>}, {transform_indices = @transform_8, window_bounds = array<i64: 128, 128>}, {transform_indices = @transform_9, window_bounds = array<i64: 128, 128>}, {transform_indices = @transform_10, window_bounds = array<i64: 2048, 128>}, {transform_indices = @transform_11, window_bounds = array<i64: 2048, 128>}]} {
    %get3A = arith.constant 0 : index
    %get3A_0 = arith.constant 0 : index
    %get3A_1 = vector.load %arg4[%get3A, %get3A_0] : memref<32x2048xf32, #tpu.memory_space<vmem>>, vector<32x2048xf32>
    %transpose3A = tpu.transpose %get3A_1, [1, 0] : vector<32x2048xf32> -> vector<2048x32xf32>
    %reduce_sum3A = arith.constant dense<0.000000e+00> : vector<2048xf32>
    %reduce_sum3A_2 = vector.multi_reduction <add>, %transpose3A, %reduce_sum3A [1] : vector<2048x32xf32> to vector<2048xf32>
    %broadcast_in_dim3A = vector.shape_cast %reduce_sum3A_2 : vector<2048xf32> to vector<2048x1xf32>
    %mul3A = arith.constant 5.000000e-01 : f32
    %mul3A_3 = vector.broadcast %mul3A : f32 to vector<2048x1xf32>
    %mul3A_4 = arith.mulf %mul3A_3, %broadcast_in_dim3A : vector<2048x1xf32>
    %max3A = arith.constant 1.000000e+00 : f32
    %max3A_5 = vector.broadcast %max3A : f32 to vector<2048x1xf32>
    %max3A_6 = arith.maximumf %mul3A_4, %max3A_5 : vector<2048x1xf32>
    %div3A = arith.constant 1.000000e+00 : f32
    %div3A_7 = vector.broadcast %div3A : f32 to vector<2048x1xf32>
    %div3A_8 = arith.divf %div3A_7, %max3A_6 : vector<2048x1xf32>
    %get3A_9 = arith.constant 0 : index
    %get3A_10 = arith.constant 0 : index
    %get3A_11 = vector.load %arg2[%get3A_9, %get3A_10] : memref<2048x128xf32, #tpu.memory_space<vmem>>, vector<2048x128xf32>
    %get3A_12 = arith.constant 0 : index
    %get3A_13 = arith.constant 0 : index
    %get3A_14 = vector.load %arg3[%get3A_12, %get3A_13] : memref<2048x128xf32, #tpu.memory_space<vmem>>, vector<2048x128xf32>
    %concatenate3A = tpu.concatenate %get3A_11, %get3A_14 in 1 : vector<2048x128xf32>, vector<2048x128xf32> -> vector<2048x256xf32>
    %mul3A_15 = vector.broadcast %div3A_8 : vector<2048x1xf32> to vector<2048x256xf32>
    %mul3A_16 = arith.mulf %concatenate3A, %mul3A_15 : vector<2048x256xf32>
    %get3A_17 = arith.constant 0 : index
    %get3A_18 = arith.constant 0 : index
    %get3A_19 = vector.load %arg5[%get3A_17, %get3A_18] : memref<2048x128xf32, #tpu.memory_space<vmem>>, vector<2048x128xf32>
    %get3A_20 = arith.constant 0 : index
    %get3A_21 = arith.constant 0 : index
    %get3A_22 = vector.load %arg6[%get3A_20, %get3A_21] : memref<2048x128xf32, #tpu.memory_space<vmem>>, vector<2048x128xf32>
    %concatenate3A_23 = tpu.concatenate %get3A_19, %get3A_22 in 1 : vector<2048x128xf32>, vector<2048x128xf32> -> vector<2048x256xf32>
    %get3A_24 = arith.constant 0 : index
    %get3A_25 = arith.constant 0 : index
    %get3A_26 = vector.load %arg7[%get3A_24, %get3A_25] : memref<256x128xf32, #tpu.memory_space<vmem>>, vector<256x128xf32>
    %dot_general3A = arith.constant dense<0.000000e+00> : vector<2048x128xf32>
    %dot_general3A_27 = tpu.matmul %mul3A_16, %get3A_26, %dot_general3A {dimension_numbers = #tpu.dot_dimension_numbers<[1], [0], [0], [1], [0, 0, 1, 1], [], []>, transpose_lhs_hint = false} : vector<2048x256xf32>, vector<256x128xf32>, vector<2048x128xf32> -> vector<2048x128xf32>
    %get3A_28 = arith.constant 0 : index
    %get3A_29 = arith.constant 0 : index
    %get3A_30 = vector.load %arg8[%get3A_28, %get3A_29] : memref<256x128xf32, #tpu.memory_space<vmem>>, vector<256x128xf32>
    %dot_general3A_31 = arith.constant dense<0.000000e+00> : vector<2048x128xf32>
    %dot_general3A_32 = tpu.matmul %concatenate3A_23, %get3A_30, %dot_general3A_31 {dimension_numbers = #tpu.dot_dimension_numbers<[1], [0], [0], [1], [0, 0, 1, 1], [], []>, transpose_lhs_hint = false} : vector<2048x256xf32>, vector<256x128xf32>, vector<2048x128xf32> -> vector<2048x128xf32>
    %add3A = arith.addf %dot_general3A_27, %dot_general3A_32 : vector<2048x128xf32>
    %get3A_33 = arith.constant 0 : index
    %get3A_34 = arith.constant 0 : index
    %get3A_35 = vector.load %arg9[%get3A_33, %get3A_34] : memref<1x128xf32, #tpu.memory_space<vmem>>, vector<1x128xf32>
    %add3A_36 = vector.broadcast %get3A_35 : vector<1x128xf32> to vector<2048x128xf32>
    %add3A_37 = arith.addf %add3A, %add3A_36 : vector<2048x128xf32>
    %get3A_38 = arith.constant 0 : index
    %get3A_39 = arith.constant 0 : index
    %get3A_40 = vector.load %arg10[%get3A_38, %get3A_39] : memref<128x128xf32, #tpu.memory_space<vmem>>, vector<128x128xf32>
    %dot_general3A_41 = arith.constant dense<0.000000e+00> : vector<2048x128xf32>
    %dot_general3A_42 = tpu.matmul %add3A_37, %get3A_40, %dot_general3A_41 {dimension_numbers = #tpu.dot_dimension_numbers<[1], [0], [0], [1], [0, 0, 1, 1], [], []>, transpose_lhs_hint = false} : vector<2048x128xf32>, vector<128x128xf32>, vector<2048x128xf32> -> vector<2048x128xf32>
    %get3A_43 = arith.constant 0 : index
    %get3A_44 = arith.constant 0 : index
    %get3A_45 = vector.load %arg11[%get3A_43, %get3A_44] : memref<128x128xf32, #tpu.memory_space<vmem>>, vector<128x128xf32>
    %dot_general3A_46 = arith.constant dense<0.000000e+00> : vector<2048x128xf32>
    %dot_general3A_47 = tpu.matmul %add3A_37, %get3A_45, %dot_general3A_46 {dimension_numbers = #tpu.dot_dimension_numbers<[1], [0], [0], [1], [0, 0, 1, 1], [], []>, transpose_lhs_hint = false} : vector<2048x128xf32>, vector<128x128xf32>, vector<2048x128xf32> -> vector<2048x128xf32>
    %eq3A = arith.constant 0 : i32
    %eq3A_48 = arith.cmpi eq, %arg1, %eq3A : i32
    %convert_element_type3A = arith.extui %eq3A_48 : i1 to i32
    %cond3A = arith.constant 0 : i32
    %cond3A_49 = arith.cmpi ne, %convert_element_type3A, %cond3A : i32
    scf.if %cond3A_49 {
      %swap3A = arith.constant 0 : index
      %swap3A_54 = arith.constant 0 : index
      %swap3A_55 = vector.load %arg12[%swap3A, %swap3A_54] : memref<2048x128xf32, #tpu.memory_space<vmem>>, vector<2048x128xf32>
      tpu.vector_store %arg12[%swap3A, %swap3A_54], %dot_general3A_42 {strides = array<i32>} : memref<2048x128xf32, #tpu.memory_space<vmem>>, vector<2048x128xf32>,
      %swap3A_56 = arith.constant 0 : index
      %swap3A_57 = arith.constant 0 : index
      %swap3A_58 = vector.load %arg13[%swap3A_56, %swap3A_57] : memref<2048x128xf32, #tpu.memory_space<vmem>>, vector<2048x128xf32>
      tpu.vector_store %arg13[%swap3A_56, %swap3A_57], %dot_general3A_47 {strides = array<i32>} : memref<2048x128xf32, #tpu.memory_space<vmem>>, vector<2048x128xf32>,
    } else {
    }
    %ne3A = arith.constant 0 : i32
    %ne3A_50 = arith.cmpi ne, %arg1, %ne3A : i32
    %convert_element_type3A_51 = arith.extui %ne3A_50 : i1 to i32
    %cond3A_52 = arith.constant 0 : i32
    %cond3A_53 = arith.cmpi ne, %convert_element_type3A_51, %cond3A_52 : i32
    scf.if %cond3A_53 {
      %get3A_54 = arith.constant 0 : index
      %get3A_55 = arith.constant 0 : index
      %get3A_56 = vector.load %arg12[%get3A_54, %get3A_55] : memref<2048x128xf32, #tpu.memory_space<vmem>>, vector<2048x128xf32>
      %add3A_57 = arith.addf %get3A_56, %dot_general3A_42 : vector<2048x128xf32>
      %swap3A = arith.constant 0 : index
      %swap3A_58 = arith.constant 0 : index
      %swap3A_59 = vector.load %arg12[%swap3A, %swap3A_58] : memref<2048x128xf32, #tpu.memory_space<vmem>>, vector<2048x128xf32>
      tpu.vector_store %arg12[%swap3A, %swap3A_58], %add3A_57 {strides = array<i32>} : memref<2048x128xf32, #tpu.memory_space<vmem>>, vector<2048x128xf32>,
      %get3A_60 = arith.constant 0 : index
      %get3A_61 = arith.constant 0 : index
      %get3A_62 = vector.load %arg13[%get3A_60, %get3A_61] : memref<2048x128xf32, #tpu.memory_space<vmem>>, vector<2048x128xf32>
      %add3A_63 = arith.addf %get3A_62, %dot_general3A_47 : vector<2048x128xf32>
      %swap3A_64 = arith.constant 0 : index
      %swap3A_65 = arith.constant 0 : index
      %swap3A_66 = vector.load %arg13[%swap3A_64, %swap3A_65] : memref<2048x128xf32, #tpu.memory_space<vmem>>, vector<2048x128xf32>
      tpu.vector_store %arg13[%swap3A_64, %swap3A_65], %add3A_63 {strides = array<i32>} : memref<2048x128xf32, #tpu.memory_space<vmem>>, vector<2048x128xf32>,
    } else {
    }
    return
  }
  func.func @transform_0(%arg0: i32, %arg1: i32) -> (i32, i32) {
    %c0_i32 = arith.constant 0 : i32
    %c0_i32_0 = arith.constant 0 : i32
    return %arg0, %c0_i32 : i32, i32
  }
  func.func @transform_1(%arg0: i32, %arg1: i32) -> (i32, i32) {
    %add3A = arith.constant 5 : i32
    %add3A_0 = arith.addi %arg0, %add3A : i32
    %c0_i32 = arith.constant 0 : i32
    %c0_i32_1 = arith.constant 0 : i32
    return %add3A_0, %c0_i32 : i32, i32
  }
  func.func @transform_2(%arg0: i32, %arg1: i32) -> (i32, i32) {
    %c0_i32 = arith.constant 0 : i32
    %c0_i32_0 = arith.constant 0 : i32
    return %c0_i32, %arg0 : i32, i32
  }
  func.func @transform_3(%arg0: i32, %arg1: i32) -> (i32, i32) {
    %c0_i32 = arith.constant 0 : i32
    %c0_i32_0 = arith.constant 0 : i32
    return %arg0, %c0_i32 : i32, i32
  }
  func.func @transform_4(%arg0: i32, %arg1: i32) -> (i32, i32) {
    %add3A = arith.constant 5 : i32
    %add3A_0 = arith.addi %arg0, %add3A : i32
    %c0_i32 = arith.constant 0 : i32
    %c0_i32_1 = arith.constant 0 : i32
    return %add3A_0, %c0_i32 : i32, i32
  }
  func.func @transform_5(%arg0: i32, %arg1: i32) -> (i32, i32) {
    %c0_i32 = arith.constant 0 : i32
    %c0_i32_0 = arith.constant 0 : i32
    return %c0_i32, %arg1 : i32, i32
  }
  func.func @transform_6(%arg0: i32, %arg1: i32) -> (i32, i32) {
    %c0_i32 = arith.constant 0 : i32
    %c0_i32_0 = arith.constant 0 : i32
    return %c0_i32, %arg1 : i32, i32
  }
  func.func @transform_7(%arg0: i32, %arg1: i32) -> (i32, i32) {
    %c0_i32 = arith.constant 0 : i32
    %c0_i32_0 = arith.constant 0 : i32
    return %c0_i32, %arg1 : i32, i32
  }
  func.func @transform_8(%arg0: i32, %arg1: i32) -> (i32, i32) {
    %c0_i32 = arith.constant 0 : i32
    %c0_i32_0 = arith.constant 0 : i32
    return %arg1, %c0_i32 : i32, i32
  }
  func.func @transform_9(%arg0: i32, %arg1: i32) -> (i32, i32) {
    %c0_i32 = arith.constant 0 : i32
    %c0_i32_0 = arith.constant 0 : i32
    return %arg1, %c0_i32 : i32, i32
  }
  func.func @transform_10(%arg0: i32, %arg1: i32) -> (i32, i32) {
    %c0_i32 = arith.constant 0 : i32
    %c0_i32_0 = arith.constant 0 : i32
    return %arg0, %c0_i32 : i32, i32
  }
  func.func @transform_11(%arg0: i32, %arg1: i32) -> (i32, i32) {
    %c0_i32 = arith.constant 0 : i32
    %c0_i32_0 = arith.constant 0 : i32
    return %arg0, %c0_i32 : i32, i32
  }
}

module attributes {stable_mosaic.version = 14 : i64} {
  func.func @tc_head(%arg0: i32, %arg1: memref<8000x128xf32, #tpu.memory_space<vmem>>, %arg2: memref<8000x16xf32, #tpu.memory_space<vmem>>, %arg3: memref<16x128xf32, #tpu.memory_space<vmem>>, %arg4: memref<1x128xf32, #tpu.memory_space<vmem>>, %arg5: memref<128x1xf32, #tpu.memory_space<vmem>>, %arg6: memref<1x1xf32, #tpu.memory_space<vmem>>, %arg7: memref<8000x1xf32, #tpu.memory_space<vmem>>) attributes {dimension_semantics = [#tpu.dimension_semantics<arbitrary>], iteration_bounds = array<i64: 20>, scalar_prefetch = 0 : i64, scratch_operands = 0 : i64, tpu.core_type = #tpu.core_type<tc>, window_params = [{transform_indices = @transform_0, window_bounds = array<i64: 8000, 128>}, {transform_indices = @transform_1, window_bounds = array<i64: 8000, 16>}, {pipeline_mode = #tpu.pipeline_mode<synchronous>, transform_indices = @transform_2, window_bounds = array<i64: 16, 128>}, {pipeline_mode = #tpu.pipeline_mode<synchronous>, transform_indices = @transform_3, window_bounds = array<i64: 1, 128>}, {pipeline_mode = #tpu.pipeline_mode<synchronous>, transform_indices = @transform_4, window_bounds = array<i64: 128, 1>}, {pipeline_mode = #tpu.pipeline_mode<synchronous>, transform_indices = @transform_5, window_bounds = array<i64: 1, 1>}, {transform_indices = @transform_6, window_bounds = array<i64: 8000, 1>}]} {
    %get3A = arith.constant 0 : index
    %get3A_0 = arith.constant 0 : index
    %get3A_1 = vector.load %arg1[%get3A, %get3A_0] : memref<8000x128xf32, #tpu.memory_space<vmem>>, vector<8000x128xf32>
    %get3A_2 = arith.constant 0 : index
    %get3A_3 = arith.constant 0 : index
    %get3A_4 = vector.load %arg2[%get3A_2, %get3A_3] : memref<8000x16xf32, #tpu.memory_space<vmem>>, vector<8000x16xf32>
    %get3A_5 = arith.constant 0 : index
    %get3A_6 = arith.constant 0 : index
    %get3A_7 = vector.load %arg3[%get3A_5, %get3A_6] : memref<16x128xf32, #tpu.memory_space<vmem>>, vector<16x128xf32>
    %dot_general3A = arith.constant dense<0.000000e+00> : vector<8000x128xf32>
    %dot_general3A_8 = tpu.matmul %get3A_4, %get3A_7, %dot_general3A {dimension_numbers = #tpu.dot_dimension_numbers<[1], [0], [0], [1], [0, 0, 1, 1], [], []>, transpose_lhs_hint = false} : vector<8000x16xf32>, vector<16x128xf32>, vector<8000x128xf32> -> vector<8000x128xf32>
    %add3A = arith.addf %get3A_1, %dot_general3A_8 : vector<8000x128xf32>
    %get3A_9 = arith.constant 0 : index
    %get3A_10 = arith.constant 0 : index
    %get3A_11 = vector.load %arg4[%get3A_9, %get3A_10] : memref<1x128xf32, #tpu.memory_space<vmem>>, vector<1x128xf32>
    %add3A_12 = vector.broadcast %get3A_11 : vector<1x128xf32> to vector<8000x128xf32>
    %add3A_13 = arith.addf %add3A, %add3A_12 : vector<8000x128xf32>
    %max3A = arith.constant 0.000000e+00 : f32
    %max3A_14 = vector.broadcast %max3A : f32 to vector<8000x128xf32>
    %max3A_15 = arith.maximumf %add3A_13, %max3A_14 : vector<8000x128xf32>
    %get3A_16 = arith.constant 0 : index
    %get3A_17 = arith.constant 0 : index
    %get3A_18 = vector.load %arg5[%get3A_16, %get3A_17] : memref<128x1xf32, #tpu.memory_space<vmem>>, vector<128x1xf32>
    %dot_general3A_19 = arith.constant dense<0.000000e+00> : vector<8000x1xf32>
    %dot_general3A_20 = tpu.matmul %max3A_15, %get3A_18, %dot_general3A_19 {dimension_numbers = #tpu.dot_dimension_numbers<[1], [0], [0], [1], [0, 0, 1, 1], [], []>, transpose_lhs_hint = false} : vector<8000x128xf32>, vector<128x1xf32>, vector<8000x1xf32> -> vector<8000x1xf32>
    %get3A_21 = arith.constant 0 : index
    %get3A_22 = arith.constant 0 : index
    %get3A_23 = vector.load %arg6[%get3A_21, %get3A_22] : memref<1x1xf32, #tpu.memory_space<vmem>>, vector<1x1xf32>
    %add3A_24 = vector.broadcast %get3A_23 : vector<1x1xf32> to vector<8000x1xf32>
    %add3A_25 = arith.addf %dot_general3A_20, %add3A_24 : vector<8000x1xf32>
    %neg3A = arith.constant 0.000000e+00 : f32
    %neg3A_26 = vector.broadcast %neg3A : f32 to vector<8000x1xf32>
    %neg3A_27 = arith.subf %neg3A_26, %add3A_25 : vector<8000x1xf32>
    %exp3A = math.exp %neg3A_27 : vector<8000x1xf32>
    %add3A_28 = arith.constant 1.000000e+00 : f32
    %add3A_29 = vector.broadcast %add3A_28 : f32 to vector<8000x1xf32>
    %add3A_30 = arith.addf %add3A_29, %exp3A : vector<8000x1xf32>
    %div3A = arith.constant 1.000000e+00 : f32
    %div3A_31 = vector.broadcast %div3A : f32 to vector<8000x1xf32>
    %div3A_32 = arith.divf %div3A_31, %add3A_30 : vector<8000x1xf32>
    %swap3A = arith.constant 0 : index
    %swap3A_33 = arith.constant 0 : index
    %swap3A_34 = vector.load %arg7[%swap3A, %swap3A_33] : memref<8000x1xf32, #tpu.memory_space<vmem>>, vector<8000x1xf32>
    tpu.vector_store %arg7[%swap3A, %swap3A_33], %div3A_32 {strides = array<i32>} : memref<8000x1xf32, #tpu.memory_space<vmem>>, vector<8000x1xf32>,
    return
  }
  func.func @transform_0(%arg0: i32) -> (i32, i32) {
    %c0_i32 = arith.constant 0 : i32
    %c0_i32_0 = arith.constant 0 : i32
    return %arg0, %c0_i32 : i32, i32
  }
  func.func @transform_1(%arg0: i32) -> (i32, i32) {
    %c0_i32 = arith.constant 0 : i32
    %c0_i32_0 = arith.constant 0 : i32
    return %arg0, %c0_i32 : i32, i32
  }
  func.func @transform_2(%arg0: i32) -> (i32, i32) {
    %c0_i32 = arith.constant 0 : i32
    %c0_i32_0 = arith.constant 0 : i32
    %c0_i32_1 = arith.constant 0 : i32
    return %c0_i32, %c0_i32_0 : i32, i32
  }
  func.func @transform_3(%arg0: i32) -> (i32, i32) {
    %c0_i32 = arith.constant 0 : i32
    %c0_i32_0 = arith.constant 0 : i32
    %c0_i32_1 = arith.constant 0 : i32
    return %c0_i32, %c0_i32_0 : i32, i32
  }
  func.func @transform_4(%arg0: i32) -> (i32, i32) {
    %c0_i32 = arith.constant 0 : i32
    %c0_i32_0 = arith.constant 0 : i32
    %c0_i32_1 = arith.constant 0 : i32
    return %c0_i32, %c0_i32_0 : i32, i32
  }
  func.func @transform_5(%arg0: i32) -> (i32, i32) {
    %c0_i32 = arith.constant 0 : i32
    %c0_i32_0 = arith.constant 0 : i32
    %c0_i32_1 = arith.constant 0 : i32
    return %c0_i32, %c0_i32_0 : i32, i32
  }
  func.func @transform_6(%arg0: i32) -> (i32, i32) {
    %c0_i32 = arith.constant 0 : i32
    %c0_i32_0 = arith.constant 0 : i32
    return %arg0, %c0_i32 : i32, i32
  }
}

</mosaic_0001>

<sc_bundles>
// kernel: sc_edge_gather.3.cloned.1.call-start
scs
__scs_entry_jumppad:
0x0: {  	(pc) =	sbr.rel $0x88, $3  }
0x1: {  	(tag) =	ssettag $0x0;
	lr =	simm.s32 $0x1  }
0x2: {  	[smem:$0x3F92] =	sst lr;
	_ =	strace $0xD0000000  }
0x3: {  	_ = 	snop  }
0x4: {  	_ = 	snop  }
0x5: {  	_ = 	snop  }
0x6: {  	_ = 	snop  }
0x7: {  	_ = 	snop  }
__scs_overlays_trampoline_lowered:
0x8: {  	[smem:$0x3FA1] =	sst s0  }
0x9: {  	[smem:$0x3FA2] =	sst s1  }
0xa: {  	[smem:$0x3FA3] =	sst s2  }
0xb: {  	[smem:$0x3FA4] =	sst s3  }
0xc: {  	[smem:$0x3FA5] =	sst s4  }
0xd: {  	[smem:$0x3FA6] =	sst s5  }
0xe: {  	[smem:$0x3FA7] =	sst s6  }
0xf: {  	[smem:$0x3FA8] =	sst s7  }
0x10: {  	[smem:$0x3FA9] =	sst s8  }
0x11: {  	[smem:$0x3FAA] =	sst s9;
	s0 =	simm.s32 @!p0 $0x0  }
0x12: {  	s1 =	sld [smem:$0x3F90];
	s0 =	simm.s32 @p0 $0x1  }
0x13: {  	[smem:$0x3FAB] =	sst s0;
	s0 =	simm.s32 @!p1 $0x0  }
0x14: {  	s2 =	sld [smem:$0x3F8F];
	s0 =	simm.s32 @p1 $0x1  }
0x15: {  	[smem:$0x3FAC] =	sst s0;
	s0 =	simm.s32 @!p2 $0x0  }
0x16: {  	s3 =	sld [smem:$0x3FDB];
	s0 =	simm.s32 @p2 $0x1  }
0x17: {  	s4 =	simm.s32 $0x1BF5;
	[smem:$0x3FAE] =	sst s0  }
0x18: {  	s0 =	sld [smem:$0x3F91];
	_ =	swait.ge [sflag:s4], $0x0  }
0x19: {  	s7 =	sld [smem:$0x3F92]  }
0x1a: {  	s8 =	sadd.s32 $0xFFFFE003, lr  }
0x1b: {  	s9 =	sadd.s32 $0xFFFFFEF7, lr;
	s5 =	simm.s32 $0xFFFFFFFF;
	p2 =	slt.u32 s8, $0xFFFFF086  }
0x1c: {  	p1 =	slt.u32 s9, $0xF7A;
	s5 =	simm.s32 @!p2 $0x0  }
0x1d: {  	s5 =	simm.s32 @p1 $0x1;
	p0 =	seq.s32 s7, s2  }
0x1e: {  	s7 =	smul.u32 @!p0 $0xF7A, s2;
	p2 =	seq.s32 @!p0 s5, $0x0  }
0x1f: {  	s9 =	smul.u32 $0xF7A, s1;
	s8 =	simm.s32 @!p0 $0x1BF5;
	p2 =	por !p2, p0  }
0x20: {  	[sflag:s8] =	ssyncset.s32 @!p0 $0xFFFFF086;
	s6 =	sadd.s32 @!p0 s3, s7;
	s7 =	simm.s32 @!p0 $0x108  }
0x21: {  	s3 =	sadd.s32 s3, s9;
	s6 =	sadd.s32 @!p0 $0x88, s6;
	s7 =	simm.s32 @p2 $0x1082  }
0x22: {  	[simem:s7], [sflag:s8] =	dma.local @!p0 [hbm:s6], $0xF7A  }
0x23: {  	s9 =	sor.u32 $0xD0000000, s2;
	s6 =	simm.s32 $0x108;
	_ =	swait.ge @!p0 [sflag:s8], $0x0  }
0x24: {  	s3 =	sadd.s32 $0x88, s3;
	s6 =	simm.s32 @!p1 $0x1082;
	[sflag:s4] =	ssyncset.s32 $0xFFFFF086  }
0x25: {  	[simem:s6], [sflag:s4] =	dma.local [hbm:s3], $0xF7A  }
0x26: {  	[smem:$0x3F92] =	sst s1;
	(tag) =	ssettag s2;
	_ =	strace s9  }
0x27: {  	s1 =	sld [smem:$0x3FA2]  }
0x28: {  	s2 =	sld [smem:$0x3FA3]  }
0x29: {  	s4 =	sld [smem:$0x3FA5]  }
0x2a: {  	p0 =	seq.s32 s5, $0x0;
	s5 =	sld [smem:$0x3FA6]  }
0x2b: {  	s6 =	sld [smem:$0x3FA7]  }
0x2c: {  	s7 =	sld [smem:$0x3FA8]  }
0x2d: {  	s3 =	simm.s32 $0x108;
	s8 =	sld [smem:$0x3FA9]  }
0x2e: {  	s3 =	simm.s32 @!p0 $0x1082;
	s9 =	sld [smem:$0x3FAA]  }
0x2f: {  	lr =	sadd.s32 s0, s3;
	s0 =	sld [smem:$0x3FA1]  }
0x30: {  	s3 =	sld [smem:$0x3FA4]  }
0x31: {  	[smem:$0x3FAD] =	sst s10  }
0x32: {  	s10 =	sld [smem:$0x3FAB];
	_ =	sdelay $0x3  }
0x33: {  	p0 =	seq.s32 s10, $0x1;
	s10 =	sld [smem:$0x3FAD];
	_ =	sdelay $0x3  }
0x34: {  	[smem:$0x3FAD] =	sst s10  }
0x35: {  	s10 =	sld [smem:$0x3FAC];
	_ =	sdelay $0x3  }
0x36: {  	p1 =	seq.s32 s10, $0x1;
	s10 =	sld [smem:$0x3FAD];
	_ =	sdelay $0x3  }
0x37: {  	[smem:$0x3FAD] =	sst s10  }
0x38: {  	s10 =	sld [smem:$0x3FAE]  }
0x39: {  	_ = 	snop;
	(pc) =	sbr.ind lr, $3  }
0x3a: {  	_ = 	snop  }
0x3b: {  	_ = 	snop  }
0x3c: {  	p2 =	seq.s32 s10, $0x1;
	s10 =	sld [smem:$0x3FAD]  }
0x3d: {  	_ =	shalt  }
0x3e: {  	_ =	shalt  }
0x3f: {  	_ =	shalt  }
0x40: {  	_ =	shalt  }
0x41: {  	_ =	shalt  }
0x42: {  	_ =	shalt  }
0x43: {  	_ =	shalt  }
0x44: {  	_ =	shalt  }
0x45: {  	_ =	shalt  }
0x46: {  	_ =	shalt  }
0x47: {  	_ =	shalt  }
0x48: {  	_ =	shalt  }
0x49: {  	_ =	shalt  }
0x4a: {  	_ =	shalt  }
0x4b: {  	_ =	shalt  }
0x4c: {  	_ =	shalt  }
0x4d: {  	_ =	shalt  }
0x4e: {  	_ =	shalt  }
0x4f: {  	_ =	shalt  }
0x50: {  	_ =	shalt  }
0x51: {  	_ =	shalt  }
0x52: {  	_ =	shalt  }
0x53: {  	_ =	shalt  }
0x54: {  	_ =	shalt  }
0x55: {  	_ =	shalt  }
0x56: {  	_ =	shalt  }
0x57: {  	_ =	shalt  }
0x58: {  	_ =	shalt  }
0x59: {  	_ =	shalt  }
0x5a: {  	_ =	shalt  }
0x5b: {  	_ =	shalt  }
0x5c: {  	_ =	shalt  }
0x5d: {  	_ =	shalt  }
0x5e: {  	_ =	shalt  }
0x5f: {  	_ =	shalt  }
0x60: {  	_ =	shalt  }
0x61: {  	_ =	shalt  }
0x62: {  	_ =	shalt  }
0x63: {  	_ =	shalt  }
0x64: {  	_ =	shalt  }
0x65: {  	_ =	shalt  }
0x66: {  	_ =	shalt  }
0x67: {  	_ =	shalt  }
0x68: {  	_ =	shalt  }
0x69: {  	_ =	shalt  }
0x6a: {  	_ =	shalt  }
0x6b: {  	_ =	shalt  }
0x6c: {  	_ =	shalt  }
0x6d: {  	_ =	shalt  }
0x6e: {  	_ =	shalt  }
0x6f: {  	_ =	shalt  }
0x70: {  	_ =	shalt  }
0x71: {  	_ =	shalt  }
0x72: {  	_ =	shalt  }
0x73: {  	_ =	shalt  }
0x74: {  	_ =	shalt  }
0x75: {  	_ =	shalt  }
0x76: {  	_ =	shalt  }
0x77: {  	_ =	shalt  }
0x78: {  	_ =	shalt  }
0x79: {  	_ =	shalt  }
0x7a: {  	_ =	shalt  }
0x7b: {  	_ =	shalt  }
0x7c: {  	_ =	shalt  }
0x7d: {  	_ =	shalt  }
0x7e: {  	_ =	shalt  }
0x7f: {  	_ =	shalt  }
0x80: {  	_ =	shalt  }
0x81: {  	_ =	shalt  }
0x82: {  	_ =	shalt  }
0x83: {  	_ =	shalt  }
0x84: {  	_ =	shalt  }
0x85: {  	_ =	shalt  }
0x86: {  	_ =	shalt  }
0x87: {  	_ =	shalt  }
.Lfunc_end0:
.L_simem_size_0:
called_computation.2_lowered:
.L_overlay_start_0:
0x88: {  	s2 =	sld [smem:$0x3FD9]  }
0x89: {  	s3 =	sld [smem:$0x3FFE];
	_ =	sdelay $0x1  }
0x8a: {  	s1 =	srdreg.scid  }
0x8b: {  	s0 =	sand.u32 $0x1, s1  }
0x8c: {  	s16 =	sshll.u32 s0, $0xA;
	s2 =	sadd.s32 s3, s2  }
0x8d: {  	s2 =	sadd.s32 s2, s16  }
0x8e: {  	[smem:$0x3FB9] =	sst s2  }
0x8f: {  	_ = 	snop  }
0x90: {  	(tm) =	ssettm $0x1  }
0x91: {  	s17 =	sld [smem:$0x3FFB];
	_ =	sdelay $0x3  }
0x92: {  	_ =	strace s17  }
0x93: {  	s2 =	sld [smem:$0x3FFC];
	_ =	sdelay $0x3  }
0x94: {  	_ =	strace s2  }
0x95: {  	s2 =	sld [smem:$0x3FFD];
	_ =	sdelay $0x3  }
0x96: {  	_ =	strace s2  }
0x97: {  	_ =	strace $0x8FFFFFFF  }
0x98: {  	s18 =	sld [smem:$0x3FDB];
	_ =	sdelay $0x1  }
0x99: {  	s19 =	simm.s32 $_scs_section_size  }
0x9a: {  	s4 =	simm.s32 $_size__tile_overlayer_lowered;
	s5 =	simm.s32 $_tile_overlayer_lowered  }
0x9b: {  	s22 =	simm.s32 $0x1BFF;
	s21 =	sshll.u32 s5, $0x1;
	s2 =	sadd.s32 s19, s18  }
0x9c: {  	s6 =	simm.s32 $0x0;
	s20 =	sshll.u32 s4, $0x1;
	s4 =	sadd.s32 s21, s2  }
0x9d: {  	[timem:s6], [sflag:s22] =	dma.local [hbm:s4], s20  }
0x9e: {  	_ =	swait.ge [sflag:s22], s20  }
0x9f: {  	s3 =	ssub.s32 $0x0, s20;
	[sflag:s22] =	ssyncset.done $0x0  }
0xa0: {  	[sflag:s22] =	ssyncadd.s32 s3;
	_ =	sdelay $0x1  }
0xa1: {  	s23 =	simm.s32 $0x1B8B  }
0xa2: {  	_ =	swait.ge [sflag:s23], $0x1  }
0xa3: {  	[sflag:s23] =	ssyncset.done $0x0  }
0xa4: {  	s25 =	simm.s32 $0x1B8E;
	s24 =	sld [smem:$0x3FFE];
	[sflag:s23] =	ssyncadd.s32 $0xFFFFFFFF  }
0xa5: {  	s26 =	simm.s32 $execute0_lowered;
	[smem:$0x3FD2] =	sst s25  }
0xa6: {  	s4 =	sshll.u32 s26, $0x1;
	_ =	strace $0x8000004C;
	[dreg:$0x1] =	wrdreg $0xFFFFFFFF  }
0xa7: {  	s28 =	simm.s32 $_size_execute0_lowered;
	s2 =	sadd.s32 s2, s4;
	[dreg:$0x0] =	wrdreg $0x0  }
0xa8: {  	s4 =	sshll.u32 s28, $0x1;
	[dreg:$0x2] =	wrdreg s2  }
0xa9: {  	[dreg:$0x3] =	wrdreg s4  }
0xaa: {  	[dreg:$0x4] =	wrdreg $0xC0  }
0xab: {  	_ =	task [dreg:s6], $0x5FFFF  }
0xac: {  	[dreg:$0x1] =	wrdreg $0xFFFFFFFF  }
0xad: {  	[dreg:$0x0] =	wrdreg $0x60  }
0xae: {  	[dreg:$0x2] =	wrdreg s24  }
0xaf: {  	[dreg:$0x3] =	wrdreg $0x9  }
0xb0: {  	_ =	task.clear_ibuf [dreg:s6], $0x4FFFF;
	_ =	strace $0x9000004C  }
0xb1: {  	s29 =	simm.s32 $0x9;
	_ =	strace $0x8000004E  }
0xb2: {  	_ =	swait.ge [sflag:s29], $0x1  }
0xb3: {  	[sflag:s29] =	ssyncadd.s32 $0xFFFFFFFF  }
0xb4: {  	_ =	strace $0x9000004E  }
0xb5: {  	_ =	sfence  }
0xb6: {  	s30 =	sld [smem:$0x0];
	_ =	sdelay $0x2  }
0xb7: {  	s31 =	sshll.u32 s1, $0xD;
	s1 =	sshrl.u32 s1, $0x2  }
0xb8: {  	s3 =	sand.u32 $0x4000, s31;
	s1 =	sadd.s32 s1, s30  }
0xb9: {  	s0 =	sor.u32 s3, s0;
	s1 =	sshll.u32 s1, $0x11  }
0xba: {  	s0 =	sor.u32 s1, s0  }
0xbb: {  	s0 =	sadd.s32 $0x8F2B, s0  }
0xbc: {  	[sflag:s0] =	ssyncadd.remote.s32 $0x1  }
0xbd: {  	_ =	sfence.sel $0xFFFF  }
0xbe: {  	[dreg:$0x0] =	wrdreg $0xFFFFFFFF;
	(pc) =	sbr.abs _section_cstart, $3  }
0xbf: {  	[dreg:$0x1] =	wrdreg $0xFFFFFFFF  }
0xc0: {  	_ =	task.clear_ibuf [dreg:s6], $0x2FFFF;
	_ =	strace $0x9FFFFFFF  }
0xc1: {  	(tm) =	ssettm $0x7FFFFFFF  }
tec
execute0_lowered:
.L_overlay_start_1:
0x0: {  	(tag) =	ssettag $0x1  }
0x1: {  	s0 =	srdreg.scid  }
0x2: {  	s1 =	rddreg [dreg:$0x0];
	s4 =	stileid.u32  }
0x3: {  	s2 =	simm.s32 $0x0;
	s15 =	simm.s32 $0x7;
	s17 =	simm.s32 $0x80  }
0x4: {  	s18 =	simm.s32 $0x2800;
	s19 =	simm.s32 $0x6800;
	s20 =	simm.s32 $0xA800  }
0x5: {  	s22 =	simm.s32 $0xE800;
	s23 =	simm.s32 $0x1;
	s0 =	sand.u32 $0x1, s0  }
0x6: {  	s28 =	simm.s32 $0x16800;
	s29 =	simm.s32 $0x2;
	s3 =	sshll.u32 s0, $0x4  }
0x7: {  	s30 =	simm.s32 $0x4;
	[smem:$0x7FF] =	sst s2;
	s7 =	sor.u32 s4, s3  }
0x8: {  	s21 =	simm.s32 $0x5;
	_ =	strace $0x8000004D;
	s5 =	smul.u32 $0x280, s7  }
0x9: {  	s0 =	ssub.s32 $0x2, s0;
	s3 =	sadd.s32 $0x4200, s1;
	s9 =	smul.u32 $0x9C400, s7  }
0xa: {  	s4 =	sadd.s32 $0x2C200, s1;
	s24 =	sshrl.u32 s0, $0x1;
	s6 =	smul.u32 $0x1388, s7  }
0xb: {  	s0 =	ssub.s32 s0, s24;
	s25 =	smul.u32 $0x13880, s7;
	s24 =	simm.s32 $0x6  }
0xc: {  	s14 =	smax.u32 s0, $0x1;
	s8 =	sadd.s32 s5, s1;
	s5 =	sadd.s32 $0xBA800, s1  }
0xd: {  	s26 =	sshrl.u32 s9, $0x3;
	s11 =	sadd.s32 $0xFFFFFF80, s6;
	s31 =	sadd.s32 $0xB0800, s8  }
0xe: {  	s8 =	sadd.s32 $0xB5800, s8;
	s7 =	sadd.s32 s5, s26;
	[dreg:$0x2] =	wrdreg s31  }
0xf: {  	s1 =	sadd.s32 s5, s25;
	s25 =	simm.s32 $0x12800;
	[dreg:$0x3] =	wrdreg s8  }
0x10: {  	s26 =	simm.s32 $0x0;
	[dreg:$0x4] =	wrdreg s1;
	s10 =	sadd.s32 $0x800, s7  }
0x11: {  	s12 =	sadd.s32 $0x13000, s7;
	s13 =	sadd.s32 $0x13800, s7;
	s1 =	simm.s32 $0x3  }
.LBB2_1:
0x12: {  	s0 =	rddreg [dreg:$0x2]  }
0x13: {  	[tilespmem:s2], [sflag:$0x7] =	stream.linear.gather [hbm4b:s0+s2], $0x1400, $0x38;
	[tilespmem:$0x1A800] =	vst v63  }
0x14: {  	_ =	swait.ge [sflag:s15], $0x1400  }
0x15: {  	[sflag:s15] =	ssyncset.done $0x0  }
0x16: {  	s7 =	simm.s32 $0x1400;
	s16 =	rddreg [dreg:$0x3];
	[sflag:s15] =	ssyncadd.s32 $0xFFFFEC00  }
0x17: {  	[tilespmem:s7], [sflag:$0x7] =	stream.linear.gather [hbm4b:s16+s2], $0x1400, $0x38;
	[tilespmem:$0x1A800] =	vst v63  }
0x18: {  	_ =	swait.ge [sflag:s15], $0x1400  }
0x19: {  	[sflag:s15] =	ssyncset.done $0x0  }
0x1a: {  	[sflag:s15] =	ssyncadd.s32 $0xFFFFEC00  }
0x1b: {  	[tilespmem:s18], [sflag:$0x1] =	stream.indirect.gather [hbm4b:s3+s17], $0x80, s2, s17, $0xb8;
	[tilespmem:$0x1A800] =	vst v63  }
0x1c: {  	_ = 	snop  }
0x1d: {  	[tilespmem:s19], [sflag:$0x1] =	stream.indirect.gather [hbm4b:s4+s17], $0x80, s7, s17, $0xb8;
	[tilespmem:$0x1A800] =	vst v63  }
0x1e: {  	_ = 	snop  }
0x1f: {  	[tilespmem:s20], [sflag:$0x2] =	stream.indirect.gather [hbm4b:s3+s17], $0x80, s17, s17, $0xb8;
	[tilespmem:$0x1A800] =	vst v63  }
0x20: {  	s31 =	simm.s32 $0x1480  }
0x21: {  	[tilespmem:s22], [sflag:$0x2] =	stream.indirect.gather [hbm4b:s4+s17], $0x80, s31, s17, $0xb8;
	[tilespmem:$0x1A800] =	vst v63  }
0x22: {  	_ =	swait.ge [sflag:s23], $0x4000  }
0x23: {  	[sflag:s23] =	ssyncset.done $0x0  }
0x24: {  	[sflag:s23] =	ssyncadd.s32 $0xFFFFC000  }
0x25: {  	_ =	swait.ge [sflag:s23], $0x4000  }
0x26: {  	[sflag:s23] =	ssyncset.done $0x0  }
0x27: {  	s0 =	simm.s32 $0x0;
	[sflag:s23] =	ssyncadd.s32 $0xFFFFC000  }
0x28: {  	v6 =	vld [tilespmem:s0+$0x6800]  }
0x29: {  	v7 =	vld [tilespmem:s0+$0x6810]  }
0x2a: {  	v8 =	vld [tilespmem:s0+$0x6820]  }
0x2b: {  	v9 =	vld [tilespmem:s0+$0x6830]  }
0x2c: {  	v10 =	vld [tilespmem:s0+$0x6840]  }
0x2d: {  	v11 =	vld [tilespmem:s0+$0x6850]  }
0x2e: {  	v12 =	vld [tilespmem:s0+$0x6860]  }
0x2f: {  	v13 =	vld [tilespmem:s0+$0x6870]  }
0x30: {  	v14 =	vld [tilespmem:s0+$0x6880]  }
0x31: {  	v15 =	vld [tilespmem:s0+$0x6890]  }
0x32: {  	v5 =	vld [tilespmem:s0+$0x68A0]  }
0x33: {  	v4 =	vld [tilespmem:s0+$0x68B0]  }
0x34: {  	v3 =	vld [tilespmem:s0+$0x68C0]  }
0x35: {  	v2 =	vld [tilespmem:s0+$0x68D0]  }
0x36: {  	v1 =	vld [tilespmem:s0+$0x68E0]  }
0x37: {  	v0 =	vld [tilespmem:s0+$0x68F0]  }
0x38: {  	v16 =	vld [tilespmem:s0+$0x2800]  }
0x39: {  	v17 =	vld [tilespmem:s0+$0x2810]  }
0x3a: {  	v18 =	vld [tilespmem:s0+$0x2820]  }
0x3b: {  	v19 =	vld [tilespmem:s0+$0x2830]  }
0x3c: {  	v20 =	vld [tilespmem:s0+$0x2840]  }
0x3d: {  	v60 =	vld [tilespmem:s0+$0x2850];
	v6 =	vadd.f32 v6, v16  }
0x3e: {  	v21 =	vld [tilespmem:s0+$0x2860];
	v7 =	vadd.f32 v7, v17  }
0x3f: {  	v61 =	vld [tilespmem:s0+$0x2870];
	[tilespmem:s0+$0x2800] =	vst v6;
	v6 =	vadd.f32 v8, v18  }
0x40: {  	v62 =	vld [tilespmem:s0+$0x2880];
	[tilespmem:s0+$0x2810] =	vst v7;
	v7 =	vadd.f32 v9, v19  }
0x41: {  	v63 =	vld [tilespmem:s0+$0x2890];
	[tilespmem:s0+$0x2820] =	vst v6;
	v6 =	vadd.f32 v10, v20  }
0x42: {  	v8 =	vadd.f32 v11, v60;
	[tilespmem:s0+$0x2830] =	vst v7;
	v7 =	vld [tilespmem:s0+$0x28A0]  }
0x43: {  	v9 =	vadd.f32 v12, v21;
	[tilespmem:s0+$0x2840] =	vst v6;
	v6 =	vld [tilespmem:s0+$0x28B0]  }
0x44: {  	[tilespmem:s0+$0x2850] =	vst v8;
	v8 =	vld [tilespmem:s0+$0x28C0];
	v10 =	vadd.f32 v13, v61  }
0x45: {  	v12 =	vadd.f32 v14, v62;
	[tilespmem:s0+$0x2860] =	vst v9;
	v9 =	vld [tilespmem:s0+$0x28D0]  }
0x46: {  	s7 =	simm.s32 $0x400;
	v11 =	vadd.f32 v15, v63;
	[tilespmem:s0+$0x2870] =	vst v10;
	v10 =	vld [tilespmem:s0+$0x28E0]  }
.LBB2_2:
0x47: {  	s8 =	sshra.s32 s7, $0x2;
	p0 =	sne.s32 s7, $0xFC00;
	[tilespmem:s0+$0x2880] =	vst v12;
	v5 =	vadd.f32 v5, v7;
	v7 =	vld [tilespmem:s0+$0x28F0]  }
0x48: {  	v12 =	vld [tilespmem:s8+$0x6800];
	[tilespmem:s0+$0x2890] =	vst v11;
	v4 =	vadd.f32 v4, v6  }
0x49: {  	v6 =	vld [tilespmem:s8+$0x6810];
	[tilespmem:s0+$0x28A0] =	vst v5;
	v3 =	vadd.f32 v3, v8  }
0x4a: {  	v8 =	vld [tilespmem:s8+$0x6820];
	[tilespmem:s0+$0x28B0] =	vst v4;
	v2 =	vadd.f32 v2, v9  }
0x4b: {  	v9 =	vld [tilespmem:s8+$0x6830];
	[tilespmem:s0+$0x28C0] =	vst v3;
	v1 =	vadd.f32 v1, v10  }
0x4c: {  	v10 =	vld [tilespmem:s8+$0x6840];
	[tilespmem:s0+$0x28D0] =	vst v2;
	v0 =	vadd.f32 v0, v7  }
0x4d: {  	v7 =	vld [tilespmem:s8+$0x6850];
	[tilespmem:s0+$0x28E0] =	vst v1  }
0x4e: {  	v11 =	vld [tilespmem:s8+$0x6860];
	[tilespmem:s0+$0x28F0] =	vst v0;
	s0 =	smov.u32 s8  }
0x4f: {  	v13 =	vld [tilespmem:s0+$0x6870]  }
0x50: {  	v14 =	vld [tilespmem:s0+$0x6880]  }
0x51: {  	v15 =	vld [tilespmem:s0+$0x6890]  }
0x52: {  	v5 =	vld [tilespmem:s0+$0x68A0]  }
0x53: {  	v4 =	vld [tilespmem:s0+$0x68B0]  }
0x54: {  	v3 =	vld [tilespmem:s0+$0x68C0]  }
0x55: {  	v2 =	vld [tilespmem:s0+$0x68D0]  }
0x56: {  	v1 =	vld [tilespmem:s0+$0x68E0]  }
0x57: {  	v0 =	vld [tilespmem:s0+$0x68F0]  }
0x58: {  	v16 =	vld [tilespmem:s0+$0x2800]  }
0x59: {  	v17 =	vld [tilespmem:s0+$0x2810]  }
0x5a: {  	v18 =	vld [tilespmem:s0+$0x2820]  }
0x5b: {  	v19 =	vld [tilespmem:s0+$0x2830]  }
0x5c: {  	v20 =	vld [tilespmem:s0+$0x2840]  }
0x5d: {  	v12 =	vadd.f32 v12, v16;
	v16 =	vld [tilespmem:s0+$0x2850]  }
0x5e: {  	v6 =	vadd.f32 v6, v17;
	v17 =	vld [tilespmem:s0+$0x2860]  }
0x5f: {  	[tilespmem:s0+$0x2800] =	vst v12;
	v8 =	vadd.f32 v8, v18;
	v12 =	vld [tilespmem:s0+$0x2870]  }
0x60: {  	[tilespmem:s0+$0x2810] =	vst v6;
	v6 =	vadd.f32 v9, v19;
	v9 =	vld [tilespmem:s0+$0x2880]  }
0x61: {  	[tilespmem:s0+$0x2820] =	vst v8;
	v8 =	vadd.f32 v10, v20;
	v10 =	vld [tilespmem:s0+$0x2890]  }
.Ltmp0:
0x62: {  	[tilespmem:s0+$0x2830] =	vst v6;
	v16 =	vadd.f32 v7, v16;
	v7 =	vld [tilespmem:s0+$0x28A0];
	(pc) =	sbr.rel @p0 .LBB2_2-.Ltmp0, $4  }
0x63: {  	[tilespmem:s0+$0x2840] =	vst v8;
	v11 =	vadd.f32 v11, v17;
	v6 =	vld [tilespmem:s0+$0x28B0]  }
0x64: {  	[tilespmem:s0+$0x2850] =	vst v16;
	v13 =	vadd.f32 v13, v12;
	v8 =	vld [tilespmem:s0+$0x28C0]  }
0x65: {  	[tilespmem:s0+$0x2860] =	vst v11;
	v12 =	vadd.f32 v14, v9;
	v9 =	vld [tilespmem:s0+$0x28D0]  }
0x66: {  	s7 =	sadd.s32 $0x400, s7;
	[tilespmem:s0+$0x2870] =	vst v13;
	v11 =	vadd.f32 v15, v10;
	v10 =	vld [tilespmem:s0+$0x28E0]  }
0x67: {  	[tilespmem:s0+$0x2880] =	vst v12;
	v5 =	vadd.f32 v5, v7;
	v7 =	vld [tilespmem:s0+$0x28F0]  }
0x68: {  	[tilespmem:s0+$0x2890] =	vst v11;
	v4 =	vadd.f32 v4, v6  }
0x69: {  	[tilespmem:s0+$0x28A0] =	vst v5;
	v3 =	vadd.f32 v3, v8  }
0x6a: {  	[tilespmem:s0+$0x28B0] =	vst v4;
	v2 =	vadd.f32 v2, v9  }
0x6b: {  	[tilespmem:s0+$0x28C0] =	vst v3;
	v1 =	vadd.f32 v1, v10  }
0x6c: {  	[tilespmem:s0+$0x28D0] =	vst v2;
	v0 =	vadd.f32 v0, v7  }
0x6d: {  	[tilespmem:s0+$0x28E0] =	vst v1  }
0x6e: {  	s9 =	simm.s32 $0x0;
	s7 =	rddreg [dreg:$0x4];
	[tilespmem:s0+$0x28F0] =	vst v0  }
0x6f: {  	[hbm4b:s7+s9] =	stream.linear.scatter [tilespmem:s18], [sflag:$0x4], $0x4000, $0x38;
	[tilespmem:$0x1A800] =	vst v63  }
0x70: {  	s16 =	simm.s32 $0x100  }
0x71: {  	[tilespmem:s25], [sflag:$0x3] =	stream.indirect.gather [hbm4b:s3+s17], $0x80, s16, s17, $0xb8;
	[tilespmem:$0x1A800] =	vst v63  }
0x72: {  	s31 =	simm.s32 $0x1500  }
0x73: {  	[tilespmem:s28], [sflag:$0x3] =	stream.indirect.gather [hbm4b:s4+s17], $0x80, s31, s17, $0xb8;
	[tilespmem:$0x1A800] =	vst v63  }
0x74: {  	_ =	swait.ge [sflag:s29], $0x4000  }
0x75: {  	[sflag:s29] =	ssyncset.done $0x0  }
0x76: {  	[sflag:s29] =	ssyncadd.s32 $0xFFFFC000  }
0x77: {  	_ =	swait.ge [sflag:s29], $0x4000  }
0x78: {  	[sflag:s29] =	ssyncset.done $0x0  }
0x79: {  	s0 =	simm.s32 $0x0;
	[sflag:s29] =	ssyncadd.s32 $0xFFFFC000  }
0x7a: {  	v6 =	vld [tilespmem:s0+$0xE800]  }
0x7b: {  	v7 =	vld [tilespmem:s0+$0xE810]  }
0x7c: {  	v8 =	vld [tilespmem:s0+$0xE820]  }
0x7d: {  	v9 =	vld [tilespmem:s0+$0xE830]  }
0x7e: {  	v10 =	vld [tilespmem:s0+$0xE840]  }
0x7f: {  	v11 =	vld [tilespmem:s0+$0xE850]  }
0x80: {  	v12 =	vld [tilespmem:s0+$0xE860]  }
0x81: {  	v13 =	vld [tilespmem:s0+$0xE870]  }
0x82: {  	v14 =	vld [tilespmem:s0+$0xE880]  }
0x83: {  	v15 =	vld [tilespmem:s0+$0xE890]  }
0x84: {  	v5 =	vld [tilespmem:s0+$0xE8A0]  }
0x85: {  	v4 =	vld [tilespmem:s0+$0xE8B0]  }
0x86: {  	v3 =	vld [tilespmem:s0+$0xE8C0]  }
0x87: {  	v2 =	vld [tilespmem:s0+$0xE8D0]  }
0x88: {  	v1 =	vld [tilespmem:s0+$0xE8E0]  }
0x89: {  	v0 =	vld [tilespmem:s0+$0xE8F0]  }
0x8a: {  	v16 =	vld [tilespmem:s0+$0xA800]  }
0x8b: {  	v17 =	vld [tilespmem:s0+$0xA810]  }
0x8c: {  	v18 =	vld [tilespmem:s0+$0xA820]  }
0x8d: {  	v19 =	vld [tilespmem:s0+$0xA830]  }
0x8e: {  	v20 =	vld [tilespmem:s0+$0xA840]  }
0x8f: {  	v60 =	vld [tilespmem:s0+$0xA850];
	v6 =	vadd.f32 v6, v16  }
0x90: {  	v21 =	vld [tilespmem:s0+$0xA860];
	v7 =	vadd.f32 v7, v17  }
0x91: {  	v61 =	vld [tilespmem:s0+$0xA870];
	[tilespmem:s0+$0xA800] =	vst v6;
	v6 =	vadd.f32 v8, v18  }
0x92: {  	v62 =	vld [tilespmem:s0+$0xA880];
	[tilespmem:s0+$0xA810] =	vst v7;
	v7 =	vadd.f32 v9, v19  }
0x93: {  	v63 =	vld [tilespmem:s0+$0xA890];
	[tilespmem:s0+$0xA820] =	vst v6;
	v6 =	vadd.f32 v10, v20  }
0x94: {  	v8 =	vadd.f32 v11, v60;
	[tilespmem:s0+$0xA830] =	vst v7;
	v7 =	vld [tilespmem:s0+$0xA8A0]  }
0x95: {  	v9 =	vadd.f32 v12, v21;
	[tilespmem:s0+$0xA840] =	vst v6;
	v6 =	vld [tilespmem:s0+$0xA8B0]  }
0x96: {  	[tilespmem:s0+$0xA850] =	vst v8;
	v8 =	vld [tilespmem:s0+$0xA8C0];
	v10 =	vadd.f32 v13, v61  }
0x97: {  	v12 =	vadd.f32 v14, v62;
	[tilespmem:s0+$0xA860] =	vst v9;
	v9 =	vld [tilespmem:s0+$0xA8D0]  }
0x98: {  	s7 =	simm.s32 $0x400;
	v11 =	vadd.f32 v15, v63;
	[tilespmem:s0+$0xA870] =	vst v10;
	v10 =	vld [tilespmem:s0+$0xA8E0]  }
.LBB2_4:
0x99: {  	s8 =	sshra.s32 s7, $0x2;
	p0 =	sne.s32 s7, $0xFC00;
	[tilespmem:s0+$0xA880] =	vst v12;
	v5 =	vadd.f32 v5, v7;
	v7 =	vld [tilespmem:s0+$0xA8F0]  }
0x9a: {  	v12 =	vld [tilespmem:s8+$0xE800];
	[tilespmem:s0+$0xA890] =	vst v11;
	v4 =	vadd.f32 v4, v6  }
0x9b: {  	v6 =	vld [tilespmem:s8+$0xE810];
	[tilespmem:s0+$0xA8A0] =	vst v5;
	v3 =	vadd.f32 v3, v8  }
0x9c: {  	v8 =	vld [tilespmem:s8+$0xE820];
	[tilespmem:s0+$0xA8B0] =	vst v4;
	v2 =	vadd.f32 v2, v9  }
0x9d: {  	v9 =	vld [tilespmem:s8+$0xE830];
	[tilespmem:s0+$0xA8C0] =	vst v3;
	v1 =	vadd.f32 v1, v10  }
0x9e: {  	v10 =	vld [tilespmem:s8+$0xE840];
	[tilespmem:s0+$0xA8D0] =	vst v2;
	v0 =	vadd.f32 v0, v7  }
0x9f: {  	v7 =	vld [tilespmem:s8+$0xE850];
	[tilespmem:s0+$0xA8E0] =	vst v1  }
0xa0: {  	v11 =	vld [tilespmem:s8+$0xE860];
	[tilespmem:s0+$0xA8F0] =	vst v0;
	s0 =	smov.u32 s8  }
0xa1: {  	v13 =	vld [tilespmem:s0+$0xE870]  }
0xa2: {  	v14 =	vld [tilespmem:s0+$0xE880]  }
0xa3: {  	v15 =	vld [tilespmem:s0+$0xE890]  }
0xa4: {  	v5 =	vld [tilespmem:s0+$0xE8A0]  }
0xa5: {  	v4 =	vld [tilespmem:s0+$0xE8B0]  }
0xa6: {  	v3 =	vld [tilespmem:s0+$0xE8C0]  }
0xa7: {  	v2 =	vld [tilespmem:s0+$0xE8D0]  }
0xa8: {  	v1 =	vld [tilespmem:s0+$0xE8E0]  }
0xa9: {  	v0 =	vld [tilespmem:s0+$0xE8F0]  }
0xaa: {  	v16 =	vld [tilespmem:s0+$0xA800]  }
0xab: {  	v17 =	vld [tilespmem:s0+$0xA810]  }
0xac: {  	v18 =	vld [tilespmem:s0+$0xA820]  }
0xad: {  	v19 =	vld [tilespmem:s0+$0xA830]  }
0xae: {  	v20 =	vld [tilespmem:s0+$0xA840]  }
0xaf: {  	v12 =	vadd.f32 v12, v16;
	v16 =	vld [tilespmem:s0+$0xA850]  }
0xb0: {  	v6 =	vadd.f32 v6, v17;
	v17 =	vld [tilespmem:s0+$0xA860]  }
0xb1: {  	[tilespmem:s0+$0xA800] =	vst v12;
	v8 =	vadd.f32 v8, v18;
	v12 =	vld [tilespmem:s0+$0xA870]  }
0xb2: {  	[tilespmem:s0+$0xA810] =	vst v6;
	v6 =	vadd.f32 v9, v19;
	v9 =	vld [tilespmem:s0+$0xA880]  }
0xb3: {  	[tilespmem:s0+$0xA820] =	vst v8;
	v8 =	vadd.f32 v10, v20;
	v10 =	vld [tilespmem:s0+$0xA890]  }
.Ltmp1:
0xb4: {  	[tilespmem:s0+$0xA830] =	vst v6;
	v16 =	vadd.f32 v7, v16;
	v7 =	vld [tilespmem:s0+$0xA8A0];
	(pc) =	sbr.rel @p0 .LBB2_4-.Ltmp1, $4  }
0xb5: {  	[tilespmem:s0+$0xA840] =	vst v8;
	v11 =	vadd.f32 v11, v17;
	v6 =	vld [tilespmem:s0+$0xA8B0]  }
0xb6: {  	[tilespmem:s0+$0xA850] =	vst v16;
	v13 =	vadd.f32 v13, v12;
	v8 =	vld [tilespmem:s0+$0xA8C0]  }
0xb7: {  	[tilespmem:s0+$0xA860] =	vst v11;
	v12 =	vadd.f32 v14, v9;
	v9 =	vld [tilespmem:s0+$0xA8D0]  }
0xb8: {  	s7 =	sadd.s32 $0x400, s7;
	[tilespmem:s0+$0xA870] =	vst v13;
	v11 =	vadd.f32 v15, v10;
	v10 =	vld [tilespmem:s0+$0xA8E0]  }
0xb9: {  	[tilespmem:s0+$0xA880] =	vst v12;
	v5 =	vadd.f32 v5, v7;
	v63 =	vld [tilespmem:s0+$0xA8F0]  }
0xba: {  	[tilespmem:s0+$0xA890] =	vst v11;
	v4 =	vadd.f32 v4, v6  }
0xbb: {  	[tilespmem:s0+$0xA8A0] =	vst v5;
	v3 =	vadd.f32 v3, v8  }
0xbc: {  	[tilespmem:s0+$0xA8B0] =	vst v4;
	v2 =	vadd.f32 v2, v9  }
0xbd: {  	[tilespmem:s0+$0xA8C0] =	vst v3;
	v1 =	vadd.f32 v1, v10  }
0xbe: {  	[tilespmem:s0+$0xA8D0] =	vst v2;
	v0 =	vadd.f32 v0, v63  }
0xbf: {  	[tilespmem:s0+$0xA8E0] =	vst v1  }
0xc0: {  	[tilespmem:s0+$0xA8F0] =	vst v0  }
0xc1: {  	[hbm4b:s10+s2] =	stream.linear.scatter [tilespmem:s20], [sflag:$0x5], $0x4000, $0x38;
	[tilespmem:$0x1A800] =	vst v63  }
0xc2: {  	_ =	swait.ge [sflag:s30], $0x4000  }
0xc3: {  	[sflag:s30] =	ssyncset.done $0x0  }
0xc4: {  	s9 =	simm.s32 $0x180;
	[sflag:s30] =	ssyncadd.s32 $0xFFFFC000  }
0xc5: {  	[tilespmem:s18], [sflag:$0x1] =	stream.indirect.gather [hbm4b:s3+s17], $0x80, s9, s17, $0xb8;
	[tilespmem:$0x1A800] =	vst v63  }
0xc6: {  	s16 =	simm.s32 $0x1580;
	s31 =	simm.s32 $0x1  }
0xc7: {  	[tilespmem:s19], [sflag:$0x1] =	stream.indirect.gather [hbm4b:s4+s17], $0x80, s16, s17, $0xb8;
	[tilespmem:$0x1A800] =	vst v63  }
.LBB2_6:
0xc8: {  	_ =	swait.ge [sflag:s1], $0x4000  }
0xc9: {  	[sflag:s1] =	ssyncset.done $0x0  }
0xca: {  	[sflag:s1] =	ssyncadd.s32 $0xFFFFC000  }
0xcb: {  	_ =	swait.ge [sflag:s1], $0x4000  }
0xcc: {  	[sflag:s1] =	ssyncset.done $0x0  }
0xcd: {  	s16 =	simm.s32 $0x0;
	[sflag:s1] =	ssyncadd.s32 $0xFFFFC000  }
0xce: {  	v6 =	vld [tilespmem:s16+$0x16800]  }
0xcf: {  	v7 =	vld [tilespmem:s16+$0x16810]  }
0xd0: {  	v8 =	vld [tilespmem:s16+$0x16820]  }
0xd1: {  	v9 =	vld [tilespmem:s16+$0x16830]  }
0xd2: {  	v10 =	vld [tilespmem:s16+$0x16840]  }
0xd3: {  	v11 =	vld [tilespmem:s16+$0x16850]  }
0xd4: {  	v12 =	vld [tilespmem:s16+$0x16860]  }
0xd5: {  	v13 =	vld [tilespmem:s16+$0x16870]  }
0xd6: {  	v14 =	vld [tilespmem:s16+$0x16880]  }
0xd7: {  	v15 =	vld [tilespmem:s16+$0x16890]  }
0xd8: {  	v5 =	vld [tilespmem:s16+$0x168A0]  }
0xd9: {  	v4 =	vld [tilespmem:s16+$0x168B0]  }
0xda: {  	v3 =	vld [tilespmem:s16+$0x168C0]  }
0xdb: {  	v2 =	vld [tilespmem:s16+$0x168D0]  }
0xdc: {  	v1 =	vld [tilespmem:s16+$0x168E0]  }
0xdd: {  	v0 =	vld [tilespmem:s16+$0x168F0]  }
0xde: {  	v16 =	vld [tilespmem:s16+$0x12800]  }
0xdf: {  	v17 =	vld [tilespmem:s16+$0x12810]  }
0xe0: {  	v18 =	vld [tilespmem:s16+$0x12820]  }
0xe1: {  	v19 =	vld [tilespmem:s16+$0x12830]  }
0xe2: {  	v20 =	vld [tilespmem:s16+$0x12840]  }
0xe3: {  	v60 =	vld [tilespmem:s16+$0x12850];
	v6 =	vadd.f32 v6, v16  }
0xe4: {  	v21 =	vld [tilespmem:s16+$0x12860];
	v7 =	vadd.f32 v7, v17  }
0xe5: {  	v61 =	vld [tilespmem:s16+$0x12870];
	[tilespmem:s16+$0x12800] =	vst v6;
	v6 =	vadd.f32 v8, v18  }
0xe6: {  	v62 =	vld [tilespmem:s16+$0x12880];
	[tilespmem:s16+$0x12810] =	vst v7;
	v7 =	vadd.f32 v9, v19  }
0xe7: {  	v63 =	vld [tilespmem:s16+$0x12890];
	[tilespmem:s16+$0x12820] =	vst v6;
	v6 =	vadd.f32 v10, v20  }
0xe8: {  	v8 =	vadd.f32 v11, v60;
	[tilespmem:s16+$0x12830] =	vst v7;
	v7 =	vld [tilespmem:s16+$0x128A0]  }
0xe9: {  	v9 =	vadd.f32 v12, v21;
	[tilespmem:s16+$0x12840] =	vst v6;
	v6 =	vld [tilespmem:s16+$0x128B0]  }
0xea: {  	[tilespmem:s16+$0x12850] =	vst v8;
	v8 =	vld [tilespmem:s16+$0x128C0];
	v10 =	vadd.f32 v13, v61  }
0xeb: {  	v12 =	vadd.f32 v14, v62;
	[tilespmem:s16+$0x12860] =	vst v9;
	v9 =	vld [tilespmem:s16+$0x128D0]  }
0xec: {  	s0 =	simm.s32 $0x400;
	v11 =	vadd.f32 v15, v63;
	[tilespmem:s16+$0x12870] =	vst v10;
	v10 =	vld [tilespmem:s16+$0x128E0]  }
.LBB2_7:
0xed: {  	s7 =	sshra.s32 s0, $0x2;
	p0 =	sne.s32 s0, $0xFC00;
	[tilespmem:s16+$0x12880] =	vst v12;
	v5 =	vadd.f32 v5, v7;
	v7 =	vld [tilespmem:s16+$0x128F0]  }
0xee: {  	v12 =	vld [tilespmem:s7+$0x16800];
	[tilespmem:s16+$0x12890] =	vst v11;
	v4 =	vadd.f32 v4, v6  }
0xef: {  	v6 =	vld [tilespmem:s7+$0x16810];
	[tilespmem:s16+$0x128A0] =	vst v5;
	v3 =	vadd.f32 v3, v8  }
0xf0: {  	v8 =	vld [tilespmem:s7+$0x16820];
	[tilespmem:s16+$0x128B0] =	vst v4;
	v2 =	vadd.f32 v2, v9  }
0xf1: {  	v9 =	vld [tilespmem:s7+$0x16830];
	[tilespmem:s16+$0x128C0] =	vst v3;
	v1 =	vadd.f32 v1, v10  }
0xf2: {  	v10 =	vld [tilespmem:s7+$0x16840];
	[tilespmem:s16+$0x128D0] =	vst v2;
	v0 =	vadd.f32 v0, v7  }
0xf3: {  	v7 =	vld [tilespmem:s7+$0x16850];
	[tilespmem:s16+$0x128E0] =	vst v1  }
0xf4: {  	v11 =	vld [tilespmem:s7+$0x16860];
	[tilespmem:s16+$0x128F0] =	vst v0;
	s16 =	smov.u32 s7  }
0xf5: {  	v13 =	vld [tilespmem:s16+$0x16870]  }
0xf6: {  	v14 =	vld [tilespmem:s16+$0x16880]  }
0xf7: {  	v15 =	vld [tilespmem:s16+$0x16890]  }
0xf8: {  	v5 =	vld [tilespmem:s16+$0x168A0]  }
0xf9: {  	v4 =	vld [tilespmem:s16+$0x168B0]  }
0xfa: {  	v3 =	vld [tilespmem:s16+$0x168C0]  }
0xfb: {  	v2 =	vld [tilespmem:s16+$0x168D0]  }
0xfc: {  	v1 =	vld [tilespmem:s16+$0x168E0]  }
0xfd: {  	v0 =	vld [tilespmem:s16+$0x168F0]  }
0xfe: {  	v16 =	vld [tilespmem:s16+$0x12800]  }
0xff: {  	v17 =	vld [tilespmem:s16+$0x12810]  }
0x100: {  	v18 =	vld [tilespmem:s16+$0x12820]  }
0x101: {  	v19 =	vld [tilespmem:s16+$0x12830]  }
0x102: {  	v20 =	vld [tilespmem:s16+$0x12840]  }
0x103: {  	v12 =	vadd.f32 v12, v16;
	v16 =	vld [tilespmem:s16+$0x12850]  }
0x104: {  	v6 =	vadd.f32 v6, v17;
	v17 =	vld [tilespmem:s16+$0x12860]  }
0x105: {  	[tilespmem:s16+$0x12800] =	vst v12;
	v8 =	vadd.f32 v8, v18;
	v12 =	vld [tilespmem:s16+$0x12870]  }
0x106: {  	[tilespmem:s16+$0x12810] =	vst v6;
	v6 =	vadd.f32 v9, v19;
	v9 =	vld [tilespmem:s16+$0x12880]  }
0x107: {  	[tilespmem:s16+$0x12820] =	vst v8;
	v8 =	vadd.f32 v10, v20;
	v10 =	vld [tilespmem:s16+$0x12890]  }
.Ltmp2:
0x108: {  	[tilespmem:s16+$0x12830] =	vst v6;
	v16 =	vadd.f32 v7, v16;
	v7 =	vld [tilespmem:s16+$0x128A0];
	(pc) =	sbr.rel @p0 .LBB2_7-.Ltmp2, $4  }
0x109: {  	[tilespmem:s16+$0x12840] =	vst v8;
	v11 =	vadd.f32 v11, v17;
	v6 =	vld [tilespmem:s16+$0x128B0]  }
0x10a: {  	[tilespmem:s16+$0x12850] =	vst v16;
	v13 =	vadd.f32 v13, v12;
	v8 =	vld [tilespmem:s16+$0x128C0]  }
0x10b: {  	[tilespmem:s16+$0x12860] =	vst v11;
	v12 =	vadd.f32 v14, v9;
	v9 =	vld [tilespmem:s16+$0x128D0]  }
0x10c: {  	s0 =	sadd.s32 $0x400, s0;
	[tilespmem:s16+$0x12870] =	vst v13;
	v11 =	vadd.f32 v15, v10;
	v10 =	vld [tilespmem:s16+$0x128E0]  }
0x10d: {  	[tilespmem:s16+$0x12880] =	vst v12;
	v5 =	vadd.f32 v5, v7;
	v7 =	vld [tilespmem:s16+$0x128F0]  }
0x10e: {  	[tilespmem:s16+$0x12890] =	vst v11;
	v4 =	vadd.f32 v4, v6  }
0x10f: {  	[tilespmem:s16+$0x128A0] =	vst v5;
	v3 =	vadd.f32 v3, v8  }
0x110: {  	s0 =	smul.u32 $0x180, s31;
	[tilespmem:s16+$0x128B0] =	vst v4;
	v2 =	vadd.f32 v2, v9  }
0x111: {  	[tilespmem:s16+$0x128C0] =	vst v3;
	v1 =	vadd.f32 v1, v10  }
0x112: {  	s7 =	sadd.s32 s0, s11;
	[tilespmem:s16+$0x128D0] =	vst v2;
	v0 =	vadd.f32 v0, v7  }
0x113: {  	s7 =	sshll.u32 s7, $0x4;
	[tilespmem:s16+$0x128E0] =	vst v1  }
0x114: {  	s8 =	simm.s32 $0x0;
	s7 =	sadd.s32 s5, s7;
	[tilespmem:s16+$0x128F0] =	vst v0  }
0x115: {  	[hbm4b:s7+s8] =	stream.linear.scatter [tilespmem:s25], [sflag:$0x6], $0x4000, $0x38;
	[tilespmem:$0x1A800] =	vst v63  }
0x116: {  	_ =	swait.ge [sflag:s21], $0x4000  }
0x117: {  	[sflag:s21] =	ssyncset.done $0x0  }
0x118: {  	s16 =	sadd.s32 $0x80, s0;
	[sflag:s21] =	ssyncadd.s32 $0xFFFFC000  }
0x119: {  	[tilespmem:s20], [sflag:$0x2] =	stream.indirect.gather [hbm4b:s3+s17], $0x80, s16, s17, $0xb8;
	[tilespmem:$0x1A800] =	vst v63  }
0x11a: {  	s9 =	sadd.s32 $0x1480, s0  }
0x11b: {  	[tilespmem:s22], [sflag:$0x2] =	stream.indirect.gather [hbm4b:s4+s17], $0x80, s9, s17, $0xb8;
	[tilespmem:$0x1A800] =	vst v63  }
0x11c: {  	_ =	swait.ge [sflag:s23], $0x4000  }
0x11d: {  	[sflag:s23] =	ssyncset.done $0x0  }
0x11e: {  	[sflag:s23] =	ssyncadd.s32 $0xFFFFC000  }
0x11f: {  	_ =	swait.ge [sflag:s23], $0x4000  }
0x120: {  	[sflag:s23] =	ssyncset.done $0x0  }
0x121: {  	s7 =	simm.s32 $0x0;
	[sflag:s23] =	ssyncadd.s32 $0xFFFFC000  }
0x122: {  	v6 =	vld [tilespmem:s7+$0x6800]  }
0x123: {  	v7 =	vld [tilespmem:s7+$0x6810]  }
0x124: {  	v8 =	vld [tilespmem:s7+$0x6820]  }
0x125: {  	v9 =	vld [tilespmem:s7+$0x6830]  }
0x126: {  	v10 =	vld [tilespmem:s7+$0x6840]  }
0x127: {  	v11 =	vld [tilespmem:s7+$0x6850]  }
0x128: {  	v12 =	vld [tilespmem:s7+$0x6860]  }
0x129: {  	v13 =	vld [tilespmem:s7+$0x6870]  }
0x12a: {  	v14 =	vld [tilespmem:s7+$0x6880]  }
0x12b: {  	v15 =	vld [tilespmem:s7+$0x6890]  }
0x12c: {  	v5 =	vld [tilespmem:s7+$0x68A0]  }
0x12d: {  	v4 =	vld [tilespmem:s7+$0x68B0]  }
0x12e: {  	v3 =	vld [tilespmem:s7+$0x68C0]  }
0x12f: {  	v2 =	vld [tilespmem:s7+$0x68D0]  }
0x130: {  	v1 =	vld [tilespmem:s7+$0x68E0]  }
0x131: {  	v0 =	vld [tilespmem:s7+$0x68F0]  }
0x132: {  	v16 =	vld [tilespmem:s7+$0x2800]  }
0x133: {  	v17 =	vld [tilespmem:s7+$0x2810]  }
0x134: {  	v18 =	vld [tilespmem:s7+$0x2820]  }
0x135: {  	v19 =	vld [tilespmem:s7+$0x2830]  }
0x136: {  	v20 =	vld [tilespmem:s7+$0x2840]  }
0x137: {  	v60 =	vld [tilespmem:s7+$0x2850];
	v6 =	vadd.f32 v6, v16  }
0x138: {  	v21 =	vld [tilespmem:s7+$0x2860];
	v7 =	vadd.f32 v7, v17  }
0x139: {  	v61 =	vld [tilespmem:s7+$0x2870];
	[tilespmem:s7+$0x2800] =	vst v6;
	v6 =	vadd.f32 v8, v18  }
0x13a: {  	v62 =	vld [tilespmem:s7+$0x2880];
	[tilespmem:s7+$0x2810] =	vst v7;
	v7 =	vadd.f32 v9, v19  }
0x13b: {  	v63 =	vld [tilespmem:s7+$0x2890];
	[tilespmem:s7+$0x2820] =	vst v6;
	v6 =	vadd.f32 v10, v20  }
0x13c: {  	v8 =	vadd.f32 v11, v60;
	[tilespmem:s7+$0x2830] =	vst v7;
	v7 =	vld [tilespmem:s7+$0x28A0]  }
0x13d: {  	v9 =	vadd.f32 v12, v21;
	[tilespmem:s7+$0x2840] =	vst v6;
	v6 =	vld [tilespmem:s7+$0x28B0]  }
0x13e: {  	[tilespmem:s7+$0x2850] =	vst v8;
	v8 =	vld [tilespmem:s7+$0x28C0];
	v10 =	vadd.f32 v13, v61  }
0x13f: {  	v12 =	vadd.f32 v14, v62;
	[tilespmem:s7+$0x2860] =	vst v9;
	v9 =	vld [tilespmem:s7+$0x28D0]  }
0x140: {  	s8 =	simm.s32 $0x400;
	v11 =	vadd.f32 v15, v63;
	[tilespmem:s7+$0x2870] =	vst v10;
	v10 =	vld [tilespmem:s7+$0x28E0]  }
.LBB2_9:
0x141: {  	s9 =	sshra.s32 s8, $0x2;
	p0 =	sne.s32 s8, $0xFC00;
	[tilespmem:s7+$0x2880] =	vst v12;
	v5 =	vadd.f32 v5, v7;
	v7 =	vld [tilespmem:s7+$0x28F0]  }
0x142: {  	v12 =	vld [tilespmem:s9+$0x6800];
	[tilespmem:s7+$0x2890] =	vst v11;
	v4 =	vadd.f32 v4, v6  }
0x143: {  	v6 =	vld [tilespmem:s9+$0x6810];
	[tilespmem:s7+$0x28A0] =	vst v5;
	v3 =	vadd.f32 v3, v8  }
0x144: {  	v8 =	vld [tilespmem:s9+$0x6820];
	[tilespmem:s7+$0x28B0] =	vst v4;
	v2 =	vadd.f32 v2, v9  }
0x145: {  	v9 =	vld [tilespmem:s9+$0x6830];
	[tilespmem:s7+$0x28C0] =	vst v3;
	v1 =	vadd.f32 v1, v10  }
0x146: {  	v10 =	vld [tilespmem:s9+$0x6840];
	[tilespmem:s7+$0x28D0] =	vst v2;
	v0 =	vadd.f32 v0, v7  }
0x147: {  	v7 =	vld [tilespmem:s9+$0x6850];
	[tilespmem:s7+$0x28E0] =	vst v1  }
0x148: {  	v11 =	vld [tilespmem:s9+$0x6860];
	[tilespmem:s7+$0x28F0] =	vst v0;
	s7 =	smov.u32 s9  }
0x149: {  	v13 =	vld [tilespmem:s7+$0x6870]  }
0x14a: {  	v14 =	vld [tilespmem:s7+$0x6880]  }
0x14b: {  	v15 =	vld [tilespmem:s7+$0x6890]  }
0x14c: {  	v5 =	vld [tilespmem:s7+$0x68A0]  }
0x14d: {  	v4 =	vld [tilespmem:s7+$0x68B0]  }
0x14e: {  	v3 =	vld [tilespmem:s7+$0x68C0]  }
0x14f: {  	v2 =	vld [tilespmem:s7+$0x68D0]  }
0x150: {  	v1 =	vld [tilespmem:s7+$0x68E0]  }
0x151: {  	v0 =	vld [tilespmem:s7+$0x68F0]  }
0x152: {  	v16 =	vld [tilespmem:s7+$0x2800]  }
0x153: {  	v17 =	vld [tilespmem:s7+$0x2810]  }
0x154: {  	v18 =	vld [tilespmem:s7+$0x2820]  }
0x155: {  	v19 =	vld [tilespmem:s7+$0x2830]  }
0x156: {  	v20 =	vld [tilespmem:s7+$0x2840]  }
0x157: {  	v12 =	vadd.f32 v12, v16;
	v16 =	vld [tilespmem:s7+$0x2850]  }
0x158: {  	v6 =	vadd.f32 v6, v17;
	v17 =	vld [tilespmem:s7+$0x2860]  }
0x159: {  	[tilespmem:s7+$0x2800] =	vst v12;
	v8 =	vadd.f32 v8, v18;
	v12 =	vld [tilespmem:s7+$0x2870]  }
0x15a: {  	[tilespmem:s7+$0x2810] =	vst v6;
	v6 =	vadd.f32 v9, v19;
	v9 =	vld [tilespmem:s7+$0x2880]  }
0x15b: {  	[tilespmem:s7+$0x2820] =	vst v8;
	v8 =	vadd.f32 v10, v20;
	v10 =	vld [tilespmem:s7+$0x2890]  }
.Ltmp3:
0x15c: {  	[tilespmem:s7+$0x2830] =	vst v6;
	v16 =	vadd.f32 v7, v16;
	v7 =	vld [tilespmem:s7+$0x28A0];
	(pc) =	sbr.rel @p0 .LBB2_9-.Ltmp3, $4  }
0x15d: {  	[tilespmem:s7+$0x2840] =	vst v8;
	v11 =	vadd.f32 v11, v17;
	v6 =	vld [tilespmem:s7+$0x28B0]  }
0x15e: {  	[tilespmem:s7+$0x2850] =	vst v16;
	v13 =	vadd.f32 v13, v12;
	v8 =	vld [tilespmem:s7+$0x28C0]  }
0x15f: {  	[tilespmem:s7+$0x2860] =	vst v11;
	v12 =	vadd.f32 v14, v9;
	v9 =	vld [tilespmem:s7+$0x28D0]  }
0x160: {  	s8 =	sadd.s32 $0x400, s8;
	[tilespmem:s7+$0x2870] =	vst v13;
	v11 =	vadd.f32 v15, v10;
	v10 =	vld [tilespmem:s7+$0x28E0]  }
0x161: {  	[tilespmem:s7+$0x2880] =	vst v12;
	v5 =	vadd.f32 v5, v7;
	v7 =	vld [tilespmem:s7+$0x28F0]  }
0x162: {  	[tilespmem:s7+$0x2890] =	vst v11;
	v4 =	vadd.f32 v4, v6  }
0x163: {  	[tilespmem:s7+$0x28A0] =	vst v5;
	v3 =	vadd.f32 v3, v8  }
0x164: {  	[tilespmem:s7+$0x28B0] =	vst v4;
	v2 =	vadd.f32 v2, v9  }
0x165: {  	[tilespmem:s7+$0x28C0] =	vst v3;
	v1 =	vadd.f32 v1, v10  }
0x166: {  	s8 =	sadd.s32 s6, s0;
	[tilespmem:s7+$0x28D0] =	vst v2;
	v0 =	vadd.f32 v0, v7  }
0x167: {  	s8 =	sshll.u32 s8, $0x4;
	[tilespmem:s7+$0x28E0] =	vst v1  }
0x168: {  	s9 =	simm.s32 $0x0;
	s8 =	sadd.s32 s5, s8;
	[tilespmem:s7+$0x28F0] =	vst v0  }
0x169: {  	[hbm4b:s8+s9] =	stream.linear.scatter [tilespmem:s18], [sflag:$0x4], $0x4000, $0x38;
	[tilespmem:$0x1A800] =	vst v63  }
0x16a: {  	_ =	swait.ge [sflag:s24], $0x4000  }
0x16b: {  	[sflag:s24] =	ssyncset.done $0x0  }
0x16c: {  	s8 =	sadd.s32 $0x100, s0;
	[sflag:s24] =	ssyncadd.s32 $0xFFFFC000  }
0x16d: {  	[tilespmem:s25], [sflag:$0x3] =	stream.indirect.gather [hbm4b:s3+s17], $0x80, s8, s17, $0xb8;
	[tilespmem:$0x1A800] =	vst v63  }
0x16e: {  	s9 =	sadd.s32 $0x1500, s0  }
0x16f: {  	[tilespmem:s28], [sflag:$0x3] =	stream.indirect.gather [hbm4b:s4+s17], $0x80, s9, s17, $0xb8;
	[tilespmem:$0x1A800] =	vst v63  }
0x170: {  	_ =	swait.ge [sflag:s29], $0x4000  }
0x171: {  	[sflag:s29] =	ssyncset.done $0x0  }
0x172: {  	[sflag:s29] =	ssyncadd.s32 $0xFFFFC000  }
0x173: {  	_ =	swait.ge [sflag:s29], $0x4000  }
0x174: {  	[sflag:s29] =	ssyncset.done $0x0  }
0x175: {  	s7 =	simm.s32 $0x0;
	[sflag:s29] =	ssyncadd.s32 $0xFFFFC000  }
0x176: {  	v6 =	vld [tilespmem:s7+$0xE800]  }
0x177: {  	v7 =	vld [tilespmem:s7+$0xE810]  }
0x178: {  	v8 =	vld [tilespmem:s7+$0xE820]  }
0x179: {  	v9 =	vld [tilespmem:s7+$0xE830]  }
0x17a: {  	v10 =	vld [tilespmem:s7+$0xE840]  }
0x17b: {  	v11 =	vld [tilespmem:s7+$0xE850]  }
0x17c: {  	v12 =	vld [tilespmem:s7+$0xE860]  }
0x17d: {  	v13 =	vld [tilespmem:s7+$0xE870]  }
0x17e: {  	v14 =	vld [tilespmem:s7+$0xE880]  }
0x17f: {  	v15 =	vld [tilespmem:s7+$0xE890]  }
0x180: {  	v5 =	vld [tilespmem:s7+$0xE8A0]  }
0x181: {  	v4 =	vld [tilespmem:s7+$0xE8B0]  }
0x182: {  	v3 =	vld [tilespmem:s7+$0xE8C0]  }
0x183: {  	v2 =	vld [tilespmem:s7+$0xE8D0]  }
0x184: {  	v1 =	vld [tilespmem:s7+$0xE8E0]  }
0x185: {  	v0 =	vld [tilespmem:s7+$0xE8F0]  }
0x186: {  	v16 =	vld [tilespmem:s7+$0xA800]  }
0x187: {  	v17 =	vld [tilespmem:s7+$0xA810]  }
0x188: {  	v18 =	vld [tilespmem:s7+$0xA820]  }
0x189: {  	v19 =	vld [tilespmem:s7+$0xA830]  }
0x18a: {  	v20 =	vld [tilespmem:s7+$0xA840]  }
0x18b: {  	v60 =	vld [tilespmem:s7+$0xA850];
	v6 =	vadd.f32 v6, v16  }
0x18c: {  	v21 =	vld [tilespmem:s7+$0xA860];
	v7 =	vadd.f32 v7, v17  }
0x18d: {  	v61 =	vld [tilespmem:s7+$0xA870];
	[tilespmem:s7+$0xA800] =	vst v6;
	v6 =	vadd.f32 v8, v18  }
0x18e: {  	v62 =	vld [tilespmem:s7+$0xA880];
	[tilespmem:s7+$0xA810] =	vst v7;
	v7 =	vadd.f32 v9, v19  }
0x18f: {  	v63 =	vld [tilespmem:s7+$0xA890];
	[tilespmem:s7+$0xA820] =	vst v6;
	v6 =	vadd.f32 v10, v20  }
0x190: {  	v8 =	vadd.f32 v11, v60;
	[tilespmem:s7+$0xA830] =	vst v7;
	v7 =	vld [tilespmem:s7+$0xA8A0]  }
0x191: {  	v9 =	vadd.f32 v12, v21;
	[tilespmem:s7+$0xA840] =	vst v6;
	v6 =	vld [tilespmem:s7+$0xA8B0]  }
0x192: {  	[tilespmem:s7+$0xA850] =	vst v8;
	v8 =	vld [tilespmem:s7+$0xA8C0];
	v10 =	vadd.f32 v13, v61  }
0x193: {  	v12 =	vadd.f32 v14, v62;
	[tilespmem:s7+$0xA860] =	vst v9;
	v9 =	vld [tilespmem:s7+$0xA8D0]  }
0x194: {  	s8 =	simm.s32 $0x400;
	v11 =	vadd.f32 v15, v63;
	[tilespmem:s7+$0xA870] =	vst v10;
	v10 =	vld [tilespmem:s7+$0xA8E0]  }
.LBB2_11:
0x195: {  	s9 =	sshra.s32 s8, $0x2;
	p0 =	sne.s32 s8, $0xFC00;
	[tilespmem:s7+$0xA880] =	vst v12;
	v5 =	vadd.f32 v5, v7;
	v7 =	vld [tilespmem:s7+$0xA8F0]  }
0x196: {  	v12 =	vld [tilespmem:s9+$0xE800];
	[tilespmem:s7+$0xA890] =	vst v11;
	v4 =	vadd.f32 v4, v6  }
0x197: {  	v6 =	vld [tilespmem:s9+$0xE810];
	[tilespmem:s7+$0xA8A0] =	vst v5;
	v3 =	vadd.f32 v3, v8  }
0x198: {  	v8 =	vld [tilespmem:s9+$0xE820];
	[tilespmem:s7+$0xA8B0] =	vst v4;
	v2 =	vadd.f32 v2, v9  }
0x199: {  	v9 =	vld [tilespmem:s9+$0xE830];
	[tilespmem:s7+$0xA8C0] =	vst v3;
	v1 =	vadd.f32 v1, v10  }
0x19a: {  	v10 =	vld [tilespmem:s9+$0xE840];
	[tilespmem:s7+$0xA8D0] =	vst v2;
	v0 =	vadd.f32 v0, v7  }
0x19b: {  	v7 =	vld [tilespmem:s9+$0xE850];
	[tilespmem:s7+$0xA8E0] =	vst v1  }
0x19c: {  	v11 =	vld [tilespmem:s9+$0xE860];
	[tilespmem:s7+$0xA8F0] =	vst v0;
	s7 =	smov.u32 s9  }
0x19d: {  	v13 =	vld [tilespmem:s7+$0xE870]  }
0x19e: {  	v14 =	vld [tilespmem:s7+$0xE880]  }
0x19f: {  	v15 =	vld [tilespmem:s7+$0xE890]  }
0x1a0: {  	v5 =	vld [tilespmem:s7+$0xE8A0]  }
0x1a1: {  	v4 =	vld [tilespmem:s7+$0xE8B0]  }
0x1a2: {  	v3 =	vld [tilespmem:s7+$0xE8C0]  }
0x1a3: {  	v2 =	vld [tilespmem:s7+$0xE8D0]  }
0x1a4: {  	v1 =	vld [tilespmem:s7+$0xE8E0]  }
0x1a5: {  	v0 =	vld [tilespmem:s7+$0xE8F0]  }
0x1a6: {  	v16 =	vld [tilespmem:s7+$0xA800]  }
0x1a7: {  	v17 =	vld [tilespmem:s7+$0xA810]  }
0x1a8: {  	v18 =	vld [tilespmem:s7+$0xA820]  }
0x1a9: {  	v19 =	vld [tilespmem:s7+$0xA830]  }
0x1aa: {  	v20 =	vld [tilespmem:s7+$0xA840]  }
0x1ab: {  	v12 =	vadd.f32 v12, v16;
	v16 =	vld [tilespmem:s7+$0xA850]  }
0x1ac: {  	v6 =	vadd.f32 v6, v17;
	v17 =	vld [tilespmem:s7+$0xA860]  }
0x1ad: {  	[tilespmem:s7+$0xA800] =	vst v12;
	v8 =	vadd.f32 v8, v18;
	v12 =	vld [tilespmem:s7+$0xA870]  }
0x1ae: {  	[tilespmem:s7+$0xA810] =	vst v6;
	v6 =	vadd.f32 v9, v19;
	v9 =	vld [tilespmem:s7+$0xA880]  }
0x1af: {  	[tilespmem:s7+$0xA820] =	vst v8;
	v8 =	vadd.f32 v10, v20;
	v10 =	vld [tilespmem:s7+$0xA890]  }
.Ltmp4:
0x1b0: {  	[tilespmem:s7+$0xA830] =	vst v6;
	v16 =	vadd.f32 v7, v16;
	v7 =	vld [tilespmem:s7+$0xA8A0];
	(pc) =	sbr.rel @p0 .LBB2_11-.Ltmp4, $4  }
0x1b1: {  	[tilespmem:s7+$0xA840] =	vst v8;
	v11 =	vadd.f32 v11, v17;
	v6 =	vld [tilespmem:s7+$0xA8B0]  }
0x1b2: {  	[tilespmem:s7+$0xA850] =	vst v16;
	v13 =	vadd.f32 v13, v12;
	v8 =	vld [tilespmem:s7+$0xA8C0]  }
0x1b3: {  	[tilespmem:s7+$0xA860] =	vst v11;
	v12 =	vadd.f32 v14, v9;
	v9 =	vld [tilespmem:s7+$0xA8D0]  }
0x1b4: {  	s8 =	sadd.s32 $0x400, s8;
	[tilespmem:s7+$0xA870] =	vst v13;
	v11 =	vadd.f32 v15, v10;
	v10 =	vld [tilespmem:s7+$0xA8E0]  }
0x1b5: {  	[tilespmem:s7+$0xA880] =	vst v12;
	v5 =	vadd.f32 v5, v7;
	v63 =	vld [tilespmem:s7+$0xA8F0]  }
0x1b6: {  	[tilespmem:s7+$0xA890] =	vst v11;
	v4 =	vadd.f32 v4, v6  }
0x1b7: {  	[tilespmem:s7+$0xA8A0] =	vst v5;
	v3 =	vadd.f32 v3, v8  }
0x1b8: {  	[tilespmem:s7+$0xA8B0] =	vst v4;
	v2 =	vadd.f32 v2, v9  }
0x1b9: {  	[tilespmem:s7+$0xA8C0] =	vst v3;
	v1 =	vadd.f32 v1, v10  }
0x1ba: {  	s8 =	sadd.s32 s6, s16;
	[tilespmem:s7+$0xA8D0] =	vst v2;
	v0 =	vadd.f32 v0, v63  }
0x1bb: {  	s8 =	sshll.u32 s8, $0x4;
	[tilespmem:s7+$0xA8E0] =	vst v1  }
0x1bc: {  	s31 =	sadd.s32 $0x1, s31;
	s8 =	sadd.s32 s5, s8;
	[tilespmem:s7+$0xA8F0] =	vst v0  }
0x1bd: {  	[hbm4b:s8+s2] =	stream.linear.scatter [tilespmem:s20], [sflag:$0x5], $0x4000, $0x38;
	[tilespmem:$0x1A800] =	vst v63  }
0x1be: {  	p0 =	sne.s32 s31, $0xD;
	_ =	swait.ge [sflag:s30], $0x4000  }
.Ltmp5:
0x1bf: {  	[sflag:s30] =	ssyncset.done $0x0;
	(pc) =	sbr.rel @p0 .LBB2_6-.Ltmp5, $4  }
0x1c0: {  	s9 =	sadd.s32 $0x180, s0;
	[sflag:s30] =	ssyncadd.s32 $0xFFFFC000  }
0x1c1: {  	[tilespmem:s18], [sflag:$0x1] =	stream.indirect.gather [hbm4b:s3+s17], $0x80, s9, s17, $0xb8;
	[tilespmem:$0x1A800] =	vst v63  }
0x1c2: {  	s16 =	sadd.s32 $0x1580, s0  }
0x1c3: {  	[tilespmem:s19], [sflag:$0x1] =	stream.indirect.gather [hbm4b:s4+s17], $0x80, s16, s17, $0xb8;
	[tilespmem:$0x1A800] =	vst v63  }
0x1c4: {  	_ =	swait.ge [sflag:s1], $0x4000  }
0x1c5: {  	[sflag:s1] =	ssyncset.done $0x0  }
0x1c6: {  	[sflag:s1] =	ssyncadd.s32 $0xFFFFC000  }
0x1c7: {  	_ =	swait.ge [sflag:s1], $0x4000  }
0x1c8: {  	[sflag:s1] =	ssyncset.done $0x0  }
0x1c9: {  	s0 =	simm.s32 $0x0;
	[sflag:s1] =	ssyncadd.s32 $0xFFFFC000  }
0x1ca: {  	v6 =	vld [tilespmem:s0+$0x16800]  }
0x1cb: {  	v7 =	vld [tilespmem:s0+$0x16810]  }
0x1cc: {  	v8 =	vld [tilespmem:s0+$0x16820]  }
0x1cd: {  	v9 =	vld [tilespmem:s0+$0x16830]  }
0x1ce: {  	v10 =	vld [tilespmem:s0+$0x16840]  }
0x1cf: {  	v11 =	vld [tilespmem:s0+$0x16850]  }
0x1d0: {  	v12 =	vld [tilespmem:s0+$0x16860]  }
0x1d1: {  	v13 =	vld [tilespmem:s0+$0x16870]  }
0x1d2: {  	v14 =	vld [tilespmem:s0+$0x16880]  }
0x1d3: {  	v15 =	vld [tilespmem:s0+$0x16890]  }
0x1d4: {  	v5 =	vld [tilespmem:s0+$0x168A0]  }
0x1d5: {  	v4 =	vld [tilespmem:s0+$0x168B0]  }
0x1d6: {  	v3 =	vld [tilespmem:s0+$0x168C0]  }
0x1d7: {  	v2 =	vld [tilespmem:s0+$0x168D0]  }
0x1d8: {  	v1 =	vld [tilespmem:s0+$0x168E0]  }
0x1d9: {  	v0 =	vld [tilespmem:s0+$0x168F0]  }
0x1da: {  	v16 =	vld [tilespmem:s0+$0x12800]  }
0x1db: {  	v17 =	vld [tilespmem:s0+$0x12810]  }
0x1dc: {  	v18 =	vld [tilespmem:s0+$0x12820]  }
0x1dd: {  	v19 =	vld [tilespmem:s0+$0x12830]  }
0x1de: {  	v20 =	vld [tilespmem:s0+$0x12840]  }
0x1df: {  	v60 =	vld [tilespmem:s0+$0x12850];
	v6 =	vadd.f32 v6, v16  }
0x1e0: {  	v21 =	vld [tilespmem:s0+$0x12860];
	v7 =	vadd.f32 v7, v17  }
0x1e1: {  	v61 =	vld [tilespmem:s0+$0x12870];
	[tilespmem:s0+$0x12800] =	vst v6;
	v6 =	vadd.f32 v8, v18  }
0x1e2: {  	v62 =	vld [tilespmem:s0+$0x12880];
	[tilespmem:s0+$0x12810] =	vst v7;
	v7 =	vadd.f32 v9, v19  }
0x1e3: {  	v63 =	vld [tilespmem:s0+$0x12890];
	[tilespmem:s0+$0x12820] =	vst v6;
	v6 =	vadd.f32 v10, v20  }
0x1e4: {  	v8 =	vadd.f32 v11, v60;
	[tilespmem:s0+$0x12830] =	vst v7;
	v7 =	vld [tilespmem:s0+$0x128A0]  }
0x1e5: {  	v9 =	vadd.f32 v12, v21;
	[tilespmem:s0+$0x12840] =	vst v6;
	v6 =	vld [tilespmem:s0+$0x128B0]  }
0x1e6: {  	[tilespmem:s0+$0x12850] =	vst v8;
	v8 =	vld [tilespmem:s0+$0x128C0];
	v10 =	vadd.f32 v13, v61  }
0x1e7: {  	v12 =	vadd.f32 v14, v62;
	[tilespmem:s0+$0x12860] =	vst v9;
	v9 =	vld [tilespmem:s0+$0x128D0]  }
0x1e8: {  	s7 =	simm.s32 $0x400;
	v11 =	vadd.f32 v15, v63;
	[tilespmem:s0+$0x12870] =	vst v10;
	v10 =	vld [tilespmem:s0+$0x128E0]  }
.LBB2_14:
0x1e9: {  	s8 =	sshra.s32 s7, $0x2;
	p0 =	sne.s32 s7, $0xFC00;
	[tilespmem:s0+$0x12880] =	vst v12;
	v5 =	vadd.f32 v5, v7;
	v7 =	vld [tilespmem:s0+$0x128F0]  }
0x1ea: {  	v12 =	vld [tilespmem:s8+$0x16800];
	[tilespmem:s0+$0x12890] =	vst v11;
	v4 =	vadd.f32 v4, v6  }
0x1eb: {  	v6 =	vld [tilespmem:s8+$0x16810];
	[tilespmem:s0+$0x128A0] =	vst v5;
	v3 =	vadd.f32 v3, v8  }
0x1ec: {  	v8 =	vld [tilespmem:s8+$0x16820];
	[tilespmem:s0+$0x128B0] =	vst v4;
	v2 =	vadd.f32 v2, v9  }
0x1ed: {  	v9 =	vld [tilespmem:s8+$0x16830];
	[tilespmem:s0+$0x128C0] =	vst v3;
	v1 =	vadd.f32 v1, v10  }
0x1ee: {  	v10 =	vld [tilespmem:s8+$0x16840];
	[tilespmem:s0+$0x128D0] =	vst v2;
	v0 =	vadd.f32 v0, v7  }
0x1ef: {  	v7 =	vld [tilespmem:s8+$0x16850];
	[tilespmem:s0+$0x128E0] =	vst v1  }
0x1f0: {  	v11 =	vld [tilespmem:s8+$0x16860];
	[tilespmem:s0+$0x128F0] =	vst v0;
	s0 =	smov.u32 s8  }
0x1f1: {  	v13 =	vld [tilespmem:s0+$0x16870]  }
0x1f2: {  	v14 =	vld [tilespmem:s0+$0x16880]  }
0x1f3: {  	v15 =	vld [tilespmem:s0+$0x16890]  }
0x1f4: {  	v5 =	vld [tilespmem:s0+$0x168A0]  }
0x1f5: {  	v4 =	vld [tilespmem:s0+$0x168B0]  }
0x1f6: {  	v3 =	vld [tilespmem:s0+$0x168C0]  }
0x1f7: {  	v2 =	vld [tilespmem:s0+$0x168D0]  }
0x1f8: {  	v1 =	vld [tilespmem:s0+$0x168E0]  }
0x1f9: {  	v0 =	vld [tilespmem:s0+$0x168F0]  }
0x1fa: {  	v16 =	vld [tilespmem:s0+$0x12800]  }
0x1fb: {  	v17 =	vld [tilespmem:s0+$0x12810]  }
0x1fc: {  	v18 =	vld [tilespmem:s0+$0x12820]  }
0x1fd: {  	v19 =	vld [tilespmem:s0+$0x12830]  }
0x1fe: {  	v20 =	vld [tilespmem:s0+$0x12840]  }
0x1ff: {  	v12 =	vadd.f32 v12, v16;
	v16 =	vld [tilespmem:s0+$0x12850]  }
0x200: {  	v6 =	vadd.f32 v6, v17;
	v17 =	vld [tilespmem:s0+$0x12860]  }
0x201: {  	[tilespmem:s0+$0x12800] =	vst v12;
	v8 =	vadd.f32 v8, v18;
	v12 =	vld [tilespmem:s0+$0x12870]  }
0x202: {  	[tilespmem:s0+$0x12810] =	vst v6;
	v6 =	vadd.f32 v9, v19;
	v9 =	vld [tilespmem:s0+$0x12880]  }
0x203: {  	[tilespmem:s0+$0x12820] =	vst v8;
	v8 =	vadd.f32 v10, v20;
	v10 =	vld [tilespmem:s0+$0x12890]  }
.Ltmp6:
0x204: {  	[tilespmem:s0+$0x12830] =	vst v6;
	v16 =	vadd.f32 v7, v16;
	v7 =	vld [tilespmem:s0+$0x128A0];
	(pc) =	sbr.rel @p0 .LBB2_14-.Ltmp6, $4  }
0x205: {  	[tilespmem:s0+$0x12840] =	vst v8;
	v11 =	vadd.f32 v11, v17;
	v6 =	vld [tilespmem:s0+$0x128B0]  }
0x206: {  	[tilespmem:s0+$0x12850] =	vst v16;
	v13 =	vadd.f32 v13, v12;
	v8 =	vld [tilespmem:s0+$0x128C0]  }
0x207: {  	[tilespmem:s0+$0x12860] =	vst v11;
	v12 =	vadd.f32 v14, v9;
	v9 =	vld [tilespmem:s0+$0x128D0]  }
0x208: {  	s7 =	sadd.s32 $0x400, s7;
	[tilespmem:s0+$0x12870] =	vst v13;
	v11 =	vadd.f32 v15, v10;
	v10 =	vld [tilespmem:s0+$0x128E0]  }
0x209: {  	[tilespmem:s0+$0x12880] =	vst v12;
	v5 =	vadd.f32 v5, v7;
	v61 =	vld [tilespmem:s0+$0x128F0]  }
0x20a: {  	[tilespmem:s0+$0x12890] =	vst v11;
	v4 =	vadd.f32 v4, v6  }
0x20b: {  	[tilespmem:s0+$0x128A0] =	vst v5;
	v3 =	vadd.f32 v3, v8  }
0x20c: {  	[tilespmem:s0+$0x128B0] =	vst v4;
	v2 =	vadd.f32 v2, v9  }
0x20d: {  	[tilespmem:s0+$0x128C0] =	vst v3;
	v1 =	vadd.f32 v1, v10  }
0x20e: {  	[tilespmem:s0+$0x128D0] =	vst v2;
	v0 =	vadd.f32 v0, v61  }
0x20f: {  	[tilespmem:s0+$0x128E0] =	vst v1  }
0x210: {  	[tilespmem:s0+$0x128F0] =	vst v0  }
0x211: {  	[hbm4b:s12+s2] =	stream.linear.scatter [tilespmem:s25], [sflag:$0x6], $0x4000, $0x38;
	[tilespmem:$0x1A800] =	vst v63  }
0x212: {  	_ =	swait.ge [sflag:s23], $0x4000  }
0x213: {  	[sflag:s23] =	ssyncset.done $0x0  }
0x214: {  	[sflag:s23] =	ssyncadd.s32 $0xFFFFC000  }
0x215: {  	_ =	swait.ge [sflag:s23], $0x4000  }
0x216: {  	[sflag:s23] =	ssyncset.done $0x0  }
0x217: {  	[sflag:s23] =	ssyncadd.s32 $0xFFFFC000  }
0x218: {  	v0 =	vld [tilespmem:$0x2800]  }
0x219: {  	v1 =	vld [tilespmem:$0x6800]  }
0x21a: {  	v2 =	vld [tilespmem:$0x2810]  }
0x21b: {  	v3 =	vld [tilespmem:$0x6810]  }
0x21c: {  	v4 =	vld [tilespmem:$0x2820]  }
0x21d: {  	v5 =	vld [tilespmem:$0x6820]  }
0x21e: {  	v6 =	vld [tilespmem:$0x2830]  }
0x21f: {  	v7 =	vld [tilespmem:$0x6830]  }
0x220: {  	v8 =	vld [tilespmem:$0x2840]  }
0x221: {  	v9 =	vld [tilespmem:$0x6840]  }
0x222: {  	v10 =	vld [tilespmem:$0x2850]  }
0x223: {  	v11 =	vld [tilespmem:$0x6850]  }
0x224: {  	v12 =	vld [tilespmem:$0x2860]  }
0x225: {  	v13 =	vld [tilespmem:$0x6860]  }
0x226: {  	v14 =	vld [tilespmem:$0x2870]  }
0x227: {  	v15 =	vld [tilespmem:$0x6870]  }
0x228: {  	v16 =	vld [tilespmem:$0x2880]  }
0x229: {  	v17 =	vld [tilespmem:$0x6880]  }
0x22a: {  	v18 =	vld [tilespmem:$0x2890]  }
0x22b: {  	v19 =	vld [tilespmem:$0x6890]  }
0x22c: {  	v20 =	vld [tilespmem:$0x28A0]  }
0x22d: {  	v21 =	vld [tilespmem:$0x68A0]  }
0x22e: {  	v22 =	vld [tilespmem:$0x28B0]  }
0x22f: {  	v23 =	vld [tilespmem:$0x68B0]  }
0x230: {  	v24 =	vld [tilespmem:$0x28C0]  }
0x231: {  	v25 =	vld [tilespmem:$0x68C0]  }
0x232: {  	v26 =	vld [tilespmem:$0x28D0]  }
0x233: {  	v27 =	vld [tilespmem:$0x68D0]  }
0x234: {  	v28 =	vld [tilespmem:$0x28E0]  }
0x235: {  	v29 =	vld [tilespmem:$0x68E0]  }
0x236: {  	v30 =	vld [tilespmem:$0x28F0]  }
0x237: {  	v31 =	vld [tilespmem:$0x68F0]  }
0x238: {  	v32 =	vld [tilespmem:$0x2900]  }
0x239: {  	v33 =	vld [tilespmem:$0x6900]  }
0x23a: {  	v34 =	vld [tilespmem:$0x2910]  }
0x23b: {  	v35 =	vld [tilespmem:$0x6910]  }
0x23c: {  	v36 =	vld [tilespmem:$0x2920]  }
0x23d: {  	v37 =	vld [tilespmem:$0x6920]  }
0x23e: {  	v38 =	vld [tilespmem:$0x2930]  }
0x23f: {  	v39 =	vld [tilespmem:$0x6930]  }
0x240: {  	v40 =	vld [tilespmem:$0x2940]  }
0x241: {  	v41 =	vld [tilespmem:$0x6940]  }
0x242: {  	v42 =	vld [tilespmem:$0x2950]  }
0x243: {  	v43 =	vld [tilespmem:$0x6950]  }
0x244: {  	v44 =	vld [tilespmem:$0x2960]  }
0x245: {  	v45 =	vld [tilespmem:$0x6960]  }
0x246: {  	v46 =	vld [tilespmem:$0x2970]  }
0x247: {  	v47 =	vld [tilespmem:$0x6970]  }
0x248: {  	v48 =	vld [tilespmem:$0x2980]  }
0x249: {  	v49 =	vld [tilespmem:$0x6980]  }
0x24a: {  	v50 =	vld [tilespmem:$0x2990]  }
0x24b: {  	v51 =	vld [tilespmem:$0x6990]  }
0x24c: {  	v52 =	vld [tilespmem:$0x29A0]  }
0x24d: {  	v53 =	vld [tilespmem:$0x69A0]  }
0x24e: {  	v54 =	vld [tilespmem:$0x29B0]  }
0x24f: {  	v55 =	vld [tilespmem:$0x69B0]  }
0x250: {  	v56 =	vld [tilespmem:$0x29C0]  }
0x251: {  	v57 =	vld [tilespmem:$0x69C0]  }
0x252: {  	v58 =	vld [tilespmem:$0x29D0]  }
0x253: {  	v62 =	vld [tilespmem:$0x29F0]  }
0x254: {  	v59 =	vld [tilespmem:$0x69D0]  }
0x255: {  	v60 =	vld [tilespmem:$0x29E0]  }
0x256: {  	v61 =	vld [tilespmem:$0x69E0]  }
0x257: {  	v63 =	vld [tilespmem:$0x69F0]  }
0x258: {  	[tilespmem:$0x1FFA0] =	vst v62;
	v62 =	vld [tilespmem:$0x2A00]  }
0x259: {  	v0 =	vadd.f32 v1, v0;
	v1 =	vld [tilespmem:$0x6A20]  }
0x25a: {  	v2 =	vadd.f32 v3, v2;
	v3 =	vld [tilespmem:$0x2A30]  }
0x25b: {  	v9 =	vadd.f32 v9, v8;
	v8 =	vld [tilespmem:$0x6A50]  }
0x25c: {  	v13 =	vadd.f32 v13, v12;
	v12 =	vld [tilespmem:$0x6A70]  }
0x25d: {  	v15 =	vadd.f32 v15, v14;
	v14 =	vld [tilespmem:$0x6A80]  }
0x25e: {  	v17 =	vadd.f32 v17, v16;
	v16 =	vld [tilespmem:$0x6A90]  }
0x25f: {  	v19 =	vadd.f32 v19, v18;
	v18 =	vld [tilespmem:$0x6AA0]  }
0x260: {  	v23 =	vadd.f32 v23, v22;
	v22 =	vld [tilespmem:$0x6AC0];
	[tilespmem:$0x2800] =	vst v0  }
0x261: {  	v25 =	vadd.f32 v25, v24;
	v24 =	vld [tilespmem:$0x6AD0];
	[tilespmem:$0x2810] =	vst v2  }
0x262: {  	v21 =	vadd.f32 v21, v20;
	v27 =	vadd.f32 v27, v26;
	v26 =	vld [tilespmem:$0x6AE0];
	[tilespmem:$0x2840] =	vst v9  }
0x263: {  	v31 =	vadd.f32 v31, v30;
	v30 =	vadd.f32 v45, v44;
	v45 =	vld [tilespmem:$0x6B30];
	[tilespmem:$0x2860] =	vst v13  }
0x264: {  	v33 =	vadd.f32 v33, v32;
	v32 =	vadd.f32 v49, v48;
	v49 =	vld [tilespmem:$0x6B40];
	[tilespmem:$0x2870] =	vst v15  }
0x265: {  	v35 =	vadd.f32 v35, v34;
	v34 =	vadd.f32 v53, v52;
	v53 =	vld [tilespmem:$0x6B50];
	[tilespmem:$0x2880] =	vst v17  }
0x266: {  	v37 =	vadd.f32 v37, v36;
	v36 =	vadd.f32 v57, v56;
	v57 =	vld [tilespmem:$0x6B60];
	[tilespmem:$0x2890] =	vst v19  }
0x267: {  	v0 =	vadd.f32 v5, v4;
	v4 =	vld [tilespmem:$0x6A30];
	[tilespmem:$0x28A0] =	vst v21  }
0x268: {  	v5 =	vld [tilespmem:$0x2A40];
	[tilespmem:$0x28B0] =	vst v23  }
0x269: {  	v29 =	vadd.f32 v29, v28;
	v9 =	vld [tilespmem:$0x2A60];
	[tilespmem:$0x28C0] =	vst v25  }
0x26a: {  	v13 =	vld [tilespmem:$0x2A80];
	[tilespmem:$0x28D0] =	vst v27  }
0x26b: {  	v15 =	vld [tilespmem:$0x2A90];
	[tilespmem:$0x28E0] =	vst v29  }
0x26c: {  	v17 =	vld [tilespmem:$0x2AA0];
	[tilespmem:$0x28F0] =	vst v31  }
0x26d: {  	v19 =	vld [tilespmem:$0x2AB0];
	[tilespmem:$0x2900] =	vst v33  }
0x26e: {  	v28 =	vadd.f32 v41, v40;
	[tilespmem:$0x2910] =	vst v35;
	v21 =	vld [tilespmem:$0x2AC0]  }
0x26f: {  	[tilespmem:$0x2920] =	vst v37;
	v23 =	vld [tilespmem:$0x2AD0]  }
0x270: {  	[tilespmem:$0x2940] =	vst v28;
	v25 =	vld [tilespmem:$0x2AE0]  }
0x271: {  	[tilespmem:$0x2960] =	vst v30;
	v28 =	vld [tilespmem:$0x6AF0]  }
0x272: {  	[tilespmem:$0x2980] =	vst v32;
	v30 =	vld [tilespmem:$0x6B00]  }
0x273: {  	[tilespmem:$0x29A0] =	vst v34;
	v32 =	vld [tilespmem:$0x6B10]  }
0x274: {  	v27 =	vadd.f32 v39, v38;
	[tilespmem:$0x29C0] =	vst v36;
	v39 =	vld [tilespmem:$0x1FFA0]  }
0x275: {  	v34 =	vld [tilespmem:$0x6B20];
	[tilespmem:$0x2820] =	vst v0  }
0x276: {  	v29 =	vadd.f32 v43, v42;
	v31 =	vadd.f32 v47, v46;
	v47 =	vld [tilespmem:$0x2B40];
	[tilespmem:$0x2930] =	vst v27  }
0x277: {  	[tilespmem:$0x1FFB0] =	vst v62;
	v62 =	vld [tilespmem:$0x6A00]  }
0x278: {  	v33 =	vadd.f32 v51, v50;
	v51 =	vld [tilespmem:$0x2B50];
	[tilespmem:$0x2950] =	vst v29  }
0x279: {  	v35 =	vadd.f32 v55, v54;
	v55 =	vld [tilespmem:$0x2B60];
	[tilespmem:$0x2970] =	vst v31  }
0x27a: {  	v37 =	vadd.f32 v59, v58;
	v59 =	vld [tilespmem:$0x2B70];
	[tilespmem:$0x2990] =	vst v33  }
0x27b: {  	v38 =	vadd.f32 v61, v60;
	v61 =	vld [tilespmem:$0x6B70];
	[tilespmem:$0x29B0] =	vst v35  }
0x27c: {  	[tilespmem:$0x1FFC0] =	vst v62;
	v62 =	vld [tilespmem:$0x2A10]  }
0x27d: {  	v27 =	vld [tilespmem:$0x2AF0];
	[tilespmem:$0x29D0] =	vst v37;
	v2 =	vadd.f32 v63, v39  }
0x27e: {  	v29 =	vld [tilespmem:$0x2B00];
	[tilespmem:$0x29E0] =	vst v38;
	v46 =	vadd.f32 v4, v3  }
0x27f: {  	v31 =	vld [tilespmem:$0x2B10];
	[tilespmem:$0x29F0] =	vst v2  }
0x280: {  	v33 =	vld [tilespmem:$0x2B20];
	v56 =	vadd.f32 v14, v13;
	[tilespmem:$0x2A30] =	vst v46  }
0x281: {  	v58 =	vadd.f32 v16, v15;
	[tilespmem:$0x1FFD0] =	vst v62;
	v62 =	vld [tilespmem:$0x6A10]  }
0x282: {  	v35 =	vld [tilespmem:$0x2B30];
	v60 =	vadd.f32 v18, v17;
	[tilespmem:$0x2A80] =	vst v56  }
0x283: {  	v37 =	vld [tilespmem:$0x2BA0];
	v21 =	vadd.f32 v22, v21;
	[tilespmem:$0x2A90] =	vst v58  }
0x284: {  	v40 =	vld [tilespmem:$0x1FFB0];
	[tilespmem:$0x2AA0] =	vst v60  }
0x285: {  	v23 =	vadd.f32 v24, v23;
	[tilespmem:$0x2AC0] =	vst v21;
	v41 =	vld [tilespmem:$0x1FFC0]  }
0x286: {  	v25 =	vadd.f32 v26, v25;
	[tilespmem:$0x1FFE0] =	vst v62;
	v62 =	vld [tilespmem:$0x2A20]  }
0x287: {  	[tilespmem:$0x2AD0] =	vst v23;
	v36 =	vadd.f32 v28, v27;
	v42 =	vld [tilespmem:$0x1FFD0]  }
0x288: {  	[tilespmem:$0x2AE0] =	vst v25;
	v38 =	vadd.f32 v30, v29;
	v43 =	vld [tilespmem:$0x1FFE0]  }
0x289: {  	v63 =	vld [tilespmem:$0x2B80];
	[tilespmem:$0x2AF0] =	vst v36  }
0x28a: {  	v22 =	vld [tilespmem:$0x6B80];
	[tilespmem:$0x2B00] =	vst v38;
	v0 =	vadd.f32 v41, v40  }
0x28b: {  	v40 =	vadd.f32 v32, v31;
	[tilespmem:$0x1FFF0] =	vst v62;
	v62 =	vadd.f32 v7, v6;
	v6 =	vld [tilespmem:$0x6A40]  }
0x28c: {  	[tilespmem:$0x2A00] =	vst v0;
	v7 =	vld [tilespmem:$0x2A50]  }
0x28d: {  	[tilespmem:$0x2B10] =	vst v40;
	v2 =	vadd.f32 v43, v42;
	v44 =	vld [tilespmem:$0x1FFF0]  }
0x28e: {  	v24 =	vld [tilespmem:$0x2B90];
	v42 =	vadd.f32 v34, v33;
	[tilespmem:$0x2830] =	vst v62  }
0x28f: {  	v26 =	vld [tilespmem:$0x6B90];
	v62 =	vadd.f32 v11, v10;
	[tilespmem:$0x2A10] =	vst v2  }
0x290: {  	v39 =	vld [tilespmem:$0x6BA0];
	[tilespmem:$0x2B20] =	vst v42;
	v48 =	vadd.f32 v6, v5  }
0x291: {  	v46 =	vld [tilespmem:$0x6BC0];
	[tilespmem:$0x2850] =	vst v62;
	v50 =	vadd.f32 v8, v7  }
0x292: {  	v56 =	vld [tilespmem:$0x2BF0];
	v0 =	vadd.f32 v1, v44;
	[tilespmem:$0x2A40] =	vst v48  }
0x293: {  	v58 =	vld [tilespmem:$0x6BF0];
	v1 =	vadd.f32 v45, v35;
	[tilespmem:$0x2A50] =	vst v50  }
0x294: {  	v41 =	vld [tilespmem:$0x2BB0];
	v45 =	vadd.f32 v49, v47;
	[tilespmem:$0x2A20] =	vst v0  }
0x295: {  	v10 =	vld [tilespmem:$0x6A60];
	v47 =	vadd.f32 v53, v51;
	[tilespmem:$0x2B30] =	vst v1  }
0x296: {  	v11 =	vld [tilespmem:$0x2A70];
	v49 =	vadd.f32 v57, v55;
	[tilespmem:$0x2B40] =	vst v45  }
0x297: {  	v43 =	vld [tilespmem:$0x6BB0];
	v51 =	vadd.f32 v61, v59;
	[tilespmem:$0x2B50] =	vst v47  }
0x298: {  	v62 =	vld [tilespmem:$0x6AB0];
	v53 =	vadd.f32 v22, v63;
	[tilespmem:$0x2B60] =	vst v49  }
0x299: {  	v44 =	vld [tilespmem:$0x2BC0];
	v55 =	vadd.f32 v26, v24;
	[tilespmem:$0x2B70] =	vst v51  }
0x29a: {  	v52 =	vadd.f32 v10, v9;
	v48 =	vld [tilespmem:$0x2BD0];
	[tilespmem:$0x2B80] =	vst v53  }
0x29b: {  	v54 =	vadd.f32 v12, v11;
	v50 =	vld [tilespmem:$0x6BD0];
	[tilespmem:$0x2B90] =	vst v55  }
0x29c: {  	v57 =	vadd.f32 v39, v37;
	[tilespmem:$0x2A60] =	vst v52;
	v52 =	vld [tilespmem:$0x2BE0]  }
0x29d: {  	v59 =	vadd.f32 v43, v41;
	[tilespmem:$0x2A70] =	vst v54;
	v54 =	vld [tilespmem:$0x6BE0]  }
0x29e: {  	v63 =	vadd.f32 v58, v56;
	[tilespmem:$0x2BA0] =	vst v57  }
0x29f: {  	[tilespmem:$0x2BB0] =	vst v59;
	v62 =	vadd.f32 v62, v19  }
0x2a0: {  	[tilespmem:$0x2BF0] =	vst v63;
	v60 =	vadd.f32 v46, v44  }
0x2a1: {  	[tilespmem:$0x2AB0] =	vst v62;
	v61 =	vadd.f32 v50, v48  }
0x2a2: {  	[tilespmem:$0x2BC0] =	vst v60;
	v62 =	vadd.f32 v54, v52  }
0x2a3: {  	[tilespmem:$0x2BD0] =	vst v61  }
0x2a4: {  	[tilespmem:$0x2BE0] =	vst v62  }
0x2a5: {  	_ =	swait.ge [sflag:s21], $0x4000  }
0x2a6: {  	[sflag:s21] =	ssyncset.done $0x0  }
0x2a7: {  	[sflag:s21] =	ssyncadd.s32 $0xFFFFC000  }
0x2a8: {  	s26 =	sadd.s32 $0x1, s26;
	_ =	swait.ge [sflag:s24], $0x4000  }
0x2a9: {  	p0 =	sne.s32 s26, s14;
	[sflag:s24] =	ssyncset.done $0x0  }
.Ltmp7:
0x2aa: {  	[sflag:s24] =	ssyncadd.s32 $0xFFFFC000;
	(pc) =	sbr.rel @p0 .LBB2_1-.Ltmp7, $4  }
0x2ab: {  	[hbm4b:s13+s2] =	stream.linear.scatter [tilespmem:s18], [sflag:$0x7], $0x400, $0x38;
	[tilespmem:$0x1A800] =	vst v63  }
0x2ac: {  	_ =	swait.ge [sflag:s15], $0x400  }
0x2ad: {  	[sflag:s15] =	ssyncset.done $0x0  }
0x2ae: {  	[sflag:s15] =	ssyncadd.s32 $0xFFFFFC00  }
0x2af: {  	_ =	sfence.sel $0x180000  }
0x2b0: {  	[bflag:$0x0] =	sbarrier.arrive $0xFFFF  }
0x2b1: {  	_ =	strace $0x9000004D  }
0x2b2: {  	s0 =	stileid.u32;
	[bflag:$0x2] =	sbarrier.arrive $0xFFFF  }
0x2b3: {  	p0 =	sne.s32 s0, $0x0;
	s0 =	rddreg [dreg:$0x1]  }
0x2b4: {  	s0 =	sadd.s32 @!p0 $0x100000, s0  }
0x2b5: {  	[sflag:s0] =	ssyncadd.tile.s32 @!p0 $0x1;
	_ =	shalt  }
.Lfunc_end2:
_tile_overlayer_lowered:
.L_overlay_start_2:
0x2b6: {  	(tag) =	ssettag $0x2  }
0x2b7: {  	s0 =	rddreg [dreg:$0x0];
	s2 =	stileid.u32  }
0x2b8: {  	s1 =	rddreg [dreg:$0x1];
	p0 =	sne.s32 s2, $0x0  }
0x2b9: {  	s3 =	rddreg [dreg:$0x2];
	[bflag:$0x3] =	sbarrier.arrive $0xFFFF;
	s2 =	simm.s32 @!p0 $0x1C07  }
0x2ba: {  	[timem:s3], [sflag:s2] =	dma.local @!p0 [hbm:s0], s1  }
0x2bb: {  	s0 =	simm.s32 @!p0 $0x7  }
0x2bc: {  	_ =	swait.ge @!p0 [sflag:s0], s1  }
0x2bd: {  	s1 =	ssub.s32 @!p0 $0x0, s1;
	[sflag:s0] =	ssyncset.done @!p0 $0x0  }
0x2be: {  	[sflag:s0] =	ssyncadd.s32 @!p0 s1  }
0x2bf: {  	[bflag:$0x3] =	sbarrier.arrive $0xFFFF  }
0x2c0: {  	_ =	shalt  }

// kernel: sc_seg_sum.3.cloned.1.call-start
scs
__scs_entry_jumppad:
0x0: {  	(pc) =	sbr.rel $0x88, $3  }
0x1: {  	(tag) =	ssettag $0x0;
	lr =	simm.s32 $0x1  }
0x2: {  	[smem:$0x3F92] =	sst lr;
	_ =	strace $0xD0000000  }
0x3: {  	_ = 	snop  }
0x4: {  	_ = 	snop  }
0x5: {  	_ = 	snop  }
0x6: {  	_ = 	snop  }
0x7: {  	_ = 	snop  }
__scs_overlays_trampoline_lowered:
0x8: {  	[smem:$0x3FA1] =	sst s0  }
0x9: {  	[smem:$0x3FA2] =	sst s1  }
0xa: {  	[smem:$0x3FA3] =	sst s2  }
0xb: {  	[smem:$0x3FA4] =	sst s3  }
0xc: {  	[smem:$0x3FA5] =	sst s4  }
0xd: {  	[smem:$0x3FA6] =	sst s5  }
0xe: {  	[smem:$0x3FA7] =	sst s6  }
0xf: {  	[smem:$0x3FA8] =	sst s7  }
0x10: {  	[smem:$0x3FA9] =	sst s8  }
0x11: {  	[smem:$0x3FAA] =	sst s9;
	s0 =	simm.s32 @!p0 $0x0  }
0x12: {  	s1 =	sld [smem:$0x3F90];
	s0 =	simm.s32 @p0 $0x1  }
0x13: {  	[smem:$0x3FAB] =	sst s0;
	s0 =	simm.s32 @!p1 $0x0  }
0x14: {  	s2 =	sld [smem:$0x3F8F];
	s0 =	simm.s32 @p1 $0x1  }
0x15: {  	[smem:$0x3FAC] =	sst s0;
	s0 =	simm.s32 @!p2 $0x0  }
0x16: {  	s3 =	sld [smem:$0x3FDB];
	s0 =	simm.s32 @p2 $0x1  }
0x17: {  	s4 =	simm.s32 $0x1BF5;
	[smem:$0x3FAE] =	sst s0  }
0x18: {  	s0 =	sld [smem:$0x3F91];
	_ =	swait.ge [sflag:s4], $0x0  }
0x19: {  	s7 =	sld [smem:$0x3F92]  }
0x1a: {  	s8 =	sadd.s32 $0xFFFFE003, lr  }
0x1b: {  	s9 =	sadd.s32 $0xFFFFFEF7, lr;
	s5 =	simm.s32 $0xFFFFFFFF;
	p2 =	slt.u32 s8, $0xFFFFF086  }
0x1c: {  	p1 =	slt.u32 s9, $0xF7A;
	s5 =	simm.s32 @!p2 $0x0  }
0x1d: {  	s5 =	simm.s32 @p1 $0x1;
	p0 =	seq.s32 s7, s2  }
0x1e: {  	s7 =	smul.u32 @!p0 $0xF7A, s2;
	p2 =	seq.s32 @!p0 s5, $0x0  }
0x1f: {  	s9 =	smul.u32 $0xF7A, s1;
	s8 =	simm.s32 @!p0 $0x1BF5;
	p2 =	por !p2, p0  }
0x20: {  	[sflag:s8] =	ssyncset.s32 @!p0 $0xFFFFF086;
	s6 =	sadd.s32 @!p0 s3, s7;
	s7 =	simm.s32 @!p0 $0x108  }
0x21: {  	s3 =	sadd.s32 s3, s9;
	s6 =	sadd.s32 @!p0 $0x88, s6;
	s7 =	simm.s32 @p2 $0x1082  }
0x22: {  	[simem:s7], [sflag:s8] =	dma.local @!p0 [hbm:s6], $0xF7A  }
0x23: {  	s9 =	sor.u32 $0xD0000000, s2;
	s6 =	simm.s32 $0x108;
	_ =	swait.ge @!p0 [sflag:s8], $0x0  }
0x24: {  	s3 =	sadd.s32 $0x88, s3;
	s6 =	simm.s32 @!p1 $0x1082;
	[sflag:s4] =	ssyncset.s32 $0xFFFFF086  }
0x25: {  	[simem:s6], [sflag:s4] =	dma.local [hbm:s3], $0xF7A  }
0x26: {  	[smem:$0x3F92] =	sst s1;
	(tag) =	ssettag s2;
	_ =	strace s9  }
0x27: {  	s1 =	sld [smem:$0x3FA2]  }
0x28: {  	s2 =	sld [smem:$0x3FA3]  }
0x29: {  	s4 =	sld [smem:$0x3FA5]  }
0x2a: {  	p0 =	seq.s32 s5, $0x0;
	s5 =	sld [smem:$0x3FA6]  }
0x2b: {  	s6 =	sld [smem:$0x3FA7]  }
0x2c: {  	s7 =	sld [smem:$0x3FA8]  }
0x2d: {  	s3 =	simm.s32 $0x108;
	s8 =	sld [smem:$0x3FA9]  }
0x2e: {  	s3 =	simm.s32 @!p0 $0x1082;
	s9 =	sld [smem:$0x3FAA]  }
0x2f: {  	lr =	sadd.s32 s0, s3;
	s0 =	sld [smem:$0x3FA1]  }
0x30: {  	s3 =	sld [smem:$0x3FA4]  }
0x31: {  	[smem:$0x3FAD] =	sst s10  }
0x32: {  	s10 =	sld [smem:$0x3FAB];
	_ =	sdelay $0x3  }
0x33: {  	p0 =	seq.s32 s10, $0x1;
	s10 =	sld [smem:$0x3FAD];
	_ =	sdelay $0x3  }
0x34: {  	[smem:$0x3FAD] =	sst s10  }
0x35: {  	s10 =	sld [smem:$0x3FAC];
	_ =	sdelay $0x3  }
0x36: {  	p1 =	seq.s32 s10, $0x1;
	s10 =	sld [smem:$0x3FAD];
	_ =	sdelay $0x3  }
0x37: {  	[smem:$0x3FAD] =	sst s10  }
0x38: {  	s10 =	sld [smem:$0x3FAE]  }
0x39: {  	_ = 	snop;
	(pc) =	sbr.ind lr, $3  }
0x3a: {  	_ = 	snop  }
0x3b: {  	_ = 	snop  }
0x3c: {  	p2 =	seq.s32 s10, $0x1;
	s10 =	sld [smem:$0x3FAD]  }
0x3d: {  	_ =	shalt  }
0x3e: {  	_ =	shalt  }
0x3f: {  	_ =	shalt  }
0x40: {  	_ =	shalt  }
0x41: {  	_ =	shalt  }
0x42: {  	_ =	shalt  }
0x43: {  	_ =	shalt  }
0x44: {  	_ =	shalt  }
0x45: {  	_ =	shalt  }
0x46: {  	_ =	shalt  }
0x47: {  	_ =	shalt  }
0x48: {  	_ =	shalt  }
0x49: {  	_ =	shalt  }
0x4a: {  	_ =	shalt  }
0x4b: {  	_ =	shalt  }
0x4c: {  	_ =	shalt  }
0x4d: {  	_ =	shalt  }
0x4e: {  	_ =	shalt  }
0x4f: {  	_ =	shalt  }
0x50: {  	_ =	shalt  }
0x51: {  	_ =	shalt  }
0x52: {  	_ =	shalt  }
0x53: {  	_ =	shalt  }
0x54: {  	_ =	shalt  }
0x55: {  	_ =	shalt  }
0x56: {  	_ =	shalt  }
0x57: {  	_ =	shalt  }
0x58: {  	_ =	shalt  }
0x59: {  	_ =	shalt  }
0x5a: {  	_ =	shalt  }
0x5b: {  	_ =	shalt  }
0x5c: {  	_ =	shalt  }
0x5d: {  	_ =	shalt  }
0x5e: {  	_ =	shalt  }
0x5f: {  	_ =	shalt  }
0x60: {  	_ =	shalt  }
0x61: {  	_ =	shalt  }
0x62: {  	_ =	shalt  }
0x63: {  	_ =	shalt  }
0x64: {  	_ =	shalt  }
0x65: {  	_ =	shalt  }
0x66: {  	_ =	shalt  }
0x67: {  	_ =	shalt  }
0x68: {  	_ =	shalt  }
0x69: {  	_ =	shalt  }
0x6a: {  	_ =	shalt  }
0x6b: {  	_ =	shalt  }
0x6c: {  	_ =	shalt  }
0x6d: {  	_ =	shalt  }
0x6e: {  	_ =	shalt  }
0x6f: {  	_ =	shalt  }
0x70: {  	_ =	shalt  }
0x71: {  	_ =	shalt  }
0x72: {  	_ =	shalt  }
0x73: {  	_ =	shalt  }
0x74: {  	_ =	shalt  }
0x75: {  	_ =	shalt  }
0x76: {  	_ =	shalt  }
0x77: {  	_ =	shalt  }
0x78: {  	_ =	shalt  }
0x79: {  	_ =	shalt  }
0x7a: {  	_ =	shalt  }
0x7b: {  	_ =	shalt  }
0x7c: {  	_ =	shalt  }
0x7d: {  	_ =	shalt  }
0x7e: {  	_ =	shalt  }
0x7f: {  	_ =	shalt  }
0x80: {  	_ =	shalt  }
0x81: {  	_ =	shalt  }
0x82: {  	_ =	shalt  }
0x83: {  	_ =	shalt  }
0x84: {  	_ =	shalt  }
0x85: {  	_ =	shalt  }
0x86: {  	_ =	shalt  }
0x87: {  	_ =	shalt  }
.Lfunc_end0:
.L_simem_size_0:
called_computation.1_lowered:
.L_overlay_start_0:
0x88: {  	s2 =	sld [smem:$0x3FD9]  }
0x89: {  	s3 =	sld [smem:$0x3FFE];
	_ =	sdelay $0x1  }
0x8a: {  	s1 =	srdreg.scid  }
0x8b: {  	s0 =	sand.u32 $0x1, s1  }
0x8c: {  	s17 =	sshll.u32 s0, $0xA;
	s2 =	sadd.s32 s3, s2  }
0x8d: {  	s2 =	sadd.s32 s2, s17  }
0x8e: {  	[smem:$0x3FB9] =	sst s2  }
0x8f: {  	_ = 	snop  }
0x90: {  	s2 =	sld [smem:$0x3FD0];
	(tm) =	ssettm $0x1  }
0x91: {  	s18 =	sld [smem:$0x3FFB];
	_ =	sdelay $0x3  }
0x92: {  	_ =	strace s18  }
0x93: {  	s3 =	sld [smem:$0x3FFC];
	_ =	sdelay $0x3  }
0x94: {  	_ =	strace s3  }
0x95: {  	s3 =	sld [smem:$0x3FFD];
	_ =	sdelay $0x3  }
0x96: {  	_ =	strace s3  }
0x97: {  	_ =	strace $0x8FFFFFFF  }
0x98: {  	s19 =	sld [smem:$0x3FDB];
	_ =	sdelay $0x1  }
0x99: {  	s4 =	simm.s32 $_scs_section_size  }
0x9a: {  	s5 =	simm.s32 $_size__tile_overlayer_lowered;
	s6 =	simm.s32 $_tile_overlayer_lowered  }
0x9b: {  	s22 =	simm.s32 $0x1BFF;
	s21 =	sshll.u32 s6, $0x1;
	s3 =	sadd.s32 s4, s19  }
0x9c: {  	s7 =	simm.s32 $0x0;
	s20 =	sshll.u32 s5, $0x1;
	s5 =	sadd.s32 s21, s3  }
0x9d: {  	[timem:s7], [sflag:s22] =	dma.local [hbm:s5], s20  }
0x9e: {  	_ =	swait.ge [sflag:s22], s20  }
0x9f: {  	s4 =	ssub.s32 $0x0, s20;
	[sflag:s22] =	ssyncset.done $0x0  }
0xa0: {  	[sflag:s22] =	ssyncadd.s32 s4;
	_ =	sdelay $0x1  }
0xa1: {  	s23 =	simm.s32 $0x1B8B  }
0xa2: {  	_ =	swait.ge [sflag:s23], $0x1  }
0xa3: {  	[sflag:s23] =	ssyncset.done $0x0  }
0xa4: {  	s25 =	simm.s32 $0x1B8E;
	s24 =	sld [smem:$0x3FFE];
	[sflag:s23] =	ssyncadd.s32 $0xFFFFFFFF  }
0xa5: {  	s26 =	simm.s32 $execute0_lowered;
	[smem:$0x3FD2] =	sst s25  }
0xa6: {  	s5 =	sshll.u32 s26, $0x1;
	_ =	strace $0x80000049;
	[dreg:$0x1] =	wrdreg $0xFFFFFFFF  }
0xa7: {  	s28 =	simm.s32 $_size_execute0_lowered;
	s3 =	sadd.s32 s3, s5;
	[dreg:$0x0] =	wrdreg $0x0  }
0xa8: {  	s5 =	sshll.u32 s28, $0x1;
	[dreg:$0x2] =	wrdreg s3  }
0xa9: {  	[dreg:$0x3] =	wrdreg s5  }
0xaa: {  	[dreg:$0x4] =	wrdreg $0xC0  }
0xab: {  	_ =	task [dreg:s7], $0x5FFFF  }
0xac: {  	[dreg:$0x1] =	wrdreg $0xFFFFFFFF  }
0xad: {  	[dreg:$0x0] =	wrdreg $0x60  }
0xae: {  	[dreg:$0x2] =	wrdreg s24  }
0xaf: {  	[dreg:$0x3] =	wrdreg s2  }
0xb0: {  	[dreg:$0x4] =	wrdreg $0x52000  }
0xb1: {  	[dreg:$0x5] =	wrdreg $0x9  }
0xb2: {  	_ =	task.clear_ibuf [dreg:s7], $0x6FFFF;
	_ =	strace $0x90000049  }
0xb3: {  	s29 =	simm.s32 $0x9;
	_ =	strace $0x8000004B  }
0xb4: {  	_ =	swait.ge [sflag:s29], $0x1  }
0xb5: {  	[sflag:s29] =	ssyncadd.s32 $0xFFFFFFFF  }
0xb6: {  	_ =	strace $0x9000004B  }
0xb7: {  	_ =	sfence  }
0xb8: {  	s30 =	sld [smem:$0x0];
	_ =	sdelay $0x2  }
0xb9: {  	s31 =	sshll.u32 s1, $0xD;
	s1 =	sshrl.u32 s1, $0x2  }
0xba: {  	s3 =	sand.u32 $0x4000, s31;
	s1 =	sadd.s32 s1, s30  }
0xbb: {  	s0 =	sor.u32 s3, s0;
	s1 =	sshll.u32 s1, $0x11  }
0xbc: {  	s0 =	sor.u32 s1, s0  }
0xbd: {  	s0 =	sadd.s32 $0x8F2B, s0  }
0xbe: {  	[sflag:s0] =	ssyncadd.remote.s32 $0x1  }
0xbf: {  	_ =	sfence.sel $0xFFFF  }
0xc0: {  	[dreg:$0x0] =	wrdreg $0xFFFFFFFF;
	(pc) =	sbr.abs _section_cstart, $3  }
0xc1: {  	[dreg:$0x1] =	wrdreg $0xFFFFFFFF  }
0xc2: {  	_ =	task.clear_ibuf [dreg:s7], $0x2FFFF;
	_ =	strace $0x9FFFFFFF  }
0xc3: {  	(tm) =	ssettm $0x7FFFFFFF  }
tec
execute0_lowered:
.L_overlay_start_1:
0x0: {  	(tag) =	ssettag $0x1  }
0x1: {  	s0 =	rddreg [dreg:$0x0]  }
0x2: {  	s1 =	rddreg [dreg:$0x1];
	s3 =	srdreg.scid  }
0x3: {  	s11 =	stileid.u32;
	s2 =	rddreg [dreg:$0x2];
	s28 =	simm.s32 $0x4  }
0x4: {  	s29 =	simm.s32 $0x2A00;
	s30 =	simm.s32 $0x1;
	s7 =	smul.u32 $0x2800, s11  }
0x5: {  	s31 =	simm.s32 $0x2;
	s6 =	sand.u32 $0x1, s3;
	s9 =	smul.u32 $0x50000, s11  }
0x6: {  	s3 =	simm.s32 $0x0;
	s4 =	sadd.s32 $0xE000, s0;
	s17 =	smul.u32 $0x2710, s11  }
0x7: {  	s5 =	sadd.s32 $0x4200, s0;
	s12 =	sadd.s32 $0x5E000, s0;
	s26 =	smul.u32 $0x4E2, s11  }
0x8: {  	s21 =	sshll.u32 s11, $0x6;
	s8 =	smul.u32 $0x28000, s6;
	[smem:$0x7FF] =	sst s3  }
0x9: {  	s10 =	smul.u32 $0x27100, s6;
	s6 =	ssub.s32 $0x2, s6;
	_ =	strace $0x8000004A  }
0xa: {  	[dreg:$0x4] =	wrdreg s12;
	s19 =	sshrl.u32 s6, $0x1;
	s9 =	sshrl.u32 s9, $0x2  }
0xb: {  	s22 =	sshrl.u32 s17, $0x3;
	s7 =	sadd.s32 s7, s8;
	s18 =	sadd.s32 s17, s10  }
0xc: {  	s6 =	ssub.s32 s6, s19;
	s19 =	sadd.s32 s9, s2;
	s8 =	sor.u32 $0x1C05, s21  }
0xd: {  	s9 =	sadd.s32 s1, s22;
	s17 =	sadd.s32 s26, s1;
	s21 =	simm.s32 $0x80  }
0xe: {  	s22 =	simm.s32 $0x100;
	s26 =	simm.s32 $0x200;
	s1 =	simm.s32 $0x0  }
0xf: {  	s0 =	sadd.s32 s7, s0;
	s20 =	sshrl.u32 s18, $0x3;
	s24 =	sadd.s32 $0xA, s9  }
0x10: {  	s25 =	sadd.s32 $0xF0, s18;
	s13 =	smax.u32 s6, $0x1;
	s15 =	sadd.s32 $0x4D8, s9  }
0x11: {  	s18 =	sadd.s32 $0xA0, s18;
	s19 =	sshrl.u32 s19, $0x3;
	s7 =	sadd.s32 s5, s20  }
0x12: {  	[dreg:$0x6] =	wrdreg s24;
	s0 =	sadd.s32 $0x60800, s0;
	s20 =	simm.s32 $0x5  }
0x13: {  	s24 =	simm.s32 $0x3;
	s23 =	sadd.s32 $0xA, s7;
	[dreg:$0x7] =	wrdreg s0  }
0x14: {  	s0 =	sshrl.u32 s25, $0x3;
	s14 =	sadd.s32 $0x4D8, s7;
	s25 =	simm.s32 $0x50  }
0x15: {  	[dreg:$0x5] =	wrdreg s23;
	s16 =	sadd.s32 s0, s5;
	s23 =	simm.s32 $0x180  }
.LBB2_1:
0x16: {  	s0 =	rddreg [dreg:$0x4]  }
0x17: {  	[spmem:s19], [sflag:s8] =	dma.local [hbm:s0], $0x2800  }
0x18: {  	_ =	swait.ge [sflag:s20], $0x2800  }
0x19: {  	[sflag:s20] =	ssyncset.done $0x0  }
0x1a: {  	[sflag:s20] =	ssyncadd.s32 $0xFFFFD800  }
0x1b: {  	[bflag:$0x0] =	sbarrier.arrive $0xFFFF  }
0x1c: {  	[tilespmem:s3], [sflag:$0x3] =	stream.linear.gather [hbm4b:s7+s3], $0x50, $0x38;
	[tilespmem:$0x19200] =	vst v63  }
0x1d: {  	_ = 	snop  }
0x1e: {  	[tilespmem:s21], [sflag:$0x3] =	stream.linear.gather [hbm4b:s9+s3], $0x50, $0x38;
	[tilespmem:$0x19200] =	vst v63  }
0x1f: {  	s11 =	rddreg [dreg:$0x5]  }
0x20: {  	[tilespmem:s22], [sflag:$0x4] =	stream.linear.gather [hbm4b:s11+s3], $0x50, $0x38;
	[tilespmem:$0x19200] =	vst v63  }
0x21: {  	s12 =	rddreg [dreg:$0x6]  }
0x22: {  	[tilespmem:s23], [sflag:$0x4] =	stream.linear.gather [hbm4b:s12+s3], $0x50, $0x38;
	[tilespmem:$0x19200] =	vst v63  }
0x23: {  	_ =	swait.ge [sflag:s24], $0x50  }
0x24: {  	[sflag:s24] =	ssyncset.done $0x0  }
0x25: {  	[sflag:s24] =	ssyncadd.s32 $0xFFFFFFB0  }
0x26: {  	_ =	swait.ge [sflag:s24], $0x50  }
0x27: {  	[sflag:s24] =	ssyncset.done $0x0  }
0x28: {  	[sflag:s24] =	ssyncadd.s32 $0xFFFFFFB0  }
0x29: {  	[tilespmem:s26], [sflag:$0x1] =	stream.indirect.gather [hbm4b:s4+s25], $0x80, s3, s25, $0xb8;
	[tilespmem:$0x19200] =	vst v63  }
0x2a: {  	_ =	swait.ge [sflag:s28], $0x50  }
0x2b: {  	[sflag:s28] =	ssyncset.done $0x0  }
0x2c: {  	[sflag:s28] =	ssyncadd.s32 $0xFFFFFFB0  }
0x2d: {  	_ =	swait.ge [sflag:s28], $0x50  }
0x2e: {  	[sflag:s28] =	ssyncset.done $0x0  }
0x2f: {  	[sflag:s28] =	ssyncadd.s32 $0xFFFFFFB0  }
0x30: {  	[tilespmem:s29], [sflag:$0x2] =	stream.indirect.gather [hbm4b:s4+s25], $0x80, s22, s25, $0xb8;
	[tilespmem:$0x19200] =	vst v63  }
0x31: {  	_ =	swait.ge [sflag:s30], $0x2800  }
0x32: {  	[sflag:s30] =	ssyncset.done $0x0  }
0x33: {  	[sflag:s30] =	ssyncadd.s32 $0xFFFFD800  }
0x34: {  	[spmem:s2] =	stream.indirect.scatter.add.f32 [tilespmem:s26], [sflag:$0x5], $0x80, s21, s25, $0xb8;
	[tilespmem:$0x19200] =	vst v63  }
0x35: {  	_ =	swait.ge [sflag:s20], $0x2800  }
0x36: {  	s6 =	sshrl.u32 s18, $0x3;
	[sflag:s20] =	ssyncset.done $0x0  }
0x37: {  	s0 =	sadd.s32 s5, s6;
	s6 =	sadd.s32 $0x0, s17;
	[sflag:s20] =	ssyncadd.s32 $0xFFFFD800  }
0x38: {  	[tilespmem:s3], [sflag:$0x3] =	stream.linear.gather [hbm4b:s0+s3], $0x50, $0x38;
	[tilespmem:$0x19200] =	vst v63  }
0x39: {  	s10 =	sadd.s32 $0x14, s6  }
0x3a: {  	[tilespmem:s21], [sflag:$0x3] =	stream.linear.gather [hbm4b:s10+s3], $0x50, $0x38;
	[tilespmem:$0x19200] =	vst v63  }
0x3b: {  	_ =	swait.ge [sflag:s31], $0x2800  }
0x3c: {  	[sflag:s31] =	ssyncset.done $0x0  }
0x3d: {  	[sflag:s31] =	ssyncadd.s32 $0xFFFFD800  }
0x3e: {  	[spmem:s2] =	stream.indirect.scatter.add.f32 [tilespmem:s29], [sflag:$0x5], $0x80, s23, s25, $0xb8;
	[tilespmem:$0x19200] =	vst v63  }
0x3f: {  	_ =	swait.ge [sflag:s20], $0x2800  }
0x40: {  	[sflag:s20] =	ssyncset.done $0x0  }
0x41: {  	s11 =	sadd.s32 $0x0, s16;
	[sflag:s20] =	ssyncadd.s32 $0xFFFFD800  }
0x42: {  	[tilespmem:s22], [sflag:$0x4] =	stream.linear.gather [hbm4b:s11+s3], $0x50, $0x38;
	[tilespmem:$0x19200] =	vst v63  }
0x43: {  	s12 =	sadd.s32 $0x1E, s6  }
0x44: {  	[tilespmem:s23], [sflag:$0x4] =	stream.linear.gather [hbm4b:s12+s3], $0x50, $0x38;
	[tilespmem:$0x19200] =	vst v63  }
0x45: {  	_ =	swait.ge [sflag:s24], $0x50  }
0x46: {  	[sflag:s24] =	ssyncset.done $0x0  }
0x47: {  	[sflag:s24] =	ssyncadd.s32 $0xFFFFFFB0  }
0x48: {  	_ =	swait.ge [sflag:s24], $0x50  }
0x49: {  	[sflag:s24] =	ssyncset.done $0x0  }
0x4a: {  	s6 =	sadd.s32 $0xA0, s18;
	s0 =	simm.s32 $0x14;
	[sflag:s24] =	ssyncadd.s32 $0xFFFFFFB0  }
.LBB2_2:
0x4b: {  	[tilespmem:s26], [sflag:$0x1] =	stream.indirect.gather [hbm4b:s4+s25], $0x80, s3, s25, $0xb8;
	[tilespmem:$0x19200] =	vst v63  }
0x4c: {  	s10 =	smov.u32 s0  }
0x4d: {  	p0 =	sne.s32 s0, $0x4B0;
	s0 =	sadd.s32 $0x14, s0;
	_ =	swait.ge [sflag:s28], $0x50  }
0x4e: {  	[sflag:s28] =	ssyncset.done $0x0  }
0x4f: {  	[sflag:s28] =	ssyncadd.s32 $0xFFFFFFB0  }
0x50: {  	_ =	swait.ge [sflag:s28], $0x50  }
0x51: {  	[sflag:s28] =	ssyncset.done $0x0  }
0x52: {  	[sflag:s28] =	ssyncadd.s32 $0xFFFFFFB0  }
0x53: {  	[tilespmem:s29], [sflag:$0x2] =	stream.indirect.gather [hbm4b:s4+s25], $0x80, s22, s25, $0xb8;
	[tilespmem:$0x19200] =	vst v63  }
0x54: {  	_ =	swait.ge [sflag:s30], $0x2800  }
0x55: {  	[sflag:s30] =	ssyncset.done $0x0  }
0x56: {  	[sflag:s30] =	ssyncadd.s32 $0xFFFFD800  }
0x57: {  	[spmem:s2] =	stream.indirect.scatter.add.f32 [tilespmem:s26], [sflag:$0x5], $0x80, s21, s25, $0xb8;
	[tilespmem:$0x19200] =	vst v63  }
0x58: {  	_ =	swait.ge [sflag:s20], $0x2800  }
0x59: {  	s11 =	sshrl.u32 s6, $0x3;
	[sflag:s20] =	ssyncset.done $0x0  }
0x5a: {  	s11 =	sadd.s32 s5, s11;
	s12 =	sadd.s32 s10, s17;
	[sflag:s20] =	ssyncadd.s32 $0xFFFFD800  }
0x5b: {  	[tilespmem:s3], [sflag:$0x3] =	stream.linear.gather [hbm4b:s11+s3], $0x50, $0x38;
	[tilespmem:$0x19200] =	vst v63  }
0x5c: {  	s11 =	sadd.s32 $0x14, s12  }
0x5d: {  	[tilespmem:s21], [sflag:$0x3] =	stream.linear.gather [hbm4b:s11+s3], $0x50, $0x38;
	[tilespmem:$0x19200] =	vst v63  }
0x5e: {  	_ =	swait.ge [sflag:s31], $0x2800  }
0x5f: {  	[sflag:s31] =	ssyncset.done $0x0  }
0x60: {  	[sflag:s31] =	ssyncadd.s32 $0xFFFFD800  }
0x61: {  	[spmem:s2] =	stream.indirect.scatter.add.f32 [tilespmem:s29], [sflag:$0x5], $0x80, s23, s25, $0xb8;
	[tilespmem:$0x19200] =	vst v63  }
0x62: {  	_ =	swait.ge [sflag:s20], $0x2800  }
0x63: {  	[sflag:s20] =	ssyncset.done $0x0  }
0x64: {  	s10 =	sadd.s32 s10, s16;
	[sflag:s20] =	ssyncadd.s32 $0xFFFFD800  }
0x65: {  	[tilespmem:s22], [sflag:$0x4] =	stream.linear.gather [hbm4b:s10+s3], $0x50, $0x38;
	[tilespmem:$0x19200] =	vst v63  }
0x66: {  	s10 =	sadd.s32 $0x1E, s12  }
0x67: {  	[tilespmem:s23], [sflag:$0x4] =	stream.linear.gather [hbm4b:s10+s3], $0x50, $0x38;
	[tilespmem:$0x19200] =	vst v63  }
0x68: {  	_ =	swait.ge [sflag:s24], $0x50  }
.Ltmp0:
0x69: {  	[sflag:s24] =	ssyncset.done $0x0;
	(pc) =	sbr.rel @p0 .LBB2_2-.Ltmp0, $4  }
0x6a: {  	[sflag:s24] =	ssyncadd.s32 $0xFFFFFFB0  }
0x6b: {  	_ =	swait.ge [sflag:s24], $0x50  }
0x6c: {  	[sflag:s24] =	ssyncset.done $0x0  }
0x6d: {  	s6 =	sadd.s32 $0xA0, s6;
	[sflag:s24] =	ssyncadd.s32 $0xFFFFFFB0  }
0x6e: {  	[tilespmem:s26], [sflag:$0x1] =	stream.indirect.gather [hbm4b:s4+s25], $0x80, s3, s25, $0xb8;
	[tilespmem:$0x19200] =	vst v63  }
0x6f: {  	_ =	swait.ge [sflag:s28], $0x50  }
0x70: {  	[sflag:s28] =	ssyncset.done $0x0  }
0x71: {  	[sflag:s28] =	ssyncadd.s32 $0xFFFFFFB0  }
0x72: {  	_ =	swait.ge [sflag:s28], $0x50  }
0x73: {  	[sflag:s28] =	ssyncset.done $0x0  }
0x74: {  	[sflag:s28] =	ssyncadd.s32 $0xFFFFFFB0  }
0x75: {  	[tilespmem:s29], [sflag:$0x2] =	stream.indirect.gather [hbm4b:s4+s25], $0x80, s22, s25, $0xb8;
	[tilespmem:$0x19200] =	vst v63  }
0x76: {  	_ =	swait.ge [sflag:s30], $0x2800  }
0x77: {  	[sflag:s30] =	ssyncset.done $0x0  }
0x78: {  	[sflag:s30] =	ssyncadd.s32 $0xFFFFD800  }
0x79: {  	[spmem:s2] =	stream.indirect.scatter.add.f32 [tilespmem:s26], [sflag:$0x5], $0x80, s21, s25, $0xb8;
	[tilespmem:$0x19200] =	vst v63  }
0x7a: {  	_ =	swait.ge [sflag:s20], $0x2800  }
0x7b: {  	[sflag:s20] =	ssyncset.done $0x0  }
0x7c: {  	[sflag:s20] =	ssyncadd.s32 $0xFFFFD800  }
0x7d: {  	[tilespmem:s3], [sflag:$0x3] =	stream.linear.gather [hbm4b:s14+s3], $0x50, $0x38;
	[tilespmem:$0x19200] =	vst v63  }
0x7e: {  	_ = 	snop  }
0x7f: {  	[tilespmem:s21], [sflag:$0x3] =	stream.linear.gather [hbm4b:s15+s3], $0x50, $0x38;
	[tilespmem:$0x19200] =	vst v63  }
0x80: {  	_ =	swait.ge [sflag:s31], $0x2800  }
0x81: {  	[sflag:s31] =	ssyncset.done $0x0  }
0x82: {  	[sflag:s31] =	ssyncadd.s32 $0xFFFFD800  }
0x83: {  	[spmem:s2] =	stream.indirect.scatter.add.f32 [tilespmem:s29], [sflag:$0x5], $0x80, s23, s25, $0xb8;
	[tilespmem:$0x19200] =	vst v63  }
0x84: {  	_ =	swait.ge [sflag:s20], $0x2800  }
0x85: {  	[sflag:s20] =	ssyncset.done $0x0  }
0x86: {  	[sflag:s20] =	ssyncadd.s32 $0xFFFFD800  }
0x87: {  	_ =	swait.ge [sflag:s24], $0x50  }
0x88: {  	[sflag:s24] =	ssyncset.done $0x0  }
0x89: {  	[sflag:s24] =	ssyncadd.s32 $0xFFFFFFB0  }
0x8a: {  	_ =	swait.ge [sflag:s24], $0x50  }
0x8b: {  	[sflag:s24] =	ssyncset.done $0x0  }
0x8c: {  	[sflag:s24] =	ssyncadd.s32 $0xFFFFFFB0  }
0x8d: {  	[tilespmem:s26], [sflag:$0x1] =	stream.indirect.gather [hbm4b:s4+s25], $0x80, s3, s25, $0xb8;
	[tilespmem:$0x19200] =	vst v63  }
0x8e: {  	_ =	swait.ge [sflag:s30], $0x2800  }
0x8f: {  	[sflag:s30] =	ssyncset.done $0x0  }
0x90: {  	[sflag:s30] =	ssyncadd.s32 $0xFFFFD800  }
0x91: {  	[spmem:s2] =	stream.indirect.scatter.add.f32 [tilespmem:s26], [sflag:$0x5], $0x80, s21, s25, $0xb8;
	[tilespmem:$0x19200] =	vst v63  }
0x92: {  	_ =	swait.ge [sflag:s20], $0x2800  }
0x93: {  	[sflag:s20] =	ssyncset.done $0x0  }
0x94: {  	s1 =	sadd.s32 $0x1, s1;
	[sflag:s20] =	ssyncadd.s32 $0xFFFFD800  }
0x95: {  	p0 =	sne.s32 s1, s13;
	[bflag:$0x0] =	sbarrier.arrive $0xFFFF  }
.Ltmp1:
0x96: {  	s0 =	rddreg [dreg:$0x7];
	(pc) =	sbr.rel @p0 .LBB2_1-.Ltmp1, $4  }
0x97: {  	[hbm:s0], [sflag:s8] =	dma.local [spmem:s19], $0x2800  }
0x98: {  	_ =	swait.ge [sflag:s20], $0x2800  }
0x99: {  	[sflag:s20] =	ssyncset.done $0x0  }
0x9a: {  	[sflag:s20] =	ssyncadd.s32 $0xFFFFD800  }
0x9b: {  	_ =	sfence.sel $0x180000  }
0x9c: {  	[bflag:$0x0] =	sbarrier.arrive $0xFFFF  }
0x9d: {  	_ =	strace $0x9000004A  }
0x9e: {  	s0 =	stileid.u32;
	[bflag:$0x2] =	sbarrier.arrive $0xFFFF  }
0x9f: {  	p0 =	sne.s32 s0, $0x0;
	s0 =	rddreg [dreg:$0x3]  }
0xa0: {  	s0 =	sadd.s32 @!p0 $0x100000, s0  }
0xa1: {  	[sflag:s0] =	ssyncadd.tile.s32 @!p0 $0x1;
	_ =	shalt  }
.Lfunc_end2:
_tile_overlayer_lowered:
.L_overlay_start_2:
0xa2: {  	(tag) =	ssettag $0x2  }
0xa3: {  	s0 =	rddreg [dreg:$0x0];
	s2 =	stileid.u32  }
0xa4: {  	s1 =	rddreg [dreg:$0x1];
	p0 =	sne.s32 s2, $0x0  }
0xa5: {  	s3 =	rddreg [dreg:$0x2];
	[bflag:$0x3] =	sbarrier.arrive $0xFFFF;
	s2 =	simm.s32 @!p0 $0x1C05  }
0xa6: {  	[timem:s3], [sflag:s2] =	dma.local @!p0 [hbm:s0], s1  }
0xa7: {  	s0 =	simm.s32 @!p0 $0x5  }
0xa8: {  	_ =	swait.ge @!p0 [sflag:s0], s1  }
0xa9: {  	s1 =	ssub.s32 @!p0 $0x0, s1;
	[sflag:s0] =	ssyncset.done @!p0 $0x0  }
0xaa: {  	[sflag:s0] =	ssyncadd.s32 @!p0 s1  }
0xab: {  	[bflag:$0x3] =	sbarrier.arrive $0xFFFF  }
0xac: {  	_ =	shalt  }

// kernel: sc_seg_sum_cnt.3.cloned.1.call-start
scs
__scs_entry_jumppad:
0x0: {  	(pc) =	sbr.rel $0x88, $3  }
0x1: {  	(tag) =	ssettag $0x0;
	lr =	simm.s32 $0x1  }
0x2: {  	[smem:$0x3F92] =	sst lr;
	_ =	strace $0xD0000000  }
0x3: {  	_ = 	snop  }
0x4: {  	_ = 	snop  }
0x5: {  	_ = 	snop  }
0x6: {  	_ = 	snop  }
0x7: {  	_ = 	snop  }
__scs_overlays_trampoline_lowered:
0x8: {  	[smem:$0x3FA1] =	sst s0  }
0x9: {  	[smem:$0x3FA2] =	sst s1  }
0xa: {  	[smem:$0x3FA3] =	sst s2  }
0xb: {  	[smem:$0x3FA4] =	sst s3  }
0xc: {  	[smem:$0x3FA5] =	sst s4  }
0xd: {  	[smem:$0x3FA6] =	sst s5  }
0xe: {  	[smem:$0x3FA7] =	sst s6  }
0xf: {  	[smem:$0x3FA8] =	sst s7  }
0x10: {  	[smem:$0x3FA9] =	sst s8  }
0x11: {  	[smem:$0x3FAA] =	sst s9;
	s0 =	simm.s32 @!p0 $0x0  }
0x12: {  	s1 =	sld [smem:$0x3F90];
	s0 =	simm.s32 @p0 $0x1  }
0x13: {  	[smem:$0x3FAB] =	sst s0;
	s0 =	simm.s32 @!p1 $0x0  }
0x14: {  	s2 =	sld [smem:$0x3F8F];
	s0 =	simm.s32 @p1 $0x1  }
0x15: {  	[smem:$0x3FAC] =	sst s0;
	s0 =	simm.s32 @!p2 $0x0  }
0x16: {  	s3 =	sld [smem:$0x3FDB];
	s0 =	simm.s32 @p2 $0x1  }
0x17: {  	s4 =	simm.s32 $0x1BF5;
	[smem:$0x3FAE] =	sst s0  }
0x18: {  	s0 =	sld [smem:$0x3F91];
	_ =	swait.ge [sflag:s4], $0x0  }
0x19: {  	s7 =	sld [smem:$0x3F92]  }
0x1a: {  	s8 =	sadd.s32 $0xFFFFE003, lr  }
0x1b: {  	s9 =	sadd.s32 $0xFFFFFEF7, lr;
	s5 =	simm.s32 $0xFFFFFFFF;
	p2 =	slt.u32 s8, $0xFFFFF086  }
0x1c: {  	p1 =	slt.u32 s9, $0xF7A;
	s5 =	simm.s32 @!p2 $0x0  }
0x1d: {  	s5 =	simm.s32 @p1 $0x1;
	p0 =	seq.s32 s7, s2  }
0x1e: {  	s7 =	smul.u32 @!p0 $0xF7A, s2;
	p2 =	seq.s32 @!p0 s5, $0x0  }
0x1f: {  	s9 =	smul.u32 $0xF7A, s1;
	s8 =	simm.s32 @!p0 $0x1BF5;
	p2 =	por !p2, p0  }
0x20: {  	[sflag:s8] =	ssyncset.s32 @!p0 $0xFFFFF086;
	s6 =	sadd.s32 @!p0 s3, s7;
	s7 =	simm.s32 @!p0 $0x108  }
0x21: {  	s3 =	sadd.s32 s3, s9;
	s6 =	sadd.s32 @!p0 $0x88, s6;
	s7 =	simm.s32 @p2 $0x1082  }
0x22: {  	[simem:s7], [sflag:s8] =	dma.local @!p0 [hbm:s6], $0xF7A  }
0x23: {  	s9 =	sor.u32 $0xD0000000, s2;
	s6 =	simm.s32 $0x108;
	_ =	swait.ge @!p0 [sflag:s8], $0x0  }
0x24: {  	s3 =	sadd.s32 $0x88, s3;
	s6 =	simm.s32 @!p1 $0x1082;
	[sflag:s4] =	ssyncset.s32 $0xFFFFF086  }
0x25: {  	[simem:s6], [sflag:s4] =	dma.local [hbm:s3], $0xF7A  }
0x26: {  	[smem:$0x3F92] =	sst s1;
	(tag) =	ssettag s2;
	_ =	strace s9  }
0x27: {  	s1 =	sld [smem:$0x3FA2]  }
0x28: {  	s2 =	sld [smem:$0x3FA3]  }
0x29: {  	s4 =	sld [smem:$0x3FA5]  }
0x2a: {  	p0 =	seq.s32 s5, $0x0;
	s5 =	sld [smem:$0x3FA6]  }
0x2b: {  	s6 =	sld [smem:$0x3FA7]  }
0x2c: {  	s7 =	sld [smem:$0x3FA8]  }
0x2d: {  	s3 =	simm.s32 $0x108;
	s8 =	sld [smem:$0x3FA9]  }
0x2e: {  	s3 =	simm.s32 @!p0 $0x1082;
	s9 =	sld [smem:$0x3FAA]  }
0x2f: {  	lr =	sadd.s32 s0, s3;
	s0 =	sld [smem:$0x3FA1]  }
0x30: {  	s3 =	sld [smem:$0x3FA4]  }
0x31: {  	[smem:$0x3FAD] =	sst s10  }
0x32: {  	s10 =	sld [smem:$0x3FAB];
	_ =	sdelay $0x3  }
0x33: {  	p0 =	seq.s32 s10, $0x1;
	s10 =	sld [smem:$0x3FAD];
	_ =	sdelay $0x3  }
0x34: {  	[smem:$0x3FAD] =	sst s10  }
0x35: {  	s10 =	sld [smem:$0x3FAC];
	_ =	sdelay $0x3  }
0x36: {  	p1 =	seq.s32 s10, $0x1;
	s10 =	sld [smem:$0x3FAD];
	_ =	sdelay $0x3  }
0x37: {  	[smem:$0x3FAD] =	sst s10  }
0x38: {  	s10 =	sld [smem:$0x3FAE]  }
0x39: {  	_ = 	snop;
	(pc) =	sbr.ind lr, $3  }
0x3a: {  	_ = 	snop  }
0x3b: {  	_ = 	snop  }
0x3c: {  	p2 =	seq.s32 s10, $0x1;
	s10 =	sld [smem:$0x3FAD]  }
0x3d: {  	_ =	shalt  }
0x3e: {  	_ =	shalt  }
0x3f: {  	_ =	shalt  }
0x40: {  	_ =	shalt  }
0x41: {  	_ =	shalt  }
0x42: {  	_ =	shalt  }
0x43: {  	_ =	shalt  }
0x44: {  	_ =	shalt  }
0x45: {  	_ =	shalt  }
0x46: {  	_ =	shalt  }
0x47: {  	_ =	shalt  }
0x48: {  	_ =	shalt  }
0x49: {  	_ =	shalt  }
0x4a: {  	_ =	shalt  }
0x4b: {  	_ =	shalt  }
0x4c: {  	_ =	shalt  }
0x4d: {  	_ =	shalt  }
0x4e: {  	_ =	shalt  }
0x4f: {  	_ =	shalt  }
0x50: {  	_ =	shalt  }
0x51: {  	_ =	shalt  }
0x52: {  	_ =	shalt  }
0x53: {  	_ =	shalt  }
0x54: {  	_ =	shalt  }
0x55: {  	_ =	shalt  }
0x56: {  	_ =	shalt  }
0x57: {  	_ =	shalt  }
0x58: {  	_ =	shalt  }
0x59: {  	_ =	shalt  }
0x5a: {  	_ =	shalt  }
0x5b: {  	_ =	shalt  }
0x5c: {  	_ =	shalt  }
0x5d: {  	_ =	shalt  }
0x5e: {  	_ =	shalt  }
0x5f: {  	_ =	shalt  }
0x60: {  	_ =	shalt  }
0x61: {  	_ =	shalt  }
0x62: {  	_ =	shalt  }
0x63: {  	_ =	shalt  }
0x64: {  	_ =	shalt  }
0x65: {  	_ =	shalt  }
0x66: {  	_ =	shalt  }
0x67: {  	_ =	shalt  }
0x68: {  	_ =	shalt  }
0x69: {  	_ =	shalt  }
0x6a: {  	_ =	shalt  }
0x6b: {  	_ =	shalt  }
0x6c: {  	_ =	shalt  }
0x6d: {  	_ =	shalt  }
0x6e: {  	_ =	shalt  }
0x6f: {  	_ =	shalt  }
0x70: {  	_ =	shalt  }
0x71: {  	_ =	shalt  }
0x72: {  	_ =	shalt  }
0x73: {  	_ =	shalt  }
0x74: {  	_ =	shalt  }
0x75: {  	_ =	shalt  }
0x76: {  	_ =	shalt  }
0x77: {  	_ =	shalt  }
0x78: {  	_ =	shalt  }
0x79: {  	_ =	shalt  }
0x7a: {  	_ =	shalt  }
0x7b: {  	_ =	shalt  }
0x7c: {  	_ =	shalt  }
0x7d: {  	_ =	shalt  }
0x7e: {  	_ =	shalt  }
0x7f: {  	_ =	shalt  }
0x80: {  	_ =	shalt  }
0x81: {  	_ =	shalt  }
0x82: {  	_ =	shalt  }
0x83: {  	_ =	shalt  }
0x84: {  	_ =	shalt  }
0x85: {  	_ =	shalt  }
0x86: {  	_ =	shalt  }
0x87: {  	_ =	shalt  }
.Lfunc_end0:
.L_simem_size_0:
called_computation_lowered:
.L_overlay_start_0:
0x88: {  	s2 =	sld [smem:$0x3FD9]  }
0x89: {  	s3 =	sld [smem:$0x3FFE];
	_ =	sdelay $0x1  }
0x8a: {  	s1 =	srdreg.scid  }
0x8b: {  	s0 =	sand.u32 $0x1, s1  }
0x8c: {  	s17 =	sshll.u32 s0, $0xA;
	s2 =	sadd.s32 s3, s2  }
0x8d: {  	s2 =	sadd.s32 s2, s17  }
0x8e: {  	[smem:$0x3FB9] =	sst s2  }
0x8f: {  	_ = 	snop  }
0x90: {  	s2 =	sld [smem:$0x3FD0];
	(tm) =	ssettm $0x1  }
0x91: {  	s18 =	sld [smem:$0x3FFB];
	_ =	sdelay $0x3  }
0x92: {  	_ =	strace s18  }
0x93: {  	s3 =	sld [smem:$0x3FFC];
	_ =	sdelay $0x3  }
0x94: {  	_ =	strace s3  }
0x95: {  	s3 =	sld [smem:$0x3FFD];
	_ =	sdelay $0x3  }
0x96: {  	_ =	strace s3  }
0x97: {  	_ =	strace $0x8FFFFFFF  }
0x98: {  	s19 =	sld [smem:$0x3FDB];
	_ =	sdelay $0x1  }
0x99: {  	s4 =	simm.s32 $_scs_section_size  }
0x9a: {  	s5 =	simm.s32 $_size__tile_overlayer_lowered;
	s6 =	simm.s32 $_tile_overlayer_lowered  }
0x9b: {  	s22 =	simm.s32 $0x1BFF;
	s21 =	sshll.u32 s6, $0x1;
	s3 =	sadd.s32 s4, s19  }
0x9c: {  	s7 =	simm.s32 $0x0;
	s20 =	sshll.u32 s5, $0x1;
	s5 =	sadd.s32 s21, s3  }
0x9d: {  	[timem:s7], [sflag:s22] =	dma.local [hbm:s5], s20  }
0x9e: {  	_ =	swait.ge [sflag:s22], s20  }
0x9f: {  	s4 =	ssub.s32 $0x0, s20;
	[sflag:s22] =	ssyncset.done $0x0  }
0xa0: {  	[sflag:s22] =	ssyncadd.s32 s4;
	_ =	sdelay $0x1  }
0xa1: {  	s23 =	simm.s32 $0x1B8B  }
0xa2: {  	_ =	swait.ge [sflag:s23], $0x1  }
0xa3: {  	[sflag:s23] =	ssyncset.done $0x0  }
0xa4: {  	s25 =	simm.s32 $0x1B8E;
	s24 =	sld [smem:$0x3FFE];
	[sflag:s23] =	ssyncadd.s32 $0xFFFFFFFF  }
0xa5: {  	s26 =	simm.s32 $execute0_lowered;
	[smem:$0x3FD2] =	sst s25  }
0xa6: {  	s5 =	sshll.u32 s26, $0x1;
	_ =	strace $0x80000046;
	[dreg:$0x1] =	wrdreg $0xFFFFFFFF  }
0xa7: {  	s28 =	simm.s32 $_size_execute0_lowered;
	s3 =	sadd.s32 s3, s5;
	[dreg:$0x0] =	wrdreg $0x0  }
0xa8: {  	s5 =	sshll.u32 s28, $0x1;
	[dreg:$0x2] =	wrdreg s3  }
0xa9: {  	[dreg:$0x3] =	wrdreg s5  }
0xaa: {  	[dreg:$0x4] =	wrdreg $0xC0  }
0xab: {  	_ =	task [dreg:s7], $0x5FFFF  }
0xac: {  	[dreg:$0x1] =	wrdreg $0xFFFFFFFF  }
0xad: {  	[dreg:$0x0] =	wrdreg $0x60  }
0xae: {  	[dreg:$0x2] =	wrdreg s24  }
0xaf: {  	[dreg:$0x3] =	wrdreg s2  }
0xb0: {  	[dreg:$0x4] =	wrdreg $0x7A000  }
0xb1: {  	[dreg:$0x5] =	wrdreg $0x9  }
0xb2: {  	_ =	task.clear_ibuf [dreg:s7], $0x6FFFF;
	_ =	strace $0x90000046  }
0xb3: {  	s29 =	simm.s32 $0x9;
	_ =	strace $0x80000048  }
0xb4: {  	_ =	swait.ge [sflag:s29], $0x1  }
0xb5: {  	[sflag:s29] =	ssyncadd.s32 $0xFFFFFFFF  }
0xb6: {  	_ =	strace $0x90000048  }
0xb7: {  	_ =	sfence  }
0xb8: {  	s30 =	sld [smem:$0x0];
	_ =	sdelay $0x2  }
0xb9: {  	s31 =	sshll.u32 s1, $0xD;
	s1 =	sshrl.u32 s1, $0x2  }
0xba: {  	s3 =	sand.u32 $0x4000, s31;
	s1 =	sadd.s32 s1, s30  }
0xbb: {  	s0 =	sor.u32 s3, s0;
	s1 =	sshll.u32 s1, $0x11  }
0xbc: {  	s0 =	sor.u32 s1, s0  }
0xbd: {  	s0 =	sadd.s32 $0x8F2B, s0  }
0xbe: {  	[sflag:s0] =	ssyncadd.remote.s32 $0x1  }
0xbf: {  	_ =	sfence.sel $0xFFFF  }
0xc0: {  	[dreg:$0x0] =	wrdreg $0xFFFFFFFF;
	(pc) =	sbr.abs _section_cstart, $3  }
0xc1: {  	[dreg:$0x1] =	wrdreg $0xFFFFFFFF  }
0xc2: {  	_ =	task.clear_ibuf [dreg:s7], $0x2FFFF;
	_ =	strace $0x9FFFFFFF  }
0xc3: {  	(tm) =	ssettm $0x7FFFFFFF  }
tec
execute0_lowered:
.L_overlay_start_1:
0x0: {  	(tag) =	ssettag $0x1  }
0x1: {  	s0 =	rddreg [dreg:$0x0]  }
0x2: {  	s1 =	rddreg [dreg:$0x1]  }
0x3: {  	s3 =	srdreg.scid;
	s2 =	rddreg [dreg:$0x2]  }
0x4: {  	s13 =	stileid.u32;
	s28 =	simm.s32 $0x2A00;
	s29 =	simm.s32 $0x1  }
0x5: {  	s30 =	simm.s32 $0x5200;
	s31 =	simm.s32 $0x2;
	s7 =	smul.u32 $0x2800, s13  }
0x6: {  	s6 =	sand.u32 $0x1, s3;
	s3 =	simm.s32 $0x0;
	s10 =	smul.u32 $0x50000, s13  }
0x7: {  	s5 =	sadd.s32 $0x4200, s0;
	s12 =	sadd.s32 $0x5E000, s0;
	s16 =	smul.u32 $0x2710, s13  }
0x8: {  	s23 =	sshll.u32 s13, $0x6;
	s4 =	sshll.u32 s6, $0x4;
	s8 =	smul.u32 $0x28000, s6  }
0x9: {  	[smem:$0x7FF] =	sst s3;
	s11 =	smul.u32 $0x27100, s6;
	s6 =	ssub.s32 $0x2, s6  }
0xa: {  	s4 =	sor.u32 s13, s4;
	_ =	strace $0x80000047;
	[dreg:$0x4] =	wrdreg s12  }
0xb: {  	s20 =	sshrl.u32 s6, $0x1;
	s21 =	sshrl.u32 s10, $0x2;
	s24 =	sshrl.u32 s16, $0x3  }
0xc: {  	s9 =	smul.u32 $0x500, s4;
	s4 =	sadd.s32 $0xE000, s0;
	s7 =	sadd.s32 s7, s8  }
0xd: {  	s17 =	sadd.s32 s16, s11;
	s6 =	ssub.s32 s6, s20;
	s18 =	sadd.s32 s21, s2  }
0xe: {  	s8 =	sor.u32 $0x1C05, s23;
	s16 =	smul.u32 $0x4E2, s13;
	s20 =	simm.s32 $0x80  }
0xf: {  	s21 =	simm.s32 $0x100;
	s23 =	simm.s32 $0x3;
	s19 =	sadd.s32 s7, s0  }
0x10: {  	s22 =	sshrl.u32 s17, $0x3;
	s14 =	sadd.s32 $0xF0, s17;
	s18 =	sshrl.u32 s18, $0x3  }
0x11: {  	s0 =	sadd.s32 s9, s0;
	s7 =	sadd.s32 s5, s22;
	s9 =	sadd.s32 s1, s24  }
0x12: {  	s12 =	sadd.s32 $0x6A800, s19;
	s26 =	sshrl.u32 s14, $0x3;
	s14 =	smax.u32 s6, $0x1  }
0x13: {  	s16 =	sadd.s32 s16, s1;
	s6 =	sadd.s32 $0xA0, s17;
	s19 =	simm.s32 $0x5  }
0x14: {  	s22 =	simm.s32 $0x180;
	s24 =	simm.s32 $0x50;
	[dreg:$0x5] =	wrdreg s7  }
0x15: {  	s7 =	sadd.s32 $0xA, s7;
	s25 =	sadd.s32 $0xA, s9;
	s13 =	sadd.s32 $0x60800, s0  }
0x16: {  	s15 =	sadd.s32 s26, s5;
	s26 =	simm.s32 $0x4;
	[dreg:$0x6] =	wrdreg s7  }
0x17: {  	v0 =	vimm.f32 $0.0e+00;
	v1 =	vimm.f32 $1.000000000e+00;
	s0 =	simm.s32 $0x0;
	[dreg:$0x7] =	wrdreg s25;
	s25 =	simm.s32 $0x200  }
.LBB2_1:
0x18: {  	s1 =	rddreg [dreg:$0x4]  }
0x19: {  	[spmem:s18], [sflag:s8] =	dma.local [hbm:s1], $0x2800  }
0x1a: {  	_ =	swait.ge [sflag:s19], $0x2800  }
0x1b: {  	[sflag:s19] =	ssyncset.done $0x0  }
0x1c: {  	s17 =	simm.s32 $0x0;
	s1 =	simm.s32 $0x40;
	[sflag:s19] =	ssyncadd.s32 $0xFFFFD800  }
.LBB2_2:
0x1d: {  	p0 =	sne.s32 s1, $0x9FC0;
	[tilespmem:s17+$0x5200] =	vst v0;
	s17 =	smov.u32 s1;
	s1 =	sadd.s32 $0x40, s1  }
.Ltmp0:
0x1e: {  	(pc) =	sbr.rel @p0 .LBB2_2-.Ltmp0, $2  }
0x1f: {  	_ =	sdelay $0x2  }
0x20: {  	s17 =	sshra.s32 s17, $0x2  }
0x21: {  	[tilespmem:s17+$0x5200] =	vst v0  }
0x22: {  	[bflag:$0x0] =	sbarrier.arrive $0xFFFF  }
0x23: {  	s1 =	simm.s32 $0x0;
	s7 =	rddreg [dreg:$0x5]  }
0x24: {  	[tilespmem:s1], [sflag:$0x3] =	stream.linear.gather [hbm4b:s7+s1], $0x50, $0x38;
	[tilespmem:$0x1BA00] =	vst v63  }
0x25: {  	_ = 	snop  }
0x26: {  	[tilespmem:s20], [sflag:$0x3] =	stream.linear.gather [hbm4b:s9+s1], $0x50, $0x38;
	[tilespmem:$0x1BA00] =	vst v63  }
0x27: {  	s11 =	rddreg [dreg:$0x6]  }
0x28: {  	[tilespmem:s21], [sflag:$0x4] =	stream.linear.gather [hbm4b:s11+s1], $0x50, $0x38;
	[tilespmem:$0x1BA00] =	vst v63  }
0x29: {  	s17 =	rddreg [dreg:$0x7]  }
0x2a: {  	[tilespmem:s22], [sflag:$0x4] =	stream.linear.gather [hbm4b:s17+s1], $0x50, $0x38;
	[tilespmem:$0x1BA00] =	vst v63  }
0x2b: {  	_ =	swait.ge [sflag:s23], $0x50  }
0x2c: {  	[sflag:s23] =	ssyncset.done $0x0  }
0x2d: {  	[sflag:s23] =	ssyncadd.s32 $0xFFFFFFB0  }
0x2e: {  	_ =	swait.ge [sflag:s23], $0x50  }
0x2f: {  	[sflag:s23] =	ssyncset.done $0x0  }
0x30: {  	s17 =	smov.u32 s6;
	[sflag:s23] =	ssyncadd.s32 $0xFFFFFFB0  }
0x31: {  	[tilespmem:s25], [sflag:$0x1] =	stream.indirect.gather [hbm4b:s4+s24], $0x80, s1, s24, $0xb8;
	[tilespmem:$0x1BA00] =	vst v63  }
.LBB2_4:
0x32: {  	_ =	swait.ge [sflag:s26], $0x50  }
0x33: {  	[sflag:s26] =	ssyncset.done $0x0  }
0x34: {  	[sflag:s26] =	ssyncadd.s32 $0xFFFFFFB0  }
0x35: {  	_ =	swait.ge [sflag:s26], $0x50  }
0x36: {  	[sflag:s26] =	ssyncset.done $0x0  }
0x37: {  	[sflag:s26] =	ssyncadd.s32 $0xFFFFFFB0  }
0x38: {  	[tilespmem:s28], [sflag:$0x2] =	stream.indirect.gather [hbm4b:s4+s24], $0x80, s21, s24, $0xb8;
	[tilespmem:$0x1BA00] =	vst v63  }
0x39: {  	_ =	swait.ge [sflag:s29], $0x2800  }
0x3a: {  	[sflag:s29] =	ssyncset.done $0x0  }
0x3b: {  	[sflag:s29] =	ssyncadd.s32 $0xFFFFD800  }
0x3c: {  	[spmem:s2] =	stream.indirect.scatter.add.f32 [tilespmem:s25], [sflag:$0x5], $0x80, s20, s24, $0xb8;
	[tilespmem:$0x1BA00] =	vst v63  }
0x3d: {  	_ =	swait.ge [sflag:s19], $0x2800  }
0x3e: {  	[sflag:s19] =	ssyncset.done $0x0  }
0x3f: {  	[sflag:s19] =	ssyncadd.s32 $0xFFFFD800  }
0x40: {  	v2 =	vld [tilespmem:$0x80];
	_ =	sdelay $0x7  }
0x41: {  	[tilespmem:v2+s30+$0x0] =	vst.idx.add.f32.msk $0xffff, v1  }
0x42: {  	v2 =	vld [tilespmem:$0x90];
	_ =	sdelay $0x7  }
0x43: {  	[tilespmem:v2+s30+$0x0] =	vst.idx.add.f32.msk $0xffff, v1  }
0x44: {  	v2 =	vld [tilespmem:$0xA0];
	_ =	sdelay $0x7  }
0x45: {  	[tilespmem:v2+s30+$0x0] =	vst.idx.add.f32.msk $0xffff, v1  }
0x46: {  	v2 =	vld [tilespmem:$0xB0];
	_ =	sdelay $0x7  }
0x47: {  	[tilespmem:v2+s30+$0x0] =	vst.idx.add.f32.msk $0xffff, v1  }
0x48: {  	v2 =	vld [tilespmem:$0xC0];
	_ =	sdelay $0x6  }
0x49: {  	s10 =	sshrl.u32 s17, $0x3  }
0x4a: {  	s11 =	sadd.s32 s1, s16;
	s10 =	sadd.s32 s5, s10;
	[tilespmem:v2+s30+$0x0] =	vst.idx.add.f32.msk $0xffff, v1  }
0x4b: {  	[tilespmem:s3], [sflag:$0x3] =	stream.linear.gather [hbm4b:s10+s3], $0x50, $0x38;
	[tilespmem:$0x1BA00] =	vst v63  }
0x4c: {  	s10 =	sadd.s32 $0x14, s11  }
0x4d: {  	[tilespmem:s20], [sflag:$0x3] =	stream.linear.gather [hbm4b:s10+s3], $0x50, $0x38;
	[tilespmem:$0x1BA00] =	vst v63  }
0x4e: {  	_ =	swait.ge [sflag:s31], $0x2800  }
0x4f: {  	[sflag:s31] =	ssyncset.done $0x0  }
0x50: {  	[sflag:s31] =	ssyncadd.s32 $0xFFFFD800  }
0x51: {  	[spmem:s2] =	stream.indirect.scatter.add.f32 [tilespmem:s28], [sflag:$0x5], $0x80, s22, s24, $0xb8;
	[tilespmem:$0x1BA00] =	vst v63  }
0x52: {  	_ =	swait.ge [sflag:s19], $0x2800  }
0x53: {  	[sflag:s19] =	ssyncset.done $0x0  }
0x54: {  	[sflag:s19] =	ssyncadd.s32 $0xFFFFD800  }
0x55: {  	v2 =	vld [tilespmem:$0x180];
	_ =	sdelay $0x7  }
0x56: {  	[tilespmem:v2+s30+$0x0] =	vst.idx.add.f32.msk $0xffff, v1  }
0x57: {  	v2 =	vld [tilespmem:$0x190];
	_ =	sdelay $0x7  }
0x58: {  	[tilespmem:v2+s30+$0x0] =	vst.idx.add.f32.msk $0xffff, v1  }
0x59: {  	v2 =	vld [tilespmem:$0x1A0];
	_ =	sdelay $0x7  }
0x5a: {  	[tilespmem:v2+s30+$0x0] =	vst.idx.add.f32.msk $0xffff, v1  }
0x5b: {  	v2 =	vld [tilespmem:$0x1B0];
	_ =	sdelay $0x7  }
0x5c: {  	[tilespmem:v2+s30+$0x0] =	vst.idx.add.f32.msk $0xffff, v1  }
0x5d: {  	v2 =	vld [tilespmem:$0x1C0];
	_ =	sdelay $0x6  }
0x5e: {  	p0 =	seq.s32 s1, $0x4C4  }
0x5f: {  	s7 =	simm.s32 @!p0 $0x100;
	s11 =	simm.s32 @!p0 $0x0;
	s10 =	sadd.s32 @!p0 s1, s15;
	[tilespmem:v2+s30+$0x0] =	vst.idx.add.f32.msk $0xffff, v1  }
0x60: {  	[tilespmem:s7], [sflag:$0x4] =	stream.linear.gather @!p0 [hbm4b:s10+s11], $0x50, $0x38;
	[tilespmem:$0x1BA00] =	vst v63  }
0x61: {  	s7 =	sadd.s32 @!p0 s1, s16  }
0x62: {  	s10 =	simm.s32 @!p0 $0x180;
	s7 =	sadd.s32 @!p0 $0x1E, s7  }
0x63: {  	[tilespmem:s10], [sflag:$0x4] =	stream.linear.gather @!p0 [hbm4b:s7+s11], $0x50, $0x38;
	[tilespmem:$0x1BA00] =	vst v63  }
0x64: {  	s1 =	sadd.s32 $0x14, s1;
	_ =	swait.ge [sflag:s23], $0x50  }
0x65: {  	p0 =	sne.s32 s1, $0x4D8;
	[sflag:s23] =	ssyncset.done $0x0  }
.Ltmp1:
0x66: {  	[sflag:s23] =	ssyncadd.s32 $0xFFFFFFB0;
	(pc) =	sbr.rel @p0 .LBB2_4-.Ltmp1, $4  }
0x67: {  	_ =	swait.ge [sflag:s23], $0x50  }
0x68: {  	[sflag:s23] =	ssyncset.done $0x0  }
0x69: {  	s17 =	sadd.s32 $0xA0, s17;
	[sflag:s23] =	ssyncadd.s32 $0xFFFFFFB0  }
0x6a: {  	[tilespmem:s25], [sflag:$0x1] =	stream.indirect.gather [hbm4b:s4+s24], $0x80, s3, s24, $0xb8;
	[tilespmem:$0x1BA00] =	vst v63  }
0x6b: {  	_ =	swait.ge [sflag:s29], $0x2800  }
0x6c: {  	[sflag:s29] =	ssyncset.done $0x0  }
0x6d: {  	[sflag:s29] =	ssyncadd.s32 $0xFFFFD800  }
0x6e: {  	[spmem:s2] =	stream.indirect.scatter.add.f32 [tilespmem:s25], [sflag:$0x5], $0x80, s20, s24, $0xb8;
	[tilespmem:$0x1BA00] =	vst v63  }
0x6f: {  	_ =	swait.ge [sflag:s19], $0x2800  }
0x70: {  	[sflag:s19] =	ssyncset.done $0x0  }
0x71: {  	[sflag:s19] =	ssyncadd.s32 $0xFFFFD800  }
0x72: {  	v2 =	vld [tilespmem:$0x80];
	_ =	sdelay $0x7  }
0x73: {  	[tilespmem:v2+s30+$0x0] =	vst.idx.add.f32.msk $0xffff, v1  }
0x74: {  	v2 =	vld [tilespmem:$0x90];
	_ =	sdelay $0x7  }
0x75: {  	[tilespmem:v2+s30+$0x0] =	vst.idx.add.f32.msk $0xffff, v1  }
0x76: {  	v2 =	vld [tilespmem:$0xA0];
	_ =	sdelay $0x7  }
0x77: {  	[tilespmem:v2+s30+$0x0] =	vst.idx.add.f32.msk $0xffff, v1  }
0x78: {  	v2 =	vld [tilespmem:$0xB0];
	_ =	sdelay $0x7  }
0x79: {  	[tilespmem:v2+s30+$0x0] =	vst.idx.add.f32.msk $0xffff, v1  }
0x7a: {  	v2 =	vld [tilespmem:$0xC0];
	_ =	sdelay $0x7  }
0x7b: {  	[tilespmem:v2+s30+$0x0] =	vst.idx.add.f32.msk $0xffff, v1  }
0x7c: {  	[bflag:$0x0] =	sbarrier.arrive $0xFFFF  }
0x7d: {  	[hbm:s12], [sflag:s8] =	dma.local [spmem:s18], $0x2800  }
0x7e: {  	s0 =	sadd.s32 $0x1, s0;
	_ =	swait.ge [sflag:s19], $0x2800  }
0x7f: {  	p0 =	sne.s32 s0, s14;
	[sflag:s19] =	ssyncset.done $0x0  }
.Ltmp2:
0x80: {  	[sflag:s19] =	ssyncadd.s32 $0xFFFFD800;
	(pc) =	sbr.rel @p0 .LBB2_1-.Ltmp2, $4  }
0x81: {  	[hbm4b:s13+s3] =	stream.linear.scatter [tilespmem:s30], [sflag:$0x5], $0x2800, $0x38;
	[tilespmem:$0x1BA00] =	vst v63  }
0x82: {  	_ =	swait.ge [sflag:s19], $0x2800  }
0x83: {  	[sflag:s19] =	ssyncset.done $0x0  }
0x84: {  	[sflag:s19] =	ssyncadd.s32 $0xFFFFD800  }
0x85: {  	_ =	sfence.sel $0x180000  }
0x86: {  	[bflag:$0x0] =	sbarrier.arrive $0xFFFF  }
0x87: {  	_ =	strace $0x90000047  }
0x88: {  	s0 =	stileid.u32;
	[bflag:$0x2] =	sbarrier.arrive $0xFFFF  }
0x89: {  	p0 =	sne.s32 s0, $0x0;
	s0 =	rddreg [dreg:$0x3]  }
0x8a: {  	s0 =	sadd.s32 @!p0 $0x100000, s0  }
0x8b: {  	[sflag:s0] =	ssyncadd.tile.s32 @!p0 $0x1;
	_ =	shalt  }
.Lfunc_end2:
_tile_overlayer_lowered:
.L_overlay_start_2:
0x8c: {  	(tag) =	ssettag $0x2  }
0x8d: {  	s0 =	rddreg [dreg:$0x0];
	s2 =	stileid.u32  }
0x8e: {  	s1 =	rddreg [dreg:$0x1];
	p0 =	sne.s32 s2, $0x0  }
0x8f: {  	s3 =	rddreg [dreg:$0x2];
	[bflag:$0x3] =	sbarrier.arrive $0xFFFF;
	s2 =	simm.s32 @!p0 $0x1C05  }
0x90: {  	[timem:s3], [sflag:s2] =	dma.local @!p0 [hbm:s0], s1  }
0x91: {  	s0 =	simm.s32 @!p0 $0x5  }
0x92: {  	_ =	swait.ge @!p0 [sflag:s0], s1  }
0x93: {  	s1 =	ssub.s32 @!p0 $0x0, s1;
	[sflag:s0] =	ssyncset.done @!p0 $0x0  }
0x94: {  	[sflag:s0] =	ssyncadd.s32 @!p0 s1  }
0x95: {  	[bflag:$0x3] =	sbarrier.arrive $0xFFFF  }
0x96: {  	_ =	shalt  }

</sc_bundles>
